<compile_context>
chip_gen: v7x
topology: tpu7x:2x2x1
jax: 0.10.2.dev20260603
libtpu: 0.0.44.dev20260713+nightly
codegen_flags: <defaults>
</compile_context>

<pallas_src>
import functools

import jax
import jax.numpy as jnp
from jax import lax
from jax.experimental import pallas as pl
from jax.experimental.pallas import tpu as pltpu
from jax.experimental.pallas import tpu_sc as plsc

NC = 2
NS = 16
NW = NC * NS
D = 32
G = 128
K = 20
NB = 16384 // G
BLOCKS_PER_W = NB // NW
UNITS_PER_W = K * BLOCKS_PER_W
CHUNK_UNITS = 4
NCHUNKS = UNITS_PER_W // CHUNK_UNITS
TP = 133

_mesh = plsc.VectorSubcoreMesh(core_axis_name="c", subcore_axis_name="s")


@functools.partial(
    pl.kernel,
    mesh=_mesh,
    out_type=jax.ShapeDtypeStruct((K, D // 8, G, 8, G), jnp.float32),
    scratch_types=[
        pltpu.VMEM((UNITS_PER_W, G), jnp.int32),
        pltpu.VMEM((CHUNK_UNITS * G, D), jnp.float32),
        pltpu.VMEM((CHUNK_UNITS * G, D), jnp.float32),
        pltpu.VMEM((CHUNK_UNITS, D // 8, 8, TP), jnp.float32),
        pltpu.VMEM((CHUNK_UNITS, D // 8, 8, TP), jnp.float32),
        pltpu.SemaphoreType.DMA,
        pltpu.SemaphoreType.DMA,
        pltpu.SemaphoreType.DMA,
        pltpu.SemaphoreType.DMA,
    ],
    compiler_params=pltpu.CompilerParams(
        use_tc_tiling_on_sc=False, needs_layout_passes=False
    ),
)
def _gather_kernel(t_hbm, idx_hbm, out_hbm, idx_v, buf0, buf1, tbuf0, tbuf1,
                   gsem0, gsem1, osem0, osem1):
    wid = lax.axis_index("s") * NC + lax.axis_index("c")
    bufs = (buf0, buf1)
    tbufs = (tbuf0, tbuf1)
    gsems = (gsem0, gsem1)
    osems = (osem0, osem1)

    pltpu.sync_copy(idx_hbm.at[pl.ds(wid * UNITS_PER_W, UNITS_PER_W)], idx_v)

    iota = lax.iota(jnp.int32, 16)
    vi_lo = iota // 8
    vs = iota % 8
    two = jnp.full((16,), 2, jnp.int32)

    def fire_gathers(c, b):
        for q in range(CHUNK_UNITS):
            pltpu.async_copy(
                t_hbm.at[idx_v.at[c * CHUNK_UNITS + q]],
                bufs[b].at[pl.ds(q * G, G)],
                gsems[b],
            )

    def drain_gathers(b):
        for q in range(CHUNK_UNITS):
            pltpu.make_async_copy(
                t_hbm.at[pl.ds(0, G)],
                bufs[b].at[pl.ds(q * G, G)],
                gsems[b],
            ).wait()

    def transpose_chunk(b):
        def row_body(r, carry):
            vr = jnp.full((16,), 0, jnp.int32) + r
            for q in range(CHUNK_UNITS):
                vq = jnp.full((16,), q, jnp.int32)
                lo = bufs[b][q * G + r, pl.ds(0, 16)]
                hi = bufs[b][q * G + r, pl.ds(16, 16)]
                plsc.store_scatter(tbufs[b], [vq, vi_lo, vs, vr], lo)
                plsc.store_scatter(tbufs[b], [vq, vi_lo + two, vs, vr], hi)
            return carry

        lax.fori_loop(0, G, row_body, 0)

    def fire_out(c, b):
        for q in range(CHUNK_UNITS):
            pltpu.async_copy(
                tbufs[b].at[q, :, :, pl.ds(0, G)],
                out_hbm.at[c, :, wid * BLOCKS_PER_W + q, :, :],
                osems[b],
            )

    def drain_out(b):
        for q in range(CHUNK_UNITS):
            pltpu.make_async_copy(
                out_hbm.at[0, :, 0, :, :],
                tbufs[b].at[q, :, :, pl.ds(0, G)],
                osems[b],
            ).wait()

    fire_gathers(0, 0)
    fire_gathers(1, 1)
    for c in (0, 1):
        b = c
        drain_gathers(b)
        transpose_chunk(b)
        fire_out(c, b)
        fire_gathers(c + 2, b)

    def pair_body(p, carry):
        for b in range(2):
            c = 2 * p + b
            drain_gathers(b)
            drain_out(b)
            transpose_chunk(b)
            fire_out(c, b)
            fire_gathers(c + 2, b)
        return carry

    lax.fori_loop(1, (NCHUNKS - 2) // 2, pair_body, 0)

    for c in (NCHUNKS - 2, NCHUNKS - 1):
        b = c % 2
        drain_gathers(b)
        drain_out(b)
        transpose_chunk(b)
        fire_out(c, b)
    drain_out(0)
    drain_out(1)


def kernel(t, idx):
    idx32 = idx.astype(jnp.int32)
    a = idx32.reshape(NW, BLOCKS_PER_W, G, K)
    a = a.transpose(0, 3, 1, 2)
    idx_arr = a.reshape(NW * UNITS_PER_W, G)
    out5 = _gather_kernel(t, idx_arr)
    return out5.transpose(2, 4, 0, 1, 3).reshape(16384, K, D)

# --- scband reference (transcript-rebuilt; emitter-appended) ---
"""Pipeline reference for scband-index-model1-34153579938276 (READ-ONLY COPY).

The authoritative reference and input builder live on the scoring server;
editing this copy changes nothing except your own understanding.
"""

import jax, jax.numpy as jnp
import numpy as np

def setup_inputs(seed: int = 0) -> dict:
    key = jax.random.key(seed)
    k1, k2 = jax.random.split(key)
    t = jax.random.normal(k1, (1000000, 32), dtype=jnp.float32)
    idx = jax.random.randint(k2, (16384, 20), 0, 1000000, dtype=jnp.int64)
    return {"t": t, "idx": idx}

def reference(t, idx):
    return jnp.take(t, idx, axis=0)

if __name__ == "__main__":
    import jax
    _d = setup_inputs()
    print(jax.jit(kernel)(*tuple(_d.values())))

</pallas_src>

<mosaic_0001>
#map = affine_map<(d0, d1) -> (0, 0)>
#map1 = affine_map<(d0, d1) -> (0, 0, 0, 0, 0)>
module attributes {stable_mosaic.version = 14 : i64} {
  func.func @_gather_kernel(%arg0: i32, %arg1: i32, %arg2: memref<1000000x32xf32, #tpu.memory_space<hbm>>, %arg3: memref<2560x128xi32, #tpu.memory_space<hbm>>, %arg4: memref<20x4x128x8x128xf32, #tpu.memory_space<hbm>>, %arg5: memref<80x128xi32, #tpu.memory_space<vmem>>, %arg6: memref<512x32xf32, #tpu.memory_space<vmem>>, %arg7: memref<512x32xf32, #tpu.memory_space<vmem>>, %arg8: memref<4x4x8x133xf32, #tpu.memory_space<vmem>>, %arg9: memref<4x4x8x133xf32, #tpu.memory_space<vmem>>, %arg10: memref<!tpu.dma_semaphore, #tpu.memory_space<semaphore_mem>>, %arg11: memref<!tpu.dma_semaphore, #tpu.memory_space<semaphore_mem>>, %arg12: memref<!tpu.dma_semaphore, #tpu.memory_space<semaphore_mem>>, %arg13: memref<!tpu.dma_semaphore, #tpu.memory_space<semaphore_mem>>) attributes {dimension_semantics = [#tpu.dimension_semantics<core_parallel>, #tpu.dimension_semantics<subcore_parallel>], iteration_bounds = array<i64: 2, 16>, scalar_prefetch = 0 : i64, scratch_operands = 9 : i64, tpu.core_type = #tpu.core_type<sc_vector_subcore>, window_params = [{transform_indices = #map}, {transform_indices = #map}, {transform_indices = #map1}]} {
    %mul3A = arith.constant 2 : i32
    %mul3A_0 = arith.muli %arg1, %mul3A : i32
    %add3A = arith.addi %mul3A_0, %arg0 : i32
    %mul3A_1 = arith.constant 80 : i32
    %mul3A_2 = arith.muli %add3A, %mul3A_1 : i32
    "tpu.region"() ({
      %run_scoped3A = tpu.sem_alloc : memref<!tpu.dma_semaphore, #tpu.memory_space<semaphore_mem>>
      %dma_start3A_1210 = arith.constant 0 : i32
      %dma_start3A_1211 = tpu.memref_slice %arg3[%mul3A_2, %dma_start3A_1210] : memref<2560x128xi32, #tpu.memory_space<hbm>> -> memref<80x128xi32, #tpu.memory_space<hbm>>
      %dma_start3A_1212 = arith.constant 0 : i32
      %dma_start3A_1213 = tpu.memref_slice %arg3[%mul3A_2, %dma_start3A_1212] : memref<2560x128xi32, #tpu.memory_space<hbm>> -> memref<80x128xi32, #tpu.memory_space<hbm>>
      tpu.enqueue_dma source(%dma_start3A_1213 : memref<80x128xi32, #tpu.memory_space<hbm>>) target(%arg5 : memref<80x128xi32, #tpu.memory_space<vmem>>) target_semaphore(%run_scoped3A : memref<!tpu.dma_semaphore, #tpu.memory_space<semaphore_mem>>)
      %dma_wait3A_1214 = arith.constant 0 : i32
      %dma_wait3A_1215 = tpu.memref_slice %arg3[%mul3A_2, %dma_wait3A_1214] : memref<2560x128xi32, #tpu.memory_space<hbm>> -> memref<80x128xi32, #tpu.memory_space<hbm>>
      %dma_wait3A_1216 = arith.constant 0 : i32
      %dma_wait3A_1217 = tpu.memref_slice %arg3[%mul3A_2, %dma_wait3A_1216] : memref<2560x128xi32, #tpu.memory_space<hbm>> -> memref<80x128xi32, #tpu.memory_space<hbm>>
      tpu.wait_dma2 semaphore(%run_scoped3A : memref<!tpu.dma_semaphore, #tpu.memory_space<semaphore_mem>>) src(%dma_wait3A_1217 : memref<80x128xi32, #tpu.memory_space<hbm>>) dst(%arg5 : memref<80x128xi32, #tpu.memory_space<vmem>>)
      tpu.yield
    }) : () -> ()
    %iota3A = tpu.iota {dimensions = array<i32: 0>} : vector<16xi32>
    %jit3A = arith.constant 8 : i32
    %div3A = vector.broadcast %jit3A : i32 to vector<16xi32>
    %div3A_3 = arith.divsi %iota3A, %div3A : vector<16xi32>
    %sign3A = arith.constant 0 : i32
    %sign3A_4 = vector.broadcast %sign3A : i32 to vector<16xi32>
    %sign3A_5 = arith.cmpi sgt, %iota3A, %sign3A_4 : vector<16xi32>
    %sign3A_6 = arith.extui %sign3A_5 : vector<16xi1> to vector<16xi32>
    %sign3A_7 = arith.constant 0 : i32
    %sign3A_8 = vector.broadcast %sign3A_7 : i32 to vector<16xi32>
    %sign3A_9 = arith.cmpi slt, %iota3A, %sign3A_8 : vector<16xi32>
    %sign3A_10 = arith.extui %sign3A_9 : vector<16xi1> to vector<16xi32>
    %sign3A_11 = arith.subi %sign3A_6, %sign3A_10 : vector<16xi32>
    %sign3A_12 = arith.constant 0 : i32
    %sign3A_13 = arith.cmpi sgt, %jit3A, %sign3A_12 : i32
    %sign3A_14 = arith.extui %sign3A_13 : i1 to i32
    %sign3A_15 = arith.constant 0 : i32
    %sign3A_16 = arith.cmpi slt, %jit3A, %sign3A_15 : i32
    %sign3A_17 = arith.extui %sign3A_16 : i1 to i32
    %sign3A_18 = arith.subi %sign3A_14, %sign3A_17 : i32
    %ne3A = vector.broadcast %sign3A_18 : i32 to vector<16xi32>
    %ne3A_19 = arith.cmpi ne, %sign3A_11, %ne3A : vector<16xi32>
    %rem3A = vector.broadcast %jit3A : i32 to vector<16xi32>
    %rem3A_20 = arith.remsi %iota3A, %rem3A : vector<16xi32>
    %ne3A_21 = arith.constant 0 : i32
    %ne3A_22 = vector.broadcast %ne3A_21 : i32 to vector<16xi32>
    %ne3A_23 = arith.cmpi ne, %rem3A_20, %ne3A_22 : vector<16xi32>
    %and3A = arith.andi %ne3A_19, %ne3A_23 : vector<16xi1>
    %sub3A = arith.constant 1 : i32
    %sub3A_24 = vector.broadcast %sub3A : i32 to vector<16xi32>
    %sub3A_25 = arith.subi %div3A_3, %sub3A_24 : vector<16xi32>
    %select_n3A = arith.select %and3A, %sub3A_25, %div3A_3 : vector<16xi1>, vector<16xi32>
    %jit3A_26 = arith.constant 8 : i32
    %eq3A = arith.constant 0 : i32
    %eq3A_27 = arith.cmpi eq, %jit3A_26, %eq3A : i32
    %jit3A_28 = arith.constant 1 : i32
    %select_n3A_29 = arith.select %eq3A_27, %jit3A_28, %jit3A_26 : i32
    %rem3A_30 = vector.broadcast %select_n3A_29 : i32 to vector<16xi32>
    %rem3A_31 = arith.remsi %iota3A, %rem3A_30 : vector<16xi32>
    %ne3A_32 = arith.constant 0 : i32
    %ne3A_33 = vector.broadcast %ne3A_32 : i32 to vector<16xi32>
    %ne3A_34 = arith.cmpi ne, %rem3A_31, %ne3A_33 : vector<16xi32>
    %lt3A = arith.constant 0 : i32
    %lt3A_35 = vector.broadcast %lt3A : i32 to vector<16xi32>
    %lt3A_36 = arith.cmpi slt, %rem3A_31, %lt3A_35 : vector<16xi32>
    %lt3A_37 = arith.constant 0 : i32
    %lt3A_38 = arith.cmpi slt, %select_n3A_29, %lt3A_37 : i32
    %ne3A_39 = vector.broadcast %lt3A_38 : i1 to vector<16xi1>
    %ne3A_40 = vector.broadcast %ne3A_39 : vector<16xi1> to vector<16xi1>
    %ne3A_41 = arith.xori %lt3A_36, %ne3A_40 : vector<16xi1>
    %and3A_42 = arith.andi %ne3A_41, %ne3A_34 : vector<16xi1>
    %add3A_43 = vector.broadcast %select_n3A_29 : i32 to vector<16xi32>
    %add3A_44 = arith.addi %rem3A_31, %add3A_43 : vector<16xi32>
    %select_n3A_45 = arith.select %and3A_42, %add3A_44, %rem3A_31 : vector<16xi1>, vector<16xi32>
    %broadcast_in_dim3A = arith.constant 2 : i32
    %broadcast_in_dim3A_46 = vector.broadcast %broadcast_in_dim3A : i32 to vector<16xi32>
    %dma_start3A = arith.constant 0 : i32
    %dma_start3A_47 = arith.constant 0 : i32
    %dma_start3A_48 = arith.constant 0 : i32
    %dma_start3A_49 = tpu.memref_slice %arg6[%dma_start3A_47, %dma_start3A_48] : memref<512x32xf32, #tpu.memory_space<vmem>> -> memref<128x32xf32, #tpu.memory_space<vmem>>
    %dma_start3A_50 = arith.constant 0 : i32
    %dma_start3A_51 = tpu.memref_slice %arg5[%dma_start3A, %dma_start3A_50] : memref<80x128xi32, #tpu.memory_space<vmem>> -> memref<1x128xi32, #tpu.memory_space<vmem>>
    %dma_start3A_52 = tpu.memref_squeeze %dma_start3A_51 : memref<1x128xi32, #tpu.memory_space<vmem>> -> memref<128xi32, #tpu.memory_space<vmem>>
    %dma_start3A_53 = arith.constant 0 : i32
    %dma_start3A_54 = arith.constant 0 : i32
    %dma_start3A_55 = tpu.memref_slice %arg2[%dma_start3A_53, %dma_start3A_54] : memref<1000000x32xf32, #tpu.memory_space<hbm>> -> memref<1000000x32xf32, #tpu.memory_space<hbm>>
    tpu.enqueue_indirect_dma source(%dma_start3A_55 : memref<1000000x32xf32, #tpu.memory_space<hbm>>) target(%dma_start3A_49 : memref<128x32xf32, #tpu.memory_space<vmem>>) offsets(%dma_start3A_52 : memref<128xi32, #tpu.memory_space<vmem>>) semaphore(%arg10 : memref<!tpu.dma_semaphore, #tpu.memory_space<semaphore_mem>>)
    %dma_start3A_56 = arith.constant 1 : i32
    %dma_start3A_57 = arith.constant 128 : i32
    %dma_start3A_58 = arith.constant 0 : i32
    %dma_start3A_59 = tpu.memref_slice %arg6[%dma_start3A_57, %dma_start3A_58] : memref<512x32xf32, #tpu.memory_space<vmem>> -> memref<128x32xf32, #tpu.memory_space<vmem>>
    %dma_start3A_60 = arith.constant 0 : i32
    %dma_start3A_61 = tpu.memref_slice %arg5[%dma_start3A_56, %dma_start3A_60] : memref<80x128xi32, #tpu.memory_space<vmem>> -> memref<1x128xi32, #tpu.memory_space<vmem>>
    %dma_start3A_62 = tpu.memref_squeeze %dma_start3A_61 : memref<1x128xi32, #tpu.memory_space<vmem>> -> memref<128xi32, #tpu.memory_space<vmem>>
    %dma_start3A_63 = arith.constant 0 : i32
    %dma_start3A_64 = arith.constant 0 : i32
    %dma_start3A_65 = tpu.memref_slice %arg2[%dma_start3A_63, %dma_start3A_64] : memref<1000000x32xf32, #tpu.memory_space<hbm>> -> memref<1000000x32xf32, #tpu.memory_space<hbm>>
    tpu.enqueue_indirect_dma source(%dma_start3A_65 : memref<1000000x32xf32, #tpu.memory_space<hbm>>) target(%dma_start3A_59 : memref<128x32xf32, #tpu.memory_space<vmem>>) offsets(%dma_start3A_62 : memref<128xi32, #tpu.memory_space<vmem>>) semaphore(%arg10 : memref<!tpu.dma_semaphore, #tpu.memory_space<semaphore_mem>>)
    %dma_start3A_66 = arith.constant 2 : i32
    %dma_start3A_67 = arith.constant 256 : i32
    %dma_start3A_68 = arith.constant 0 : i32
    %dma_start3A_69 = tpu.memref_slice %arg6[%dma_start3A_67, %dma_start3A_68] : memref<512x32xf32, #tpu.memory_space<vmem>> -> memref<128x32xf32, #tpu.memory_space<vmem>>
    %dma_start3A_70 = arith.constant 0 : i32
    %dma_start3A_71 = tpu.memref_slice %arg5[%dma_start3A_66, %dma_start3A_70] : memref<80x128xi32, #tpu.memory_space<vmem>> -> memref<1x128xi32, #tpu.memory_space<vmem>>
    %dma_start3A_72 = tpu.memref_squeeze %dma_start3A_71 : memref<1x128xi32, #tpu.memory_space<vmem>> -> memref<128xi32, #tpu.memory_space<vmem>>
    %dma_start3A_73 = arith.constant 0 : i32
    %dma_start3A_74 = arith.constant 0 : i32
    %dma_start3A_75 = tpu.memref_slice %arg2[%dma_start3A_73, %dma_start3A_74] : memref<1000000x32xf32, #tpu.memory_space<hbm>> -> memref<1000000x32xf32, #tpu.memory_space<hbm>>
    tpu.enqueue_indirect_dma source(%dma_start3A_75 : memref<1000000x32xf32, #tpu.memory_space<hbm>>) target(%dma_start3A_69 : memref<128x32xf32, #tpu.memory_space<vmem>>) offsets(%dma_start3A_72 : memref<128xi32, #tpu.memory_space<vmem>>) semaphore(%arg10 : memref<!tpu.dma_semaphore, #tpu.memory_space<semaphore_mem>>)
    %dma_start3A_76 = arith.constant 3 : i32
    %dma_start3A_77 = arith.constant 384 : i32
    %dma_start3A_78 = arith.constant 0 : i32
    %dma_start3A_79 = tpu.memref_slice %arg6[%dma_start3A_77, %dma_start3A_78] : memref<512x32xf32, #tpu.memory_space<vmem>> -> memref<128x32xf32, #tpu.memory_space<vmem>>
    %dma_start3A_80 = arith.constant 0 : i32
    %dma_start3A_81 = tpu.memref_slice %arg5[%dma_start3A_76, %dma_start3A_80] : memref<80x128xi32, #tpu.memory_space<vmem>> -> memref<1x128xi32, #tpu.memory_space<vmem>>
    %dma_start3A_82 = tpu.memref_squeeze %dma_start3A_81 : memref<1x128xi32, #tpu.memory_space<vmem>> -> memref<128xi32, #tpu.memory_space<vmem>>
    %dma_start3A_83 = arith.constant 0 : i32
    %dma_start3A_84 = arith.constant 0 : i32
    %dma_start3A_85 = tpu.memref_slice %arg2[%dma_start3A_83, %dma_start3A_84] : memref<1000000x32xf32, #tpu.memory_space<hbm>> -> memref<1000000x32xf32, #tpu.memory_space<hbm>>
    tpu.enqueue_indirect_dma source(%dma_start3A_85 : memref<1000000x32xf32, #tpu.memory_space<hbm>>) target(%dma_start3A_79 : memref<128x32xf32, #tpu.memory_space<vmem>>) offsets(%dma_start3A_82 : memref<128xi32, #tpu.memory_space<vmem>>) semaphore(%arg10 : memref<!tpu.dma_semaphore, #tpu.memory_space<semaphore_mem>>)
    %dma_start3A_86 = arith.constant 4 : i32
    %dma_start3A_87 = arith.constant 0 : i32
    %dma_start3A_88 = arith.constant 0 : i32
    %dma_start3A_89 = tpu.memref_slice %arg7[%dma_start3A_87, %dma_start3A_88] : memref<512x32xf32, #tpu.memory_space<vmem>> -> memref<128x32xf32, #tpu.memory_space<vmem>>
    %dma_start3A_90 = arith.constant 0 : i32
    %dma_start3A_91 = tpu.memref_slice %arg5[%dma_start3A_86, %dma_start3A_90] : memref<80x128xi32, #tpu.memory_space<vmem>> -> memref<1x128xi32, #tpu.memory_space<vmem>>
    %dma_start3A_92 = tpu.memref_squeeze %dma_start3A_91 : memref<1x128xi32, #tpu.memory_space<vmem>> -> memref<128xi32, #tpu.memory_space<vmem>>
    %dma_start3A_93 = arith.constant 0 : i32
    %dma_start3A_94 = arith.constant 0 : i32
    %dma_start3A_95 = tpu.memref_slice %arg2[%dma_start3A_93, %dma_start3A_94] : memref<1000000x32xf32, #tpu.memory_space<hbm>> -> memref<1000000x32xf32, #tpu.memory_space<hbm>>
    tpu.enqueue_indirect_dma source(%dma_start3A_95 : memref<1000000x32xf32, #tpu.memory_space<hbm>>) target(%dma_start3A_89 : memref<128x32xf32, #tpu.memory_space<vmem>>) offsets(%dma_start3A_92 : memref<128xi32, #tpu.memory_space<vmem>>) semaphore(%arg11 : memref<!tpu.dma_semaphore, #tpu.memory_space<semaphore_mem>>)
    %dma_start3A_96 = arith.constant 5 : i32
    %dma_start3A_97 = arith.constant 128 : i32
    %dma_start3A_98 = arith.constant 0 : i32
    %dma_start3A_99 = tpu.memref_slice %arg7[%dma_start3A_97, %dma_start3A_98] : memref<512x32xf32, #tpu.memory_space<vmem>> -> memref<128x32xf32, #tpu.memory_space<vmem>>
    %dma_start3A_100 = arith.constant 0 : i32
    %dma_start3A_101 = tpu.memref_slice %arg5[%dma_start3A_96, %dma_start3A_100] : memref<80x128xi32, #tpu.memory_space<vmem>> -> memref<1x128xi32, #tpu.memory_space<vmem>>
    %dma_start3A_102 = tpu.memref_squeeze %dma_start3A_101 : memref<1x128xi32, #tpu.memory_space<vmem>> -> memref<128xi32, #tpu.memory_space<vmem>>
    %dma_start3A_103 = arith.constant 0 : i32
    %dma_start3A_104 = arith.constant 0 : i32
    %dma_start3A_105 = tpu.memref_slice %arg2[%dma_start3A_103, %dma_start3A_104] : memref<1000000x32xf32, #tpu.memory_space<hbm>> -> memref<1000000x32xf32, #tpu.memory_space<hbm>>
    tpu.enqueue_indirect_dma source(%dma_start3A_105 : memref<1000000x32xf32, #tpu.memory_space<hbm>>) target(%dma_start3A_99 : memref<128x32xf32, #tpu.memory_space<vmem>>) offsets(%dma_start3A_102 : memref<128xi32, #tpu.memory_space<vmem>>) semaphore(%arg11 : memref<!tpu.dma_semaphore, #tpu.memory_space<semaphore_mem>>)
    %dma_start3A_106 = arith.constant 6 : i32
    %dma_start3A_107 = arith.constant 256 : i32
    %dma_start3A_108 = arith.constant 0 : i32
    %dma_start3A_109 = tpu.memref_slice %arg7[%dma_start3A_107, %dma_start3A_108] : memref<512x32xf32, #tpu.memory_space<vmem>> -> memref<128x32xf32, #tpu.memory_space<vmem>>
    %dma_start3A_110 = arith.constant 0 : i32
    %dma_start3A_111 = tpu.memref_slice %arg5[%dma_start3A_106, %dma_start3A_110] : memref<80x128xi32, #tpu.memory_space<vmem>> -> memref<1x128xi32, #tpu.memory_space<vmem>>
    %dma_start3A_112 = tpu.memref_squeeze %dma_start3A_111 : memref<1x128xi32, #tpu.memory_space<vmem>> -> memref<128xi32, #tpu.memory_space<vmem>>
    %dma_start3A_113 = arith.constant 0 : i32
    %dma_start3A_114 = arith.constant 0 : i32
    %dma_start3A_115 = tpu.memref_slice %arg2[%dma_start3A_113, %dma_start3A_114] : memref<1000000x32xf32, #tpu.memory_space<hbm>> -> memref<1000000x32xf32, #tpu.memory_space<hbm>>
    tpu.enqueue_indirect_dma source(%dma_start3A_115 : memref<1000000x32xf32, #tpu.memory_space<hbm>>) target(%dma_start3A_109 : memref<128x32xf32, #tpu.memory_space<vmem>>) offsets(%dma_start3A_112 : memref<128xi32, #tpu.memory_space<vmem>>) semaphore(%arg11 : memref<!tpu.dma_semaphore, #tpu.memory_space<semaphore_mem>>)
    %dma_start3A_116 = arith.constant 7 : i32
    %dma_start3A_117 = arith.constant 384 : i32
    %dma_start3A_118 = arith.constant 0 : i32
    %dma_start3A_119 = tpu.memref_slice %arg7[%dma_start3A_117, %dma_start3A_118] : memref<512x32xf32, #tpu.memory_space<vmem>> -> memref<128x32xf32, #tpu.memory_space<vmem>>
    %dma_start3A_120 = arith.constant 0 : i32
    %dma_start3A_121 = tpu.memref_slice %arg5[%dma_start3A_116, %dma_start3A_120] : memref<80x128xi32, #tpu.memory_space<vmem>> -> memref<1x128xi32, #tpu.memory_space<vmem>>
    %dma_start3A_122 = tpu.memref_squeeze %dma_start3A_121 : memref<1x128xi32, #tpu.memory_space<vmem>> -> memref<128xi32, #tpu.memory_space<vmem>>
    %dma_start3A_123 = arith.constant 0 : i32
    %dma_start3A_124 = arith.constant 0 : i32
    %dma_start3A_125 = tpu.memref_slice %arg2[%dma_start3A_123, %dma_start3A_124] : memref<1000000x32xf32, #tpu.memory_space<hbm>> -> memref<1000000x32xf32, #tpu.memory_space<hbm>>
    tpu.enqueue_indirect_dma source(%dma_start3A_125 : memref<1000000x32xf32, #tpu.memory_space<hbm>>) target(%dma_start3A_119 : memref<128x32xf32, #tpu.memory_space<vmem>>) offsets(%dma_start3A_122 : memref<128xi32, #tpu.memory_space<vmem>>) semaphore(%arg11 : memref<!tpu.dma_semaphore, #tpu.memory_space<semaphore_mem>>)
    %dma_wait3A = arith.constant 0 : i32
    %dma_wait3A_126 = arith.constant 0 : i32
    %dma_wait3A_127 = tpu.memref_slice %arg6[%dma_wait3A, %dma_wait3A_126] : memref<512x32xf32, #tpu.memory_space<vmem>> -> memref<128x32xf32, #tpu.memory_space<vmem>>
    %dma_wait3A_128 = arith.constant 0 : i32
    %dma_wait3A_129 = arith.constant 0 : i32
    %dma_wait3A_130 = tpu.memref_slice %arg2[%dma_wait3A_128, %dma_wait3A_129] : memref<1000000x32xf32, #tpu.memory_space<hbm>> -> memref<128x32xf32, #tpu.memory_space<hbm>>
    %dma_wait3A_131 = arith.constant 0 : i32
    %dma_wait3A_132 = arith.constant 0 : i32
    %dma_wait3A_133 = tpu.memref_slice %arg6[%dma_wait3A_131, %dma_wait3A_132] : memref<512x32xf32, #tpu.memory_space<vmem>> -> memref<128x32xf32, #tpu.memory_space<vmem>>
    %dma_wait3A_134 = arith.constant 0 : i32
    %dma_wait3A_135 = arith.constant 0 : i32
    %dma_wait3A_136 = tpu.memref_slice %arg2[%dma_wait3A_134, %dma_wait3A_135] : memref<1000000x32xf32, #tpu.memory_space<hbm>> -> memref<128x32xf32, #tpu.memory_space<hbm>>
    tpu.wait_dma2 semaphore(%arg10 : memref<!tpu.dma_semaphore, #tpu.memory_space<semaphore_mem>>) src(%dma_wait3A_136 : memref<128x32xf32, #tpu.memory_space<hbm>>) dst(%dma_wait3A_133 : memref<128x32xf32, #tpu.memory_space<vmem>>)
    %dma_wait3A_137 = arith.constant 128 : i32
    %dma_wait3A_138 = arith.constant 0 : i32
    %dma_wait3A_139 = tpu.memref_slice %arg6[%dma_wait3A_137, %dma_wait3A_138] : memref<512x32xf32, #tpu.memory_space<vmem>> -> memref<128x32xf32, #tpu.memory_space<vmem>>
    %dma_wait3A_140 = arith.constant 0 : i32
    %dma_wait3A_141 = arith.constant 0 : i32
    %dma_wait3A_142 = tpu.memref_slice %arg2[%dma_wait3A_140, %dma_wait3A_141] : memref<1000000x32xf32, #tpu.memory_space<hbm>> -> memref<128x32xf32, #tpu.memory_space<hbm>>
    %dma_wait3A_143 = arith.constant 128 : i32
    %dma_wait3A_144 = arith.constant 0 : i32
    %dma_wait3A_145 = tpu.memref_slice %arg6[%dma_wait3A_143, %dma_wait3A_144] : memref<512x32xf32, #tpu.memory_space<vmem>> -> memref<128x32xf32, #tpu.memory_space<vmem>>
    %dma_wait3A_146 = arith.constant 0 : i32
    %dma_wait3A_147 = arith.constant 0 : i32
    %dma_wait3A_148 = tpu.memref_slice %arg2[%dma_wait3A_146, %dma_wait3A_147] : memref<1000000x32xf32, #tpu.memory_space<hbm>> -> memref<128x32xf32, #tpu.memory_space<hbm>>
    tpu.wait_dma2 semaphore(%arg10 : memref<!tpu.dma_semaphore, #tpu.memory_space<semaphore_mem>>) src(%dma_wait3A_148 : memref<128x32xf32, #tpu.memory_space<hbm>>) dst(%dma_wait3A_145 : memref<128x32xf32, #tpu.memory_space<vmem>>)
    %dma_wait3A_149 = arith.constant 256 : i32
    %dma_wait3A_150 = arith.constant 0 : i32
    %dma_wait3A_151 = tpu.memref_slice %arg6[%dma_wait3A_149, %dma_wait3A_150] : memref<512x32xf32, #tpu.memory_space<vmem>> -> memref<128x32xf32, #tpu.memory_space<vmem>>
    %dma_wait3A_152 = arith.constant 0 : i32
    %dma_wait3A_153 = arith.constant 0 : i32
    %dma_wait3A_154 = tpu.memref_slice %arg2[%dma_wait3A_152, %dma_wait3A_153] : memref<1000000x32xf32, #tpu.memory_space<hbm>> -> memref<128x32xf32, #tpu.memory_space<hbm>>
    %dma_wait3A_155 = arith.constant 256 : i32
    %dma_wait3A_156 = arith.constant 0 : i32
    %dma_wait3A_157 = tpu.memref_slice %arg6[%dma_wait3A_155, %dma_wait3A_156] : memref<512x32xf32, #tpu.memory_space<vmem>> -> memref<128x32xf32, #tpu.memory_space<vmem>>
    %dma_wait3A_158 = arith.constant 0 : i32
    %dma_wait3A_159 = arith.constant 0 : i32
    %dma_wait3A_160 = tpu.memref_slice %arg2[%dma_wait3A_158, %dma_wait3A_159] : memref<1000000x32xf32, #tpu.memory_space<hbm>> -> memref<128x32xf32, #tpu.memory_space<hbm>>
    tpu.wait_dma2 semaphore(%arg10 : memref<!tpu.dma_semaphore, #tpu.memory_space<semaphore_mem>>) src(%dma_wait3A_160 : memref<128x32xf32, #tpu.memory_space<hbm>>) dst(%dma_wait3A_157 : memref<128x32xf32, #tpu.memory_space<vmem>>)
    %dma_wait3A_161 = arith.constant 384 : i32
    %dma_wait3A_162 = arith.constant 0 : i32
    %dma_wait3A_163 = tpu.memref_slice %arg6[%dma_wait3A_161, %dma_wait3A_162] : memref<512x32xf32, #tpu.memory_space<vmem>> -> memref<128x32xf32, #tpu.memory_space<vmem>>
    %dma_wait3A_164 = arith.constant 0 : i32
    %dma_wait3A_165 = arith.constant 0 : i32
    %dma_wait3A_166 = tpu.memref_slice %arg2[%dma_wait3A_164, %dma_wait3A_165] : memref<1000000x32xf32, #tpu.memory_space<hbm>> -> memref<128x32xf32, #tpu.memory_space<hbm>>
    %dma_wait3A_167 = arith.constant 384 : i32
    %dma_wait3A_168 = arith.constant 0 : i32
    %dma_wait3A_169 = tpu.memref_slice %arg6[%dma_wait3A_167, %dma_wait3A_168] : memref<512x32xf32, #tpu.memory_space<vmem>> -> memref<128x32xf32, #tpu.memory_space<vmem>>
    %dma_wait3A_170 = arith.constant 0 : i32
    %dma_wait3A_171 = arith.constant 0 : i32
    %dma_wait3A_172 = tpu.memref_slice %arg2[%dma_wait3A_170, %dma_wait3A_171] : memref<1000000x32xf32, #tpu.memory_space<hbm>> -> memref<128x32xf32, #tpu.memory_space<hbm>>
    tpu.wait_dma2 semaphore(%arg10 : memref<!tpu.dma_semaphore, #tpu.memory_space<semaphore_mem>>) src(%dma_wait3A_172 : memref<128x32xf32, #tpu.memory_space<hbm>>) dst(%dma_wait3A_169 : memref<128x32xf32, #tpu.memory_space<vmem>>)
    %scan3A = arith.constant 0 : i32
    %scan3A_173 = arith.constant 0 : i32
    %scan3A_174 = arith.constant 128 : i32
    %scan3A_175 = arith.addi %scan3A_173, %scan3A_174 : i32
    %scan3A_176 = arith.constant 1 : i32
    scf.for %scan3A_1210 = %scan3A_173 to %scan3A_175 step %scan3A_176  : i32 {
      %broadcast_in_dim3A_1211 = arith.constant 0 : i32
      %broadcast_in_dim3A_1212 = vector.broadcast %broadcast_in_dim3A_1211 : i32 to vector<16xi32>
      %add3A_1213 = vector.broadcast %scan3A_1210 : i32 to vector<16xi32>
      %add3A_1214 = arith.addi %broadcast_in_dim3A_1212, %add3A_1213 : vector<16xi32>
      %broadcast_in_dim3A_1215 = arith.constant 0 : i32
      %broadcast_in_dim3A_1216 = vector.broadcast %broadcast_in_dim3A_1215 : i32 to vector<16xi32>
      %add3A_1217 = arith.constant 0 : i32
      %add3A_1218 = arith.addi %add3A_1217, %scan3A_1210 : i32
      %get3A = arith.index_cast %add3A_1218 : i32 to index
      %get3A_1219 = arith.constant 0 : index
      %get3A_1220 = tpu.vector_load %arg6[%get3A, %get3A_1219] {strides = array<i32>} : memref<512x32xf32, #tpu.memory_space<vmem>>, vector<16xf32>,
      %add3A_1221 = arith.constant 0 : i32
      %add3A_1222 = arith.addi %add3A_1221, %scan3A_1210 : i32
      %get3A_1223 = arith.index_cast %add3A_1222 : i32 to index
      %get3A_1224 = arith.constant 16 : index
      %get3A_1225 = tpu.vector_load %arg6[%get3A_1223, %get3A_1224] {strides = array<i32>} : memref<512x32xf32, #tpu.memory_space<vmem>>, vector<16xf32>,
      tpu.vector_store_idx %arg8[%broadcast_in_dim3A_1216, %select_n3A, %select_n3A_45, %add3A_1214], %get3A_1220 : memref<4x4x8x133xf32, #tpu.memory_space<vmem>>[vector<16xi32>, vector<16xi32>, vector<16xi32>, vector<16xi32>], vector<16xf32>,
      %add3A_1226 = arith.addi %select_n3A, %broadcast_in_dim3A_46 : vector<16xi32>
      tpu.vector_store_idx %arg8[%broadcast_in_dim3A_1216, %add3A_1226, %select_n3A_45, %add3A_1214], %get3A_1225 : memref<4x4x8x133xf32, #tpu.memory_space<vmem>>[vector<16xi32>, vector<16xi32>, vector<16xi32>, vector<16xi32>], vector<16xf32>,
      %broadcast_in_dim3A_1227 = arith.constant 1 : i32
      %broadcast_in_dim3A_1228 = vector.broadcast %broadcast_in_dim3A_1227 : i32 to vector<16xi32>
      %add3A_1229 = arith.constant 128 : i32
      %add3A_1230 = arith.addi %add3A_1229, %scan3A_1210 : i32
      %get3A_1231 = arith.index_cast %add3A_1230 : i32 to index
      %get3A_1232 = arith.constant 0 : index
      %get3A_1233 = tpu.vector_load %arg6[%get3A_1231, %get3A_1232] {strides = array<i32>} : memref<512x32xf32, #tpu.memory_space<vmem>>, vector<16xf32>,
      %add3A_1234 = arith.constant 128 : i32
      %add3A_1235 = arith.addi %add3A_1234, %scan3A_1210 : i32
      %get3A_1236 = arith.index_cast %add3A_1235 : i32 to index
      %get3A_1237 = arith.constant 16 : index
      %get3A_1238 = tpu.vector_load %arg6[%get3A_1236, %get3A_1237] {strides = array<i32>} : memref<512x32xf32, #tpu.memory_space<vmem>>, vector<16xf32>,
      tpu.vector_store_idx %arg8[%broadcast_in_dim3A_1228, %select_n3A, %select_n3A_45, %add3A_1214], %get3A_1233 : memref<4x4x8x133xf32, #tpu.memory_space<vmem>>[vector<16xi32>, vector<16xi32>, vector<16xi32>, vector<16xi32>], vector<16xf32>,
      %add3A_1239 = arith.addi %select_n3A, %broadcast_in_dim3A_46 : vector<16xi32>
      tpu.vector_store_idx %arg8[%broadcast_in_dim3A_1228, %add3A_1239, %select_n3A_45, %add3A_1214], %get3A_1238 : memref<4x4x8x133xf32, #tpu.memory_space<vmem>>[vector<16xi32>, vector<16xi32>, vector<16xi32>, vector<16xi32>], vector<16xf32>,
      %broadcast_in_dim3A_1240 = arith.constant 2 : i32
      %broadcast_in_dim3A_1241 = vector.broadcast %broadcast_in_dim3A_1240 : i32 to vector<16xi32>
      %add3A_1242 = arith.constant 256 : i32
      %add3A_1243 = arith.addi %add3A_1242, %scan3A_1210 : i32
      %get3A_1244 = arith.index_cast %add3A_1243 : i32 to index
      %get3A_1245 = arith.constant 0 : index
      %get3A_1246 = tpu.vector_load %arg6[%get3A_1244, %get3A_1245] {strides = array<i32>} : memref<512x32xf32, #tpu.memory_space<vmem>>, vector<16xf32>,
      %add3A_1247 = arith.constant 256 : i32
      %add3A_1248 = arith.addi %add3A_1247, %scan3A_1210 : i32
      %get3A_1249 = arith.index_cast %add3A_1248 : i32 to index
      %get3A_1250 = arith.constant 16 : index
      %get3A_1251 = tpu.vector_load %arg6[%get3A_1249, %get3A_1250] {strides = array<i32>} : memref<512x32xf32, #tpu.memory_space<vmem>>, vector<16xf32>,
      tpu.vector_store_idx %arg8[%broadcast_in_dim3A_1241, %select_n3A, %select_n3A_45, %add3A_1214], %get3A_1246 : memref<4x4x8x133xf32, #tpu.memory_space<vmem>>[vector<16xi32>, vector<16xi32>, vector<16xi32>, vector<16xi32>], vector<16xf32>,
      %add3A_1252 = arith.addi %select_n3A, %broadcast_in_dim3A_46 : vector<16xi32>
      tpu.vector_store_idx %arg8[%broadcast_in_dim3A_1241, %add3A_1252, %select_n3A_45, %add3A_1214], %get3A_1251 : memref<4x4x8x133xf32, #tpu.memory_space<vmem>>[vector<16xi32>, vector<16xi32>, vector<16xi32>, vector<16xi32>], vector<16xf32>,
      %broadcast_in_dim3A_1253 = arith.constant 3 : i32
      %broadcast_in_dim3A_1254 = vector.broadcast %broadcast_in_dim3A_1253 : i32 to vector<16xi32>
      %add3A_1255 = arith.constant 384 : i32
      %add3A_1256 = arith.addi %add3A_1255, %scan3A_1210 : i32
      %get3A_1257 = arith.index_cast %add3A_1256 : i32 to index
      %get3A_1258 = arith.constant 0 : index
      %get3A_1259 = tpu.vector_load %arg6[%get3A_1257, %get3A_1258] {strides = array<i32>} : memref<512x32xf32, #tpu.memory_space<vmem>>, vector<16xf32>,
      %add3A_1260 = arith.constant 384 : i32
      %add3A_1261 = arith.addi %add3A_1260, %scan3A_1210 : i32
      %get3A_1262 = arith.index_cast %add3A_1261 : i32 to index
      %get3A_1263 = arith.constant 16 : index
      %get3A_1264 = tpu.vector_load %arg6[%get3A_1262, %get3A_1263] {strides = array<i32>} : memref<512x32xf32, #tpu.memory_space<vmem>>, vector<16xf32>,
      tpu.vector_store_idx %arg8[%broadcast_in_dim3A_1254, %select_n3A, %select_n3A_45, %add3A_1214], %get3A_1259 : memref<4x4x8x133xf32, #tpu.memory_space<vmem>>[vector<16xi32>, vector<16xi32>, vector<16xi32>, vector<16xi32>], vector<16xf32>,
      %add3A_1265 = arith.addi %select_n3A, %broadcast_in_dim3A_46 : vector<16xi32>
      tpu.vector_store_idx %arg8[%broadcast_in_dim3A_1254, %add3A_1265, %select_n3A_45, %add3A_1214], %get3A_1264 : memref<4x4x8x133xf32, #tpu.memory_space<vmem>>[vector<16xi32>, vector<16xi32>, vector<16xi32>, vector<16xi32>], vector<16xf32>,
    }
    %scan3A_177 = arith.constant 128 : i32
    %mul3A_178 = arith.constant 4 : i32
    %mul3A_179 = arith.muli %add3A, %mul3A_178 : i32
    %add3A_180 = arith.constant 0 : i32
    %add3A_181 = arith.addi %mul3A_179, %add3A_180 : i32
    %dma_start3A_182 = arith.constant 0 : i32
    %dma_start3A_183 = arith.constant 0 : i32
    %dma_start3A_184 = arith.constant 0 : i32
    %dma_start3A_185 = arith.constant 0 : i32
    %dma_start3A_186 = arith.constant 0 : i32
    %dma_start3A_187 = tpu.memref_slice %arg8[%dma_start3A_182, %dma_start3A_184, %dma_start3A_185, %dma_start3A_186] : memref<4x4x8x133xf32, #tpu.memory_space<vmem>> -> memref<1x4x8x128xf32, #tpu.memory_space<vmem>>
    %dma_start3A_188 = tpu.memref_squeeze %dma_start3A_187 : memref<1x4x8x128xf32, #tpu.memory_space<vmem>> -> memref<4x8x128xf32, #tpu.memory_space<vmem>>
    %dma_start3A_189 = arith.constant 0 : i32
    %dma_start3A_190 = arith.constant 0 : i32
    %dma_start3A_191 = arith.constant 0 : i32
    %dma_start3A_192 = tpu.memref_slice %arg4[%dma_start3A_183, %dma_start3A_189, %add3A_181, %dma_start3A_190, %dma_start3A_191] : memref<20x4x128x8x128xf32, #tpu.memory_space<hbm>> -> memref<1x4x1x8x128xf32, #tpu.memory_space<hbm>>
    %dma_start3A_193 = tpu.memref_squeeze %dma_start3A_192 : memref<1x4x1x8x128xf32, #tpu.memory_space<hbm>> -> memref<4x8x128xf32, #tpu.memory_space<hbm>>
    %dma_start3A_194 = arith.constant 0 : i32
    %dma_start3A_195 = arith.constant 0 : i32
    %dma_start3A_196 = arith.constant 0 : i32
    %dma_start3A_197 = tpu.memref_slice %arg4[%dma_start3A_183, %dma_start3A_194, %add3A_181, %dma_start3A_195, %dma_start3A_196] : memref<20x4x128x8x128xf32, #tpu.memory_space<hbm>> -> memref<1x4x1x8x128xf32, #tpu.memory_space<hbm>>
    %dma_start3A_198 = tpu.memref_squeeze %dma_start3A_197 : memref<1x4x1x8x128xf32, #tpu.memory_space<hbm>> -> memref<4x8x128xf32, #tpu.memory_space<hbm>>
    %dma_start3A_199 = arith.constant 0 : i32
    %dma_start3A_200 = arith.constant 0 : i32
    %dma_start3A_201 = arith.constant 0 : i32
    %dma_start3A_202 = tpu.memref_slice %arg8[%dma_start3A_182, %dma_start3A_199, %dma_start3A_200, %dma_start3A_201] : memref<4x4x8x133xf32, #tpu.memory_space<vmem>> -> memref<1x4x8x128xf32, #tpu.memory_space<vmem>>
    %dma_start3A_203 = tpu.memref_squeeze %dma_start3A_202 : memref<1x4x8x128xf32, #tpu.memory_space<vmem>> -> memref<4x8x128xf32, #tpu.memory_space<vmem>>
    tpu.enqueue_dma source(%dma_start3A_203 : memref<4x8x128xf32, #tpu.memory_space<vmem>>) target(%dma_start3A_198 : memref<4x8x128xf32, #tpu.memory_space<hbm>>) target_semaphore(%arg12 : memref<!tpu.dma_semaphore, #tpu.memory_space<semaphore_mem>>)
    %mul3A_204 = arith.constant 4 : i32
    %mul3A_205 = arith.muli %add3A, %mul3A_204 : i32
    %add3A_206 = arith.constant 1 : i32
    %add3A_207 = arith.addi %mul3A_205, %add3A_206 : i32
    %dma_start3A_208 = arith.constant 1 : i32
    %dma_start3A_209 = arith.constant 0 : i32
    %dma_start3A_210 = arith.constant 0 : i32
    %dma_start3A_211 = arith.constant 0 : i32
    %dma_start3A_212 = arith.constant 0 : i32
    %dma_start3A_213 = tpu.memref_slice %arg8[%dma_start3A_208, %dma_start3A_210, %dma_start3A_211, %dma_start3A_212] : memref<4x4x8x133xf32, #tpu.memory_space<vmem>> -> memref<1x4x8x128xf32, #tpu.memory_space<vmem>>
    %dma_start3A_214 = tpu.memref_squeeze %dma_start3A_213 : memref<1x4x8x128xf32, #tpu.memory_space<vmem>> -> memref<4x8x128xf32, #tpu.memory_space<vmem>>
    %dma_start3A_215 = arith.constant 0 : i32
    %dma_start3A_216 = arith.constant 0 : i32
    %dma_start3A_217 = arith.constant 0 : i32
    %dma_start3A_218 = tpu.memref_slice %arg4[%dma_start3A_209, %dma_start3A_215, %add3A_207, %dma_start3A_216, %dma_start3A_217] : memref<20x4x128x8x128xf32, #tpu.memory_space<hbm>> -> memref<1x4x1x8x128xf32, #tpu.memory_space<hbm>>
    %dma_start3A_219 = tpu.memref_squeeze %dma_start3A_218 : memref<1x4x1x8x128xf32, #tpu.memory_space<hbm>> -> memref<4x8x128xf32, #tpu.memory_space<hbm>>
    %dma_start3A_220 = arith.constant 0 : i32
    %dma_start3A_221 = arith.constant 0 : i32
    %dma_start3A_222 = arith.constant 0 : i32
    %dma_start3A_223 = tpu.memref_slice %arg4[%dma_start3A_209, %dma_start3A_220, %add3A_207, %dma_start3A_221, %dma_start3A_222] : memref<20x4x128x8x128xf32, #tpu.memory_space<hbm>> -> memref<1x4x1x8x128xf32, #tpu.memory_space<hbm>>
    %dma_start3A_224 = tpu.memref_squeeze %dma_start3A_223 : memref<1x4x1x8x128xf32, #tpu.memory_space<hbm>> -> memref<4x8x128xf32, #tpu.memory_space<hbm>>
    %dma_start3A_225 = arith.constant 0 : i32
    %dma_start3A_226 = arith.constant 0 : i32
    %dma_start3A_227 = arith.constant 0 : i32
    %dma_start3A_228 = tpu.memref_slice %arg8[%dma_start3A_208, %dma_start3A_225, %dma_start3A_226, %dma_start3A_227] : memref<4x4x8x133xf32, #tpu.memory_space<vmem>> -> memref<1x4x8x128xf32, #tpu.memory_space<vmem>>
    %dma_start3A_229 = tpu.memref_squeeze %dma_start3A_228 : memref<1x4x8x128xf32, #tpu.memory_space<vmem>> -> memref<4x8x128xf32, #tpu.memory_space<vmem>>
    tpu.enqueue_dma source(%dma_start3A_229 : memref<4x8x128xf32, #tpu.memory_space<vmem>>) target(%dma_start3A_224 : memref<4x8x128xf32, #tpu.memory_space<hbm>>) target_semaphore(%arg12 : memref<!tpu.dma_semaphore, #tpu.memory_space<semaphore_mem>>)
    %mul3A_230 = arith.constant 4 : i32
    %mul3A_231 = arith.muli %add3A, %mul3A_230 : i32
    %add3A_232 = arith.constant 2 : i32
    %add3A_233 = arith.addi %mul3A_231, %add3A_232 : i32
    %dma_start3A_234 = arith.constant 2 : i32
    %dma_start3A_235 = arith.constant 0 : i32
    %dma_start3A_236 = arith.constant 0 : i32
    %dma_start3A_237 = arith.constant 0 : i32
    %dma_start3A_238 = arith.constant 0 : i32
    %dma_start3A_239 = tpu.memref_slice %arg8[%dma_start3A_234, %dma_start3A_236, %dma_start3A_237, %dma_start3A_238] : memref<4x4x8x133xf32, #tpu.memory_space<vmem>> -> memref<1x4x8x128xf32, #tpu.memory_space<vmem>>
    %dma_start3A_240 = tpu.memref_squeeze %dma_start3A_239 : memref<1x4x8x128xf32, #tpu.memory_space<vmem>> -> memref<4x8x128xf32, #tpu.memory_space<vmem>>
    %dma_start3A_241 = arith.constant 0 : i32
    %dma_start3A_242 = arith.constant 0 : i32
    %dma_start3A_243 = arith.constant 0 : i32
    %dma_start3A_244 = tpu.memref_slice %arg4[%dma_start3A_235, %dma_start3A_241, %add3A_233, %dma_start3A_242, %dma_start3A_243] : memref<20x4x128x8x128xf32, #tpu.memory_space<hbm>> -> memref<1x4x1x8x128xf32, #tpu.memory_space<hbm>>
    %dma_start3A_245 = tpu.memref_squeeze %dma_start3A_244 : memref<1x4x1x8x128xf32, #tpu.memory_space<hbm>> -> memref<4x8x128xf32, #tpu.memory_space<hbm>>
    %dma_start3A_246 = arith.constant 0 : i32
    %dma_start3A_247 = arith.constant 0 : i32
    %dma_start3A_248 = arith.constant 0 : i32
    %dma_start3A_249 = tpu.memref_slice %arg4[%dma_start3A_235, %dma_start3A_246, %add3A_233, %dma_start3A_247, %dma_start3A_248] : memref<20x4x128x8x128xf32, #tpu.memory_space<hbm>> -> memref<1x4x1x8x128xf32, #tpu.memory_space<hbm>>
    %dma_start3A_250 = tpu.memref_squeeze %dma_start3A_249 : memref<1x4x1x8x128xf32, #tpu.memory_space<hbm>> -> memref<4x8x128xf32, #tpu.memory_space<hbm>>
    %dma_start3A_251 = arith.constant 0 : i32
    %dma_start3A_252 = arith.constant 0 : i32
    %dma_start3A_253 = arith.constant 0 : i32
    %dma_start3A_254 = tpu.memref_slice %arg8[%dma_start3A_234, %dma_start3A_251, %dma_start3A_252, %dma_start3A_253] : memref<4x4x8x133xf32, #tpu.memory_space<vmem>> -> memref<1x4x8x128xf32, #tpu.memory_space<vmem>>
    %dma_start3A_255 = tpu.memref_squeeze %dma_start3A_254 : memref<1x4x8x128xf32, #tpu.memory_space<vmem>> -> memref<4x8x128xf32, #tpu.memory_space<vmem>>
    tpu.enqueue_dma source(%dma_start3A_255 : memref<4x8x128xf32, #tpu.memory_space<vmem>>) target(%dma_start3A_250 : memref<4x8x128xf32, #tpu.memory_space<hbm>>) target_semaphore(%arg12 : memref<!tpu.dma_semaphore, #tpu.memory_space<semaphore_mem>>)
    %mul3A_256 = arith.constant 4 : i32
    %mul3A_257 = arith.muli %add3A, %mul3A_256 : i32
    %add3A_258 = arith.constant 3 : i32
    %add3A_259 = arith.addi %mul3A_257, %add3A_258 : i32
    %dma_start3A_260 = arith.constant 3 : i32
    %dma_start3A_261 = arith.constant 0 : i32
    %dma_start3A_262 = arith.constant 0 : i32
    %dma_start3A_263 = arith.constant 0 : i32
    %dma_start3A_264 = arith.constant 0 : i32
    %dma_start3A_265 = tpu.memref_slice %arg8[%dma_start3A_260, %dma_start3A_262, %dma_start3A_263, %dma_start3A_264] : memref<4x4x8x133xf32, #tpu.memory_space<vmem>> -> memref<1x4x8x128xf32, #tpu.memory_space<vmem>>
    %dma_start3A_266 = tpu.memref_squeeze %dma_start3A_265 : memref<1x4x8x128xf32, #tpu.memory_space<vmem>> -> memref<4x8x128xf32, #tpu.memory_space<vmem>>
    %dma_start3A_267 = arith.constant 0 : i32
    %dma_start3A_268 = arith.constant 0 : i32
    %dma_start3A_269 = arith.constant 0 : i32
    %dma_start3A_270 = tpu.memref_slice %arg4[%dma_start3A_261, %dma_start3A_267, %add3A_259, %dma_start3A_268, %dma_start3A_269] : memref<20x4x128x8x128xf32, #tpu.memory_space<hbm>> -> memref<1x4x1x8x128xf32, #tpu.memory_space<hbm>>
    %dma_start3A_271 = tpu.memref_squeeze %dma_start3A_270 : memref<1x4x1x8x128xf32, #tpu.memory_space<hbm>> -> memref<4x8x128xf32, #tpu.memory_space<hbm>>
    %dma_start3A_272 = arith.constant 0 : i32
    %dma_start3A_273 = arith.constant 0 : i32
    %dma_start3A_274 = arith.constant 0 : i32
    %dma_start3A_275 = tpu.memref_slice %arg4[%dma_start3A_261, %dma_start3A_272, %add3A_259, %dma_start3A_273, %dma_start3A_274] : memref<20x4x128x8x128xf32, #tpu.memory_space<hbm>> -> memref<1x4x1x8x128xf32, #tpu.memory_space<hbm>>
    %dma_start3A_276 = tpu.memref_squeeze %dma_start3A_275 : memref<1x4x1x8x128xf32, #tpu.memory_space<hbm>> -> memref<4x8x128xf32, #tpu.memory_space<hbm>>
    %dma_start3A_277 = arith.constant 0 : i32
    %dma_start3A_278 = arith.constant 0 : i32
    %dma_start3A_279 = arith.constant 0 : i32
    %dma_start3A_280 = tpu.memref_slice %arg8[%dma_start3A_260, %dma_start3A_277, %dma_start3A_278, %dma_start3A_279] : memref<4x4x8x133xf32, #tpu.memory_space<vmem>> -> memref<1x4x8x128xf32, #tpu.memory_space<vmem>>
    %dma_start3A_281 = tpu.memref_squeeze %dma_start3A_280 : memref<1x4x8x128xf32, #tpu.memory_space<vmem>> -> memref<4x8x128xf32, #tpu.memory_space<vmem>>
    tpu.enqueue_dma source(%dma_start3A_281 : memref<4x8x128xf32, #tpu.memory_space<vmem>>) target(%dma_start3A_276 : memref<4x8x128xf32, #tpu.memory_space<hbm>>) target_semaphore(%arg12 : memref<!tpu.dma_semaphore, #tpu.memory_space<semaphore_mem>>)
    %dma_start3A_282 = arith.constant 8 : i32
    %dma_start3A_283 = arith.constant 0 : i32
    %dma_start3A_284 = arith.constant 0 : i32
    %dma_start3A_285 = tpu.memref_slice %arg6[%dma_start3A_283, %dma_start3A_284] : memref<512x32xf32, #tpu.memory_space<vmem>> -> memref<128x32xf32, #tpu.memory_space<vmem>>
    %dma_start3A_286 = arith.constant 0 : i32
    %dma_start3A_287 = tpu.memref_slice %arg5[%dma_start3A_282, %dma_start3A_286] : memref<80x128xi32, #tpu.memory_space<vmem>> -> memref<1x128xi32, #tpu.memory_space<vmem>>
    %dma_start3A_288 = tpu.memref_squeeze %dma_start3A_287 : memref<1x128xi32, #tpu.memory_space<vmem>> -> memref<128xi32, #tpu.memory_space<vmem>>
    %dma_start3A_289 = arith.constant 0 : i32
    %dma_start3A_290 = arith.constant 0 : i32
    %dma_start3A_291 = tpu.memref_slice %arg2[%dma_start3A_289, %dma_start3A_290] : memref<1000000x32xf32, #tpu.memory_space<hbm>> -> memref<1000000x32xf32, #tpu.memory_space<hbm>>
    tpu.enqueue_indirect_dma source(%dma_start3A_291 : memref<1000000x32xf32, #tpu.memory_space<hbm>>) target(%dma_start3A_285 : memref<128x32xf32, #tpu.memory_space<vmem>>) offsets(%dma_start3A_288 : memref<128xi32, #tpu.memory_space<vmem>>) semaphore(%arg10 : memref<!tpu.dma_semaphore, #tpu.memory_space<semaphore_mem>>)
    %dma_start3A_292 = arith.constant 9 : i32
    %dma_start3A_293 = arith.constant 128 : i32
    %dma_start3A_294 = arith.constant 0 : i32
    %dma_start3A_295 = tpu.memref_slice %arg6[%dma_start3A_293, %dma_start3A_294] : memref<512x32xf32, #tpu.memory_space<vmem>> -> memref<128x32xf32, #tpu.memory_space<vmem>>
    %dma_start3A_296 = arith.constant 0 : i32
    %dma_start3A_297 = tpu.memref_slice %arg5[%dma_start3A_292, %dma_start3A_296] : memref<80x128xi32, #tpu.memory_space<vmem>> -> memref<1x128xi32, #tpu.memory_space<vmem>>
    %dma_start3A_298 = tpu.memref_squeeze %dma_start3A_297 : memref<1x128xi32, #tpu.memory_space<vmem>> -> memref<128xi32, #tpu.memory_space<vmem>>
    %dma_start3A_299 = arith.constant 0 : i32
    %dma_start3A_300 = arith.constant 0 : i32
    %dma_start3A_301 = tpu.memref_slice %arg2[%dma_start3A_299, %dma_start3A_300] : memref<1000000x32xf32, #tpu.memory_space<hbm>> -> memref<1000000x32xf32, #tpu.memory_space<hbm>>
    tpu.enqueue_indirect_dma source(%dma_start3A_301 : memref<1000000x32xf32, #tpu.memory_space<hbm>>) target(%dma_start3A_295 : memref<128x32xf32, #tpu.memory_space<vmem>>) offsets(%dma_start3A_298 : memref<128xi32, #tpu.memory_space<vmem>>) semaphore(%arg10 : memref<!tpu.dma_semaphore, #tpu.memory_space<semaphore_mem>>)
    %dma_start3A_302 = arith.constant 10 : i32
    %dma_start3A_303 = arith.constant 256 : i32
    %dma_start3A_304 = arith.constant 0 : i32
    %dma_start3A_305 = tpu.memref_slice %arg6[%dma_start3A_303, %dma_start3A_304] : memref<512x32xf32, #tpu.memory_space<vmem>> -> memref<128x32xf32, #tpu.memory_space<vmem>>
    %dma_start3A_306 = arith.constant 0 : i32
    %dma_start3A_307 = tpu.memref_slice %arg5[%dma_start3A_302, %dma_start3A_306] : memref<80x128xi32, #tpu.memory_space<vmem>> -> memref<1x128xi32, #tpu.memory_space<vmem>>
    %dma_start3A_308 = tpu.memref_squeeze %dma_start3A_307 : memref<1x128xi32, #tpu.memory_space<vmem>> -> memref<128xi32, #tpu.memory_space<vmem>>
    %dma_start3A_309 = arith.constant 0 : i32
    %dma_start3A_310 = arith.constant 0 : i32
    %dma_start3A_311 = tpu.memref_slice %arg2[%dma_start3A_309, %dma_start3A_310] : memref<1000000x32xf32, #tpu.memory_space<hbm>> -> memref<1000000x32xf32, #tpu.memory_space<hbm>>
    tpu.enqueue_indirect_dma source(%dma_start3A_311 : memref<1000000x32xf32, #tpu.memory_space<hbm>>) target(%dma_start3A_305 : memref<128x32xf32, #tpu.memory_space<vmem>>) offsets(%dma_start3A_308 : memref<128xi32, #tpu.memory_space<vmem>>) semaphore(%arg10 : memref<!tpu.dma_semaphore, #tpu.memory_space<semaphore_mem>>)
    %dma_start3A_312 = arith.constant 11 : i32
    %dma_start3A_313 = arith.constant 384 : i32
    %dma_start3A_314 = arith.constant 0 : i32
    %dma_start3A_315 = tpu.memref_slice %arg6[%dma_start3A_313, %dma_start3A_314] : memref<512x32xf32, #tpu.memory_space<vmem>> -> memref<128x32xf32, #tpu.memory_space<vmem>>
    %dma_start3A_316 = arith.constant 0 : i32
    %dma_start3A_317 = tpu.memref_slice %arg5[%dma_start3A_312, %dma_start3A_316] : memref<80x128xi32, #tpu.memory_space<vmem>> -> memref<1x128xi32, #tpu.memory_space<vmem>>
    %dma_start3A_318 = tpu.memref_squeeze %dma_start3A_317 : memref<1x128xi32, #tpu.memory_space<vmem>> -> memref<128xi32, #tpu.memory_space<vmem>>
    %dma_start3A_319 = arith.constant 0 : i32
    %dma_start3A_320 = arith.constant 0 : i32
    %dma_start3A_321 = tpu.memref_slice %arg2[%dma_start3A_319, %dma_start3A_320] : memref<1000000x32xf32, #tpu.memory_space<hbm>> -> memref<1000000x32xf32, #tpu.memory_space<hbm>>
    tpu.enqueue_indirect_dma source(%dma_start3A_321 : memref<1000000x32xf32, #tpu.memory_space<hbm>>) target(%dma_start3A_315 : memref<128x32xf32, #tpu.memory_space<vmem>>) offsets(%dma_start3A_318 : memref<128xi32, #tpu.memory_space<vmem>>) semaphore(%arg10 : memref<!tpu.dma_semaphore, #tpu.memory_space<semaphore_mem>>)
    %dma_wait3A_322 = arith.constant 0 : i32
    %dma_wait3A_323 = arith.constant 0 : i32
    %dma_wait3A_324 = tpu.memref_slice %arg7[%dma_wait3A_322, %dma_wait3A_323] : memref<512x32xf32, #tpu.memory_space<vmem>> -> memref<128x32xf32, #tpu.memory_space<vmem>>
    %dma_wait3A_325 = arith.constant 0 : i32
    %dma_wait3A_326 = arith.constant 0 : i32
    %dma_wait3A_327 = tpu.memref_slice %arg2[%dma_wait3A_325, %dma_wait3A_326] : memref<1000000x32xf32, #tpu.memory_space<hbm>> -> memref<128x32xf32, #tpu.memory_space<hbm>>
    %dma_wait3A_328 = arith.constant 0 : i32
    %dma_wait3A_329 = arith.constant 0 : i32
    %dma_wait3A_330 = tpu.memref_slice %arg7[%dma_wait3A_328, %dma_wait3A_329] : memref<512x32xf32, #tpu.memory_space<vmem>> -> memref<128x32xf32, #tpu.memory_space<vmem>>
    %dma_wait3A_331 = arith.constant 0 : i32
    %dma_wait3A_332 = arith.constant 0 : i32
    %dma_wait3A_333 = tpu.memref_slice %arg2[%dma_wait3A_331, %dma_wait3A_332] : memref<1000000x32xf32, #tpu.memory_space<hbm>> -> memref<128x32xf32, #tpu.memory_space<hbm>>
    tpu.wait_dma2 semaphore(%arg11 : memref<!tpu.dma_semaphore, #tpu.memory_space<semaphore_mem>>) src(%dma_wait3A_333 : memref<128x32xf32, #tpu.memory_space<hbm>>) dst(%dma_wait3A_330 : memref<128x32xf32, #tpu.memory_space<vmem>>)
    %dma_wait3A_334 = arith.constant 128 : i32
    %dma_wait3A_335 = arith.constant 0 : i32
    %dma_wait3A_336 = tpu.memref_slice %arg7[%dma_wait3A_334, %dma_wait3A_335] : memref<512x32xf32, #tpu.memory_space<vmem>> -> memref<128x32xf32, #tpu.memory_space<vmem>>
    %dma_wait3A_337 = arith.constant 0 : i32
    %dma_wait3A_338 = arith.constant 0 : i32
    %dma_wait3A_339 = tpu.memref_slice %arg2[%dma_wait3A_337, %dma_wait3A_338] : memref<1000000x32xf32, #tpu.memory_space<hbm>> -> memref<128x32xf32, #tpu.memory_space<hbm>>
    %dma_wait3A_340 = arith.constant 128 : i32
    %dma_wait3A_341 = arith.constant 0 : i32
    %dma_wait3A_342 = tpu.memref_slice %arg7[%dma_wait3A_340, %dma_wait3A_341] : memref<512x32xf32, #tpu.memory_space<vmem>> -> memref<128x32xf32, #tpu.memory_space<vmem>>
    %dma_wait3A_343 = arith.constant 0 : i32
    %dma_wait3A_344 = arith.constant 0 : i32
    %dma_wait3A_345 = tpu.memref_slice %arg2[%dma_wait3A_343, %dma_wait3A_344] : memref<1000000x32xf32, #tpu.memory_space<hbm>> -> memref<128x32xf32, #tpu.memory_space<hbm>>
    tpu.wait_dma2 semaphore(%arg11 : memref<!tpu.dma_semaphore, #tpu.memory_space<semaphore_mem>>) src(%dma_wait3A_345 : memref<128x32xf32, #tpu.memory_space<hbm>>) dst(%dma_wait3A_342 : memref<128x32xf32, #tpu.memory_space<vmem>>)
    %dma_wait3A_346 = arith.constant 256 : i32
    %dma_wait3A_347 = arith.constant 0 : i32
    %dma_wait3A_348 = tpu.memref_slice %arg7[%dma_wait3A_346, %dma_wait3A_347] : memref<512x32xf32, #tpu.memory_space<vmem>> -> memref<128x32xf32, #tpu.memory_space<vmem>>
    %dma_wait3A_349 = arith.constant 0 : i32
    %dma_wait3A_350 = arith.constant 0 : i32
    %dma_wait3A_351 = tpu.memref_slice %arg2[%dma_wait3A_349, %dma_wait3A_350] : memref<1000000x32xf32, #tpu.memory_space<hbm>> -> memref<128x32xf32, #tpu.memory_space<hbm>>
    %dma_wait3A_352 = arith.constant 256 : i32
    %dma_wait3A_353 = arith.constant 0 : i32
    %dma_wait3A_354 = tpu.memref_slice %arg7[%dma_wait3A_352, %dma_wait3A_353] : memref<512x32xf32, #tpu.memory_space<vmem>> -> memref<128x32xf32, #tpu.memory_space<vmem>>
    %dma_wait3A_355 = arith.constant 0 : i32
    %dma_wait3A_356 = arith.constant 0 : i32
    %dma_wait3A_357 = tpu.memref_slice %arg2[%dma_wait3A_355, %dma_wait3A_356] : memref<1000000x32xf32, #tpu.memory_space<hbm>> -> memref<128x32xf32, #tpu.memory_space<hbm>>
    tpu.wait_dma2 semaphore(%arg11 : memref<!tpu.dma_semaphore, #tpu.memory_space<semaphore_mem>>) src(%dma_wait3A_357 : memref<128x32xf32, #tpu.memory_space<hbm>>) dst(%dma_wait3A_354 : memref<128x32xf32, #tpu.memory_space<vmem>>)
    %dma_wait3A_358 = arith.constant 384 : i32
    %dma_wait3A_359 = arith.constant 0 : i32
    %dma_wait3A_360 = tpu.memref_slice %arg7[%dma_wait3A_358, %dma_wait3A_359] : memref<512x32xf32, #tpu.memory_space<vmem>> -> memref<128x32xf32, #tpu.memory_space<vmem>>
    %dma_wait3A_361 = arith.constant 0 : i32
    %dma_wait3A_362 = arith.constant 0 : i32
    %dma_wait3A_363 = tpu.memref_slice %arg2[%dma_wait3A_361, %dma_wait3A_362] : memref<1000000x32xf32, #tpu.memory_space<hbm>> -> memref<128x32xf32, #tpu.memory_space<hbm>>
    %dma_wait3A_364 = arith.constant 384 : i32
    %dma_wait3A_365 = arith.constant 0 : i32
    %dma_wait3A_366 = tpu.memref_slice %arg7[%dma_wait3A_364, %dma_wait3A_365] : memref<512x32xf32, #tpu.memory_space<vmem>> -> memref<128x32xf32, #tpu.memory_space<vmem>>
    %dma_wait3A_367 = arith.constant 0 : i32
    %dma_wait3A_368 = arith.constant 0 : i32
    %dma_wait3A_369 = tpu.memref_slice %arg2[%dma_wait3A_367, %dma_wait3A_368] : memref<1000000x32xf32, #tpu.memory_space<hbm>> -> memref<128x32xf32, #tpu.memory_space<hbm>>
    tpu.wait_dma2 semaphore(%arg11 : memref<!tpu.dma_semaphore, #tpu.memory_space<semaphore_mem>>) src(%dma_wait3A_369 : memref<128x32xf32, #tpu.memory_space<hbm>>) dst(%dma_wait3A_366 : memref<128x32xf32, #tpu.memory_space<vmem>>)
    %scan3A_370 = arith.constant 0 : i32
    %scan3A_371 = arith.constant 0 : i32
    %scan3A_372 = arith.constant 128 : i32
    %scan3A_373 = arith.addi %scan3A_371, %scan3A_372 : i32
    %scan3A_374 = arith.constant 1 : i32
    scf.for %scan3A_1210 = %scan3A_371 to %scan3A_373 step %scan3A_374  : i32 {
      %broadcast_in_dim3A_1211 = arith.constant 0 : i32
      %broadcast_in_dim3A_1212 = vector.broadcast %broadcast_in_dim3A_1211 : i32 to vector<16xi32>
      %add3A_1213 = vector.broadcast %scan3A_1210 : i32 to vector<16xi32>
      %add3A_1214 = arith.addi %broadcast_in_dim3A_1212, %add3A_1213 : vector<16xi32>
      %broadcast_in_dim3A_1215 = arith.constant 0 : i32
      %broadcast_in_dim3A_1216 = vector.broadcast %broadcast_in_dim3A_1215 : i32 to vector<16xi32>
      %add3A_1217 = arith.constant 0 : i32
      %add3A_1218 = arith.addi %add3A_1217, %scan3A_1210 : i32
      %get3A = arith.index_cast %add3A_1218 : i32 to index
      %get3A_1219 = arith.constant 0 : index
      %get3A_1220 = tpu.vector_load %arg7[%get3A, %get3A_1219] {strides = array<i32>} : memref<512x32xf32, #tpu.memory_space<vmem>>, vector<16xf32>,
      %add3A_1221 = arith.constant 0 : i32
      %add3A_1222 = arith.addi %add3A_1221, %scan3A_1210 : i32
      %get3A_1223 = arith.index_cast %add3A_1222 : i32 to index
      %get3A_1224 = arith.constant 16 : index
      %get3A_1225 = tpu.vector_load %arg7[%get3A_1223, %get3A_1224] {strides = array<i32>} : memref<512x32xf32, #tpu.memory_space<vmem>>, vector<16xf32>,
      tpu.vector_store_idx %arg9[%broadcast_in_dim3A_1216, %select_n3A, %select_n3A_45, %add3A_1214], %get3A_1220 : memref<4x4x8x133xf32, #tpu.memory_space<vmem>>[vector<16xi32>, vector<16xi32>, vector<16xi32>, vector<16xi32>], vector<16xf32>,
      %add3A_1226 = arith.addi %select_n3A, %broadcast_in_dim3A_46 : vector<16xi32>
      tpu.vector_store_idx %arg9[%broadcast_in_dim3A_1216, %add3A_1226, %select_n3A_45, %add3A_1214], %get3A_1225 : memref<4x4x8x133xf32, #tpu.memory_space<vmem>>[vector<16xi32>, vector<16xi32>, vector<16xi32>, vector<16xi32>], vector<16xf32>,
      %broadcast_in_dim3A_1227 = arith.constant 1 : i32
      %broadcast_in_dim3A_1228 = vector.broadcast %broadcast_in_dim3A_1227 : i32 to vector<16xi32>
      %add3A_1229 = arith.constant 128 : i32
      %add3A_1230 = arith.addi %add3A_1229, %scan3A_1210 : i32
      %get3A_1231 = arith.index_cast %add3A_1230 : i32 to index
      %get3A_1232 = arith.constant 0 : index
      %get3A_1233 = tpu.vector_load %arg7[%get3A_1231, %get3A_1232] {strides = array<i32>} : memref<512x32xf32, #tpu.memory_space<vmem>>, vector<16xf32>,
      %add3A_1234 = arith.constant 128 : i32
      %add3A_1235 = arith.addi %add3A_1234, %scan3A_1210 : i32
      %get3A_1236 = arith.index_cast %add3A_1235 : i32 to index
      %get3A_1237 = arith.constant 16 : index
      %get3A_1238 = tpu.vector_load %arg7[%get3A_1236, %get3A_1237] {strides = array<i32>} : memref<512x32xf32, #tpu.memory_space<vmem>>, vector<16xf32>,
      tpu.vector_store_idx %arg9[%broadcast_in_dim3A_1228, %select_n3A, %select_n3A_45, %add3A_1214], %get3A_1233 : memref<4x4x8x133xf32, #tpu.memory_space<vmem>>[vector<16xi32>, vector<16xi32>, vector<16xi32>, vector<16xi32>], vector<16xf32>,
      %add3A_1239 = arith.addi %select_n3A, %broadcast_in_dim3A_46 : vector<16xi32>
      tpu.vector_store_idx %arg9[%broadcast_in_dim3A_1228, %add3A_1239, %select_n3A_45, %add3A_1214], %get3A_1238 : memref<4x4x8x133xf32, #tpu.memory_space<vmem>>[vector<16xi32>, vector<16xi32>, vector<16xi32>, vector<16xi32>], vector<16xf32>,
      %broadcast_in_dim3A_1240 = arith.constant 2 : i32
      %broadcast_in_dim3A_1241 = vector.broadcast %broadcast_in_dim3A_1240 : i32 to vector<16xi32>
      %add3A_1242 = arith.constant 256 : i32
      %add3A_1243 = arith.addi %add3A_1242, %scan3A_1210 : i32
      %get3A_1244 = arith.index_cast %add3A_1243 : i32 to index
      %get3A_1245 = arith.constant 0 : index
      %get3A_1246 = tpu.vector_load %arg7[%get3A_1244, %get3A_1245] {strides = array<i32>} : memref<512x32xf32, #tpu.memory_space<vmem>>, vector<16xf32>,
      %add3A_1247 = arith.constant 256 : i32
      %add3A_1248 = arith.addi %add3A_1247, %scan3A_1210 : i32
      %get3A_1249 = arith.index_cast %add3A_1248 : i32 to index
      %get3A_1250 = arith.constant 16 : index
      %get3A_1251 = tpu.vector_load %arg7[%get3A_1249, %get3A_1250] {strides = array<i32>} : memref<512x32xf32, #tpu.memory_space<vmem>>, vector<16xf32>,
      tpu.vector_store_idx %arg9[%broadcast_in_dim3A_1241, %select_n3A, %select_n3A_45, %add3A_1214], %get3A_1246 : memref<4x4x8x133xf32, #tpu.memory_space<vmem>>[vector<16xi32>, vector<16xi32>, vector<16xi32>, vector<16xi32>], vector<16xf32>,
      %add3A_1252 = arith.addi %select_n3A, %broadcast_in_dim3A_46 : vector<16xi32>
      tpu.vector_store_idx %arg9[%broadcast_in_dim3A_1241, %add3A_1252, %select_n3A_45, %add3A_1214], %get3A_1251 : memref<4x4x8x133xf32, #tpu.memory_space<vmem>>[vector<16xi32>, vector<16xi32>, vector<16xi32>, vector<16xi32>], vector<16xf32>,
      %broadcast_in_dim3A_1253 = arith.constant 3 : i32
      %broadcast_in_dim3A_1254 = vector.broadcast %broadcast_in_dim3A_1253 : i32 to vector<16xi32>
      %add3A_1255 = arith.constant 384 : i32
      %add3A_1256 = arith.addi %add3A_1255, %scan3A_1210 : i32
      %get3A_1257 = arith.index_cast %add3A_1256 : i32 to index
      %get3A_1258 = arith.constant 0 : index
      %get3A_1259 = tpu.vector_load %arg7[%get3A_1257, %get3A_1258] {strides = array<i32>} : memref<512x32xf32, #tpu.memory_space<vmem>>, vector<16xf32>,
      %add3A_1260 = arith.constant 384 : i32
      %add3A_1261 = arith.addi %add3A_1260, %scan3A_1210 : i32
      %get3A_1262 = arith.index_cast %add3A_1261 : i32 to index
      %get3A_1263 = arith.constant 16 : index
      %get3A_1264 = tpu.vector_load %arg7[%get3A_1262, %get3A_1263] {strides = array<i32>} : memref<512x32xf32, #tpu.memory_space<vmem>>, vector<16xf32>,
      tpu.vector_store_idx %arg9[%broadcast_in_dim3A_1254, %select_n3A, %select_n3A_45, %add3A_1214], %get3A_1259 : memref<4x4x8x133xf32, #tpu.memory_space<vmem>>[vector<16xi32>, vector<16xi32>, vector<16xi32>, vector<16xi32>], vector<16xf32>,
      %add3A_1265 = arith.addi %select_n3A, %broadcast_in_dim3A_46 : vector<16xi32>
      tpu.vector_store_idx %arg9[%broadcast_in_dim3A_1254, %add3A_1265, %select_n3A_45, %add3A_1214], %get3A_1264 : memref<4x4x8x133xf32, #tpu.memory_space<vmem>>[vector<16xi32>, vector<16xi32>, vector<16xi32>, vector<16xi32>], vector<16xf32>,
    }
    %scan3A_375 = arith.constant 128 : i32
    %mul3A_376 = arith.constant 4 : i32
    %mul3A_377 = arith.muli %add3A, %mul3A_376 : i32
    %add3A_378 = arith.constant 0 : i32
    %add3A_379 = arith.addi %mul3A_377, %add3A_378 : i32
    %dma_start3A_380 = arith.constant 0 : i32
    %dma_start3A_381 = arith.constant 1 : i32
    %dma_start3A_382 = arith.constant 0 : i32
    %dma_start3A_383 = arith.constant 0 : i32
    %dma_start3A_384 = arith.constant 0 : i32
    %dma_start3A_385 = tpu.memref_slice %arg9[%dma_start3A_380, %dma_start3A_382, %dma_start3A_383, %dma_start3A_384] : memref<4x4x8x133xf32, #tpu.memory_space<vmem>> -> memref<1x4x8x128xf32, #tpu.memory_space<vmem>>
    %dma_start3A_386 = tpu.memref_squeeze %dma_start3A_385 : memref<1x4x8x128xf32, #tpu.memory_space<vmem>> -> memref<4x8x128xf32, #tpu.memory_space<vmem>>
    %dma_start3A_387 = arith.constant 0 : i32
    %dma_start3A_388 = arith.constant 0 : i32
    %dma_start3A_389 = arith.constant 0 : i32
    %dma_start3A_390 = tpu.memref_slice %arg4[%dma_start3A_381, %dma_start3A_387, %add3A_379, %dma_start3A_388, %dma_start3A_389] : memref<20x4x128x8x128xf32, #tpu.memory_space<hbm>> -> memref<1x4x1x8x128xf32, #tpu.memory_space<hbm>>
    %dma_start3A_391 = tpu.memref_squeeze %dma_start3A_390 : memref<1x4x1x8x128xf32, #tpu.memory_space<hbm>> -> memref<4x8x128xf32, #tpu.memory_space<hbm>>
    %dma_start3A_392 = arith.constant 0 : i32
    %dma_start3A_393 = arith.constant 0 : i32
    %dma_start3A_394 = arith.constant 0 : i32
    %dma_start3A_395 = tpu.memref_slice %arg4[%dma_start3A_381, %dma_start3A_392, %add3A_379, %dma_start3A_393, %dma_start3A_394] : memref<20x4x128x8x128xf32, #tpu.memory_space<hbm>> -> memref<1x4x1x8x128xf32, #tpu.memory_space<hbm>>
    %dma_start3A_396 = tpu.memref_squeeze %dma_start3A_395 : memref<1x4x1x8x128xf32, #tpu.memory_space<hbm>> -> memref<4x8x128xf32, #tpu.memory_space<hbm>>
    %dma_start3A_397 = arith.constant 0 : i32
    %dma_start3A_398 = arith.constant 0 : i32
    %dma_start3A_399 = arith.constant 0 : i32
    %dma_start3A_400 = tpu.memref_slice %arg9[%dma_start3A_380, %dma_start3A_397, %dma_start3A_398, %dma_start3A_399] : memref<4x4x8x133xf32, #tpu.memory_space<vmem>> -> memref<1x4x8x128xf32, #tpu.memory_space<vmem>>
    %dma_start3A_401 = tpu.memref_squeeze %dma_start3A_400 : memref<1x4x8x128xf32, #tpu.memory_space<vmem>> -> memref<4x8x128xf32, #tpu.memory_space<vmem>>
    tpu.enqueue_dma source(%dma_start3A_401 : memref<4x8x128xf32, #tpu.memory_space<vmem>>) target(%dma_start3A_396 : memref<4x8x128xf32, #tpu.memory_space<hbm>>) target_semaphore(%arg13 : memref<!tpu.dma_semaphore, #tpu.memory_space<semaphore_mem>>)
    %mul3A_402 = arith.constant 4 : i32
    %mul3A_403 = arith.muli %add3A, %mul3A_402 : i32
    %add3A_404 = arith.constant 1 : i32
    %add3A_405 = arith.addi %mul3A_403, %add3A_404 : i32
    %dma_start3A_406 = arith.constant 1 : i32
    %dma_start3A_407 = arith.constant 1 : i32
    %dma_start3A_408 = arith.constant 0 : i32
    %dma_start3A_409 = arith.constant 0 : i32
    %dma_start3A_410 = arith.constant 0 : i32
    %dma_start3A_411 = tpu.memref_slice %arg9[%dma_start3A_406, %dma_start3A_408, %dma_start3A_409, %dma_start3A_410] : memref<4x4x8x133xf32, #tpu.memory_space<vmem>> -> memref<1x4x8x128xf32, #tpu.memory_space<vmem>>
    %dma_start3A_412 = tpu.memref_squeeze %dma_start3A_411 : memref<1x4x8x128xf32, #tpu.memory_space<vmem>> -> memref<4x8x128xf32, #tpu.memory_space<vmem>>
    %dma_start3A_413 = arith.constant 0 : i32
    %dma_start3A_414 = arith.constant 0 : i32
    %dma_start3A_415 = arith.constant 0 : i32
    %dma_start3A_416 = tpu.memref_slice %arg4[%dma_start3A_407, %dma_start3A_413, %add3A_405, %dma_start3A_414, %dma_start3A_415] : memref<20x4x128x8x128xf32, #tpu.memory_space<hbm>> -> memref<1x4x1x8x128xf32, #tpu.memory_space<hbm>>
    %dma_start3A_417 = tpu.memref_squeeze %dma_start3A_416 : memref<1x4x1x8x128xf32, #tpu.memory_space<hbm>> -> memref<4x8x128xf32, #tpu.memory_space<hbm>>
    %dma_start3A_418 = arith.constant 0 : i32
    %dma_start3A_419 = arith.constant 0 : i32
    %dma_start3A_420 = arith.constant 0 : i32
    %dma_start3A_421 = tpu.memref_slice %arg4[%dma_start3A_407, %dma_start3A_418, %add3A_405, %dma_start3A_419, %dma_start3A_420] : memref<20x4x128x8x128xf32, #tpu.memory_space<hbm>> -> memref<1x4x1x8x128xf32, #tpu.memory_space<hbm>>
    %dma_start3A_422 = tpu.memref_squeeze %dma_start3A_421 : memref<1x4x1x8x128xf32, #tpu.memory_space<hbm>> -> memref<4x8x128xf32, #tpu.memory_space<hbm>>
    %dma_start3A_423 = arith.constant 0 : i32
    %dma_start3A_424 = arith.constant 0 : i32
    %dma_start3A_425 = arith.constant 0 : i32
    %dma_start3A_426 = tpu.memref_slice %arg9[%dma_start3A_406, %dma_start3A_423, %dma_start3A_424, %dma_start3A_425] : memref<4x4x8x133xf32, #tpu.memory_space<vmem>> -> memref<1x4x8x128xf32, #tpu.memory_space<vmem>>
    %dma_start3A_427 = tpu.memref_squeeze %dma_start3A_426 : memref<1x4x8x128xf32, #tpu.memory_space<vmem>> -> memref<4x8x128xf32, #tpu.memory_space<vmem>>
    tpu.enqueue_dma source(%dma_start3A_427 : memref<4x8x128xf32, #tpu.memory_space<vmem>>) target(%dma_start3A_422 : memref<4x8x128xf32, #tpu.memory_space<hbm>>) target_semaphore(%arg13 : memref<!tpu.dma_semaphore, #tpu.memory_space<semaphore_mem>>)
    %mul3A_428 = arith.constant 4 : i32
    %mul3A_429 = arith.muli %add3A, %mul3A_428 : i32
    %add3A_430 = arith.constant 2 : i32
    %add3A_431 = arith.addi %mul3A_429, %add3A_430 : i32
    %dma_start3A_432 = arith.constant 2 : i32
    %dma_start3A_433 = arith.constant 1 : i32
    %dma_start3A_434 = arith.constant 0 : i32
    %dma_start3A_435 = arith.constant 0 : i32
    %dma_start3A_436 = arith.constant 0 : i32
    %dma_start3A_437 = tpu.memref_slice %arg9[%dma_start3A_432, %dma_start3A_434, %dma_start3A_435, %dma_start3A_436] : memref<4x4x8x133xf32, #tpu.memory_space<vmem>> -> memref<1x4x8x128xf32, #tpu.memory_space<vmem>>
    %dma_start3A_438 = tpu.memref_squeeze %dma_start3A_437 : memref<1x4x8x128xf32, #tpu.memory_space<vmem>> -> memref<4x8x128xf32, #tpu.memory_space<vmem>>
    %dma_start3A_439 = arith.constant 0 : i32
    %dma_start3A_440 = arith.constant 0 : i32
    %dma_start3A_441 = arith.constant 0 : i32
    %dma_start3A_442 = tpu.memref_slice %arg4[%dma_start3A_433, %dma_start3A_439, %add3A_431, %dma_start3A_440, %dma_start3A_441] : memref<20x4x128x8x128xf32, #tpu.memory_space<hbm>> -> memref<1x4x1x8x128xf32, #tpu.memory_space<hbm>>
    %dma_start3A_443 = tpu.memref_squeeze %dma_start3A_442 : memref<1x4x1x8x128xf32, #tpu.memory_space<hbm>> -> memref<4x8x128xf32, #tpu.memory_space<hbm>>
    %dma_start3A_444 = arith.constant 0 : i32
    %dma_start3A_445 = arith.constant 0 : i32
    %dma_start3A_446 = arith.constant 0 : i32
    %dma_start3A_447 = tpu.memref_slice %arg4[%dma_start3A_433, %dma_start3A_444, %add3A_431, %dma_start3A_445, %dma_start3A_446] : memref<20x4x128x8x128xf32, #tpu.memory_space<hbm>> -> memref<1x4x1x8x128xf32, #tpu.memory_space<hbm>>
    %dma_start3A_448 = tpu.memref_squeeze %dma_start3A_447 : memref<1x4x1x8x128xf32, #tpu.memory_space<hbm>> -> memref<4x8x128xf32, #tpu.memory_space<hbm>>
    %dma_start3A_449 = arith.constant 0 : i32
    %dma_start3A_450 = arith.constant 0 : i32
    %dma_start3A_451 = arith.constant 0 : i32
    %dma_start3A_452 = tpu.memref_slice %arg9[%dma_start3A_432, %dma_start3A_449, %dma_start3A_450, %dma_start3A_451] : memref<4x4x8x133xf32, #tpu.memory_space<vmem>> -> memref<1x4x8x128xf32, #tpu.memory_space<vmem>>
    %dma_start3A_453 = tpu.memref_squeeze %dma_start3A_452 : memref<1x4x8x128xf32, #tpu.memory_space<vmem>> -> memref<4x8x128xf32, #tpu.memory_space<vmem>>
    tpu.enqueue_dma source(%dma_start3A_453 : memref<4x8x128xf32, #tpu.memory_space<vmem>>) target(%dma_start3A_448 : memref<4x8x128xf32, #tpu.memory_space<hbm>>) target_semaphore(%arg13 : memref<!tpu.dma_semaphore, #tpu.memory_space<semaphore_mem>>)
    %mul3A_454 = arith.constant 4 : i32
    %mul3A_455 = arith.muli %add3A, %mul3A_454 : i32
    %add3A_456 = arith.constant 3 : i32
    %add3A_457 = arith.addi %mul3A_455, %add3A_456 : i32
    %dma_start3A_458 = arith.constant 3 : i32
    %dma_start3A_459 = arith.constant 1 : i32
    %dma_start3A_460 = arith.constant 0 : i32
    %dma_start3A_461 = arith.constant 0 : i32
    %dma_start3A_462 = arith.constant 0 : i32
    %dma_start3A_463 = tpu.memref_slice %arg9[%dma_start3A_458, %dma_start3A_460, %dma_start3A_461, %dma_start3A_462] : memref<4x4x8x133xf32, #tpu.memory_space<vmem>> -> memref<1x4x8x128xf32, #tpu.memory_space<vmem>>
    %dma_start3A_464 = tpu.memref_squeeze %dma_start3A_463 : memref<1x4x8x128xf32, #tpu.memory_space<vmem>> -> memref<4x8x128xf32, #tpu.memory_space<vmem>>
    %dma_start3A_465 = arith.constant 0 : i32
    %dma_start3A_466 = arith.constant 0 : i32
    %dma_start3A_467 = arith.constant 0 : i32
    %dma_start3A_468 = tpu.memref_slice %arg4[%dma_start3A_459, %dma_start3A_465, %add3A_457, %dma_start3A_466, %dma_start3A_467] : memref<20x4x128x8x128xf32, #tpu.memory_space<hbm>> -> memref<1x4x1x8x128xf32, #tpu.memory_space<hbm>>
    %dma_start3A_469 = tpu.memref_squeeze %dma_start3A_468 : memref<1x4x1x8x128xf32, #tpu.memory_space<hbm>> -> memref<4x8x128xf32, #tpu.memory_space<hbm>>
    %dma_start3A_470 = arith.constant 0 : i32
    %dma_start3A_471 = arith.constant 0 : i32
    %dma_start3A_472 = arith.constant 0 : i32
    %dma_start3A_473 = tpu.memref_slice %arg4[%dma_start3A_459, %dma_start3A_470, %add3A_457, %dma_start3A_471, %dma_start3A_472] : memref<20x4x128x8x128xf32, #tpu.memory_space<hbm>> -> memref<1x4x1x8x128xf32, #tpu.memory_space<hbm>>
    %dma_start3A_474 = tpu.memref_squeeze %dma_start3A_473 : memref<1x4x1x8x128xf32, #tpu.memory_space<hbm>> -> memref<4x8x128xf32, #tpu.memory_space<hbm>>
    %dma_start3A_475 = arith.constant 0 : i32
    %dma_start3A_476 = arith.constant 0 : i32
    %dma_start3A_477 = arith.constant 0 : i32
    %dma_start3A_478 = tpu.memref_slice %arg9[%dma_start3A_458, %dma_start3A_475, %dma_start3A_476, %dma_start3A_477] : memref<4x4x8x133xf32, #tpu.memory_space<vmem>> -> memref<1x4x8x128xf32, #tpu.memory_space<vmem>>
    %dma_start3A_479 = tpu.memref_squeeze %dma_start3A_478 : memref<1x4x8x128xf32, #tpu.memory_space<vmem>> -> memref<4x8x128xf32, #tpu.memory_space<vmem>>
    tpu.enqueue_dma source(%dma_start3A_479 : memref<4x8x128xf32, #tpu.memory_space<vmem>>) target(%dma_start3A_474 : memref<4x8x128xf32, #tpu.memory_space<hbm>>) target_semaphore(%arg13 : memref<!tpu.dma_semaphore, #tpu.memory_space<semaphore_mem>>)
    %dma_start3A_480 = arith.constant 12 : i32
    %dma_start3A_481 = arith.constant 0 : i32
    %dma_start3A_482 = arith.constant 0 : i32
    %dma_start3A_483 = tpu.memref_slice %arg7[%dma_start3A_481, %dma_start3A_482] : memref<512x32xf32, #tpu.memory_space<vmem>> -> memref<128x32xf32, #tpu.memory_space<vmem>>
    %dma_start3A_484 = arith.constant 0 : i32
    %dma_start3A_485 = tpu.memref_slice %arg5[%dma_start3A_480, %dma_start3A_484] : memref<80x128xi32, #tpu.memory_space<vmem>> -> memref<1x128xi32, #tpu.memory_space<vmem>>
    %dma_start3A_486 = tpu.memref_squeeze %dma_start3A_485 : memref<1x128xi32, #tpu.memory_space<vmem>> -> memref<128xi32, #tpu.memory_space<vmem>>
    %dma_start3A_487 = arith.constant 0 : i32
    %dma_start3A_488 = arith.constant 0 : i32
    %dma_start3A_489 = tpu.memref_slice %arg2[%dma_start3A_487, %dma_start3A_488] : memref<1000000x32xf32, #tpu.memory_space<hbm>> -> memref<1000000x32xf32, #tpu.memory_space<hbm>>
    tpu.enqueue_indirect_dma source(%dma_start3A_489 : memref<1000000x32xf32, #tpu.memory_space<hbm>>) target(%dma_start3A_483 : memref<128x32xf32, #tpu.memory_space<vmem>>) offsets(%dma_start3A_486 : memref<128xi32, #tpu.memory_space<vmem>>) semaphore(%arg11 : memref<!tpu.dma_semaphore, #tpu.memory_space<semaphore_mem>>)
    %dma_start3A_490 = arith.constant 13 : i32
    %dma_start3A_491 = arith.constant 128 : i32
    %dma_start3A_492 = arith.constant 0 : i32
    %dma_start3A_493 = tpu.memref_slice %arg7[%dma_start3A_491, %dma_start3A_492] : memref<512x32xf32, #tpu.memory_space<vmem>> -> memref<128x32xf32, #tpu.memory_space<vmem>>
    %dma_start3A_494 = arith.constant 0 : i32
    %dma_start3A_495 = tpu.memref_slice %arg5[%dma_start3A_490, %dma_start3A_494] : memref<80x128xi32, #tpu.memory_space<vmem>> -> memref<1x128xi32, #tpu.memory_space<vmem>>
    %dma_start3A_496 = tpu.memref_squeeze %dma_start3A_495 : memref<1x128xi32, #tpu.memory_space<vmem>> -> memref<128xi32, #tpu.memory_space<vmem>>
    %dma_start3A_497 = arith.constant 0 : i32
    %dma_start3A_498 = arith.constant 0 : i32
    %dma_start3A_499 = tpu.memref_slice %arg2[%dma_start3A_497, %dma_start3A_498] : memref<1000000x32xf32, #tpu.memory_space<hbm>> -> memref<1000000x32xf32, #tpu.memory_space<hbm>>
    tpu.enqueue_indirect_dma source(%dma_start3A_499 : memref<1000000x32xf32, #tpu.memory_space<hbm>>) target(%dma_start3A_493 : memref<128x32xf32, #tpu.memory_space<vmem>>) offsets(%dma_start3A_496 : memref<128xi32, #tpu.memory_space<vmem>>) semaphore(%arg11 : memref<!tpu.dma_semaphore, #tpu.memory_space<semaphore_mem>>)
    %dma_start3A_500 = arith.constant 14 : i32
    %dma_start3A_501 = arith.constant 256 : i32
    %dma_start3A_502 = arith.constant 0 : i32
    %dma_start3A_503 = tpu.memref_slice %arg7[%dma_start3A_501, %dma_start3A_502] : memref<512x32xf32, #tpu.memory_space<vmem>> -> memref<128x32xf32, #tpu.memory_space<vmem>>
    %dma_start3A_504 = arith.constant 0 : i32
    %dma_start3A_505 = tpu.memref_slice %arg5[%dma_start3A_500, %dma_start3A_504] : memref<80x128xi32, #tpu.memory_space<vmem>> -> memref<1x128xi32, #tpu.memory_space<vmem>>
    %dma_start3A_506 = tpu.memref_squeeze %dma_start3A_505 : memref<1x128xi32, #tpu.memory_space<vmem>> -> memref<128xi32, #tpu.memory_space<vmem>>
    %dma_start3A_507 = arith.constant 0 : i32
    %dma_start3A_508 = arith.constant 0 : i32
    %dma_start3A_509 = tpu.memref_slice %arg2[%dma_start3A_507, %dma_start3A_508] : memref<1000000x32xf32, #tpu.memory_space<hbm>> -> memref<1000000x32xf32, #tpu.memory_space<hbm>>
    tpu.enqueue_indirect_dma source(%dma_start3A_509 : memref<1000000x32xf32, #tpu.memory_space<hbm>>) target(%dma_start3A_503 : memref<128x32xf32, #tpu.memory_space<vmem>>) offsets(%dma_start3A_506 : memref<128xi32, #tpu.memory_space<vmem>>) semaphore(%arg11 : memref<!tpu.dma_semaphore, #tpu.memory_space<semaphore_mem>>)
    %dma_start3A_510 = arith.constant 15 : i32
    %dma_start3A_511 = arith.constant 384 : i32
    %dma_start3A_512 = arith.constant 0 : i32
    %dma_start3A_513 = tpu.memref_slice %arg7[%dma_start3A_511, %dma_start3A_512] : memref<512x32xf32, #tpu.memory_space<vmem>> -> memref<128x32xf32, #tpu.memory_space<vmem>>
    %dma_start3A_514 = arith.constant 0 : i32
    %dma_start3A_515 = tpu.memref_slice %arg5[%dma_start3A_510, %dma_start3A_514] : memref<80x128xi32, #tpu.memory_space<vmem>> -> memref<1x128xi32, #tpu.memory_space<vmem>>
    %dma_start3A_516 = tpu.memref_squeeze %dma_start3A_515 : memref<1x128xi32, #tpu.memory_space<vmem>> -> memref<128xi32, #tpu.memory_space<vmem>>
    %dma_start3A_517 = arith.constant 0 : i32
    %dma_start3A_518 = arith.constant 0 : i32
    %dma_start3A_519 = tpu.memref_slice %arg2[%dma_start3A_517, %dma_start3A_518] : memref<1000000x32xf32, #tpu.memory_space<hbm>> -> memref<1000000x32xf32, #tpu.memory_space<hbm>>
    tpu.enqueue_indirect_dma source(%dma_start3A_519 : memref<1000000x32xf32, #tpu.memory_space<hbm>>) target(%dma_start3A_513 : memref<128x32xf32, #tpu.memory_space<vmem>>) offsets(%dma_start3A_516 : memref<128xi32, #tpu.memory_space<vmem>>) semaphore(%arg11 : memref<!tpu.dma_semaphore, #tpu.memory_space<semaphore_mem>>)
    %scan3A_520 = arith.constant 0 : i32
    %scan3A_521 = arith.constant 1 : i32
    %scan3A_522 = arith.constant 8 : i32
    %scan3A_523 = arith.addi %scan3A_521, %scan3A_522 : i32
    %scan3A_524 = arith.constant 1 : i32
    scf.for %scan3A_1210 = %scan3A_521 to %scan3A_523 step %scan3A_524  : i32 {
      %mul3A_1211 = arith.constant 2 : i32
      %mul3A_1212 = arith.muli %mul3A_1211, %scan3A_1210 : i32
      %add3A_1213 = arith.constant 0 : i32
      %add3A_1214 = arith.addi %mul3A_1212, %add3A_1213 : i32
      %dma_wait3A_1215 = arith.constant 0 : i32
      %dma_wait3A_1216 = arith.constant 0 : i32
      %dma_wait3A_1217 = tpu.memref_slice %arg6[%dma_wait3A_1215, %dma_wait3A_1216] : memref<512x32xf32, #tpu.memory_space<vmem>> -> memref<128x32xf32, #tpu.memory_space<vmem>>
      %dma_wait3A_1218 = arith.constant 0 : i32
      %dma_wait3A_1219 = arith.constant 0 : i32
      %dma_wait3A_1220 = tpu.memref_slice %arg2[%dma_wait3A_1218, %dma_wait3A_1219] : memref<1000000x32xf32, #tpu.memory_space<hbm>> -> memref<128x32xf32, #tpu.memory_space<hbm>>
      %dma_wait3A_1221 = arith.constant 0 : i32
      %dma_wait3A_1222 = arith.constant 0 : i32
      %dma_wait3A_1223 = tpu.memref_slice %arg6[%dma_wait3A_1221, %dma_wait3A_1222] : memref<512x32xf32, #tpu.memory_space<vmem>> -> memref<128x32xf32, #tpu.memory_space<vmem>>
      %dma_wait3A_1224 = arith.constant 0 : i32
      %dma_wait3A_1225 = arith.constant 0 : i32
      %dma_wait3A_1226 = tpu.memref_slice %arg2[%dma_wait3A_1224, %dma_wait3A_1225] : memref<1000000x32xf32, #tpu.memory_space<hbm>> -> memref<128x32xf32, #tpu.memory_space<hbm>>
      tpu.wait_dma2 semaphore(%arg10 : memref<!tpu.dma_semaphore, #tpu.memory_space<semaphore_mem>>) src(%dma_wait3A_1226 : memref<128x32xf32, #tpu.memory_space<hbm>>) dst(%dma_wait3A_1223 : memref<128x32xf32, #tpu.memory_space<vmem>>)
      %dma_wait3A_1227 = arith.constant 128 : i32
      %dma_wait3A_1228 = arith.constant 0 : i32
      %dma_wait3A_1229 = tpu.memref_slice %arg6[%dma_wait3A_1227, %dma_wait3A_1228] : memref<512x32xf32, #tpu.memory_space<vmem>> -> memref<128x32xf32, #tpu.memory_space<vmem>>
      %dma_wait3A_1230 = arith.constant 0 : i32
      %dma_wait3A_1231 = arith.constant 0 : i32
      %dma_wait3A_1232 = tpu.memref_slice %arg2[%dma_wait3A_1230, %dma_wait3A_1231] : memref<1000000x32xf32, #tpu.memory_space<hbm>> -> memref<128x32xf32, #tpu.memory_space<hbm>>
      %dma_wait3A_1233 = arith.constant 128 : i32
      %dma_wait3A_1234 = arith.constant 0 : i32
      %dma_wait3A_1235 = tpu.memref_slice %arg6[%dma_wait3A_1233, %dma_wait3A_1234] : memref<512x32xf32, #tpu.memory_space<vmem>> -> memref<128x32xf32, #tpu.memory_space<vmem>>
      %dma_wait3A_1236 = arith.constant 0 : i32
      %dma_wait3A_1237 = arith.constant 0 : i32
      %dma_wait3A_1238 = tpu.memref_slice %arg2[%dma_wait3A_1236, %dma_wait3A_1237] : memref<1000000x32xf32, #tpu.memory_space<hbm>> -> memref<128x32xf32, #tpu.memory_space<hbm>>
      tpu.wait_dma2 semaphore(%arg10 : memref<!tpu.dma_semaphore, #tpu.memory_space<semaphore_mem>>) src(%dma_wait3A_1238 : memref<128x32xf32, #tpu.memory_space<hbm>>) dst(%dma_wait3A_1235 : memref<128x32xf32, #tpu.memory_space<vmem>>)
      %dma_wait3A_1239 = arith.constant 256 : i32
      %dma_wait3A_1240 = arith.constant 0 : i32
      %dma_wait3A_1241 = tpu.memref_slice %arg6[%dma_wait3A_1239, %dma_wait3A_1240] : memref<512x32xf32, #tpu.memory_space<vmem>> -> memref<128x32xf32, #tpu.memory_space<vmem>>
      %dma_wait3A_1242 = arith.constant 0 : i32
      %dma_wait3A_1243 = arith.constant 0 : i32
      %dma_wait3A_1244 = tpu.memref_slice %arg2[%dma_wait3A_1242, %dma_wait3A_1243] : memref<1000000x32xf32, #tpu.memory_space<hbm>> -> memref<128x32xf32, #tpu.memory_space<hbm>>
      %dma_wait3A_1245 = arith.constant 256 : i32
      %dma_wait3A_1246 = arith.constant 0 : i32
      %dma_wait3A_1247 = tpu.memref_slice %arg6[%dma_wait3A_1245, %dma_wait3A_1246] : memref<512x32xf32, #tpu.memory_space<vmem>> -> memref<128x32xf32, #tpu.memory_space<vmem>>
      %dma_wait3A_1248 = arith.constant 0 : i32
      %dma_wait3A_1249 = arith.constant 0 : i32
      %dma_wait3A_1250 = tpu.memref_slice %arg2[%dma_wait3A_1248, %dma_wait3A_1249] : memref<1000000x32xf32, #tpu.memory_space<hbm>> -> memref<128x32xf32, #tpu.memory_space<hbm>>
      tpu.wait_dma2 semaphore(%arg10 : memref<!tpu.dma_semaphore, #tpu.memory_space<semaphore_mem>>) src(%dma_wait3A_1250 : memref<128x32xf32, #tpu.memory_space<hbm>>) dst(%dma_wait3A_1247 : memref<128x32xf32, #tpu.memory_space<vmem>>)
      %dma_wait3A_1251 = arith.constant 384 : i32
      %dma_wait3A_1252 = arith.constant 0 : i32
      %dma_wait3A_1253 = tpu.memref_slice %arg6[%dma_wait3A_1251, %dma_wait3A_1252] : memref<512x32xf32, #tpu.memory_space<vmem>> -> memref<128x32xf32, #tpu.memory_space<vmem>>
      %dma_wait3A_1254 = arith.constant 0 : i32
      %dma_wait3A_1255 = arith.constant 0 : i32
      %dma_wait3A_1256 = tpu.memref_slice %arg2[%dma_wait3A_1254, %dma_wait3A_1255] : memref<1000000x32xf32, #tpu.memory_space<hbm>> -> memref<128x32xf32, #tpu.memory_space<hbm>>
      %dma_wait3A_1257 = arith.constant 384 : i32
      %dma_wait3A_1258 = arith.constant 0 : i32
      %dma_wait3A_1259 = tpu.memref_slice %arg6[%dma_wait3A_1257, %dma_wait3A_1258] : memref<512x32xf32, #tpu.memory_space<vmem>> -> memref<128x32xf32, #tpu.memory_space<vmem>>
      %dma_wait3A_1260 = arith.constant 0 : i32
      %dma_wait3A_1261 = arith.constant 0 : i32
      %dma_wait3A_1262 = tpu.memref_slice %arg2[%dma_wait3A_1260, %dma_wait3A_1261] : memref<1000000x32xf32, #tpu.memory_space<hbm>> -> memref<128x32xf32, #tpu.memory_space<hbm>>
      tpu.wait_dma2 semaphore(%arg10 : memref<!tpu.dma_semaphore, #tpu.memory_space<semaphore_mem>>) src(%dma_wait3A_1262 : memref<128x32xf32, #tpu.memory_space<hbm>>) dst(%dma_wait3A_1259 : memref<128x32xf32, #tpu.memory_space<vmem>>)
      %dma_wait3A_1263 = arith.constant 0 : i32
      %dma_wait3A_1264 = arith.constant 0 : i32
      %dma_wait3A_1265 = arith.constant 0 : i32
      %dma_wait3A_1266 = arith.constant 0 : i32
      %dma_wait3A_1267 = arith.constant 0 : i32
      %dma_wait3A_1268 = arith.constant 0 : i32
      %dma_wait3A_1269 = tpu.memref_slice %arg8[%dma_wait3A_1265, %dma_wait3A_1266, %dma_wait3A_1267, %dma_wait3A_1268] : memref<4x4x8x133xf32, #tpu.memory_space<vmem>> -> memref<1x4x8x128xf32, #tpu.memory_space<vmem>>
      %dma_wait3A_1270 = tpu.memref_squeeze %dma_wait3A_1269 : memref<1x4x8x128xf32, #tpu.memory_space<vmem>> -> memref<4x8x128xf32, #tpu.memory_space<vmem>>
      %dma_wait3A_1271 = arith.constant 0 : i32
      %dma_wait3A_1272 = arith.constant 0 : i32
      %dma_wait3A_1273 = arith.constant 0 : i32
      %dma_wait3A_1274 = tpu.memref_slice %arg4[%dma_wait3A_1263, %dma_wait3A_1271, %dma_wait3A_1264, %dma_wait3A_1272, %dma_wait3A_1273] : memref<20x4x128x8x128xf32, #tpu.memory_space<hbm>> -> memref<1x4x1x8x128xf32, #tpu.memory_space<hbm>>
      %dma_wait3A_1275 = tpu.memref_squeeze %dma_wait3A_1274 : memref<1x4x1x8x128xf32, #tpu.memory_space<hbm>> -> memref<4x8x128xf32, #tpu.memory_space<hbm>>
      %dma_wait3A_1276 = arith.constant 0 : i32
      %dma_wait3A_1277 = arith.constant 0 : i32
      %dma_wait3A_1278 = arith.constant 0 : i32
      %dma_wait3A_1279 = tpu.memref_slice %arg8[%dma_wait3A_1265, %dma_wait3A_1276, %dma_wait3A_1277, %dma_wait3A_1278] : memref<4x4x8x133xf32, #tpu.memory_space<vmem>> -> memref<1x4x8x128xf32, #tpu.memory_space<vmem>>
      %dma_wait3A_1280 = tpu.memref_squeeze %dma_wait3A_1279 : memref<1x4x8x128xf32, #tpu.memory_space<vmem>> -> memref<4x8x128xf32, #tpu.memory_space<vmem>>
      %dma_wait3A_1281 = arith.constant 0 : i32
      %dma_wait3A_1282 = arith.constant 0 : i32
      %dma_wait3A_1283 = arith.constant 0 : i32
      %dma_wait3A_1284 = tpu.memref_slice %arg4[%dma_wait3A_1263, %dma_wait3A_1281, %dma_wait3A_1264, %dma_wait3A_1282, %dma_wait3A_1283] : memref<20x4x128x8x128xf32, #tpu.memory_space<hbm>> -> memref<1x4x1x8x128xf32, #tpu.memory_space<hbm>>
      %dma_wait3A_1285 = tpu.memref_squeeze %dma_wait3A_1284 : memref<1x4x1x8x128xf32, #tpu.memory_space<hbm>> -> memref<4x8x128xf32, #tpu.memory_space<hbm>>
      tpu.wait_dma2 semaphore(%arg12 : memref<!tpu.dma_semaphore, #tpu.memory_space<semaphore_mem>>) src(%dma_wait3A_1285 : memref<4x8x128xf32, #tpu.memory_space<hbm>>) dst(%dma_wait3A_1280 : memref<4x8x128xf32, #tpu.memory_space<vmem>>)
      %dma_wait3A_1286 = arith.constant 0 : i32
      %dma_wait3A_1287 = arith.constant 0 : i32
      %dma_wait3A_1288 = arith.constant 1 : i32
      %dma_wait3A_1289 = arith.constant 0 : i32
      %dma_wait3A_1290 = arith.constant 0 : i32
      %dma_wait3A_1291 = arith.constant 0 : i32
      %dma_wait3A_1292 = tpu.memref_slice %arg8[%dma_wait3A_1288, %dma_wait3A_1289, %dma_wait3A_1290, %dma_wait3A_1291] : memref<4x4x8x133xf32, #tpu.memory_space<vmem>> -> memref<1x4x8x128xf32, #tpu.memory_space<vmem>>
      %dma_wait3A_1293 = tpu.memref_squeeze %dma_wait3A_1292 : memref<1x4x8x128xf32, #tpu.memory_space<vmem>> -> memref<4x8x128xf32, #tpu.memory_space<vmem>>
      %dma_wait3A_1294 = arith.constant 0 : i32
      %dma_wait3A_1295 = arith.constant 0 : i32
      %dma_wait3A_1296 = arith.constant 0 : i32
      %dma_wait3A_1297 = tpu.memref_slice %arg4[%dma_wait3A_1286, %dma_wait3A_1294, %dma_wait3A_1287, %dma_wait3A_1295, %dma_wait3A_1296] : memref<20x4x128x8x128xf32, #tpu.memory_space<hbm>> -> memref<1x4x1x8x128xf32, #tpu.memory_space<hbm>>
      %dma_wait3A_1298 = tpu.memref_squeeze %dma_wait3A_1297 : memref<1x4x1x8x128xf32, #tpu.memory_space<hbm>> -> memref<4x8x128xf32, #tpu.memory_space<hbm>>
      %dma_wait3A_1299 = arith.constant 0 : i32
      %dma_wait3A_1300 = arith.constant 0 : i32
      %dma_wait3A_1301 = arith.constant 0 : i32
      %dma_wait3A_1302 = tpu.memref_slice %arg8[%dma_wait3A_1288, %dma_wait3A_1299, %dma_wait3A_1300, %dma_wait3A_1301] : memref<4x4x8x133xf32, #tpu.memory_space<vmem>> -> memref<1x4x8x128xf32, #tpu.memory_space<vmem>>
      %dma_wait3A_1303 = tpu.memref_squeeze %dma_wait3A_1302 : memref<1x4x8x128xf32, #tpu.memory_space<vmem>> -> memref<4x8x128xf32, #tpu.memory_space<vmem>>
      %dma_wait3A_1304 = arith.constant 0 : i32
      %dma_wait3A_1305 = arith.constant 0 : i32
      %dma_wait3A_1306 = arith.constant 0 : i32
      %dma_wait3A_1307 = tpu.memref_slice %arg4[%dma_wait3A_1286, %dma_wait3A_1304, %dma_wait3A_1287, %dma_wait3A_1305, %dma_wait3A_1306] : memref<20x4x128x8x128xf32, #tpu.memory_space<hbm>> -> memref<1x4x1x8x128xf32, #tpu.memory_space<hbm>>
      %dma_wait3A_1308 = tpu.memref_squeeze %dma_wait3A_1307 : memref<1x4x1x8x128xf32, #tpu.memory_space<hbm>> -> memref<4x8x128xf32, #tpu.memory_space<hbm>>
      tpu.wait_dma2 semaphore(%arg12 : memref<!tpu.dma_semaphore, #tpu.memory_space<semaphore_mem>>) src(%dma_wait3A_1308 : memref<4x8x128xf32, #tpu.memory_space<hbm>>) dst(%dma_wait3A_1303 : memref<4x8x128xf32, #tpu.memory_space<vmem>>)
      %dma_wait3A_1309 = arith.constant 0 : i32
      %dma_wait3A_1310 = arith.constant 0 : i32
      %dma_wait3A_1311 = arith.constant 2 : i32
      %dma_wait3A_1312 = arith.constant 0 : i32
      %dma_wait3A_1313 = arith.constant 0 : i32
      %dma_wait3A_1314 = arith.constant 0 : i32
      %dma_wait3A_1315 = tpu.memref_slice %arg8[%dma_wait3A_1311, %dma_wait3A_1312, %dma_wait3A_1313, %dma_wait3A_1314] : memref<4x4x8x133xf32, #tpu.memory_space<vmem>> -> memref<1x4x8x128xf32, #tpu.memory_space<vmem>>
      %dma_wait3A_1316 = tpu.memref_squeeze %dma_wait3A_1315 : memref<1x4x8x128xf32, #tpu.memory_space<vmem>> -> memref<4x8x128xf32, #tpu.memory_space<vmem>>
      %dma_wait3A_1317 = arith.constant 0 : i32
      %dma_wait3A_1318 = arith.constant 0 : i32
      %dma_wait3A_1319 = arith.constant 0 : i32
      %dma_wait3A_1320 = tpu.memref_slice %arg4[%dma_wait3A_1309, %dma_wait3A_1317, %dma_wait3A_1310, %dma_wait3A_1318, %dma_wait3A_1319] : memref<20x4x128x8x128xf32, #tpu.memory_space<hbm>> -> memref<1x4x1x8x128xf32, #tpu.memory_space<hbm>>
      %dma_wait3A_1321 = tpu.memref_squeeze %dma_wait3A_1320 : memref<1x4x1x8x128xf32, #tpu.memory_space<hbm>> -> memref<4x8x128xf32, #tpu.memory_space<hbm>>
      %dma_wait3A_1322 = arith.constant 0 : i32
      %dma_wait3A_1323 = arith.constant 0 : i32
      %dma_wait3A_1324 = arith.constant 0 : i32
      %dma_wait3A_1325 = tpu.memref_slice %arg8[%dma_wait3A_1311, %dma_wait3A_1322, %dma_wait3A_1323, %dma_wait3A_1324] : memref<4x4x8x133xf32, #tpu.memory_space<vmem>> -> memref<1x4x8x128xf32, #tpu.memory_space<vmem>>
      %dma_wait3A_1326 = tpu.memref_squeeze %dma_wait3A_1325 : memref<1x4x8x128xf32, #tpu.memory_space<vmem>> -> memref<4x8x128xf32, #tpu.memory_space<vmem>>
      %dma_wait3A_1327 = arith.constant 0 : i32
      %dma_wait3A_1328 = arith.constant 0 : i32
      %dma_wait3A_1329 = arith.constant 0 : i32
      %dma_wait3A_1330 = tpu.memref_slice %arg4[%dma_wait3A_1309, %dma_wait3A_1327, %dma_wait3A_1310, %dma_wait3A_1328, %dma_wait3A_1329] : memref<20x4x128x8x128xf32, #tpu.memory_space<hbm>> -> memref<1x4x1x8x128xf32, #tpu.memory_space<hbm>>
      %dma_wait3A_1331 = tpu.memref_squeeze %dma_wait3A_1330 : memref<1x4x1x8x128xf32, #tpu.memory_space<hbm>> -> memref<4x8x128xf32, #tpu.memory_space<hbm>>
      tpu.wait_dma2 semaphore(%arg12 : memref<!tpu.dma_semaphore, #tpu.memory_space<semaphore_mem>>) src(%dma_wait3A_1331 : memref<4x8x128xf32, #tpu.memory_space<hbm>>) dst(%dma_wait3A_1326 : memref<4x8x128xf32, #tpu.memory_space<vmem>>)
      %dma_wait3A_1332 = arith.constant 0 : i32
      %dma_wait3A_1333 = arith.constant 0 : i32
      %dma_wait3A_1334 = arith.constant 3 : i32
      %dma_wait3A_1335 = arith.constant 0 : i32
      %dma_wait3A_1336 = arith.constant 0 : i32
      %dma_wait3A_1337 = arith.constant 0 : i32
      %dma_wait3A_1338 = tpu.memref_slice %arg8[%dma_wait3A_1334, %dma_wait3A_1335, %dma_wait3A_1336, %dma_wait3A_1337] : memref<4x4x8x133xf32, #tpu.memory_space<vmem>> -> memref<1x4x8x128xf32, #tpu.memory_space<vmem>>
      %dma_wait3A_1339 = tpu.memref_squeeze %dma_wait3A_1338 : memref<1x4x8x128xf32, #tpu.memory_space<vmem>> -> memref<4x8x128xf32, #tpu.memory_space<vmem>>
      %dma_wait3A_1340 = arith.constant 0 : i32
      %dma_wait3A_1341 = arith.constant 0 : i32
      %dma_wait3A_1342 = arith.constant 0 : i32
      %dma_wait3A_1343 = tpu.memref_slice %arg4[%dma_wait3A_1332, %dma_wait3A_1340, %dma_wait3A_1333, %dma_wait3A_1341, %dma_wait3A_1342] : memref<20x4x128x8x128xf32, #tpu.memory_space<hbm>> -> memref<1x4x1x8x128xf32, #tpu.memory_space<hbm>>
      %dma_wait3A_1344 = tpu.memref_squeeze %dma_wait3A_1343 : memref<1x4x1x8x128xf32, #tpu.memory_space<hbm>> -> memref<4x8x128xf32, #tpu.memory_space<hbm>>
      %dma_wait3A_1345 = arith.constant 0 : i32
      %dma_wait3A_1346 = arith.constant 0 : i32
      %dma_wait3A_1347 = arith.constant 0 : i32
      %dma_wait3A_1348 = tpu.memref_slice %arg8[%dma_wait3A_1334, %dma_wait3A_1345, %dma_wait3A_1346, %dma_wait3A_1347] : memref<4x4x8x133xf32, #tpu.memory_space<vmem>> -> memref<1x4x8x128xf32, #tpu.memory_space<vmem>>
      %dma_wait3A_1349 = tpu.memref_squeeze %dma_wait3A_1348 : memref<1x4x8x128xf32, #tpu.memory_space<vmem>> -> memref<4x8x128xf32, #tpu.memory_space<vmem>>
      %dma_wait3A_1350 = arith.constant 0 : i32
      %dma_wait3A_1351 = arith.constant 0 : i32
      %dma_wait3A_1352 = arith.constant 0 : i32
      %dma_wait3A_1353 = tpu.memref_slice %arg4[%dma_wait3A_1332, %dma_wait3A_1350, %dma_wait3A_1333, %dma_wait3A_1351, %dma_wait3A_1352] : memref<20x4x128x8x128xf32, #tpu.memory_space<hbm>> -> memref<1x4x1x8x128xf32, #tpu.memory_space<hbm>>
      %dma_wait3A_1354 = tpu.memref_squeeze %dma_wait3A_1353 : memref<1x4x1x8x128xf32, #tpu.memory_space<hbm>> -> memref<4x8x128xf32, #tpu.memory_space<hbm>>
      tpu.wait_dma2 semaphore(%arg12 : memref<!tpu.dma_semaphore, #tpu.memory_space<semaphore_mem>>) src(%dma_wait3A_1354 : memref<4x8x128xf32, #tpu.memory_space<hbm>>) dst(%dma_wait3A_1349 : memref<4x8x128xf32, #tpu.memory_space<vmem>>)
      %scan3A_1355 = arith.constant 0 : i32
      %scan3A_1356 = arith.constant 0 : i32
      %scan3A_1357 = arith.constant 128 : i32
      %scan3A_1358 = arith.addi %scan3A_1356, %scan3A_1357 : i32
      %scan3A_1359 = arith.constant 1 : i32
      scf.for %scan3A_1819 = %scan3A_1356 to %scan3A_1358 step %scan3A_1359  : i32 {
        %broadcast_in_dim3A_1820 = arith.constant 0 : i32
        %broadcast_in_dim3A_1821 = vector.broadcast %broadcast_in_dim3A_1820 : i32 to vector<16xi32>
        %add3A_1822 = vector.broadcast %scan3A_1819 : i32 to vector<16xi32>
        %add3A_1823 = arith.addi %broadcast_in_dim3A_1821, %add3A_1822 : vector<16xi32>
        %broadcast_in_dim3A_1824 = arith.constant 0 : i32
        %broadcast_in_dim3A_1825 = vector.broadcast %broadcast_in_dim3A_1824 : i32 to vector<16xi32>
        %add3A_1826 = arith.constant 0 : i32
        %add3A_1827 = arith.addi %add3A_1826, %scan3A_1819 : i32
        %get3A = arith.index_cast %add3A_1827 : i32 to index
        %get3A_1828 = arith.constant 0 : index
        %get3A_1829 = tpu.vector_load %arg6[%get3A, %get3A_1828] {strides = array<i32>} : memref<512x32xf32, #tpu.memory_space<vmem>>, vector<16xf32>,
        %add3A_1830 = arith.constant 0 : i32
        %add3A_1831 = arith.addi %add3A_1830, %scan3A_1819 : i32
        %get3A_1832 = arith.index_cast %add3A_1831 : i32 to index
        %get3A_1833 = arith.constant 16 : index
        %get3A_1834 = tpu.vector_load %arg6[%get3A_1832, %get3A_1833] {strides = array<i32>} : memref<512x32xf32, #tpu.memory_space<vmem>>, vector<16xf32>,
        tpu.vector_store_idx %arg8[%broadcast_in_dim3A_1825, %select_n3A, %select_n3A_45, %add3A_1823], %get3A_1829 : memref<4x4x8x133xf32, #tpu.memory_space<vmem>>[vector<16xi32>, vector<16xi32>, vector<16xi32>, vector<16xi32>], vector<16xf32>,
        %add3A_1835 = arith.addi %select_n3A, %broadcast_in_dim3A_46 : vector<16xi32>
        tpu.vector_store_idx %arg8[%broadcast_in_dim3A_1825, %add3A_1835, %select_n3A_45, %add3A_1823], %get3A_1834 : memref<4x4x8x133xf32, #tpu.memory_space<vmem>>[vector<16xi32>, vector<16xi32>, vector<16xi32>, vector<16xi32>], vector<16xf32>,
        %broadcast_in_dim3A_1836 = arith.constant 1 : i32
        %broadcast_in_dim3A_1837 = vector.broadcast %broadcast_in_dim3A_1836 : i32 to vector<16xi32>
        %add3A_1838 = arith.constant 128 : i32
        %add3A_1839 = arith.addi %add3A_1838, %scan3A_1819 : i32
        %get3A_1840 = arith.index_cast %add3A_1839 : i32 to index
        %get3A_1841 = arith.constant 0 : index
        %get3A_1842 = tpu.vector_load %arg6[%get3A_1840, %get3A_1841] {strides = array<i32>} : memref<512x32xf32, #tpu.memory_space<vmem>>, vector<16xf32>,
        %add3A_1843 = arith.constant 128 : i32
        %add3A_1844 = arith.addi %add3A_1843, %scan3A_1819 : i32
        %get3A_1845 = arith.index_cast %add3A_1844 : i32 to index
        %get3A_1846 = arith.constant 16 : index
        %get3A_1847 = tpu.vector_load %arg6[%get3A_1845, %get3A_1846] {strides = array<i32>} : memref<512x32xf32, #tpu.memory_space<vmem>>, vector<16xf32>,
        tpu.vector_store_idx %arg8[%broadcast_in_dim3A_1837, %select_n3A, %select_n3A_45, %add3A_1823], %get3A_1842 : memref<4x4x8x133xf32, #tpu.memory_space<vmem>>[vector<16xi32>, vector<16xi32>, vector<16xi32>, vector<16xi32>], vector<16xf32>,
        %add3A_1848 = arith.addi %select_n3A, %broadcast_in_dim3A_46 : vector<16xi32>
        tpu.vector_store_idx %arg8[%broadcast_in_dim3A_1837, %add3A_1848, %select_n3A_45, %add3A_1823], %get3A_1847 : memref<4x4x8x133xf32, #tpu.memory_space<vmem>>[vector<16xi32>, vector<16xi32>, vector<16xi32>, vector<16xi32>], vector<16xf32>,
        %broadcast_in_dim3A_1849 = arith.constant 2 : i32
        %broadcast_in_dim3A_1850 = vector.broadcast %broadcast_in_dim3A_1849 : i32 to vector<16xi32>
        %add3A_1851 = arith.constant 256 : i32
        %add3A_1852 = arith.addi %add3A_1851, %scan3A_1819 : i32
        %get3A_1853 = arith.index_cast %add3A_1852 : i32 to index
        %get3A_1854 = arith.constant 0 : index
        %get3A_1855 = tpu.vector_load %arg6[%get3A_1853, %get3A_1854] {strides = array<i32>} : memref<512x32xf32, #tpu.memory_space<vmem>>, vector<16xf32>,
        %add3A_1856 = arith.constant 256 : i32
        %add3A_1857 = arith.addi %add3A_1856, %scan3A_1819 : i32
        %get3A_1858 = arith.index_cast %add3A_1857 : i32 to index
        %get3A_1859 = arith.constant 16 : index
        %get3A_1860 = tpu.vector_load %arg6[%get3A_1858, %get3A_1859] {strides = array<i32>} : memref<512x32xf32, #tpu.memory_space<vmem>>, vector<16xf32>,
        tpu.vector_store_idx %arg8[%broadcast_in_dim3A_1850, %select_n3A, %select_n3A_45, %add3A_1823], %get3A_1855 : memref<4x4x8x133xf32, #tpu.memory_space<vmem>>[vector<16xi32>, vector<16xi32>, vector<16xi32>, vector<16xi32>], vector<16xf32>,
        %add3A_1861 = arith.addi %select_n3A, %broadcast_in_dim3A_46 : vector<16xi32>
        tpu.vector_store_idx %arg8[%broadcast_in_dim3A_1850, %add3A_1861, %select_n3A_45, %add3A_1823], %get3A_1860 : memref<4x4x8x133xf32, #tpu.memory_space<vmem>>[vector<16xi32>, vector<16xi32>, vector<16xi32>, vector<16xi32>], vector<16xf32>,
        %broadcast_in_dim3A_1862 = arith.constant 3 : i32
        %broadcast_in_dim3A_1863 = vector.broadcast %broadcast_in_dim3A_1862 : i32 to vector<16xi32>
        %add3A_1864 = arith.constant 384 : i32
        %add3A_1865 = arith.addi %add3A_1864, %scan3A_1819 : i32
        %get3A_1866 = arith.index_cast %add3A_1865 : i32 to index
        %get3A_1867 = arith.constant 0 : index
        %get3A_1868 = tpu.vector_load %arg6[%get3A_1866, %get3A_1867] {strides = array<i32>} : memref<512x32xf32, #tpu.memory_space<vmem>>, vector<16xf32>,
        %add3A_1869 = arith.constant 384 : i32
        %add3A_1870 = arith.addi %add3A_1869, %scan3A_1819 : i32
        %get3A_1871 = arith.index_cast %add3A_1870 : i32 to index
        %get3A_1872 = arith.constant 16 : index
        %get3A_1873 = tpu.vector_load %arg6[%get3A_1871, %get3A_1872] {strides = array<i32>} : memref<512x32xf32, #tpu.memory_space<vmem>>, vector<16xf32>,
        tpu.vector_store_idx %arg8[%broadcast_in_dim3A_1863, %select_n3A, %select_n3A_45, %add3A_1823], %get3A_1868 : memref<4x4x8x133xf32, #tpu.memory_space<vmem>>[vector<16xi32>, vector<16xi32>, vector<16xi32>, vector<16xi32>], vector<16xf32>,
        %add3A_1874 = arith.addi %select_n3A, %broadcast_in_dim3A_46 : vector<16xi32>
        tpu.vector_store_idx %arg8[%broadcast_in_dim3A_1863, %add3A_1874, %select_n3A_45, %add3A_1823], %get3A_1873 : memref<4x4x8x133xf32, #tpu.memory_space<vmem>>[vector<16xi32>, vector<16xi32>, vector<16xi32>, vector<16xi32>], vector<16xf32>,
      }
      %scan3A_1360 = arith.constant 128 : i32
      %mul3A_1361 = arith.constant 4 : i32
      %mul3A_1362 = arith.muli %add3A, %mul3A_1361 : i32
      %add3A_1363 = arith.constant 0 : i32
      %add3A_1364 = arith.addi %mul3A_1362, %add3A_1363 : i32
      %dma_start3A_1365 = arith.constant 0 : i32
      %dma_start3A_1366 = arith.constant 0 : i32
      %dma_start3A_1367 = arith.constant 0 : i32
      %dma_start3A_1368 = arith.constant 0 : i32
      %dma_start3A_1369 = tpu.memref_slice %arg8[%dma_start3A_1365, %dma_start3A_1366, %dma_start3A_1367, %dma_start3A_1368] : memref<4x4x8x133xf32, #tpu.memory_space<vmem>> -> memref<1x4x8x128xf32, #tpu.memory_space<vmem>>
      %dma_start3A_1370 = tpu.memref_squeeze %dma_start3A_1369 : memref<1x4x8x128xf32, #tpu.memory_space<vmem>> -> memref<4x8x128xf32, #tpu.memory_space<vmem>>
      %dma_start3A_1371 = arith.constant 0 : i32
      %dma_start3A_1372 = arith.constant 0 : i32
      %dma_start3A_1373 = arith.constant 0 : i32
      %dma_start3A_1374 = tpu.memref_slice %arg4[%add3A_1214, %dma_start3A_1371, %add3A_1364, %dma_start3A_1372, %dma_start3A_1373] : memref<20x4x128x8x128xf32, #tpu.memory_space<hbm>> -> memref<1x4x1x8x128xf32, #tpu.memory_space<hbm>>
      %dma_start3A_1375 = tpu.memref_squeeze %dma_start3A_1374 : memref<1x4x1x8x128xf32, #tpu.memory_space<hbm>> -> memref<4x8x128xf32, #tpu.memory_space<hbm>>
      %dma_start3A_1376 = arith.constant 0 : i32
      %dma_start3A_1377 = arith.constant 0 : i32
      %dma_start3A_1378 = arith.constant 0 : i32
      %dma_start3A_1379 = tpu.memref_slice %arg4[%add3A_1214, %dma_start3A_1376, %add3A_1364, %dma_start3A_1377, %dma_start3A_1378] : memref<20x4x128x8x128xf32, #tpu.memory_space<hbm>> -> memref<1x4x1x8x128xf32, #tpu.memory_space<hbm>>
      %dma_start3A_1380 = tpu.memref_squeeze %dma_start3A_1379 : memref<1x4x1x8x128xf32, #tpu.memory_space<hbm>> -> memref<4x8x128xf32, #tpu.memory_space<hbm>>
      %dma_start3A_1381 = arith.constant 0 : i32
      %dma_start3A_1382 = arith.constant 0 : i32
      %dma_start3A_1383 = arith.constant 0 : i32
      %dma_start3A_1384 = tpu.memref_slice %arg8[%dma_start3A_1365, %dma_start3A_1381, %dma_start3A_1382, %dma_start3A_1383] : memref<4x4x8x133xf32, #tpu.memory_space<vmem>> -> memref<1x4x8x128xf32, #tpu.memory_space<vmem>>
      %dma_start3A_1385 = tpu.memref_squeeze %dma_start3A_1384 : memref<1x4x8x128xf32, #tpu.memory_space<vmem>> -> memref<4x8x128xf32, #tpu.memory_space<vmem>>
      tpu.enqueue_dma source(%dma_start3A_1385 : memref<4x8x128xf32, #tpu.memory_space<vmem>>) target(%dma_start3A_1380 : memref<4x8x128xf32, #tpu.memory_space<hbm>>) target_semaphore(%arg12 : memref<!tpu.dma_semaphore, #tpu.memory_space<semaphore_mem>>)
      %mul3A_1386 = arith.constant 4 : i32
      %mul3A_1387 = arith.muli %add3A, %mul3A_1386 : i32
      %add3A_1388 = arith.constant 1 : i32
      %add3A_1389 = arith.addi %mul3A_1387, %add3A_1388 : i32
      %dma_start3A_1390 = arith.constant 1 : i32
      %dma_start3A_1391 = arith.constant 0 : i32
      %dma_start3A_1392 = arith.constant 0 : i32
      %dma_start3A_1393 = arith.constant 0 : i32
      %dma_start3A_1394 = tpu.memref_slice %arg8[%dma_start3A_1390, %dma_start3A_1391, %dma_start3A_1392, %dma_start3A_1393] : memref<4x4x8x133xf32, #tpu.memory_space<vmem>> -> memref<1x4x8x128xf32, #tpu.memory_space<vmem>>
      %dma_start3A_1395 = tpu.memref_squeeze %dma_start3A_1394 : memref<1x4x8x128xf32, #tpu.memory_space<vmem>> -> memref<4x8x128xf32, #tpu.memory_space<vmem>>
      %dma_start3A_1396 = arith.constant 0 : i32
      %dma_start3A_1397 = arith.constant 0 : i32
      %dma_start3A_1398 = arith.constant 0 : i32
      %dma_start3A_1399 = tpu.memref_slice %arg4[%add3A_1214, %dma_start3A_1396, %add3A_1389, %dma_start3A_1397, %dma_start3A_1398] : memref<20x4x128x8x128xf32, #tpu.memory_space<hbm>> -> memref<1x4x1x8x128xf32, #tpu.memory_space<hbm>>
      %dma_start3A_1400 = tpu.memref_squeeze %dma_start3A_1399 : memref<1x4x1x8x128xf32, #tpu.memory_space<hbm>> -> memref<4x8x128xf32, #tpu.memory_space<hbm>>
      %dma_start3A_1401 = arith.constant 0 : i32
      %dma_start3A_1402 = arith.constant 0 : i32
      %dma_start3A_1403 = arith.constant 0 : i32
      %dma_start3A_1404 = tpu.memref_slice %arg4[%add3A_1214, %dma_start3A_1401, %add3A_1389, %dma_start3A_1402, %dma_start3A_1403] : memref<20x4x128x8x128xf32, #tpu.memory_space<hbm>> -> memref<1x4x1x8x128xf32, #tpu.memory_space<hbm>>
      %dma_start3A_1405 = tpu.memref_squeeze %dma_start3A_1404 : memref<1x4x1x8x128xf32, #tpu.memory_space<hbm>> -> memref<4x8x128xf32, #tpu.memory_space<hbm>>
      %dma_start3A_1406 = arith.constant 0 : i32
      %dma_start3A_1407 = arith.constant 0 : i32
      %dma_start3A_1408 = arith.constant 0 : i32
      %dma_start3A_1409 = tpu.memref_slice %arg8[%dma_start3A_1390, %dma_start3A_1406, %dma_start3A_1407, %dma_start3A_1408] : memref<4x4x8x133xf32, #tpu.memory_space<vmem>> -> memref<1x4x8x128xf32, #tpu.memory_space<vmem>>
      %dma_start3A_1410 = tpu.memref_squeeze %dma_start3A_1409 : memref<1x4x8x128xf32, #tpu.memory_space<vmem>> -> memref<4x8x128xf32, #tpu.memory_space<vmem>>
      tpu.enqueue_dma source(%dma_start3A_1410 : memref<4x8x128xf32, #tpu.memory_space<vmem>>) target(%dma_start3A_1405 : memref<4x8x128xf32, #tpu.memory_space<hbm>>) target_semaphore(%arg12 : memref<!tpu.dma_semaphore, #tpu.memory_space<semaphore_mem>>)
      %mul3A_1411 = arith.constant 4 : i32
      %mul3A_1412 = arith.muli %add3A, %mul3A_1411 : i32
      %add3A_1413 = arith.constant 2 : i32
      %add3A_1414 = arith.addi %mul3A_1412, %add3A_1413 : i32
      %dma_start3A_1415 = arith.constant 2 : i32
      %dma_start3A_1416 = arith.constant 0 : i32
      %dma_start3A_1417 = arith.constant 0 : i32
      %dma_start3A_1418 = arith.constant 0 : i32
      %dma_start3A_1419 = tpu.memref_slice %arg8[%dma_start3A_1415, %dma_start3A_1416, %dma_start3A_1417, %dma_start3A_1418] : memref<4x4x8x133xf32, #tpu.memory_space<vmem>> -> memref<1x4x8x128xf32, #tpu.memory_space<vmem>>
      %dma_start3A_1420 = tpu.memref_squeeze %dma_start3A_1419 : memref<1x4x8x128xf32, #tpu.memory_space<vmem>> -> memref<4x8x128xf32, #tpu.memory_space<vmem>>
      %dma_start3A_1421 = arith.constant 0 : i32
      %dma_start3A_1422 = arith.constant 0 : i32
      %dma_start3A_1423 = arith.constant 0 : i32
      %dma_start3A_1424 = tpu.memref_slice %arg4[%add3A_1214, %dma_start3A_1421, %add3A_1414, %dma_start3A_1422, %dma_start3A_1423] : memref<20x4x128x8x128xf32, #tpu.memory_space<hbm>> -> memref<1x4x1x8x128xf32, #tpu.memory_space<hbm>>
      %dma_start3A_1425 = tpu.memref_squeeze %dma_start3A_1424 : memref<1x4x1x8x128xf32, #tpu.memory_space<hbm>> -> memref<4x8x128xf32, #tpu.memory_space<hbm>>
      %dma_start3A_1426 = arith.constant 0 : i32
      %dma_start3A_1427 = arith.constant 0 : i32
      %dma_start3A_1428 = arith.constant 0 : i32
      %dma_start3A_1429 = tpu.memref_slice %arg4[%add3A_1214, %dma_start3A_1426, %add3A_1414, %dma_start3A_1427, %dma_start3A_1428] : memref<20x4x128x8x128xf32, #tpu.memory_space<hbm>> -> memref<1x4x1x8x128xf32, #tpu.memory_space<hbm>>
      %dma_start3A_1430 = tpu.memref_squeeze %dma_start3A_1429 : memref<1x4x1x8x128xf32, #tpu.memory_space<hbm>> -> memref<4x8x128xf32, #tpu.memory_space<hbm>>
      %dma_start3A_1431 = arith.constant 0 : i32
      %dma_start3A_1432 = arith.constant 0 : i32
      %dma_start3A_1433 = arith.constant 0 : i32
      %dma_start3A_1434 = tpu.memref_slice %arg8[%dma_start3A_1415, %dma_start3A_1431, %dma_start3A_1432, %dma_start3A_1433] : memref<4x4x8x133xf32, #tpu.memory_space<vmem>> -> memref<1x4x8x128xf32, #tpu.memory_space<vmem>>
      %dma_start3A_1435 = tpu.memref_squeeze %dma_start3A_1434 : memref<1x4x8x128xf32, #tpu.memory_space<vmem>> -> memref<4x8x128xf32, #tpu.memory_space<vmem>>
      tpu.enqueue_dma source(%dma_start3A_1435 : memref<4x8x128xf32, #tpu.memory_space<vmem>>) target(%dma_start3A_1430 : memref<4x8x128xf32, #tpu.memory_space<hbm>>) target_semaphore(%arg12 : memref<!tpu.dma_semaphore, #tpu.memory_space<semaphore_mem>>)
      %mul3A_1436 = arith.constant 4 : i32
      %mul3A_1437 = arith.muli %add3A, %mul3A_1436 : i32
      %add3A_1438 = arith.constant 3 : i32
      %add3A_1439 = arith.addi %mul3A_1437, %add3A_1438 : i32
      %dma_start3A_1440 = arith.constant 3 : i32
      %dma_start3A_1441 = arith.constant 0 : i32
      %dma_start3A_1442 = arith.constant 0 : i32
      %dma_start3A_1443 = arith.constant 0 : i32
      %dma_start3A_1444 = tpu.memref_slice %arg8[%dma_start3A_1440, %dma_start3A_1441, %dma_start3A_1442, %dma_start3A_1443] : memref<4x4x8x133xf32, #tpu.memory_space<vmem>> -> memref<1x4x8x128xf32, #tpu.memory_space<vmem>>
      %dma_start3A_1445 = tpu.memref_squeeze %dma_start3A_1444 : memref<1x4x8x128xf32, #tpu.memory_space<vmem>> -> memref<4x8x128xf32, #tpu.memory_space<vmem>>
      %dma_start3A_1446 = arith.constant 0 : i32
      %dma_start3A_1447 = arith.constant 0 : i32
      %dma_start3A_1448 = arith.constant 0 : i32
      %dma_start3A_1449 = tpu.memref_slice %arg4[%add3A_1214, %dma_start3A_1446, %add3A_1439, %dma_start3A_1447, %dma_start3A_1448] : memref<20x4x128x8x128xf32, #tpu.memory_space<hbm>> -> memref<1x4x1x8x128xf32, #tpu.memory_space<hbm>>
      %dma_start3A_1450 = tpu.memref_squeeze %dma_start3A_1449 : memref<1x4x1x8x128xf32, #tpu.memory_space<hbm>> -> memref<4x8x128xf32, #tpu.memory_space<hbm>>
      %dma_start3A_1451 = arith.constant 0 : i32
      %dma_start3A_1452 = arith.constant 0 : i32
      %dma_start3A_1453 = arith.constant 0 : i32
      %dma_start3A_1454 = tpu.memref_slice %arg4[%add3A_1214, %dma_start3A_1451, %add3A_1439, %dma_start3A_1452, %dma_start3A_1453] : memref<20x4x128x8x128xf32, #tpu.memory_space<hbm>> -> memref<1x4x1x8x128xf32, #tpu.memory_space<hbm>>
      %dma_start3A_1455 = tpu.memref_squeeze %dma_start3A_1454 : memref<1x4x1x8x128xf32, #tpu.memory_space<hbm>> -> memref<4x8x128xf32, #tpu.memory_space<hbm>>
      %dma_start3A_1456 = arith.constant 0 : i32
      %dma_start3A_1457 = arith.constant 0 : i32
      %dma_start3A_1458 = arith.constant 0 : i32
      %dma_start3A_1459 = tpu.memref_slice %arg8[%dma_start3A_1440, %dma_start3A_1456, %dma_start3A_1457, %dma_start3A_1458] : memref<4x4x8x133xf32, #tpu.memory_space<vmem>> -> memref<1x4x8x128xf32, #tpu.memory_space<vmem>>
      %dma_start3A_1460 = tpu.memref_squeeze %dma_start3A_1459 : memref<1x4x8x128xf32, #tpu.memory_space<vmem>> -> memref<4x8x128xf32, #tpu.memory_space<vmem>>
      tpu.enqueue_dma source(%dma_start3A_1460 : memref<4x8x128xf32, #tpu.memory_space<vmem>>) target(%dma_start3A_1455 : memref<4x8x128xf32, #tpu.memory_space<hbm>>) target_semaphore(%arg12 : memref<!tpu.dma_semaphore, #tpu.memory_space<semaphore_mem>>)
      %add3A_1461 = arith.constant 2 : i32
      %add3A_1462 = arith.addi %add3A_1214, %add3A_1461 : i32
      %mul3A_1463 = arith.constant 4 : i32
      %mul3A_1464 = arith.muli %add3A_1462, %mul3A_1463 : i32
      %add3A_1465 = arith.constant 0 : i32
      %add3A_1466 = arith.addi %mul3A_1464, %add3A_1465 : i32
      %dma_start3A_1467 = arith.constant 0 : i32
      %dma_start3A_1468 = arith.constant 0 : i32
      %dma_start3A_1469 = tpu.memref_slice %arg6[%dma_start3A_1467, %dma_start3A_1468] : memref<512x32xf32, #tpu.memory_space<vmem>> -> memref<128x32xf32, #tpu.memory_space<vmem>>
      %dma_start3A_1470 = arith.constant 0 : i32
      %dma_start3A_1471 = tpu.memref_slice %arg5[%add3A_1466, %dma_start3A_1470] : memref<80x128xi32, #tpu.memory_space<vmem>> -> memref<1x128xi32, #tpu.memory_space<vmem>>
      %dma_start3A_1472 = tpu.memref_squeeze %dma_start3A_1471 : memref<1x128xi32, #tpu.memory_space<vmem>> -> memref<128xi32, #tpu.memory_space<vmem>>
      %dma_start3A_1473 = arith.constant 0 : i32
      %dma_start3A_1474 = arith.constant 0 : i32
      %dma_start3A_1475 = tpu.memref_slice %arg2[%dma_start3A_1473, %dma_start3A_1474] : memref<1000000x32xf32, #tpu.memory_space<hbm>> -> memref<1000000x32xf32, #tpu.memory_space<hbm>>
      tpu.enqueue_indirect_dma source(%dma_start3A_1475 : memref<1000000x32xf32, #tpu.memory_space<hbm>>) target(%dma_start3A_1469 : memref<128x32xf32, #tpu.memory_space<vmem>>) offsets(%dma_start3A_1472 : memref<128xi32, #tpu.memory_space<vmem>>) semaphore(%arg10 : memref<!tpu.dma_semaphore, #tpu.memory_space<semaphore_mem>>)
      %mul3A_1476 = arith.constant 4 : i32
      %mul3A_1477 = arith.muli %add3A_1462, %mul3A_1476 : i32
      %add3A_1478 = arith.constant 1 : i32
      %add3A_1479 = arith.addi %mul3A_1477, %add3A_1478 : i32
      %dma_start3A_1480 = arith.constant 128 : i32
      %dma_start3A_1481 = arith.constant 0 : i32
      %dma_start3A_1482 = tpu.memref_slice %arg6[%dma_start3A_1480, %dma_start3A_1481] : memref<512x32xf32, #tpu.memory_space<vmem>> -> memref<128x32xf32, #tpu.memory_space<vmem>>
      %dma_start3A_1483 = arith.constant 0 : i32
      %dma_start3A_1484 = tpu.memref_slice %arg5[%add3A_1479, %dma_start3A_1483] : memref<80x128xi32, #tpu.memory_space<vmem>> -> memref<1x128xi32, #tpu.memory_space<vmem>>
      %dma_start3A_1485 = tpu.memref_squeeze %dma_start3A_1484 : memref<1x128xi32, #tpu.memory_space<vmem>> -> memref<128xi32, #tpu.memory_space<vmem>>
      %dma_start3A_1486 = arith.constant 0 : i32
      %dma_start3A_1487 = arith.constant 0 : i32
      %dma_start3A_1488 = tpu.memref_slice %arg2[%dma_start3A_1486, %dma_start3A_1487] : memref<1000000x32xf32, #tpu.memory_space<hbm>> -> memref<1000000x32xf32, #tpu.memory_space<hbm>>
      tpu.enqueue_indirect_dma source(%dma_start3A_1488 : memref<1000000x32xf32, #tpu.memory_space<hbm>>) target(%dma_start3A_1482 : memref<128x32xf32, #tpu.memory_space<vmem>>) offsets(%dma_start3A_1485 : memref<128xi32, #tpu.memory_space<vmem>>) semaphore(%arg10 : memref<!tpu.dma_semaphore, #tpu.memory_space<semaphore_mem>>)
      %mul3A_1489 = arith.constant 4 : i32
      %mul3A_1490 = arith.muli %add3A_1462, %mul3A_1489 : i32
      %add3A_1491 = arith.constant 2 : i32
      %add3A_1492 = arith.addi %mul3A_1490, %add3A_1491 : i32
      %dma_start3A_1493 = arith.constant 256 : i32
      %dma_start3A_1494 = arith.constant 0 : i32
      %dma_start3A_1495 = tpu.memref_slice %arg6[%dma_start3A_1493, %dma_start3A_1494] : memref<512x32xf32, #tpu.memory_space<vmem>> -> memref<128x32xf32, #tpu.memory_space<vmem>>
      %dma_start3A_1496 = arith.constant 0 : i32
      %dma_start3A_1497 = tpu.memref_slice %arg5[%add3A_1492, %dma_start3A_1496] : memref<80x128xi32, #tpu.memory_space<vmem>> -> memref<1x128xi32, #tpu.memory_space<vmem>>
      %dma_start3A_1498 = tpu.memref_squeeze %dma_start3A_1497 : memref<1x128xi32, #tpu.memory_space<vmem>> -> memref<128xi32, #tpu.memory_space<vmem>>
      %dma_start3A_1499 = arith.constant 0 : i32
      %dma_start3A_1500 = arith.constant 0 : i32
      %dma_start3A_1501 = tpu.memref_slice %arg2[%dma_start3A_1499, %dma_start3A_1500] : memref<1000000x32xf32, #tpu.memory_space<hbm>> -> memref<1000000x32xf32, #tpu.memory_space<hbm>>
      tpu.enqueue_indirect_dma source(%dma_start3A_1501 : memref<1000000x32xf32, #tpu.memory_space<hbm>>) target(%dma_start3A_1495 : memref<128x32xf32, #tpu.memory_space<vmem>>) offsets(%dma_start3A_1498 : memref<128xi32, #tpu.memory_space<vmem>>) semaphore(%arg10 : memref<!tpu.dma_semaphore, #tpu.memory_space<semaphore_mem>>)
      %mul3A_1502 = arith.constant 4 : i32
      %mul3A_1503 = arith.muli %add3A_1462, %mul3A_1502 : i32
      %add3A_1504 = arith.constant 3 : i32
      %add3A_1505 = arith.addi %mul3A_1503, %add3A_1504 : i32
      %dma_start3A_1506 = arith.constant 384 : i32
      %dma_start3A_1507 = arith.constant 0 : i32
      %dma_start3A_1508 = tpu.memref_slice %arg6[%dma_start3A_1506, %dma_start3A_1507] : memref<512x32xf32, #tpu.memory_space<vmem>> -> memref<128x32xf32, #tpu.memory_space<vmem>>
      %dma_start3A_1509 = arith.constant 0 : i32
      %dma_start3A_1510 = tpu.memref_slice %arg5[%add3A_1505, %dma_start3A_1509] : memref<80x128xi32, #tpu.memory_space<vmem>> -> memref<1x128xi32, #tpu.memory_space<vmem>>
      %dma_start3A_1511 = tpu.memref_squeeze %dma_start3A_1510 : memref<1x128xi32, #tpu.memory_space<vmem>> -> memref<128xi32, #tpu.memory_space<vmem>>
      %dma_start3A_1512 = arith.constant 0 : i32
      %dma_start3A_1513 = arith.constant 0 : i32
      %dma_start3A_1514 = tpu.memref_slice %arg2[%dma_start3A_1512, %dma_start3A_1513] : memref<1000000x32xf32, #tpu.memory_space<hbm>> -> memref<1000000x32xf32, #tpu.memory_space<hbm>>
      tpu.enqueue_indirect_dma source(%dma_start3A_1514 : memref<1000000x32xf32, #tpu.memory_space<hbm>>) target(%dma_start3A_1508 : memref<128x32xf32, #tpu.memory_space<vmem>>) offsets(%dma_start3A_1511 : memref<128xi32, #tpu.memory_space<vmem>>) semaphore(%arg10 : memref<!tpu.dma_semaphore, #tpu.memory_space<semaphore_mem>>)
      %mul3A_1515 = arith.constant 2 : i32
      %mul3A_1516 = arith.muli %mul3A_1515, %scan3A_1210 : i32
      %add3A_1517 = arith.constant 1 : i32
      %add3A_1518 = arith.addi %mul3A_1516, %add3A_1517 : i32
      %dma_wait3A_1519 = arith.constant 0 : i32
      %dma_wait3A_1520 = arith.constant 0 : i32
      %dma_wait3A_1521 = tpu.memref_slice %arg7[%dma_wait3A_1519, %dma_wait3A_1520] : memref<512x32xf32, #tpu.memory_space<vmem>> -> memref<128x32xf32, #tpu.memory_space<vmem>>
      %dma_wait3A_1522 = arith.constant 0 : i32
      %dma_wait3A_1523 = arith.constant 0 : i32
      %dma_wait3A_1524 = tpu.memref_slice %arg2[%dma_wait3A_1522, %dma_wait3A_1523] : memref<1000000x32xf32, #tpu.memory_space<hbm>> -> memref<128x32xf32, #tpu.memory_space<hbm>>
      %dma_wait3A_1525 = arith.constant 0 : i32
      %dma_wait3A_1526 = arith.constant 0 : i32
      %dma_wait3A_1527 = tpu.memref_slice %arg7[%dma_wait3A_1525, %dma_wait3A_1526] : memref<512x32xf32, #tpu.memory_space<vmem>> -> memref<128x32xf32, #tpu.memory_space<vmem>>
      %dma_wait3A_1528 = arith.constant 0 : i32
      %dma_wait3A_1529 = arith.constant 0 : i32
      %dma_wait3A_1530 = tpu.memref_slice %arg2[%dma_wait3A_1528, %dma_wait3A_1529] : memref<1000000x32xf32, #tpu.memory_space<hbm>> -> memref<128x32xf32, #tpu.memory_space<hbm>>
      tpu.wait_dma2 semaphore(%arg11 : memref<!tpu.dma_semaphore, #tpu.memory_space<semaphore_mem>>) src(%dma_wait3A_1530 : memref<128x32xf32, #tpu.memory_space<hbm>>) dst(%dma_wait3A_1527 : memref<128x32xf32, #tpu.memory_space<vmem>>)
      %dma_wait3A_1531 = arith.constant 128 : i32
      %dma_wait3A_1532 = arith.constant 0 : i32
      %dma_wait3A_1533 = tpu.memref_slice %arg7[%dma_wait3A_1531, %dma_wait3A_1532] : memref<512x32xf32, #tpu.memory_space<vmem>> -> memref<128x32xf32, #tpu.memory_space<vmem>>
      %dma_wait3A_1534 = arith.constant 0 : i32
      %dma_wait3A_1535 = arith.constant 0 : i32
      %dma_wait3A_1536 = tpu.memref_slice %arg2[%dma_wait3A_1534, %dma_wait3A_1535] : memref<1000000x32xf32, #tpu.memory_space<hbm>> -> memref<128x32xf32, #tpu.memory_space<hbm>>
      %dma_wait3A_1537 = arith.constant 128 : i32
      %dma_wait3A_1538 = arith.constant 0 : i32
      %dma_wait3A_1539 = tpu.memref_slice %arg7[%dma_wait3A_1537, %dma_wait3A_1538] : memref<512x32xf32, #tpu.memory_space<vmem>> -> memref<128x32xf32, #tpu.memory_space<vmem>>
      %dma_wait3A_1540 = arith.constant 0 : i32
      %dma_wait3A_1541 = arith.constant 0 : i32
      %dma_wait3A_1542 = tpu.memref_slice %arg2[%dma_wait3A_1540, %dma_wait3A_1541] : memref<1000000x32xf32, #tpu.memory_space<hbm>> -> memref<128x32xf32, #tpu.memory_space<hbm>>
      tpu.wait_dma2 semaphore(%arg11 : memref<!tpu.dma_semaphore, #tpu.memory_space<semaphore_mem>>) src(%dma_wait3A_1542 : memref<128x32xf32, #tpu.memory_space<hbm>>) dst(%dma_wait3A_1539 : memref<128x32xf32, #tpu.memory_space<vmem>>)
      %dma_wait3A_1543 = arith.constant 256 : i32
      %dma_wait3A_1544 = arith.constant 0 : i32
      %dma_wait3A_1545 = tpu.memref_slice %arg7[%dma_wait3A_1543, %dma_wait3A_1544] : memref<512x32xf32, #tpu.memory_space<vmem>> -> memref<128x32xf32, #tpu.memory_space<vmem>>
      %dma_wait3A_1546 = arith.constant 0 : i32
      %dma_wait3A_1547 = arith.constant 0 : i32
      %dma_wait3A_1548 = tpu.memref_slice %arg2[%dma_wait3A_1546, %dma_wait3A_1547] : memref<1000000x32xf32, #tpu.memory_space<hbm>> -> memref<128x32xf32, #tpu.memory_space<hbm>>
      %dma_wait3A_1549 = arith.constant 256 : i32
      %dma_wait3A_1550 = arith.constant 0 : i32
      %dma_wait3A_1551 = tpu.memref_slice %arg7[%dma_wait3A_1549, %dma_wait3A_1550] : memref<512x32xf32, #tpu.memory_space<vmem>> -> memref<128x32xf32, #tpu.memory_space<vmem>>
      %dma_wait3A_1552 = arith.constant 0 : i32
      %dma_wait3A_1553 = arith.constant 0 : i32
      %dma_wait3A_1554 = tpu.memref_slice %arg2[%dma_wait3A_1552, %dma_wait3A_1553] : memref<1000000x32xf32, #tpu.memory_space<hbm>> -> memref<128x32xf32, #tpu.memory_space<hbm>>
      tpu.wait_dma2 semaphore(%arg11 : memref<!tpu.dma_semaphore, #tpu.memory_space<semaphore_mem>>) src(%dma_wait3A_1554 : memref<128x32xf32, #tpu.memory_space<hbm>>) dst(%dma_wait3A_1551 : memref<128x32xf32, #tpu.memory_space<vmem>>)
      %dma_wait3A_1555 = arith.constant 384 : i32
      %dma_wait3A_1556 = arith.constant 0 : i32
      %dma_wait3A_1557 = tpu.memref_slice %arg7[%dma_wait3A_1555, %dma_wait3A_1556] : memref<512x32xf32, #tpu.memory_space<vmem>> -> memref<128x32xf32, #tpu.memory_space<vmem>>
      %dma_wait3A_1558 = arith.constant 0 : i32
      %dma_wait3A_1559 = arith.constant 0 : i32
      %dma_wait3A_1560 = tpu.memref_slice %arg2[%dma_wait3A_1558, %dma_wait3A_1559] : memref<1000000x32xf32, #tpu.memory_space<hbm>> -> memref<128x32xf32, #tpu.memory_space<hbm>>
      %dma_wait3A_1561 = arith.constant 384 : i32
      %dma_wait3A_1562 = arith.constant 0 : i32
      %dma_wait3A_1563 = tpu.memref_slice %arg7[%dma_wait3A_1561, %dma_wait3A_1562] : memref<512x32xf32, #tpu.memory_space<vmem>> -> memref<128x32xf32, #tpu.memory_space<vmem>>
      %dma_wait3A_1564 = arith.constant 0 : i32
      %dma_wait3A_1565 = arith.constant 0 : i32
      %dma_wait3A_1566 = tpu.memref_slice %arg2[%dma_wait3A_1564, %dma_wait3A_1565] : memref<1000000x32xf32, #tpu.memory_space<hbm>> -> memref<128x32xf32, #tpu.memory_space<hbm>>
      tpu.wait_dma2 semaphore(%arg11 : memref<!tpu.dma_semaphore, #tpu.memory_space<semaphore_mem>>) src(%dma_wait3A_1566 : memref<128x32xf32, #tpu.memory_space<hbm>>) dst(%dma_wait3A_1563 : memref<128x32xf32, #tpu.memory_space<vmem>>)
      %dma_wait3A_1567 = arith.constant 0 : i32
      %dma_wait3A_1568 = arith.constant 0 : i32
      %dma_wait3A_1569 = arith.constant 0 : i32
      %dma_wait3A_1570 = arith.constant 0 : i32
      %dma_wait3A_1571 = arith.constant 0 : i32
      %dma_wait3A_1572 = arith.constant 0 : i32
      %dma_wait3A_1573 = tpu.memref_slice %arg9[%dma_wait3A_1569, %dma_wait3A_1570, %dma_wait3A_1571, %dma_wait3A_1572] : memref<4x4x8x133xf32, #tpu.memory_space<vmem>> -> memref<1x4x8x128xf32, #tpu.memory_space<vmem>>
      %dma_wait3A_1574 = tpu.memref_squeeze %dma_wait3A_1573 : memref<1x4x8x128xf32, #tpu.memory_space<vmem>> -> memref<4x8x128xf32, #tpu.memory_space<vmem>>
      %dma_wait3A_1575 = arith.constant 0 : i32
      %dma_wait3A_1576 = arith.constant 0 : i32
      %dma_wait3A_1577 = arith.constant 0 : i32
      %dma_wait3A_1578 = tpu.memref_slice %arg4[%dma_wait3A_1567, %dma_wait3A_1575, %dma_wait3A_1568, %dma_wait3A_1576, %dma_wait3A_1577] : memref<20x4x128x8x128xf32, #tpu.memory_space<hbm>> -> memref<1x4x1x8x128xf32, #tpu.memory_space<hbm>>
      %dma_wait3A_1579 = tpu.memref_squeeze %dma_wait3A_1578 : memref<1x4x1x8x128xf32, #tpu.memory_space<hbm>> -> memref<4x8x128xf32, #tpu.memory_space<hbm>>
      %dma_wait3A_1580 = arith.constant 0 : i32
      %dma_wait3A_1581 = arith.constant 0 : i32
      %dma_wait3A_1582 = arith.constant 0 : i32
      %dma_wait3A_1583 = tpu.memref_slice %arg9[%dma_wait3A_1569, %dma_wait3A_1580, %dma_wait3A_1581, %dma_wait3A_1582] : memref<4x4x8x133xf32, #tpu.memory_space<vmem>> -> memref<1x4x8x128xf32, #tpu.memory_space<vmem>>
      %dma_wait3A_1584 = tpu.memref_squeeze %dma_wait3A_1583 : memref<1x4x8x128xf32, #tpu.memory_space<vmem>> -> memref<4x8x128xf32, #tpu.memory_space<vmem>>
      %dma_wait3A_1585 = arith.constant 0 : i32
      %dma_wait3A_1586 = arith.constant 0 : i32
      %dma_wait3A_1587 = arith.constant 0 : i32
      %dma_wait3A_1588 = tpu.memref_slice %arg4[%dma_wait3A_1567, %dma_wait3A_1585, %dma_wait3A_1568, %dma_wait3A_1586, %dma_wait3A_1587] : memref<20x4x128x8x128xf32, #tpu.memory_space<hbm>> -> memref<1x4x1x8x128xf32, #tpu.memory_space<hbm>>
      %dma_wait3A_1589 = tpu.memref_squeeze %dma_wait3A_1588 : memref<1x4x1x8x128xf32, #tpu.memory_space<hbm>> -> memref<4x8x128xf32, #tpu.memory_space<hbm>>
      tpu.wait_dma2 semaphore(%arg13 : memref<!tpu.dma_semaphore, #tpu.memory_space<semaphore_mem>>) src(%dma_wait3A_1589 : memref<4x8x128xf32, #tpu.memory_space<hbm>>) dst(%dma_wait3A_1584 : memref<4x8x128xf32, #tpu.memory_space<vmem>>)
      %dma_wait3A_1590 = arith.constant 0 : i32
      %dma_wait3A_1591 = arith.constant 0 : i32
      %dma_wait3A_1592 = arith.constant 1 : i32
      %dma_wait3A_1593 = arith.constant 0 : i32
      %dma_wait3A_1594 = arith.constant 0 : i32
      %dma_wait3A_1595 = arith.constant 0 : i32
      %dma_wait3A_1596 = tpu.memref_slice %arg9[%dma_wait3A_1592, %dma_wait3A_1593, %dma_wait3A_1594, %dma_wait3A_1595] : memref<4x4x8x133xf32, #tpu.memory_space<vmem>> -> memref<1x4x8x128xf32, #tpu.memory_space<vmem>>
      %dma_wait3A_1597 = tpu.memref_squeeze %dma_wait3A_1596 : memref<1x4x8x128xf32, #tpu.memory_space<vmem>> -> memref<4x8x128xf32, #tpu.memory_space<vmem>>
      %dma_wait3A_1598 = arith.constant 0 : i32
      %dma_wait3A_1599 = arith.constant 0 : i32
      %dma_wait3A_1600 = arith.constant 0 : i32
      %dma_wait3A_1601 = tpu.memref_slice %arg4[%dma_wait3A_1590, %dma_wait3A_1598, %dma_wait3A_1591, %dma_wait3A_1599, %dma_wait3A_1600] : memref<20x4x128x8x128xf32, #tpu.memory_space<hbm>> -> memref<1x4x1x8x128xf32, #tpu.memory_space<hbm>>
      %dma_wait3A_1602 = tpu.memref_squeeze %dma_wait3A_1601 : memref<1x4x1x8x128xf32, #tpu.memory_space<hbm>> -> memref<4x8x128xf32, #tpu.memory_space<hbm>>
      %dma_wait3A_1603 = arith.constant 0 : i32
      %dma_wait3A_1604 = arith.constant 0 : i32
      %dma_wait3A_1605 = arith.constant 0 : i32
      %dma_wait3A_1606 = tpu.memref_slice %arg9[%dma_wait3A_1592, %dma_wait3A_1603, %dma_wait3A_1604, %dma_wait3A_1605] : memref<4x4x8x133xf32, #tpu.memory_space<vmem>> -> memref<1x4x8x128xf32, #tpu.memory_space<vmem>>
      %dma_wait3A_1607 = tpu.memref_squeeze %dma_wait3A_1606 : memref<1x4x8x128xf32, #tpu.memory_space<vmem>> -> memref<4x8x128xf32, #tpu.memory_space<vmem>>
      %dma_wait3A_1608 = arith.constant 0 : i32
      %dma_wait3A_1609 = arith.constant 0 : i32
      %dma_wait3A_1610 = arith.constant 0 : i32
      %dma_wait3A_1611 = tpu.memref_slice %arg4[%dma_wait3A_1590, %dma_wait3A_1608, %dma_wait3A_1591, %dma_wait3A_1609, %dma_wait3A_1610] : memref<20x4x128x8x128xf32, #tpu.memory_space<hbm>> -> memref<1x4x1x8x128xf32, #tpu.memory_space<hbm>>
      %dma_wait3A_1612 = tpu.memref_squeeze %dma_wait3A_1611 : memref<1x4x1x8x128xf32, #tpu.memory_space<hbm>> -> memref<4x8x128xf32, #tpu.memory_space<hbm>>
      tpu.wait_dma2 semaphore(%arg13 : memref<!tpu.dma_semaphore, #tpu.memory_space<semaphore_mem>>) src(%dma_wait3A_1612 : memref<4x8x128xf32, #tpu.memory_space<hbm>>) dst(%dma_wait3A_1607 : memref<4x8x128xf32, #tpu.memory_space<vmem>>)
      %dma_wait3A_1613 = arith.constant 0 : i32
      %dma_wait3A_1614 = arith.constant 0 : i32
      %dma_wait3A_1615 = arith.constant 2 : i32
      %dma_wait3A_1616 = arith.constant 0 : i32
      %dma_wait3A_1617 = arith.constant 0 : i32
      %dma_wait3A_1618 = arith.constant 0 : i32
      %dma_wait3A_1619 = tpu.memref_slice %arg9[%dma_wait3A_1615, %dma_wait3A_1616, %dma_wait3A_1617, %dma_wait3A_1618] : memref<4x4x8x133xf32, #tpu.memory_space<vmem>> -> memref<1x4x8x128xf32, #tpu.memory_space<vmem>>
      %dma_wait3A_1620 = tpu.memref_squeeze %dma_wait3A_1619 : memref<1x4x8x128xf32, #tpu.memory_space<vmem>> -> memref<4x8x128xf32, #tpu.memory_space<vmem>>
      %dma_wait3A_1621 = arith.constant 0 : i32
      %dma_wait3A_1622 = arith.constant 0 : i32
      %dma_wait3A_1623 = arith.constant 0 : i32
      %dma_wait3A_1624 = tpu.memref_slice %arg4[%dma_wait3A_1613, %dma_wait3A_1621, %dma_wait3A_1614, %dma_wait3A_1622, %dma_wait3A_1623] : memref<20x4x128x8x128xf32, #tpu.memory_space<hbm>> -> memref<1x4x1x8x128xf32, #tpu.memory_space<hbm>>
      %dma_wait3A_1625 = tpu.memref_squeeze %dma_wait3A_1624 : memref<1x4x1x8x128xf32, #tpu.memory_space<hbm>> -> memref<4x8x128xf32, #tpu.memory_space<hbm>>
      %dma_wait3A_1626 = arith.constant 0 : i32
      %dma_wait3A_1627 = arith.constant 0 : i32
      %dma_wait3A_1628 = arith.constant 0 : i32
      %dma_wait3A_1629 = tpu.memref_slice %arg9[%dma_wait3A_1615, %dma_wait3A_1626, %dma_wait3A_1627, %dma_wait3A_1628] : memref<4x4x8x133xf32, #tpu.memory_space<vmem>> -> memref<1x4x8x128xf32, #tpu.memory_space<vmem>>
      %dma_wait3A_1630 = tpu.memref_squeeze %dma_wait3A_1629 : memref<1x4x8x128xf32, #tpu.memory_space<vmem>> -> memref<4x8x128xf32, #tpu.memory_space<vmem>>
      %dma_wait3A_1631 = arith.constant 0 : i32
      %dma_wait3A_1632 = arith.constant 0 : i32
      %dma_wait3A_1633 = arith.constant 0 : i32
      %dma_wait3A_1634 = tpu.memref_slice %arg4[%dma_wait3A_1613, %dma_wait3A_1631, %dma_wait3A_1614, %dma_wait3A_1632, %dma_wait3A_1633] : memref<20x4x128x8x128xf32, #tpu.memory_space<hbm>> -> memref<1x4x1x8x128xf32, #tpu.memory_space<hbm>>
      %dma_wait3A_1635 = tpu.memref_squeeze %dma_wait3A_1634 : memref<1x4x1x8x128xf32, #tpu.memory_space<hbm>> -> memref<4x8x128xf32, #tpu.memory_space<hbm>>
      tpu.wait_dma2 semaphore(%arg13 : memref<!tpu.dma_semaphore, #tpu.memory_space<semaphore_mem>>) src(%dma_wait3A_1635 : memref<4x8x128xf32, #tpu.memory_space<hbm>>) dst(%dma_wait3A_1630 : memref<4x8x128xf32, #tpu.memory_space<vmem>>)
      %dma_wait3A_1636 = arith.constant 0 : i32
      %dma_wait3A_1637 = arith.constant 0 : i32
      %dma_wait3A_1638 = arith.constant 3 : i32
      %dma_wait3A_1639 = arith.constant 0 : i32
      %dma_wait3A_1640 = arith.constant 0 : i32
      %dma_wait3A_1641 = arith.constant 0 : i32
      %dma_wait3A_1642 = tpu.memref_slice %arg9[%dma_wait3A_1638, %dma_wait3A_1639, %dma_wait3A_1640, %dma_wait3A_1641] : memref<4x4x8x133xf32, #tpu.memory_space<vmem>> -> memref<1x4x8x128xf32, #tpu.memory_space<vmem>>
      %dma_wait3A_1643 = tpu.memref_squeeze %dma_wait3A_1642 : memref<1x4x8x128xf32, #tpu.memory_space<vmem>> -> memref<4x8x128xf32, #tpu.memory_space<vmem>>
      %dma_wait3A_1644 = arith.constant 0 : i32
      %dma_wait3A_1645 = arith.constant 0 : i32
      %dma_wait3A_1646 = arith.constant 0 : i32
      %dma_wait3A_1647 = tpu.memref_slice %arg4[%dma_wait3A_1636, %dma_wait3A_1644, %dma_wait3A_1637, %dma_wait3A_1645, %dma_wait3A_1646] : memref<20x4x128x8x128xf32, #tpu.memory_space<hbm>> -> memref<1x4x1x8x128xf32, #tpu.memory_space<hbm>>
      %dma_wait3A_1648 = tpu.memref_squeeze %dma_wait3A_1647 : memref<1x4x1x8x128xf32, #tpu.memory_space<hbm>> -> memref<4x8x128xf32, #tpu.memory_space<hbm>>
      %dma_wait3A_1649 = arith.constant 0 : i32
      %dma_wait3A_1650 = arith.constant 0 : i32
      %dma_wait3A_1651 = arith.constant 0 : i32
      %dma_wait3A_1652 = tpu.memref_slice %arg9[%dma_wait3A_1638, %dma_wait3A_1649, %dma_wait3A_1650, %dma_wait3A_1651] : memref<4x4x8x133xf32, #tpu.memory_space<vmem>> -> memref<1x4x8x128xf32, #tpu.memory_space<vmem>>
      %dma_wait3A_1653 = tpu.memref_squeeze %dma_wait3A_1652 : memref<1x4x8x128xf32, #tpu.memory_space<vmem>> -> memref<4x8x128xf32, #tpu.memory_space<vmem>>
      %dma_wait3A_1654 = arith.constant 0 : i32
      %dma_wait3A_1655 = arith.constant 0 : i32
      %dma_wait3A_1656 = arith.constant 0 : i32
      %dma_wait3A_1657 = tpu.memref_slice %arg4[%dma_wait3A_1636, %dma_wait3A_1654, %dma_wait3A_1637, %dma_wait3A_1655, %dma_wait3A_1656] : memref<20x4x128x8x128xf32, #tpu.memory_space<hbm>> -> memref<1x4x1x8x128xf32, #tpu.memory_space<hbm>>
      %dma_wait3A_1658 = tpu.memref_squeeze %dma_wait3A_1657 : memref<1x4x1x8x128xf32, #tpu.memory_space<hbm>> -> memref<4x8x128xf32, #tpu.memory_space<hbm>>
      tpu.wait_dma2 semaphore(%arg13 : memref<!tpu.dma_semaphore, #tpu.memory_space<semaphore_mem>>) src(%dma_wait3A_1658 : memref<4x8x128xf32, #tpu.memory_space<hbm>>) dst(%dma_wait3A_1653 : memref<4x8x128xf32, #tpu.memory_space<vmem>>)
      %scan3A_1659 = arith.constant 0 : i32
      %scan3A_1660 = arith.constant 0 : i32
      %scan3A_1661 = arith.constant 128 : i32
      %scan3A_1662 = arith.addi %scan3A_1660, %scan3A_1661 : i32
      %scan3A_1663 = arith.constant 1 : i32
      scf.for %scan3A_1819 = %scan3A_1660 to %scan3A_1662 step %scan3A_1663  : i32 {
        %broadcast_in_dim3A_1820 = arith.constant 0 : i32
        %broadcast_in_dim3A_1821 = vector.broadcast %broadcast_in_dim3A_1820 : i32 to vector<16xi32>
        %add3A_1822 = vector.broadcast %scan3A_1819 : i32 to vector<16xi32>
        %add3A_1823 = arith.addi %broadcast_in_dim3A_1821, %add3A_1822 : vector<16xi32>
        %broadcast_in_dim3A_1824 = arith.constant 0 : i32
        %broadcast_in_dim3A_1825 = vector.broadcast %broadcast_in_dim3A_1824 : i32 to vector<16xi32>
        %add3A_1826 = arith.constant 0 : i32
        %add3A_1827 = arith.addi %add3A_1826, %scan3A_1819 : i32
        %get3A = arith.index_cast %add3A_1827 : i32 to index
        %get3A_1828 = arith.constant 0 : index
        %get3A_1829 = tpu.vector_load %arg7[%get3A, %get3A_1828] {strides = array<i32>} : memref<512x32xf32, #tpu.memory_space<vmem>>, vector<16xf32>,
        %add3A_1830 = arith.constant 0 : i32
        %add3A_1831 = arith.addi %add3A_1830, %scan3A_1819 : i32
        %get3A_1832 = arith.index_cast %add3A_1831 : i32 to index
        %get3A_1833 = arith.constant 16 : index
        %get3A_1834 = tpu.vector_load %arg7[%get3A_1832, %get3A_1833] {strides = array<i32>} : memref<512x32xf32, #tpu.memory_space<vmem>>, vector<16xf32>,
        tpu.vector_store_idx %arg9[%broadcast_in_dim3A_1825, %select_n3A, %select_n3A_45, %add3A_1823], %get3A_1829 : memref<4x4x8x133xf32, #tpu.memory_space<vmem>>[vector<16xi32>, vector<16xi32>, vector<16xi32>, vector<16xi32>], vector<16xf32>,
        %add3A_1835 = arith.addi %select_n3A, %broadcast_in_dim3A_46 : vector<16xi32>
        tpu.vector_store_idx %arg9[%broadcast_in_dim3A_1825, %add3A_1835, %select_n3A_45, %add3A_1823], %get3A_1834 : memref<4x4x8x133xf32, #tpu.memory_space<vmem>>[vector<16xi32>, vector<16xi32>, vector<16xi32>, vector<16xi32>], vector<16xf32>,
        %broadcast_in_dim3A_1836 = arith.constant 1 : i32
        %broadcast_in_dim3A_1837 = vector.broadcast %broadcast_in_dim3A_1836 : i32 to vector<16xi32>
        %add3A_1838 = arith.constant 128 : i32
        %add3A_1839 = arith.addi %add3A_1838, %scan3A_1819 : i32
        %get3A_1840 = arith.index_cast %add3A_1839 : i32 to index
        %get3A_1841 = arith.constant 0 : index
        %get3A_1842 = tpu.vector_load %arg7[%get3A_1840, %get3A_1841] {strides = array<i32>} : memref<512x32xf32, #tpu.memory_space<vmem>>, vector<16xf32>,
        %add3A_1843 = arith.constant 128 : i32
        %add3A_1844 = arith.addi %add3A_1843, %scan3A_1819 : i32
        %get3A_1845 = arith.index_cast %add3A_1844 : i32 to index
        %get3A_1846 = arith.constant 16 : index
        %get3A_1847 = tpu.vector_load %arg7[%get3A_1845, %get3A_1846] {strides = array<i32>} : memref<512x32xf32, #tpu.memory_space<vmem>>, vector<16xf32>,
        tpu.vector_store_idx %arg9[%broadcast_in_dim3A_1837, %select_n3A, %select_n3A_45, %add3A_1823], %get3A_1842 : memref<4x4x8x133xf32, #tpu.memory_space<vmem>>[vector<16xi32>, vector<16xi32>, vector<16xi32>, vector<16xi32>], vector<16xf32>,
        %add3A_1848 = arith.addi %select_n3A, %broadcast_in_dim3A_46 : vector<16xi32>
        tpu.vector_store_idx %arg9[%broadcast_in_dim3A_1837, %add3A_1848, %select_n3A_45, %add3A_1823], %get3A_1847 : memref<4x4x8x133xf32, #tpu.memory_space<vmem>>[vector<16xi32>, vector<16xi32>, vector<16xi32>, vector<16xi32>], vector<16xf32>,
        %broadcast_in_dim3A_1849 = arith.constant 2 : i32
        %broadcast_in_dim3A_1850 = vector.broadcast %broadcast_in_dim3A_1849 : i32 to vector<16xi32>
        %add3A_1851 = arith.constant 256 : i32
        %add3A_1852 = arith.addi %add3A_1851, %scan3A_1819 : i32
        %get3A_1853 = arith.index_cast %add3A_1852 : i32 to index
        %get3A_1854 = arith.constant 0 : index
        %get3A_1855 = tpu.vector_load %arg7[%get3A_1853, %get3A_1854] {strides = array<i32>} : memref<512x32xf32, #tpu.memory_space<vmem>>, vector<16xf32>,
        %add3A_1856 = arith.constant 256 : i32
        %add3A_1857 = arith.addi %add3A_1856, %scan3A_1819 : i32
        %get3A_1858 = arith.index_cast %add3A_1857 : i32 to index
        %get3A_1859 = arith.constant 16 : index
        %get3A_1860 = tpu.vector_load %arg7[%get3A_1858, %get3A_1859] {strides = array<i32>} : memref<512x32xf32, #tpu.memory_space<vmem>>, vector<16xf32>,
        tpu.vector_store_idx %arg9[%broadcast_in_dim3A_1850, %select_n3A, %select_n3A_45, %add3A_1823], %get3A_1855 : memref<4x4x8x133xf32, #tpu.memory_space<vmem>>[vector<16xi32>, vector<16xi32>, vector<16xi32>, vector<16xi32>], vector<16xf32>,
        %add3A_1861 = arith.addi %select_n3A, %broadcast_in_dim3A_46 : vector<16xi32>
        tpu.vector_store_idx %arg9[%broadcast_in_dim3A_1850, %add3A_1861, %select_n3A_45, %add3A_1823], %get3A_1860 : memref<4x4x8x133xf32, #tpu.memory_space<vmem>>[vector<16xi32>, vector<16xi32>, vector<16xi32>, vector<16xi32>], vector<16xf32>,
        %broadcast_in_dim3A_1862 = arith.constant 3 : i32
        %broadcast_in_dim3A_1863 = vector.broadcast %broadcast_in_dim3A_1862 : i32 to vector<16xi32>
        %add3A_1864 = arith.constant 384 : i32
        %add3A_1865 = arith.addi %add3A_1864, %scan3A_1819 : i32
        %get3A_1866 = arith.index_cast %add3A_1865 : i32 to index
        %get3A_1867 = arith.constant 0 : index
        %get3A_1868 = tpu.vector_load %arg7[%get3A_1866, %get3A_1867] {strides = array<i32>} : memref<512x32xf32, #tpu.memory_space<vmem>>, vector<16xf32>,
        %add3A_1869 = arith.constant 384 : i32
        %add3A_1870 = arith.addi %add3A_1869, %scan3A_1819 : i32
        %get3A_1871 = arith.index_cast %add3A_1870 : i32 to index
        %get3A_1872 = arith.constant 16 : index
        %get3A_1873 = tpu.vector_load %arg7[%get3A_1871, %get3A_1872] {strides = array<i32>} : memref<512x32xf32, #tpu.memory_space<vmem>>, vector<16xf32>,
        tpu.vector_store_idx %arg9[%broadcast_in_dim3A_1863, %select_n3A, %select_n3A_45, %add3A_1823], %get3A_1868 : memref<4x4x8x133xf32, #tpu.memory_space<vmem>>[vector<16xi32>, vector<16xi32>, vector<16xi32>, vector<16xi32>], vector<16xf32>,
        %add3A_1874 = arith.addi %select_n3A, %broadcast_in_dim3A_46 : vector<16xi32>
        tpu.vector_store_idx %arg9[%broadcast_in_dim3A_1863, %add3A_1874, %select_n3A_45, %add3A_1823], %get3A_1873 : memref<4x4x8x133xf32, #tpu.memory_space<vmem>>[vector<16xi32>, vector<16xi32>, vector<16xi32>, vector<16xi32>], vector<16xf32>,
      }
      %scan3A_1664 = arith.constant 128 : i32
      %mul3A_1665 = arith.constant 4 : i32
      %mul3A_1666 = arith.muli %add3A, %mul3A_1665 : i32
      %add3A_1667 = arith.constant 0 : i32
      %add3A_1668 = arith.addi %mul3A_1666, %add3A_1667 : i32
      %dma_start3A_1669 = arith.constant 0 : i32
      %dma_start3A_1670 = arith.constant 0 : i32
      %dma_start3A_1671 = arith.constant 0 : i32
      %dma_start3A_1672 = arith.constant 0 : i32
      %dma_start3A_1673 = tpu.memref_slice %arg9[%dma_start3A_1669, %dma_start3A_1670, %dma_start3A_1671, %dma_start3A_1672] : memref<4x4x8x133xf32, #tpu.memory_space<vmem>> -> memref<1x4x8x128xf32, #tpu.memory_space<vmem>>
      %dma_start3A_1674 = tpu.memref_squeeze %dma_start3A_1673 : memref<1x4x8x128xf32, #tpu.memory_space<vmem>> -> memref<4x8x128xf32, #tpu.memory_space<vmem>>
      %dma_start3A_1675 = arith.constant 0 : i32
      %dma_start3A_1676 = arith.constant 0 : i32
      %dma_start3A_1677 = arith.constant 0 : i32
      %dma_start3A_1678 = tpu.memref_slice %arg4[%add3A_1518, %dma_start3A_1675, %add3A_1668, %dma_start3A_1676, %dma_start3A_1677] : memref<20x4x128x8x128xf32, #tpu.memory_space<hbm>> -> memref<1x4x1x8x128xf32, #tpu.memory_space<hbm>>
      %dma_start3A_1679 = tpu.memref_squeeze %dma_start3A_1678 : memref<1x4x1x8x128xf32, #tpu.memory_space<hbm>> -> memref<4x8x128xf32, #tpu.memory_space<hbm>>
      %dma_start3A_1680 = arith.constant 0 : i32
      %dma_start3A_1681 = arith.constant 0 : i32
      %dma_start3A_1682 = arith.constant 0 : i32
      %dma_start3A_1683 = tpu.memref_slice %arg4[%add3A_1518, %dma_start3A_1680, %add3A_1668, %dma_start3A_1681, %dma_start3A_1682] : memref<20x4x128x8x128xf32, #tpu.memory_space<hbm>> -> memref<1x4x1x8x128xf32, #tpu.memory_space<hbm>>
      %dma_start3A_1684 = tpu.memref_squeeze %dma_start3A_1683 : memref<1x4x1x8x128xf32, #tpu.memory_space<hbm>> -> memref<4x8x128xf32, #tpu.memory_space<hbm>>
      %dma_start3A_1685 = arith.constant 0 : i32
      %dma_start3A_1686 = arith.constant 0 : i32
      %dma_start3A_1687 = arith.constant 0 : i32
      %dma_start3A_1688 = tpu.memref_slice %arg9[%dma_start3A_1669, %dma_start3A_1685, %dma_start3A_1686, %dma_start3A_1687] : memref<4x4x8x133xf32, #tpu.memory_space<vmem>> -> memref<1x4x8x128xf32, #tpu.memory_space<vmem>>
      %dma_start3A_1689 = tpu.memref_squeeze %dma_start3A_1688 : memref<1x4x8x128xf32, #tpu.memory_space<vmem>> -> memref<4x8x128xf32, #tpu.memory_space<vmem>>
      tpu.enqueue_dma source(%dma_start3A_1689 : memref<4x8x128xf32, #tpu.memory_space<vmem>>) target(%dma_start3A_1684 : memref<4x8x128xf32, #tpu.memory_space<hbm>>) target_semaphore(%arg13 : memref<!tpu.dma_semaphore, #tpu.memory_space<semaphore_mem>>)
      %mul3A_1690 = arith.constant 4 : i32
      %mul3A_1691 = arith.muli %add3A, %mul3A_1690 : i32
      %add3A_1692 = arith.constant 1 : i32
      %add3A_1693 = arith.addi %mul3A_1691, %add3A_1692 : i32
      %dma_start3A_1694 = arith.constant 1 : i32
      %dma_start3A_1695 = arith.constant 0 : i32
      %dma_start3A_1696 = arith.constant 0 : i32
      %dma_start3A_1697 = arith.constant 0 : i32
      %dma_start3A_1698 = tpu.memref_slice %arg9[%dma_start3A_1694, %dma_start3A_1695, %dma_start3A_1696, %dma_start3A_1697] : memref<4x4x8x133xf32, #tpu.memory_space<vmem>> -> memref<1x4x8x128xf32, #tpu.memory_space<vmem>>
      %dma_start3A_1699 = tpu.memref_squeeze %dma_start3A_1698 : memref<1x4x8x128xf32, #tpu.memory_space<vmem>> -> memref<4x8x128xf32, #tpu.memory_space<vmem>>
      %dma_start3A_1700 = arith.constant 0 : i32
      %dma_start3A_1701 = arith.constant 0 : i32
      %dma_start3A_1702 = arith.constant 0 : i32
      %dma_start3A_1703 = tpu.memref_slice %arg4[%add3A_1518, %dma_start3A_1700, %add3A_1693, %dma_start3A_1701, %dma_start3A_1702] : memref<20x4x128x8x128xf32, #tpu.memory_space<hbm>> -> memref<1x4x1x8x128xf32, #tpu.memory_space<hbm>>
      %dma_start3A_1704 = tpu.memref_squeeze %dma_start3A_1703 : memref<1x4x1x8x128xf32, #tpu.memory_space<hbm>> -> memref<4x8x128xf32, #tpu.memory_space<hbm>>
      %dma_start3A_1705 = arith.constant 0 : i32
      %dma_start3A_1706 = arith.constant 0 : i32
      %dma_start3A_1707 = arith.constant 0 : i32
      %dma_start3A_1708 = tpu.memref_slice %arg4[%add3A_1518, %dma_start3A_1705, %add3A_1693, %dma_start3A_1706, %dma_start3A_1707] : memref<20x4x128x8x128xf32, #tpu.memory_space<hbm>> -> memref<1x4x1x8x128xf32, #tpu.memory_space<hbm>>
      %dma_start3A_1709 = tpu.memref_squeeze %dma_start3A_1708 : memref<1x4x1x8x128xf32, #tpu.memory_space<hbm>> -> memref<4x8x128xf32, #tpu.memory_space<hbm>>
      %dma_start3A_1710 = arith.constant 0 : i32
      %dma_start3A_1711 = arith.constant 0 : i32
      %dma_start3A_1712 = arith.constant 0 : i32
      %dma_start3A_1713 = tpu.memref_slice %arg9[%dma_start3A_1694, %dma_start3A_1710, %dma_start3A_1711, %dma_start3A_1712] : memref<4x4x8x133xf32, #tpu.memory_space<vmem>> -> memref<1x4x8x128xf32, #tpu.memory_space<vmem>>
      %dma_start3A_1714 = tpu.memref_squeeze %dma_start3A_1713 : memref<1x4x8x128xf32, #tpu.memory_space<vmem>> -> memref<4x8x128xf32, #tpu.memory_space<vmem>>
      tpu.enqueue_dma source(%dma_start3A_1714 : memref<4x8x128xf32, #tpu.memory_space<vmem>>) target(%dma_start3A_1709 : memref<4x8x128xf32, #tpu.memory_space<hbm>>) target_semaphore(%arg13 : memref<!tpu.dma_semaphore, #tpu.memory_space<semaphore_mem>>)
      %mul3A_1715 = arith.constant 4 : i32
      %mul3A_1716 = arith.muli %add3A, %mul3A_1715 : i32
      %add3A_1717 = arith.constant 2 : i32
      %add3A_1718 = arith.addi %mul3A_1716, %add3A_1717 : i32
      %dma_start3A_1719 = arith.constant 2 : i32
      %dma_start3A_1720 = arith.constant 0 : i32
      %dma_start3A_1721 = arith.constant 0 : i32
      %dma_start3A_1722 = arith.constant 0 : i32
      %dma_start3A_1723 = tpu.memref_slice %arg9[%dma_start3A_1719, %dma_start3A_1720, %dma_start3A_1721, %dma_start3A_1722] : memref<4x4x8x133xf32, #tpu.memory_space<vmem>> -> memref<1x4x8x128xf32, #tpu.memory_space<vmem>>
      %dma_start3A_1724 = tpu.memref_squeeze %dma_start3A_1723 : memref<1x4x8x128xf32, #tpu.memory_space<vmem>> -> memref<4x8x128xf32, #tpu.memory_space<vmem>>
      %dma_start3A_1725 = arith.constant 0 : i32
      %dma_start3A_1726 = arith.constant 0 : i32
      %dma_start3A_1727 = arith.constant 0 : i32
      %dma_start3A_1728 = tpu.memref_slice %arg4[%add3A_1518, %dma_start3A_1725, %add3A_1718, %dma_start3A_1726, %dma_start3A_1727] : memref<20x4x128x8x128xf32, #tpu.memory_space<hbm>> -> memref<1x4x1x8x128xf32, #tpu.memory_space<hbm>>
      %dma_start3A_1729 = tpu.memref_squeeze %dma_start3A_1728 : memref<1x4x1x8x128xf32, #tpu.memory_space<hbm>> -> memref<4x8x128xf32, #tpu.memory_space<hbm>>
      %dma_start3A_1730 = arith.constant 0 : i32
      %dma_start3A_1731 = arith.constant 0 : i32
      %dma_start3A_1732 = arith.constant 0 : i32
      %dma_start3A_1733 = tpu.memref_slice %arg4[%add3A_1518, %dma_start3A_1730, %add3A_1718, %dma_start3A_1731, %dma_start3A_1732] : memref<20x4x128x8x128xf32, #tpu.memory_space<hbm>> -> memref<1x4x1x8x128xf32, #tpu.memory_space<hbm>>
      %dma_start3A_1734 = tpu.memref_squeeze %dma_start3A_1733 : memref<1x4x1x8x128xf32, #tpu.memory_space<hbm>> -> memref<4x8x128xf32, #tpu.memory_space<hbm>>
      %dma_start3A_1735 = arith.constant 0 : i32
      %dma_start3A_1736 = arith.constant 0 : i32
      %dma_start3A_1737 = arith.constant 0 : i32
      %dma_start3A_1738 = tpu.memref_slice %arg9[%dma_start3A_1719, %dma_start3A_1735, %dma_start3A_1736, %dma_start3A_1737] : memref<4x4x8x133xf32, #tpu.memory_space<vmem>> -> memref<1x4x8x128xf32, #tpu.memory_space<vmem>>
      %dma_start3A_1739 = tpu.memref_squeeze %dma_start3A_1738 : memref<1x4x8x128xf32, #tpu.memory_space<vmem>> -> memref<4x8x128xf32, #tpu.memory_space<vmem>>
      tpu.enqueue_dma source(%dma_start3A_1739 : memref<4x8x128xf32, #tpu.memory_space<vmem>>) target(%dma_start3A_1734 : memref<4x8x128xf32, #tpu.memory_space<hbm>>) target_semaphore(%arg13 : memref<!tpu.dma_semaphore, #tpu.memory_space<semaphore_mem>>)
      %mul3A_1740 = arith.constant 4 : i32
      %mul3A_1741 = arith.muli %add3A, %mul3A_1740 : i32
      %add3A_1742 = arith.constant 3 : i32
      %add3A_1743 = arith.addi %mul3A_1741, %add3A_1742 : i32
      %dma_start3A_1744 = arith.constant 3 : i32
      %dma_start3A_1745 = arith.constant 0 : i32
      %dma_start3A_1746 = arith.constant 0 : i32
      %dma_start3A_1747 = arith.constant 0 : i32
      %dma_start3A_1748 = tpu.memref_slice %arg9[%dma_start3A_1744, %dma_start3A_1745, %dma_start3A_1746, %dma_start3A_1747] : memref<4x4x8x133xf32, #tpu.memory_space<vmem>> -> memref<1x4x8x128xf32, #tpu.memory_space<vmem>>
      %dma_start3A_1749 = tpu.memref_squeeze %dma_start3A_1748 : memref<1x4x8x128xf32, #tpu.memory_space<vmem>> -> memref<4x8x128xf32, #tpu.memory_space<vmem>>
      %dma_start3A_1750 = arith.constant 0 : i32
      %dma_start3A_1751 = arith.constant 0 : i32
      %dma_start3A_1752 = arith.constant 0 : i32
      %dma_start3A_1753 = tpu.memref_slice %arg4[%add3A_1518, %dma_start3A_1750, %add3A_1743, %dma_start3A_1751, %dma_start3A_1752] : memref<20x4x128x8x128xf32, #tpu.memory_space<hbm>> -> memref<1x4x1x8x128xf32, #tpu.memory_space<hbm>>
      %dma_start3A_1754 = tpu.memref_squeeze %dma_start3A_1753 : memref<1x4x1x8x128xf32, #tpu.memory_space<hbm>> -> memref<4x8x128xf32, #tpu.memory_space<hbm>>
      %dma_start3A_1755 = arith.constant 0 : i32
      %dma_start3A_1756 = arith.constant 0 : i32
      %dma_start3A_1757 = arith.constant 0 : i32
      %dma_start3A_1758 = tpu.memref_slice %arg4[%add3A_1518, %dma_start3A_1755, %add3A_1743, %dma_start3A_1756, %dma_start3A_1757] : memref<20x4x128x8x128xf32, #tpu.memory_space<hbm>> -> memref<1x4x1x8x128xf32, #tpu.memory_space<hbm>>
      %dma_start3A_1759 = tpu.memref_squeeze %dma_start3A_1758 : memref<1x4x1x8x128xf32, #tpu.memory_space<hbm>> -> memref<4x8x128xf32, #tpu.memory_space<hbm>>
      %dma_start3A_1760 = arith.constant 0 : i32
      %dma_start3A_1761 = arith.constant 0 : i32
      %dma_start3A_1762 = arith.constant 0 : i32
      %dma_start3A_1763 = tpu.memref_slice %arg9[%dma_start3A_1744, %dma_start3A_1760, %dma_start3A_1761, %dma_start3A_1762] : memref<4x4x8x133xf32, #tpu.memory_space<vmem>> -> memref<1x4x8x128xf32, #tpu.memory_space<vmem>>
      %dma_start3A_1764 = tpu.memref_squeeze %dma_start3A_1763 : memref<1x4x8x128xf32, #tpu.memory_space<vmem>> -> memref<4x8x128xf32, #tpu.memory_space<vmem>>
      tpu.enqueue_dma source(%dma_start3A_1764 : memref<4x8x128xf32, #tpu.memory_space<vmem>>) target(%dma_start3A_1759 : memref<4x8x128xf32, #tpu.memory_space<hbm>>) target_semaphore(%arg13 : memref<!tpu.dma_semaphore, #tpu.memory_space<semaphore_mem>>)
      %add3A_1765 = arith.constant 2 : i32
      %add3A_1766 = arith.addi %add3A_1518, %add3A_1765 : i32
      %mul3A_1767 = arith.constant 4 : i32
      %mul3A_1768 = arith.muli %add3A_1766, %mul3A_1767 : i32
      %add3A_1769 = arith.constant 0 : i32
      %add3A_1770 = arith.addi %mul3A_1768, %add3A_1769 : i32
      %dma_start3A_1771 = arith.constant 0 : i32
      %dma_start3A_1772 = arith.constant 0 : i32
      %dma_start3A_1773 = tpu.memref_slice %arg7[%dma_start3A_1771, %dma_start3A_1772] : memref<512x32xf32, #tpu.memory_space<vmem>> -> memref<128x32xf32, #tpu.memory_space<vmem>>
      %dma_start3A_1774 = arith.constant 0 : i32
      %dma_start3A_1775 = tpu.memref_slice %arg5[%add3A_1770, %dma_start3A_1774] : memref<80x128xi32, #tpu.memory_space<vmem>> -> memref<1x128xi32, #tpu.memory_space<vmem>>
      %dma_start3A_1776 = tpu.memref_squeeze %dma_start3A_1775 : memref<1x128xi32, #tpu.memory_space<vmem>> -> memref<128xi32, #tpu.memory_space<vmem>>
      %dma_start3A_1777 = arith.constant 0 : i32
      %dma_start3A_1778 = arith.constant 0 : i32
      %dma_start3A_1779 = tpu.memref_slice %arg2[%dma_start3A_1777, %dma_start3A_1778] : memref<1000000x32xf32, #tpu.memory_space<hbm>> -> memref<1000000x32xf32, #tpu.memory_space<hbm>>
      tpu.enqueue_indirect_dma source(%dma_start3A_1779 : memref<1000000x32xf32, #tpu.memory_space<hbm>>) target(%dma_start3A_1773 : memref<128x32xf32, #tpu.memory_space<vmem>>) offsets(%dma_start3A_1776 : memref<128xi32, #tpu.memory_space<vmem>>) semaphore(%arg11 : memref<!tpu.dma_semaphore, #tpu.memory_space<semaphore_mem>>)
      %mul3A_1780 = arith.constant 4 : i32
      %mul3A_1781 = arith.muli %add3A_1766, %mul3A_1780 : i32
      %add3A_1782 = arith.constant 1 : i32
      %add3A_1783 = arith.addi %mul3A_1781, %add3A_1782 : i32
      %dma_start3A_1784 = arith.constant 128 : i32
      %dma_start3A_1785 = arith.constant 0 : i32
      %dma_start3A_1786 = tpu.memref_slice %arg7[%dma_start3A_1784, %dma_start3A_1785] : memref<512x32xf32, #tpu.memory_space<vmem>> -> memref<128x32xf32, #tpu.memory_space<vmem>>
      %dma_start3A_1787 = arith.constant 0 : i32
      %dma_start3A_1788 = tpu.memref_slice %arg5[%add3A_1783, %dma_start3A_1787] : memref<80x128xi32, #tpu.memory_space<vmem>> -> memref<1x128xi32, #tpu.memory_space<vmem>>
      %dma_start3A_1789 = tpu.memref_squeeze %dma_start3A_1788 : memref<1x128xi32, #tpu.memory_space<vmem>> -> memref<128xi32, #tpu.memory_space<vmem>>
      %dma_start3A_1790 = arith.constant 0 : i32
      %dma_start3A_1791 = arith.constant 0 : i32
      %dma_start3A_1792 = tpu.memref_slice %arg2[%dma_start3A_1790, %dma_start3A_1791] : memref<1000000x32xf32, #tpu.memory_space<hbm>> -> memref<1000000x32xf32, #tpu.memory_space<hbm>>
      tpu.enqueue_indirect_dma source(%dma_start3A_1792 : memref<1000000x32xf32, #tpu.memory_space<hbm>>) target(%dma_start3A_1786 : memref<128x32xf32, #tpu.memory_space<vmem>>) offsets(%dma_start3A_1789 : memref<128xi32, #tpu.memory_space<vmem>>) semaphore(%arg11 : memref<!tpu.dma_semaphore, #tpu.memory_space<semaphore_mem>>)
      %mul3A_1793 = arith.constant 4 : i32
      %mul3A_1794 = arith.muli %add3A_1766, %mul3A_1793 : i32
      %add3A_1795 = arith.constant 2 : i32
      %add3A_1796 = arith.addi %mul3A_1794, %add3A_1795 : i32
      %dma_start3A_1797 = arith.constant 256 : i32
      %dma_start3A_1798 = arith.constant 0 : i32
      %dma_start3A_1799 = tpu.memref_slice %arg7[%dma_start3A_1797, %dma_start3A_1798] : memref<512x32xf32, #tpu.memory_space<vmem>> -> memref<128x32xf32, #tpu.memory_space<vmem>>
      %dma_start3A_1800 = arith.constant 0 : i32
      %dma_start3A_1801 = tpu.memref_slice %arg5[%add3A_1796, %dma_start3A_1800] : memref<80x128xi32, #tpu.memory_space<vmem>> -> memref<1x128xi32, #tpu.memory_space<vmem>>
      %dma_start3A_1802 = tpu.memref_squeeze %dma_start3A_1801 : memref<1x128xi32, #tpu.memory_space<vmem>> -> memref<128xi32, #tpu.memory_space<vmem>>
      %dma_start3A_1803 = arith.constant 0 : i32
      %dma_start3A_1804 = arith.constant 0 : i32
      %dma_start3A_1805 = tpu.memref_slice %arg2[%dma_start3A_1803, %dma_start3A_1804] : memref<1000000x32xf32, #tpu.memory_space<hbm>> -> memref<1000000x32xf32, #tpu.memory_space<hbm>>
      tpu.enqueue_indirect_dma source(%dma_start3A_1805 : memref<1000000x32xf32, #tpu.memory_space<hbm>>) target(%dma_start3A_1799 : memref<128x32xf32, #tpu.memory_space<vmem>>) offsets(%dma_start3A_1802 : memref<128xi32, #tpu.memory_space<vmem>>) semaphore(%arg11 : memref<!tpu.dma_semaphore, #tpu.memory_space<semaphore_mem>>)
      %mul3A_1806 = arith.constant 4 : i32
      %mul3A_1807 = arith.muli %add3A_1766, %mul3A_1806 : i32
      %add3A_1808 = arith.constant 3 : i32
      %add3A_1809 = arith.addi %mul3A_1807, %add3A_1808 : i32
      %dma_start3A_1810 = arith.constant 384 : i32
      %dma_start3A_1811 = arith.constant 0 : i32
      %dma_start3A_1812 = tpu.memref_slice %arg7[%dma_start3A_1810, %dma_start3A_1811] : memref<512x32xf32, #tpu.memory_space<vmem>> -> memref<128x32xf32, #tpu.memory_space<vmem>>
      %dma_start3A_1813 = arith.constant 0 : i32
      %dma_start3A_1814 = tpu.memref_slice %arg5[%add3A_1809, %dma_start3A_1813] : memref<80x128xi32, #tpu.memory_space<vmem>> -> memref<1x128xi32, #tpu.memory_space<vmem>>
      %dma_start3A_1815 = tpu.memref_squeeze %dma_start3A_1814 : memref<1x128xi32, #tpu.memory_space<vmem>> -> memref<128xi32, #tpu.memory_space<vmem>>
      %dma_start3A_1816 = arith.constant 0 : i32
      %dma_start3A_1817 = arith.constant 0 : i32
      %dma_start3A_1818 = tpu.memref_slice %arg2[%dma_start3A_1816, %dma_start3A_1817] : memref<1000000x32xf32, #tpu.memory_space<hbm>> -> memref<1000000x32xf32, #tpu.memory_space<hbm>>
      tpu.enqueue_indirect_dma source(%dma_start3A_1818 : memref<1000000x32xf32, #tpu.memory_space<hbm>>) target(%dma_start3A_1812 : memref<128x32xf32, #tpu.memory_space<vmem>>) offsets(%dma_start3A_1815 : memref<128xi32, #tpu.memory_space<vmem>>) semaphore(%arg11 : memref<!tpu.dma_semaphore, #tpu.memory_space<semaphore_mem>>)
    }
    %scan3A_525 = arith.constant 8 : i32
    %dma_wait3A_526 = arith.constant 0 : i32
    %dma_wait3A_527 = arith.constant 0 : i32
    %dma_wait3A_528 = tpu.memref_slice %arg6[%dma_wait3A_526, %dma_wait3A_527] : memref<512x32xf32, #tpu.memory_space<vmem>> -> memref<128x32xf32, #tpu.memory_space<vmem>>
    %dma_wait3A_529 = arith.constant 0 : i32
    %dma_wait3A_530 = arith.constant 0 : i32
    %dma_wait3A_531 = tpu.memref_slice %arg2[%dma_wait3A_529, %dma_wait3A_530] : memref<1000000x32xf32, #tpu.memory_space<hbm>> -> memref<128x32xf32, #tpu.memory_space<hbm>>
    %dma_wait3A_532 = arith.constant 0 : i32
    %dma_wait3A_533 = arith.constant 0 : i32
    %dma_wait3A_534 = tpu.memref_slice %arg6[%dma_wait3A_532, %dma_wait3A_533] : memref<512x32xf32, #tpu.memory_space<vmem>> -> memref<128x32xf32, #tpu.memory_space<vmem>>
    %dma_wait3A_535 = arith.constant 0 : i32
    %dma_wait3A_536 = arith.constant 0 : i32
    %dma_wait3A_537 = tpu.memref_slice %arg2[%dma_wait3A_535, %dma_wait3A_536] : memref<1000000x32xf32, #tpu.memory_space<hbm>> -> memref<128x32xf32, #tpu.memory_space<hbm>>
    tpu.wait_dma2 semaphore(%arg10 : memref<!tpu.dma_semaphore, #tpu.memory_space<semaphore_mem>>) src(%dma_wait3A_537 : memref<128x32xf32, #tpu.memory_space<hbm>>) dst(%dma_wait3A_534 : memref<128x32xf32, #tpu.memory_space<vmem>>)
    %dma_wait3A_538 = arith.constant 128 : i32
    %dma_wait3A_539 = arith.constant 0 : i32
    %dma_wait3A_540 = tpu.memref_slice %arg6[%dma_wait3A_538, %dma_wait3A_539] : memref<512x32xf32, #tpu.memory_space<vmem>> -> memref<128x32xf32, #tpu.memory_space<vmem>>
    %dma_wait3A_541 = arith.constant 0 : i32
    %dma_wait3A_542 = arith.constant 0 : i32
    %dma_wait3A_543 = tpu.memref_slice %arg2[%dma_wait3A_541, %dma_wait3A_542] : memref<1000000x32xf32, #tpu.memory_space<hbm>> -> memref<128x32xf32, #tpu.memory_space<hbm>>
    %dma_wait3A_544 = arith.constant 128 : i32
    %dma_wait3A_545 = arith.constant 0 : i32
    %dma_wait3A_546 = tpu.memref_slice %arg6[%dma_wait3A_544, %dma_wait3A_545] : memref<512x32xf32, #tpu.memory_space<vmem>> -> memref<128x32xf32, #tpu.memory_space<vmem>>
    %dma_wait3A_547 = arith.constant 0 : i32
    %dma_wait3A_548 = arith.constant 0 : i32
    %dma_wait3A_549 = tpu.memref_slice %arg2[%dma_wait3A_547, %dma_wait3A_548] : memref<1000000x32xf32, #tpu.memory_space<hbm>> -> memref<128x32xf32, #tpu.memory_space<hbm>>
    tpu.wait_dma2 semaphore(%arg10 : memref<!tpu.dma_semaphore, #tpu.memory_space<semaphore_mem>>) src(%dma_wait3A_549 : memref<128x32xf32, #tpu.memory_space<hbm>>) dst(%dma_wait3A_546 : memref<128x32xf32, #tpu.memory_space<vmem>>)
    %dma_wait3A_550 = arith.constant 256 : i32
    %dma_wait3A_551 = arith.constant 0 : i32
    %dma_wait3A_552 = tpu.memref_slice %arg6[%dma_wait3A_550, %dma_wait3A_551] : memref<512x32xf32, #tpu.memory_space<vmem>> -> memref<128x32xf32, #tpu.memory_space<vmem>>
    %dma_wait3A_553 = arith.constant 0 : i32
    %dma_wait3A_554 = arith.constant 0 : i32
    %dma_wait3A_555 = tpu.memref_slice %arg2[%dma_wait3A_553, %dma_wait3A_554] : memref<1000000x32xf32, #tpu.memory_space<hbm>> -> memref<128x32xf32, #tpu.memory_space<hbm>>
    %dma_wait3A_556 = arith.constant 256 : i32
    %dma_wait3A_557 = arith.constant 0 : i32
    %dma_wait3A_558 = tpu.memref_slice %arg6[%dma_wait3A_556, %dma_wait3A_557] : memref<512x32xf32, #tpu.memory_space<vmem>> -> memref<128x32xf32, #tpu.memory_space<vmem>>
    %dma_wait3A_559 = arith.constant 0 : i32
    %dma_wait3A_560 = arith.constant 0 : i32
    %dma_wait3A_561 = tpu.memref_slice %arg2[%dma_wait3A_559, %dma_wait3A_560] : memref<1000000x32xf32, #tpu.memory_space<hbm>> -> memref<128x32xf32, #tpu.memory_space<hbm>>
    tpu.wait_dma2 semaphore(%arg10 : memref<!tpu.dma_semaphore, #tpu.memory_space<semaphore_mem>>) src(%dma_wait3A_561 : memref<128x32xf32, #tpu.memory_space<hbm>>) dst(%dma_wait3A_558 : memref<128x32xf32, #tpu.memory_space<vmem>>)
    %dma_wait3A_562 = arith.constant 384 : i32
    %dma_wait3A_563 = arith.constant 0 : i32
    %dma_wait3A_564 = tpu.memref_slice %arg6[%dma_wait3A_562, %dma_wait3A_563] : memref<512x32xf32, #tpu.memory_space<vmem>> -> memref<128x32xf32, #tpu.memory_space<vmem>>
    %dma_wait3A_565 = arith.constant 0 : i32
    %dma_wait3A_566 = arith.constant 0 : i32
    %dma_wait3A_567 = tpu.memref_slice %arg2[%dma_wait3A_565, %dma_wait3A_566] : memref<1000000x32xf32, #tpu.memory_space<hbm>> -> memref<128x32xf32, #tpu.memory_space<hbm>>
    %dma_wait3A_568 = arith.constant 384 : i32
    %dma_wait3A_569 = arith.constant 0 : i32
    %dma_wait3A_570 = tpu.memref_slice %arg6[%dma_wait3A_568, %dma_wait3A_569] : memref<512x32xf32, #tpu.memory_space<vmem>> -> memref<128x32xf32, #tpu.memory_space<vmem>>
    %dma_wait3A_571 = arith.constant 0 : i32
    %dma_wait3A_572 = arith.constant 0 : i32
    %dma_wait3A_573 = tpu.memref_slice %arg2[%dma_wait3A_571, %dma_wait3A_572] : memref<1000000x32xf32, #tpu.memory_space<hbm>> -> memref<128x32xf32, #tpu.memory_space<hbm>>
    tpu.wait_dma2 semaphore(%arg10 : memref<!tpu.dma_semaphore, #tpu.memory_space<semaphore_mem>>) src(%dma_wait3A_573 : memref<128x32xf32, #tpu.memory_space<hbm>>) dst(%dma_wait3A_570 : memref<128x32xf32, #tpu.memory_space<vmem>>)
    %dma_wait3A_574 = arith.constant 0 : i32
    %dma_wait3A_575 = arith.constant 0 : i32
    %dma_wait3A_576 = arith.constant 0 : i32
    %dma_wait3A_577 = arith.constant 0 : i32
    %dma_wait3A_578 = arith.constant 0 : i32
    %dma_wait3A_579 = arith.constant 0 : i32
    %dma_wait3A_580 = tpu.memref_slice %arg8[%dma_wait3A_576, %dma_wait3A_577, %dma_wait3A_578, %dma_wait3A_579] : memref<4x4x8x133xf32, #tpu.memory_space<vmem>> -> memref<1x4x8x128xf32, #tpu.memory_space<vmem>>
    %dma_wait3A_581 = tpu.memref_squeeze %dma_wait3A_580 : memref<1x4x8x128xf32, #tpu.memory_space<vmem>> -> memref<4x8x128xf32, #tpu.memory_space<vmem>>
    %dma_wait3A_582 = arith.constant 0 : i32
    %dma_wait3A_583 = arith.constant 0 : i32
    %dma_wait3A_584 = arith.constant 0 : i32
    %dma_wait3A_585 = tpu.memref_slice %arg4[%dma_wait3A_574, %dma_wait3A_582, %dma_wait3A_575, %dma_wait3A_583, %dma_wait3A_584] : memref<20x4x128x8x128xf32, #tpu.memory_space<hbm>> -> memref<1x4x1x8x128xf32, #tpu.memory_space<hbm>>
    %dma_wait3A_586 = tpu.memref_squeeze %dma_wait3A_585 : memref<1x4x1x8x128xf32, #tpu.memory_space<hbm>> -> memref<4x8x128xf32, #tpu.memory_space<hbm>>
    %dma_wait3A_587 = arith.constant 0 : i32
    %dma_wait3A_588 = arith.constant 0 : i32
    %dma_wait3A_589 = arith.constant 0 : i32
    %dma_wait3A_590 = tpu.memref_slice %arg8[%dma_wait3A_576, %dma_wait3A_587, %dma_wait3A_588, %dma_wait3A_589] : memref<4x4x8x133xf32, #tpu.memory_space<vmem>> -> memref<1x4x8x128xf32, #tpu.memory_space<vmem>>
    %dma_wait3A_591 = tpu.memref_squeeze %dma_wait3A_590 : memref<1x4x8x128xf32, #tpu.memory_space<vmem>> -> memref<4x8x128xf32, #tpu.memory_space<vmem>>
    %dma_wait3A_592 = arith.constant 0 : i32
    %dma_wait3A_593 = arith.constant 0 : i32
    %dma_wait3A_594 = arith.constant 0 : i32
    %dma_wait3A_595 = tpu.memref_slice %arg4[%dma_wait3A_574, %dma_wait3A_592, %dma_wait3A_575, %dma_wait3A_593, %dma_wait3A_594] : memref<20x4x128x8x128xf32, #tpu.memory_space<hbm>> -> memref<1x4x1x8x128xf32, #tpu.memory_space<hbm>>
    %dma_wait3A_596 = tpu.memref_squeeze %dma_wait3A_595 : memref<1x4x1x8x128xf32, #tpu.memory_space<hbm>> -> memref<4x8x128xf32, #tpu.memory_space<hbm>>
    tpu.wait_dma2 semaphore(%arg12 : memref<!tpu.dma_semaphore, #tpu.memory_space<semaphore_mem>>) src(%dma_wait3A_596 : memref<4x8x128xf32, #tpu.memory_space<hbm>>) dst(%dma_wait3A_591 : memref<4x8x128xf32, #tpu.memory_space<vmem>>)
    %dma_wait3A_597 = arith.constant 0 : i32
    %dma_wait3A_598 = arith.constant 0 : i32
    %dma_wait3A_599 = arith.constant 1 : i32
    %dma_wait3A_600 = arith.constant 0 : i32
    %dma_wait3A_601 = arith.constant 0 : i32
    %dma_wait3A_602 = arith.constant 0 : i32
    %dma_wait3A_603 = tpu.memref_slice %arg8[%dma_wait3A_599, %dma_wait3A_600, %dma_wait3A_601, %dma_wait3A_602] : memref<4x4x8x133xf32, #tpu.memory_space<vmem>> -> memref<1x4x8x128xf32, #tpu.memory_space<vmem>>
    %dma_wait3A_604 = tpu.memref_squeeze %dma_wait3A_603 : memref<1x4x8x128xf32, #tpu.memory_space<vmem>> -> memref<4x8x128xf32, #tpu.memory_space<vmem>>
    %dma_wait3A_605 = arith.constant 0 : i32
    %dma_wait3A_606 = arith.constant 0 : i32
    %dma_wait3A_607 = arith.constant 0 : i32
    %dma_wait3A_608 = tpu.memref_slice %arg4[%dma_wait3A_597, %dma_wait3A_605, %dma_wait3A_598, %dma_wait3A_606, %dma_wait3A_607] : memref<20x4x128x8x128xf32, #tpu.memory_space<hbm>> -> memref<1x4x1x8x128xf32, #tpu.memory_space<hbm>>
    %dma_wait3A_609 = tpu.memref_squeeze %dma_wait3A_608 : memref<1x4x1x8x128xf32, #tpu.memory_space<hbm>> -> memref<4x8x128xf32, #tpu.memory_space<hbm>>
    %dma_wait3A_610 = arith.constant 0 : i32
    %dma_wait3A_611 = arith.constant 0 : i32
    %dma_wait3A_612 = arith.constant 0 : i32
    %dma_wait3A_613 = tpu.memref_slice %arg8[%dma_wait3A_599, %dma_wait3A_610, %dma_wait3A_611, %dma_wait3A_612] : memref<4x4x8x133xf32, #tpu.memory_space<vmem>> -> memref<1x4x8x128xf32, #tpu.memory_space<vmem>>
    %dma_wait3A_614 = tpu.memref_squeeze %dma_wait3A_613 : memref<1x4x8x128xf32, #tpu.memory_space<vmem>> -> memref<4x8x128xf32, #tpu.memory_space<vmem>>
    %dma_wait3A_615 = arith.constant 0 : i32
    %dma_wait3A_616 = arith.constant 0 : i32
    %dma_wait3A_617 = arith.constant 0 : i32
    %dma_wait3A_618 = tpu.memref_slice %arg4[%dma_wait3A_597, %dma_wait3A_615, %dma_wait3A_598, %dma_wait3A_616, %dma_wait3A_617] : memref<20x4x128x8x128xf32, #tpu.memory_space<hbm>> -> memref<1x4x1x8x128xf32, #tpu.memory_space<hbm>>
    %dma_wait3A_619 = tpu.memref_squeeze %dma_wait3A_618 : memref<1x4x1x8x128xf32, #tpu.memory_space<hbm>> -> memref<4x8x128xf32, #tpu.memory_space<hbm>>
    tpu.wait_dma2 semaphore(%arg12 : memref<!tpu.dma_semaphore, #tpu.memory_space<semaphore_mem>>) src(%dma_wait3A_619 : memref<4x8x128xf32, #tpu.memory_space<hbm>>) dst(%dma_wait3A_614 : memref<4x8x128xf32, #tpu.memory_space<vmem>>)
    %dma_wait3A_620 = arith.constant 0 : i32
    %dma_wait3A_621 = arith.constant 0 : i32
    %dma_wait3A_622 = arith.constant 2 : i32
    %dma_wait3A_623 = arith.constant 0 : i32
    %dma_wait3A_624 = arith.constant 0 : i32
    %dma_wait3A_625 = arith.constant 0 : i32
    %dma_wait3A_626 = tpu.memref_slice %arg8[%dma_wait3A_622, %dma_wait3A_623, %dma_wait3A_624, %dma_wait3A_625] : memref<4x4x8x133xf32, #tpu.memory_space<vmem>> -> memref<1x4x8x128xf32, #tpu.memory_space<vmem>>
    %dma_wait3A_627 = tpu.memref_squeeze %dma_wait3A_626 : memref<1x4x8x128xf32, #tpu.memory_space<vmem>> -> memref<4x8x128xf32, #tpu.memory_space<vmem>>
    %dma_wait3A_628 = arith.constant 0 : i32
    %dma_wait3A_629 = arith.constant 0 : i32
    %dma_wait3A_630 = arith.constant 0 : i32
    %dma_wait3A_631 = tpu.memref_slice %arg4[%dma_wait3A_620, %dma_wait3A_628, %dma_wait3A_621, %dma_wait3A_629, %dma_wait3A_630] : memref<20x4x128x8x128xf32, #tpu.memory_space<hbm>> -> memref<1x4x1x8x128xf32, #tpu.memory_space<hbm>>
    %dma_wait3A_632 = tpu.memref_squeeze %dma_wait3A_631 : memref<1x4x1x8x128xf32, #tpu.memory_space<hbm>> -> memref<4x8x128xf32, #tpu.memory_space<hbm>>
    %dma_wait3A_633 = arith.constant 0 : i32
    %dma_wait3A_634 = arith.constant 0 : i32
    %dma_wait3A_635 = arith.constant 0 : i32
    %dma_wait3A_636 = tpu.memref_slice %arg8[%dma_wait3A_622, %dma_wait3A_633, %dma_wait3A_634, %dma_wait3A_635] : memref<4x4x8x133xf32, #tpu.memory_space<vmem>> -> memref<1x4x8x128xf32, #tpu.memory_space<vmem>>
    %dma_wait3A_637 = tpu.memref_squeeze %dma_wait3A_636 : memref<1x4x8x128xf32, #tpu.memory_space<vmem>> -> memref<4x8x128xf32, #tpu.memory_space<vmem>>
    %dma_wait3A_638 = arith.constant 0 : i32
    %dma_wait3A_639 = arith.constant 0 : i32
    %dma_wait3A_640 = arith.constant 0 : i32
    %dma_wait3A_641 = tpu.memref_slice %arg4[%dma_wait3A_620, %dma_wait3A_638, %dma_wait3A_621, %dma_wait3A_639, %dma_wait3A_640] : memref<20x4x128x8x128xf32, #tpu.memory_space<hbm>> -> memref<1x4x1x8x128xf32, #tpu.memory_space<hbm>>
    %dma_wait3A_642 = tpu.memref_squeeze %dma_wait3A_641 : memref<1x4x1x8x128xf32, #tpu.memory_space<hbm>> -> memref<4x8x128xf32, #tpu.memory_space<hbm>>
    tpu.wait_dma2 semaphore(%arg12 : memref<!tpu.dma_semaphore, #tpu.memory_space<semaphore_mem>>) src(%dma_wait3A_642 : memref<4x8x128xf32, #tpu.memory_space<hbm>>) dst(%dma_wait3A_637 : memref<4x8x128xf32, #tpu.memory_space<vmem>>)
    %dma_wait3A_643 = arith.constant 0 : i32
    %dma_wait3A_644 = arith.constant 0 : i32
    %dma_wait3A_645 = arith.constant 3 : i32
    %dma_wait3A_646 = arith.constant 0 : i32
    %dma_wait3A_647 = arith.constant 0 : i32
    %dma_wait3A_648 = arith.constant 0 : i32
    %dma_wait3A_649 = tpu.memref_slice %arg8[%dma_wait3A_645, %dma_wait3A_646, %dma_wait3A_647, %dma_wait3A_648] : memref<4x4x8x133xf32, #tpu.memory_space<vmem>> -> memref<1x4x8x128xf32, #tpu.memory_space<vmem>>
    %dma_wait3A_650 = tpu.memref_squeeze %dma_wait3A_649 : memref<1x4x8x128xf32, #tpu.memory_space<vmem>> -> memref<4x8x128xf32, #tpu.memory_space<vmem>>
    %dma_wait3A_651 = arith.constant 0 : i32
    %dma_wait3A_652 = arith.constant 0 : i32
    %dma_wait3A_653 = arith.constant 0 : i32
    %dma_wait3A_654 = tpu.memref_slice %arg4[%dma_wait3A_643, %dma_wait3A_651, %dma_wait3A_644, %dma_wait3A_652, %dma_wait3A_653] : memref<20x4x128x8x128xf32, #tpu.memory_space<hbm>> -> memref<1x4x1x8x128xf32, #tpu.memory_space<hbm>>
    %dma_wait3A_655 = tpu.memref_squeeze %dma_wait3A_654 : memref<1x4x1x8x128xf32, #tpu.memory_space<hbm>> -> memref<4x8x128xf32, #tpu.memory_space<hbm>>
    %dma_wait3A_656 = arith.constant 0 : i32
    %dma_wait3A_657 = arith.constant 0 : i32
    %dma_wait3A_658 = arith.constant 0 : i32
    %dma_wait3A_659 = tpu.memref_slice %arg8[%dma_wait3A_645, %dma_wait3A_656, %dma_wait3A_657, %dma_wait3A_658] : memref<4x4x8x133xf32, #tpu.memory_space<vmem>> -> memref<1x4x8x128xf32, #tpu.memory_space<vmem>>
    %dma_wait3A_660 = tpu.memref_squeeze %dma_wait3A_659 : memref<1x4x8x128xf32, #tpu.memory_space<vmem>> -> memref<4x8x128xf32, #tpu.memory_space<vmem>>
    %dma_wait3A_661 = arith.constant 0 : i32
    %dma_wait3A_662 = arith.constant 0 : i32
    %dma_wait3A_663 = arith.constant 0 : i32
    %dma_wait3A_664 = tpu.memref_slice %arg4[%dma_wait3A_643, %dma_wait3A_661, %dma_wait3A_644, %dma_wait3A_662, %dma_wait3A_663] : memref<20x4x128x8x128xf32, #tpu.memory_space<hbm>> -> memref<1x4x1x8x128xf32, #tpu.memory_space<hbm>>
    %dma_wait3A_665 = tpu.memref_squeeze %dma_wait3A_664 : memref<1x4x1x8x128xf32, #tpu.memory_space<hbm>> -> memref<4x8x128xf32, #tpu.memory_space<hbm>>
    tpu.wait_dma2 semaphore(%arg12 : memref<!tpu.dma_semaphore, #tpu.memory_space<semaphore_mem>>) src(%dma_wait3A_665 : memref<4x8x128xf32, #tpu.memory_space<hbm>>) dst(%dma_wait3A_660 : memref<4x8x128xf32, #tpu.memory_space<vmem>>)
    %scan3A_666 = arith.constant 0 : i32
    %scan3A_667 = arith.constant 0 : i32
    %scan3A_668 = arith.constant 128 : i32
    %scan3A_669 = arith.addi %scan3A_667, %scan3A_668 : i32
    %scan3A_670 = arith.constant 1 : i32
    scf.for %scan3A_1210 = %scan3A_667 to %scan3A_669 step %scan3A_670  : i32 {
      %broadcast_in_dim3A_1211 = arith.constant 0 : i32
      %broadcast_in_dim3A_1212 = vector.broadcast %broadcast_in_dim3A_1211 : i32 to vector<16xi32>
      %add3A_1213 = vector.broadcast %scan3A_1210 : i32 to vector<16xi32>
      %add3A_1214 = arith.addi %broadcast_in_dim3A_1212, %add3A_1213 : vector<16xi32>
      %broadcast_in_dim3A_1215 = arith.constant 0 : i32
      %broadcast_in_dim3A_1216 = vector.broadcast %broadcast_in_dim3A_1215 : i32 to vector<16xi32>
      %add3A_1217 = arith.constant 0 : i32
      %add3A_1218 = arith.addi %add3A_1217, %scan3A_1210 : i32
      %get3A = arith.index_cast %add3A_1218 : i32 to index
      %get3A_1219 = arith.constant 0 : index
      %get3A_1220 = tpu.vector_load %arg6[%get3A, %get3A_1219] {strides = array<i32>} : memref<512x32xf32, #tpu.memory_space<vmem>>, vector<16xf32>,
      %add3A_1221 = arith.constant 0 : i32
      %add3A_1222 = arith.addi %add3A_1221, %scan3A_1210 : i32
      %get3A_1223 = arith.index_cast %add3A_1222 : i32 to index
      %get3A_1224 = arith.constant 16 : index
      %get3A_1225 = tpu.vector_load %arg6[%get3A_1223, %get3A_1224] {strides = array<i32>} : memref<512x32xf32, #tpu.memory_space<vmem>>, vector<16xf32>,
      tpu.vector_store_idx %arg8[%broadcast_in_dim3A_1216, %select_n3A, %select_n3A_45, %add3A_1214], %get3A_1220 : memref<4x4x8x133xf32, #tpu.memory_space<vmem>>[vector<16xi32>, vector<16xi32>, vector<16xi32>, vector<16xi32>], vector<16xf32>,
      %add3A_1226 = arith.addi %select_n3A, %broadcast_in_dim3A_46 : vector<16xi32>
      tpu.vector_store_idx %arg8[%broadcast_in_dim3A_1216, %add3A_1226, %select_n3A_45, %add3A_1214], %get3A_1225 : memref<4x4x8x133xf32, #tpu.memory_space<vmem>>[vector<16xi32>, vector<16xi32>, vector<16xi32>, vector<16xi32>], vector<16xf32>,
      %broadcast_in_dim3A_1227 = arith.constant 1 : i32
      %broadcast_in_dim3A_1228 = vector.broadcast %broadcast_in_dim3A_1227 : i32 to vector<16xi32>
      %add3A_1229 = arith.constant 128 : i32
      %add3A_1230 = arith.addi %add3A_1229, %scan3A_1210 : i32
      %get3A_1231 = arith.index_cast %add3A_1230 : i32 to index
      %get3A_1232 = arith.constant 0 : index
      %get3A_1233 = tpu.vector_load %arg6[%get3A_1231, %get3A_1232] {strides = array<i32>} : memref<512x32xf32, #tpu.memory_space<vmem>>, vector<16xf32>,
      %add3A_1234 = arith.constant 128 : i32
      %add3A_1235 = arith.addi %add3A_1234, %scan3A_1210 : i32
      %get3A_1236 = arith.index_cast %add3A_1235 : i32 to index
      %get3A_1237 = arith.constant 16 : index
      %get3A_1238 = tpu.vector_load %arg6[%get3A_1236, %get3A_1237] {strides = array<i32>} : memref<512x32xf32, #tpu.memory_space<vmem>>, vector<16xf32>,
      tpu.vector_store_idx %arg8[%broadcast_in_dim3A_1228, %select_n3A, %select_n3A_45, %add3A_1214], %get3A_1233 : memref<4x4x8x133xf32, #tpu.memory_space<vmem>>[vector<16xi32>, vector<16xi32>, vector<16xi32>, vector<16xi32>], vector<16xf32>,
      %add3A_1239 = arith.addi %select_n3A, %broadcast_in_dim3A_46 : vector<16xi32>
      tpu.vector_store_idx %arg8[%broadcast_in_dim3A_1228, %add3A_1239, %select_n3A_45, %add3A_1214], %get3A_1238 : memref<4x4x8x133xf32, #tpu.memory_space<vmem>>[vector<16xi32>, vector<16xi32>, vector<16xi32>, vector<16xi32>], vector<16xf32>,
      %broadcast_in_dim3A_1240 = arith.constant 2 : i32
      %broadcast_in_dim3A_1241 = vector.broadcast %broadcast_in_dim3A_1240 : i32 to vector<16xi32>
      %add3A_1242 = arith.constant 256 : i32
      %add3A_1243 = arith.addi %add3A_1242, %scan3A_1210 : i32
      %get3A_1244 = arith.index_cast %add3A_1243 : i32 to index
      %get3A_1245 = arith.constant 0 : index
      %get3A_1246 = tpu.vector_load %arg6[%get3A_1244, %get3A_1245] {strides = array<i32>} : memref<512x32xf32, #tpu.memory_space<vmem>>, vector<16xf32>,
      %add3A_1247 = arith.constant 256 : i32
      %add3A_1248 = arith.addi %add3A_1247, %scan3A_1210 : i32
      %get3A_1249 = arith.index_cast %add3A_1248 : i32 to index
      %get3A_1250 = arith.constant 16 : index
      %get3A_1251 = tpu.vector_load %arg6[%get3A_1249, %get3A_1250] {strides = array<i32>} : memref<512x32xf32, #tpu.memory_space<vmem>>, vector<16xf32>,
      tpu.vector_store_idx %arg8[%broadcast_in_dim3A_1241, %select_n3A, %select_n3A_45, %add3A_1214], %get3A_1246 : memref<4x4x8x133xf32, #tpu.memory_space<vmem>>[vector<16xi32>, vector<16xi32>, vector<16xi32>, vector<16xi32>], vector<16xf32>,
      %add3A_1252 = arith.addi %select_n3A, %broadcast_in_dim3A_46 : vector<16xi32>
      tpu.vector_store_idx %arg8[%broadcast_in_dim3A_1241, %add3A_1252, %select_n3A_45, %add3A_1214], %get3A_1251 : memref<4x4x8x133xf32, #tpu.memory_space<vmem>>[vector<16xi32>, vector<16xi32>, vector<16xi32>, vector<16xi32>], vector<16xf32>,
      %broadcast_in_dim3A_1253 = arith.constant 3 : i32
      %broadcast_in_dim3A_1254 = vector.broadcast %broadcast_in_dim3A_1253 : i32 to vector<16xi32>
      %add3A_1255 = arith.constant 384 : i32
      %add3A_1256 = arith.addi %add3A_1255, %scan3A_1210 : i32
      %get3A_1257 = arith.index_cast %add3A_1256 : i32 to index
      %get3A_1258 = arith.constant 0 : index
      %get3A_1259 = tpu.vector_load %arg6[%get3A_1257, %get3A_1258] {strides = array<i32>} : memref<512x32xf32, #tpu.memory_space<vmem>>, vector<16xf32>,
      %add3A_1260 = arith.constant 384 : i32
      %add3A_1261 = arith.addi %add3A_1260, %scan3A_1210 : i32
      %get3A_1262 = arith.index_cast %add3A_1261 : i32 to index
      %get3A_1263 = arith.constant 16 : index
      %get3A_1264 = tpu.vector_load %arg6[%get3A_1262, %get3A_1263] {strides = array<i32>} : memref<512x32xf32, #tpu.memory_space<vmem>>, vector<16xf32>,
      tpu.vector_store_idx %arg8[%broadcast_in_dim3A_1254, %select_n3A, %select_n3A_45, %add3A_1214], %get3A_1259 : memref<4x4x8x133xf32, #tpu.memory_space<vmem>>[vector<16xi32>, vector<16xi32>, vector<16xi32>, vector<16xi32>], vector<16xf32>,
      %add3A_1265 = arith.addi %select_n3A, %broadcast_in_dim3A_46 : vector<16xi32>
      tpu.vector_store_idx %arg8[%broadcast_in_dim3A_1254, %add3A_1265, %select_n3A_45, %add3A_1214], %get3A_1264 : memref<4x4x8x133xf32, #tpu.memory_space<vmem>>[vector<16xi32>, vector<16xi32>, vector<16xi32>, vector<16xi32>], vector<16xf32>,
    }
    %scan3A_671 = arith.constant 128 : i32
    %mul3A_672 = arith.constant 4 : i32
    %mul3A_673 = arith.muli %add3A, %mul3A_672 : i32
    %add3A_674 = arith.constant 0 : i32
    %add3A_675 = arith.addi %mul3A_673, %add3A_674 : i32
    %dma_start3A_676 = arith.constant 0 : i32
    %dma_start3A_677 = arith.constant 18 : i32
    %dma_start3A_678 = arith.constant 0 : i32
    %dma_start3A_679 = arith.constant 0 : i32
    %dma_start3A_680 = arith.constant 0 : i32
    %dma_start3A_681 = tpu.memref_slice %arg8[%dma_start3A_676, %dma_start3A_678, %dma_start3A_679, %dma_start3A_680] : memref<4x4x8x133xf32, #tpu.memory_space<vmem>> -> memref<1x4x8x128xf32, #tpu.memory_space<vmem>>
    %dma_start3A_682 = tpu.memref_squeeze %dma_start3A_681 : memref<1x4x8x128xf32, #tpu.memory_space<vmem>> -> memref<4x8x128xf32, #tpu.memory_space<vmem>>
    %dma_start3A_683 = arith.constant 0 : i32
    %dma_start3A_684 = arith.constant 0 : i32
    %dma_start3A_685 = arith.constant 0 : i32
    %dma_start3A_686 = tpu.memref_slice %arg4[%dma_start3A_677, %dma_start3A_683, %add3A_675, %dma_start3A_684, %dma_start3A_685] : memref<20x4x128x8x128xf32, #tpu.memory_space<hbm>> -> memref<1x4x1x8x128xf32, #tpu.memory_space<hbm>>
    %dma_start3A_687 = tpu.memref_squeeze %dma_start3A_686 : memref<1x4x1x8x128xf32, #tpu.memory_space<hbm>> -> memref<4x8x128xf32, #tpu.memory_space<hbm>>
    %dma_start3A_688 = arith.constant 0 : i32
    %dma_start3A_689 = arith.constant 0 : i32
    %dma_start3A_690 = arith.constant 0 : i32
    %dma_start3A_691 = tpu.memref_slice %arg4[%dma_start3A_677, %dma_start3A_688, %add3A_675, %dma_start3A_689, %dma_start3A_690] : memref<20x4x128x8x128xf32, #tpu.memory_space<hbm>> -> memref<1x4x1x8x128xf32, #tpu.memory_space<hbm>>
    %dma_start3A_692 = tpu.memref_squeeze %dma_start3A_691 : memref<1x4x1x8x128xf32, #tpu.memory_space<hbm>> -> memref<4x8x128xf32, #tpu.memory_space<hbm>>
    %dma_start3A_693 = arith.constant 0 : i32
    %dma_start3A_694 = arith.constant 0 : i32
    %dma_start3A_695 = arith.constant 0 : i32
    %dma_start3A_696 = tpu.memref_slice %arg8[%dma_start3A_676, %dma_start3A_693, %dma_start3A_694, %dma_start3A_695] : memref<4x4x8x133xf32, #tpu.memory_space<vmem>> -> memref<1x4x8x128xf32, #tpu.memory_space<vmem>>
    %dma_start3A_697 = tpu.memref_squeeze %dma_start3A_696 : memref<1x4x8x128xf32, #tpu.memory_space<vmem>> -> memref<4x8x128xf32, #tpu.memory_space<vmem>>
    tpu.enqueue_dma source(%dma_start3A_697 : memref<4x8x128xf32, #tpu.memory_space<vmem>>) target(%dma_start3A_692 : memref<4x8x128xf32, #tpu.memory_space<hbm>>) target_semaphore(%arg12 : memref<!tpu.dma_semaphore, #tpu.memory_space<semaphore_mem>>)
    %mul3A_698 = arith.constant 4 : i32
    %mul3A_699 = arith.muli %add3A, %mul3A_698 : i32
    %add3A_700 = arith.constant 1 : i32
    %add3A_701 = arith.addi %mul3A_699, %add3A_700 : i32
    %dma_start3A_702 = arith.constant 1 : i32
    %dma_start3A_703 = arith.constant 18 : i32
    %dma_start3A_704 = arith.constant 0 : i32
    %dma_start3A_705 = arith.constant 0 : i32
    %dma_start3A_706 = arith.constant 0 : i32
    %dma_start3A_707 = tpu.memref_slice %arg8[%dma_start3A_702, %dma_start3A_704, %dma_start3A_705, %dma_start3A_706] : memref<4x4x8x133xf32, #tpu.memory_space<vmem>> -> memref<1x4x8x128xf32, #tpu.memory_space<vmem>>
    %dma_start3A_708 = tpu.memref_squeeze %dma_start3A_707 : memref<1x4x8x128xf32, #tpu.memory_space<vmem>> -> memref<4x8x128xf32, #tpu.memory_space<vmem>>
    %dma_start3A_709 = arith.constant 0 : i32
    %dma_start3A_710 = arith.constant 0 : i32
    %dma_start3A_711 = arith.constant 0 : i32
    %dma_start3A_712 = tpu.memref_slice %arg4[%dma_start3A_703, %dma_start3A_709, %add3A_701, %dma_start3A_710, %dma_start3A_711] : memref<20x4x128x8x128xf32, #tpu.memory_space<hbm>> -> memref<1x4x1x8x128xf32, #tpu.memory_space<hbm>>
    %dma_start3A_713 = tpu.memref_squeeze %dma_start3A_712 : memref<1x4x1x8x128xf32, #tpu.memory_space<hbm>> -> memref<4x8x128xf32, #tpu.memory_space<hbm>>
    %dma_start3A_714 = arith.constant 0 : i32
    %dma_start3A_715 = arith.constant 0 : i32
    %dma_start3A_716 = arith.constant 0 : i32
    %dma_start3A_717 = tpu.memref_slice %arg4[%dma_start3A_703, %dma_start3A_714, %add3A_701, %dma_start3A_715, %dma_start3A_716] : memref<20x4x128x8x128xf32, #tpu.memory_space<hbm>> -> memref<1x4x1x8x128xf32, #tpu.memory_space<hbm>>
    %dma_start3A_718 = tpu.memref_squeeze %dma_start3A_717 : memref<1x4x1x8x128xf32, #tpu.memory_space<hbm>> -> memref<4x8x128xf32, #tpu.memory_space<hbm>>
    %dma_start3A_719 = arith.constant 0 : i32
    %dma_start3A_720 = arith.constant 0 : i32
    %dma_start3A_721 = arith.constant 0 : i32
    %dma_start3A_722 = tpu.memref_slice %arg8[%dma_start3A_702, %dma_start3A_719, %dma_start3A_720, %dma_start3A_721] : memref<4x4x8x133xf32, #tpu.memory_space<vmem>> -> memref<1x4x8x128xf32, #tpu.memory_space<vmem>>
    %dma_start3A_723 = tpu.memref_squeeze %dma_start3A_722 : memref<1x4x8x128xf32, #tpu.memory_space<vmem>> -> memref<4x8x128xf32, #tpu.memory_space<vmem>>
    tpu.enqueue_dma source(%dma_start3A_723 : memref<4x8x128xf32, #tpu.memory_space<vmem>>) target(%dma_start3A_718 : memref<4x8x128xf32, #tpu.memory_space<hbm>>) target_semaphore(%arg12 : memref<!tpu.dma_semaphore, #tpu.memory_space<semaphore_mem>>)
    %mul3A_724 = arith.constant 4 : i32
    %mul3A_725 = arith.muli %add3A, %mul3A_724 : i32
    %add3A_726 = arith.constant 2 : i32
    %add3A_727 = arith.addi %mul3A_725, %add3A_726 : i32
    %dma_start3A_728 = arith.constant 2 : i32
    %dma_start3A_729 = arith.constant 18 : i32
    %dma_start3A_730 = arith.constant 0 : i32
    %dma_start3A_731 = arith.constant 0 : i32
    %dma_start3A_732 = arith.constant 0 : i32
    %dma_start3A_733 = tpu.memref_slice %arg8[%dma_start3A_728, %dma_start3A_730, %dma_start3A_731, %dma_start3A_732] : memref<4x4x8x133xf32, #tpu.memory_space<vmem>> -> memref<1x4x8x128xf32, #tpu.memory_space<vmem>>
    %dma_start3A_734 = tpu.memref_squeeze %dma_start3A_733 : memref<1x4x8x128xf32, #tpu.memory_space<vmem>> -> memref<4x8x128xf32, #tpu.memory_space<vmem>>
    %dma_start3A_735 = arith.constant 0 : i32
    %dma_start3A_736 = arith.constant 0 : i32
    %dma_start3A_737 = arith.constant 0 : i32
    %dma_start3A_738 = tpu.memref_slice %arg4[%dma_start3A_729, %dma_start3A_735, %add3A_727, %dma_start3A_736, %dma_start3A_737] : memref<20x4x128x8x128xf32, #tpu.memory_space<hbm>> -> memref<1x4x1x8x128xf32, #tpu.memory_space<hbm>>
    %dma_start3A_739 = tpu.memref_squeeze %dma_start3A_738 : memref<1x4x1x8x128xf32, #tpu.memory_space<hbm>> -> memref<4x8x128xf32, #tpu.memory_space<hbm>>
    %dma_start3A_740 = arith.constant 0 : i32
    %dma_start3A_741 = arith.constant 0 : i32
    %dma_start3A_742 = arith.constant 0 : i32
    %dma_start3A_743 = tpu.memref_slice %arg4[%dma_start3A_729, %dma_start3A_740, %add3A_727, %dma_start3A_741, %dma_start3A_742] : memref<20x4x128x8x128xf32, #tpu.memory_space<hbm>> -> memref<1x4x1x8x128xf32, #tpu.memory_space<hbm>>
    %dma_start3A_744 = tpu.memref_squeeze %dma_start3A_743 : memref<1x4x1x8x128xf32, #tpu.memory_space<hbm>> -> memref<4x8x128xf32, #tpu.memory_space<hbm>>
    %dma_start3A_745 = arith.constant 0 : i32
    %dma_start3A_746 = arith.constant 0 : i32
    %dma_start3A_747 = arith.constant 0 : i32
    %dma_start3A_748 = tpu.memref_slice %arg8[%dma_start3A_728, %dma_start3A_745, %dma_start3A_746, %dma_start3A_747] : memref<4x4x8x133xf32, #tpu.memory_space<vmem>> -> memref<1x4x8x128xf32, #tpu.memory_space<vmem>>
    %dma_start3A_749 = tpu.memref_squeeze %dma_start3A_748 : memref<1x4x8x128xf32, #tpu.memory_space<vmem>> -> memref<4x8x128xf32, #tpu.memory_space<vmem>>
    tpu.enqueue_dma source(%dma_start3A_749 : memref<4x8x128xf32, #tpu.memory_space<vmem>>) target(%dma_start3A_744 : memref<4x8x128xf32, #tpu.memory_space<hbm>>) target_semaphore(%arg12 : memref<!tpu.dma_semaphore, #tpu.memory_space<semaphore_mem>>)
    %mul3A_750 = arith.constant 4 : i32
    %mul3A_751 = arith.muli %add3A, %mul3A_750 : i32
    %add3A_752 = arith.constant 3 : i32
    %add3A_753 = arith.addi %mul3A_751, %add3A_752 : i32
    %dma_start3A_754 = arith.constant 3 : i32
    %dma_start3A_755 = arith.constant 18 : i32
    %dma_start3A_756 = arith.constant 0 : i32
    %dma_start3A_757 = arith.constant 0 : i32
    %dma_start3A_758 = arith.constant 0 : i32
    %dma_start3A_759 = tpu.memref_slice %arg8[%dma_start3A_754, %dma_start3A_756, %dma_start3A_757, %dma_start3A_758] : memref<4x4x8x133xf32, #tpu.memory_space<vmem>> -> memref<1x4x8x128xf32, #tpu.memory_space<vmem>>
    %dma_start3A_760 = tpu.memref_squeeze %dma_start3A_759 : memref<1x4x8x128xf32, #tpu.memory_space<vmem>> -> memref<4x8x128xf32, #tpu.memory_space<vmem>>
    %dma_start3A_761 = arith.constant 0 : i32
    %dma_start3A_762 = arith.constant 0 : i32
    %dma_start3A_763 = arith.constant 0 : i32
    %dma_start3A_764 = tpu.memref_slice %arg4[%dma_start3A_755, %dma_start3A_761, %add3A_753, %dma_start3A_762, %dma_start3A_763] : memref<20x4x128x8x128xf32, #tpu.memory_space<hbm>> -> memref<1x4x1x8x128xf32, #tpu.memory_space<hbm>>
    %dma_start3A_765 = tpu.memref_squeeze %dma_start3A_764 : memref<1x4x1x8x128xf32, #tpu.memory_space<hbm>> -> memref<4x8x128xf32, #tpu.memory_space<hbm>>
    %dma_start3A_766 = arith.constant 0 : i32
    %dma_start3A_767 = arith.constant 0 : i32
    %dma_start3A_768 = arith.constant 0 : i32
    %dma_start3A_769 = tpu.memref_slice %arg4[%dma_start3A_755, %dma_start3A_766, %add3A_753, %dma_start3A_767, %dma_start3A_768] : memref<20x4x128x8x128xf32, #tpu.memory_space<hbm>> -> memref<1x4x1x8x128xf32, #tpu.memory_space<hbm>>
    %dma_start3A_770 = tpu.memref_squeeze %dma_start3A_769 : memref<1x4x1x8x128xf32, #tpu.memory_space<hbm>> -> memref<4x8x128xf32, #tpu.memory_space<hbm>>
    %dma_start3A_771 = arith.constant 0 : i32
    %dma_start3A_772 = arith.constant 0 : i32
    %dma_start3A_773 = arith.constant 0 : i32
    %dma_start3A_774 = tpu.memref_slice %arg8[%dma_start3A_754, %dma_start3A_771, %dma_start3A_772, %dma_start3A_773] : memref<4x4x8x133xf32, #tpu.memory_space<vmem>> -> memref<1x4x8x128xf32, #tpu.memory_space<vmem>>
    %dma_start3A_775 = tpu.memref_squeeze %dma_start3A_774 : memref<1x4x8x128xf32, #tpu.memory_space<vmem>> -> memref<4x8x128xf32, #tpu.memory_space<vmem>>
    tpu.enqueue_dma source(%dma_start3A_775 : memref<4x8x128xf32, #tpu.memory_space<vmem>>) target(%dma_start3A_770 : memref<4x8x128xf32, #tpu.memory_space<hbm>>) target_semaphore(%arg12 : memref<!tpu.dma_semaphore, #tpu.memory_space<semaphore_mem>>)
    %dma_wait3A_776 = arith.constant 0 : i32
    %dma_wait3A_777 = arith.constant 0 : i32
    %dma_wait3A_778 = tpu.memref_slice %arg7[%dma_wait3A_776, %dma_wait3A_777] : memref<512x32xf32, #tpu.memory_space<vmem>> -> memref<128x32xf32, #tpu.memory_space<vmem>>
    %dma_wait3A_779 = arith.constant 0 : i32
    %dma_wait3A_780 = arith.constant 0 : i32
    %dma_wait3A_781 = tpu.memref_slice %arg2[%dma_wait3A_779, %dma_wait3A_780] : memref<1000000x32xf32, #tpu.memory_space<hbm>> -> memref<128x32xf32, #tpu.memory_space<hbm>>
    %dma_wait3A_782 = arith.constant 0 : i32
    %dma_wait3A_783 = arith.constant 0 : i32
    %dma_wait3A_784 = tpu.memref_slice %arg7[%dma_wait3A_782, %dma_wait3A_783] : memref<512x32xf32, #tpu.memory_space<vmem>> -> memref<128x32xf32, #tpu.memory_space<vmem>>
    %dma_wait3A_785 = arith.constant 0 : i32
    %dma_wait3A_786 = arith.constant 0 : i32
    %dma_wait3A_787 = tpu.memref_slice %arg2[%dma_wait3A_785, %dma_wait3A_786] : memref<1000000x32xf32, #tpu.memory_space<hbm>> -> memref<128x32xf32, #tpu.memory_space<hbm>>
    tpu.wait_dma2 semaphore(%arg11 : memref<!tpu.dma_semaphore, #tpu.memory_space<semaphore_mem>>) src(%dma_wait3A_787 : memref<128x32xf32, #tpu.memory_space<hbm>>) dst(%dma_wait3A_784 : memref<128x32xf32, #tpu.memory_space<vmem>>)
    %dma_wait3A_788 = arith.constant 128 : i32
    %dma_wait3A_789 = arith.constant 0 : i32
    %dma_wait3A_790 = tpu.memref_slice %arg7[%dma_wait3A_788, %dma_wait3A_789] : memref<512x32xf32, #tpu.memory_space<vmem>> -> memref<128x32xf32, #tpu.memory_space<vmem>>
    %dma_wait3A_791 = arith.constant 0 : i32
    %dma_wait3A_792 = arith.constant 0 : i32
    %dma_wait3A_793 = tpu.memref_slice %arg2[%dma_wait3A_791, %dma_wait3A_792] : memref<1000000x32xf32, #tpu.memory_space<hbm>> -> memref<128x32xf32, #tpu.memory_space<hbm>>
    %dma_wait3A_794 = arith.constant 128 : i32
    %dma_wait3A_795 = arith.constant 0 : i32
    %dma_wait3A_796 = tpu.memref_slice %arg7[%dma_wait3A_794, %dma_wait3A_795] : memref<512x32xf32, #tpu.memory_space<vmem>> -> memref<128x32xf32, #tpu.memory_space<vmem>>
    %dma_wait3A_797 = arith.constant 0 : i32
    %dma_wait3A_798 = arith.constant 0 : i32
    %dma_wait3A_799 = tpu.memref_slice %arg2[%dma_wait3A_797, %dma_wait3A_798] : memref<1000000x32xf32, #tpu.memory_space<hbm>> -> memref<128x32xf32, #tpu.memory_space<hbm>>
    tpu.wait_dma2 semaphore(%arg11 : memref<!tpu.dma_semaphore, #tpu.memory_space<semaphore_mem>>) src(%dma_wait3A_799 : memref<128x32xf32, #tpu.memory_space<hbm>>) dst(%dma_wait3A_796 : memref<128x32xf32, #tpu.memory_space<vmem>>)
    %dma_wait3A_800 = arith.constant 256 : i32
    %dma_wait3A_801 = arith.constant 0 : i32
    %dma_wait3A_802 = tpu.memref_slice %arg7[%dma_wait3A_800, %dma_wait3A_801] : memref<512x32xf32, #tpu.memory_space<vmem>> -> memref<128x32xf32, #tpu.memory_space<vmem>>
    %dma_wait3A_803 = arith.constant 0 : i32
    %dma_wait3A_804 = arith.constant 0 : i32
    %dma_wait3A_805 = tpu.memref_slice %arg2[%dma_wait3A_803, %dma_wait3A_804] : memref<1000000x32xf32, #tpu.memory_space<hbm>> -> memref<128x32xf32, #tpu.memory_space<hbm>>
    %dma_wait3A_806 = arith.constant 256 : i32
    %dma_wait3A_807 = arith.constant 0 : i32
    %dma_wait3A_808 = tpu.memref_slice %arg7[%dma_wait3A_806, %dma_wait3A_807] : memref<512x32xf32, #tpu.memory_space<vmem>> -> memref<128x32xf32, #tpu.memory_space<vmem>>
    %dma_wait3A_809 = arith.constant 0 : i32
    %dma_wait3A_810 = arith.constant 0 : i32
    %dma_wait3A_811 = tpu.memref_slice %arg2[%dma_wait3A_809, %dma_wait3A_810] : memref<1000000x32xf32, #tpu.memory_space<hbm>> -> memref<128x32xf32, #tpu.memory_space<hbm>>
    tpu.wait_dma2 semaphore(%arg11 : memref<!tpu.dma_semaphore, #tpu.memory_space<semaphore_mem>>) src(%dma_wait3A_811 : memref<128x32xf32, #tpu.memory_space<hbm>>) dst(%dma_wait3A_808 : memref<128x32xf32, #tpu.memory_space<vmem>>)
    %dma_wait3A_812 = arith.constant 384 : i32
    %dma_wait3A_813 = arith.constant 0 : i32
    %dma_wait3A_814 = tpu.memref_slice %arg7[%dma_wait3A_812, %dma_wait3A_813] : memref<512x32xf32, #tpu.memory_space<vmem>> -> memref<128x32xf32, #tpu.memory_space<vmem>>
    %dma_wait3A_815 = arith.constant 0 : i32
    %dma_wait3A_816 = arith.constant 0 : i32
    %dma_wait3A_817 = tpu.memref_slice %arg2[%dma_wait3A_815, %dma_wait3A_816] : memref<1000000x32xf32, #tpu.memory_space<hbm>> -> memref<128x32xf32, #tpu.memory_space<hbm>>
    %dma_wait3A_818 = arith.constant 384 : i32
    %dma_wait3A_819 = arith.constant 0 : i32
    %dma_wait3A_820 = tpu.memref_slice %arg7[%dma_wait3A_818, %dma_wait3A_819] : memref<512x32xf32, #tpu.memory_space<vmem>> -> memref<128x32xf32, #tpu.memory_space<vmem>>
    %dma_wait3A_821 = arith.constant 0 : i32
    %dma_wait3A_822 = arith.constant 0 : i32
    %dma_wait3A_823 = tpu.memref_slice %arg2[%dma_wait3A_821, %dma_wait3A_822] : memref<1000000x32xf32, #tpu.memory_space<hbm>> -> memref<128x32xf32, #tpu.memory_space<hbm>>
    tpu.wait_dma2 semaphore(%arg11 : memref<!tpu.dma_semaphore, #tpu.memory_space<semaphore_mem>>) src(%dma_wait3A_823 : memref<128x32xf32, #tpu.memory_space<hbm>>) dst(%dma_wait3A_820 : memref<128x32xf32, #tpu.memory_space<vmem>>)
    %dma_wait3A_824 = arith.constant 0 : i32
    %dma_wait3A_825 = arith.constant 0 : i32
    %dma_wait3A_826 = arith.constant 0 : i32
    %dma_wait3A_827 = arith.constant 0 : i32
    %dma_wait3A_828 = arith.constant 0 : i32
    %dma_wait3A_829 = arith.constant 0 : i32
    %dma_wait3A_830 = tpu.memref_slice %arg9[%dma_wait3A_826, %dma_wait3A_827, %dma_wait3A_828, %dma_wait3A_829] : memref<4x4x8x133xf32, #tpu.memory_space<vmem>> -> memref<1x4x8x128xf32, #tpu.memory_space<vmem>>
    %dma_wait3A_831 = tpu.memref_squeeze %dma_wait3A_830 : memref<1x4x8x128xf32, #tpu.memory_space<vmem>> -> memref<4x8x128xf32, #tpu.memory_space<vmem>>
    %dma_wait3A_832 = arith.constant 0 : i32
    %dma_wait3A_833 = arith.constant 0 : i32
    %dma_wait3A_834 = arith.constant 0 : i32
    %dma_wait3A_835 = tpu.memref_slice %arg4[%dma_wait3A_824, %dma_wait3A_832, %dma_wait3A_825, %dma_wait3A_833, %dma_wait3A_834] : memref<20x4x128x8x128xf32, #tpu.memory_space<hbm>> -> memref<1x4x1x8x128xf32, #tpu.memory_space<hbm>>
    %dma_wait3A_836 = tpu.memref_squeeze %dma_wait3A_835 : memref<1x4x1x8x128xf32, #tpu.memory_space<hbm>> -> memref<4x8x128xf32, #tpu.memory_space<hbm>>
    %dma_wait3A_837 = arith.constant 0 : i32
    %dma_wait3A_838 = arith.constant 0 : i32
    %dma_wait3A_839 = arith.constant 0 : i32
    %dma_wait3A_840 = tpu.memref_slice %arg9[%dma_wait3A_826, %dma_wait3A_837, %dma_wait3A_838, %dma_wait3A_839] : memref<4x4x8x133xf32, #tpu.memory_space<vmem>> -> memref<1x4x8x128xf32, #tpu.memory_space<vmem>>
    %dma_wait3A_841 = tpu.memref_squeeze %dma_wait3A_840 : memref<1x4x8x128xf32, #tpu.memory_space<vmem>> -> memref<4x8x128xf32, #tpu.memory_space<vmem>>
    %dma_wait3A_842 = arith.constant 0 : i32
    %dma_wait3A_843 = arith.constant 0 : i32
    %dma_wait3A_844 = arith.constant 0 : i32
    %dma_wait3A_845 = tpu.memref_slice %arg4[%dma_wait3A_824, %dma_wait3A_842, %dma_wait3A_825, %dma_wait3A_843, %dma_wait3A_844] : memref<20x4x128x8x128xf32, #tpu.memory_space<hbm>> -> memref<1x4x1x8x128xf32, #tpu.memory_space<hbm>>
    %dma_wait3A_846 = tpu.memref_squeeze %dma_wait3A_845 : memref<1x4x1x8x128xf32, #tpu.memory_space<hbm>> -> memref<4x8x128xf32, #tpu.memory_space<hbm>>
    tpu.wait_dma2 semaphore(%arg13 : memref<!tpu.dma_semaphore, #tpu.memory_space<semaphore_mem>>) src(%dma_wait3A_846 : memref<4x8x128xf32, #tpu.memory_space<hbm>>) dst(%dma_wait3A_841 : memref<4x8x128xf32, #tpu.memory_space<vmem>>)
    %dma_wait3A_847 = arith.constant 0 : i32
    %dma_wait3A_848 = arith.constant 0 : i32
    %dma_wait3A_849 = arith.constant 1 : i32
    %dma_wait3A_850 = arith.constant 0 : i32
    %dma_wait3A_851 = arith.constant 0 : i32
    %dma_wait3A_852 = arith.constant 0 : i32
    %dma_wait3A_853 = tpu.memref_slice %arg9[%dma_wait3A_849, %dma_wait3A_850, %dma_wait3A_851, %dma_wait3A_852] : memref<4x4x8x133xf32, #tpu.memory_space<vmem>> -> memref<1x4x8x128xf32, #tpu.memory_space<vmem>>
    %dma_wait3A_854 = tpu.memref_squeeze %dma_wait3A_853 : memref<1x4x8x128xf32, #tpu.memory_space<vmem>> -> memref<4x8x128xf32, #tpu.memory_space<vmem>>
    %dma_wait3A_855 = arith.constant 0 : i32
    %dma_wait3A_856 = arith.constant 0 : i32
    %dma_wait3A_857 = arith.constant 0 : i32
    %dma_wait3A_858 = tpu.memref_slice %arg4[%dma_wait3A_847, %dma_wait3A_855, %dma_wait3A_848, %dma_wait3A_856, %dma_wait3A_857] : memref<20x4x128x8x128xf32, #tpu.memory_space<hbm>> -> memref<1x4x1x8x128xf32, #tpu.memory_space<hbm>>
    %dma_wait3A_859 = tpu.memref_squeeze %dma_wait3A_858 : memref<1x4x1x8x128xf32, #tpu.memory_space<hbm>> -> memref<4x8x128xf32, #tpu.memory_space<hbm>>
    %dma_wait3A_860 = arith.constant 0 : i32
    %dma_wait3A_861 = arith.constant 0 : i32
    %dma_wait3A_862 = arith.constant 0 : i32
    %dma_wait3A_863 = tpu.memref_slice %arg9[%dma_wait3A_849, %dma_wait3A_860, %dma_wait3A_861, %dma_wait3A_862] : memref<4x4x8x133xf32, #tpu.memory_space<vmem>> -> memref<1x4x8x128xf32, #tpu.memory_space<vmem>>
    %dma_wait3A_864 = tpu.memref_squeeze %dma_wait3A_863 : memref<1x4x8x128xf32, #tpu.memory_space<vmem>> -> memref<4x8x128xf32, #tpu.memory_space<vmem>>
    %dma_wait3A_865 = arith.constant 0 : i32
    %dma_wait3A_866 = arith.constant 0 : i32
    %dma_wait3A_867 = arith.constant 0 : i32
    %dma_wait3A_868 = tpu.memref_slice %arg4[%dma_wait3A_847, %dma_wait3A_865, %dma_wait3A_848, %dma_wait3A_866, %dma_wait3A_867] : memref<20x4x128x8x128xf32, #tpu.memory_space<hbm>> -> memref<1x4x1x8x128xf32, #tpu.memory_space<hbm>>
    %dma_wait3A_869 = tpu.memref_squeeze %dma_wait3A_868 : memref<1x4x1x8x128xf32, #tpu.memory_space<hbm>> -> memref<4x8x128xf32, #tpu.memory_space<hbm>>
    tpu.wait_dma2 semaphore(%arg13 : memref<!tpu.dma_semaphore, #tpu.memory_space<semaphore_mem>>) src(%dma_wait3A_869 : memref<4x8x128xf32, #tpu.memory_space<hbm>>) dst(%dma_wait3A_864 : memref<4x8x128xf32, #tpu.memory_space<vmem>>)
    %dma_wait3A_870 = arith.constant 0 : i32
    %dma_wait3A_871 = arith.constant 0 : i32
    %dma_wait3A_872 = arith.constant 2 : i32
    %dma_wait3A_873 = arith.constant 0 : i32
    %dma_wait3A_874 = arith.constant 0 : i32
    %dma_wait3A_875 = arith.constant 0 : i32
    %dma_wait3A_876 = tpu.memref_slice %arg9[%dma_wait3A_872, %dma_wait3A_873, %dma_wait3A_874, %dma_wait3A_875] : memref<4x4x8x133xf32, #tpu.memory_space<vmem>> -> memref<1x4x8x128xf32, #tpu.memory_space<vmem>>
    %dma_wait3A_877 = tpu.memref_squeeze %dma_wait3A_876 : memref<1x4x8x128xf32, #tpu.memory_space<vmem>> -> memref<4x8x128xf32, #tpu.memory_space<vmem>>
    %dma_wait3A_878 = arith.constant 0 : i32
    %dma_wait3A_879 = arith.constant 0 : i32
    %dma_wait3A_880 = arith.constant 0 : i32
    %dma_wait3A_881 = tpu.memref_slice %arg4[%dma_wait3A_870, %dma_wait3A_878, %dma_wait3A_871, %dma_wait3A_879, %dma_wait3A_880] : memref<20x4x128x8x128xf32, #tpu.memory_space<hbm>> -> memref<1x4x1x8x128xf32, #tpu.memory_space<hbm>>
    %dma_wait3A_882 = tpu.memref_squeeze %dma_wait3A_881 : memref<1x4x1x8x128xf32, #tpu.memory_space<hbm>> -> memref<4x8x128xf32, #tpu.memory_space<hbm>>
    %dma_wait3A_883 = arith.constant 0 : i32
    %dma_wait3A_884 = arith.constant 0 : i32
    %dma_wait3A_885 = arith.constant 0 : i32
    %dma_wait3A_886 = tpu.memref_slice %arg9[%dma_wait3A_872, %dma_wait3A_883, %dma_wait3A_884, %dma_wait3A_885] : memref<4x4x8x133xf32, #tpu.memory_space<vmem>> -> memref<1x4x8x128xf32, #tpu.memory_space<vmem>>
    %dma_wait3A_887 = tpu.memref_squeeze %dma_wait3A_886 : memref<1x4x8x128xf32, #tpu.memory_space<vmem>> -> memref<4x8x128xf32, #tpu.memory_space<vmem>>
    %dma_wait3A_888 = arith.constant 0 : i32
    %dma_wait3A_889 = arith.constant 0 : i32
    %dma_wait3A_890 = arith.constant 0 : i32
    %dma_wait3A_891 = tpu.memref_slice %arg4[%dma_wait3A_870, %dma_wait3A_888, %dma_wait3A_871, %dma_wait3A_889, %dma_wait3A_890] : memref<20x4x128x8x128xf32, #tpu.memory_space<hbm>> -> memref<1x4x1x8x128xf32, #tpu.memory_space<hbm>>
    %dma_wait3A_892 = tpu.memref_squeeze %dma_wait3A_891 : memref<1x4x1x8x128xf32, #tpu.memory_space<hbm>> -> memref<4x8x128xf32, #tpu.memory_space<hbm>>
    tpu.wait_dma2 semaphore(%arg13 : memref<!tpu.dma_semaphore, #tpu.memory_space<semaphore_mem>>) src(%dma_wait3A_892 : memref<4x8x128xf32, #tpu.memory_space<hbm>>) dst(%dma_wait3A_887 : memref<4x8x128xf32, #tpu.memory_space<vmem>>)
    %dma_wait3A_893 = arith.constant 0 : i32
    %dma_wait3A_894 = arith.constant 0 : i32
    %dma_wait3A_895 = arith.constant 3 : i32
    %dma_wait3A_896 = arith.constant 0 : i32
    %dma_wait3A_897 = arith.constant 0 : i32
    %dma_wait3A_898 = arith.constant 0 : i32
    %dma_wait3A_899 = tpu.memref_slice %arg9[%dma_wait3A_895, %dma_wait3A_896, %dma_wait3A_897, %dma_wait3A_898] : memref<4x4x8x133xf32, #tpu.memory_space<vmem>> -> memref<1x4x8x128xf32, #tpu.memory_space<vmem>>
    %dma_wait3A_900 = tpu.memref_squeeze %dma_wait3A_899 : memref<1x4x8x128xf32, #tpu.memory_space<vmem>> -> memref<4x8x128xf32, #tpu.memory_space<vmem>>
    %dma_wait3A_901 = arith.constant 0 : i32
    %dma_wait3A_902 = arith.constant 0 : i32
    %dma_wait3A_903 = arith.constant 0 : i32
    %dma_wait3A_904 = tpu.memref_slice %arg4[%dma_wait3A_893, %dma_wait3A_901, %dma_wait3A_894, %dma_wait3A_902, %dma_wait3A_903] : memref<20x4x128x8x128xf32, #tpu.memory_space<hbm>> -> memref<1x4x1x8x128xf32, #tpu.memory_space<hbm>>
    %dma_wait3A_905 = tpu.memref_squeeze %dma_wait3A_904 : memref<1x4x1x8x128xf32, #tpu.memory_space<hbm>> -> memref<4x8x128xf32, #tpu.memory_space<hbm>>
    %dma_wait3A_906 = arith.constant 0 : i32
    %dma_wait3A_907 = arith.constant 0 : i32
    %dma_wait3A_908 = arith.constant 0 : i32
    %dma_wait3A_909 = tpu.memref_slice %arg9[%dma_wait3A_895, %dma_wait3A_906, %dma_wait3A_907, %dma_wait3A_908] : memref<4x4x8x133xf32, #tpu.memory_space<vmem>> -> memref<1x4x8x128xf32, #tpu.memory_space<vmem>>
    %dma_wait3A_910 = tpu.memref_squeeze %dma_wait3A_909 : memref<1x4x8x128xf32, #tpu.memory_space<vmem>> -> memref<4x8x128xf32, #tpu.memory_space<vmem>>
    %dma_wait3A_911 = arith.constant 0 : i32
    %dma_wait3A_912 = arith.constant 0 : i32
    %dma_wait3A_913 = arith.constant 0 : i32
    %dma_wait3A_914 = tpu.memref_slice %arg4[%dma_wait3A_893, %dma_wait3A_911, %dma_wait3A_894, %dma_wait3A_912, %dma_wait3A_913] : memref<20x4x128x8x128xf32, #tpu.memory_space<hbm>> -> memref<1x4x1x8x128xf32, #tpu.memory_space<hbm>>
    %dma_wait3A_915 = tpu.memref_squeeze %dma_wait3A_914 : memref<1x4x1x8x128xf32, #tpu.memory_space<hbm>> -> memref<4x8x128xf32, #tpu.memory_space<hbm>>
    tpu.wait_dma2 semaphore(%arg13 : memref<!tpu.dma_semaphore, #tpu.memory_space<semaphore_mem>>) src(%dma_wait3A_915 : memref<4x8x128xf32, #tpu.memory_space<hbm>>) dst(%dma_wait3A_910 : memref<4x8x128xf32, #tpu.memory_space<vmem>>)
    %scan3A_916 = arith.constant 0 : i32
    %scan3A_917 = arith.constant 0 : i32
    %scan3A_918 = arith.constant 128 : i32
    %scan3A_919 = arith.addi %scan3A_917, %scan3A_918 : i32
    %scan3A_920 = arith.constant 1 : i32
    scf.for %scan3A_1210 = %scan3A_917 to %scan3A_919 step %scan3A_920  : i32 {
      %broadcast_in_dim3A_1211 = arith.constant 0 : i32
      %broadcast_in_dim3A_1212 = vector.broadcast %broadcast_in_dim3A_1211 : i32 to vector<16xi32>
      %add3A_1213 = vector.broadcast %scan3A_1210 : i32 to vector<16xi32>
      %add3A_1214 = arith.addi %broadcast_in_dim3A_1212, %add3A_1213 : vector<16xi32>
      %broadcast_in_dim3A_1215 = arith.constant 0 : i32
      %broadcast_in_dim3A_1216 = vector.broadcast %broadcast_in_dim3A_1215 : i32 to vector<16xi32>
      %add3A_1217 = arith.constant 0 : i32
      %add3A_1218 = arith.addi %add3A_1217, %scan3A_1210 : i32
      %get3A = arith.index_cast %add3A_1218 : i32 to index
      %get3A_1219 = arith.constant 0 : index
      %get3A_1220 = tpu.vector_load %arg7[%get3A, %get3A_1219] {strides = array<i32>} : memref<512x32xf32, #tpu.memory_space<vmem>>, vector<16xf32>,
      %add3A_1221 = arith.constant 0 : i32
      %add3A_1222 = arith.addi %add3A_1221, %scan3A_1210 : i32
      %get3A_1223 = arith.index_cast %add3A_1222 : i32 to index
      %get3A_1224 = arith.constant 16 : index
      %get3A_1225 = tpu.vector_load %arg7[%get3A_1223, %get3A_1224] {strides = array<i32>} : memref<512x32xf32, #tpu.memory_space<vmem>>, vector<16xf32>,
      tpu.vector_store_idx %arg9[%broadcast_in_dim3A_1216, %select_n3A, %select_n3A_45, %add3A_1214], %get3A_1220 : memref<4x4x8x133xf32, #tpu.memory_space<vmem>>[vector<16xi32>, vector<16xi32>, vector<16xi32>, vector<16xi32>], vector<16xf32>,
      %add3A_1226 = arith.addi %select_n3A, %broadcast_in_dim3A_46 : vector<16xi32>
      tpu.vector_store_idx %arg9[%broadcast_in_dim3A_1216, %add3A_1226, %select_n3A_45, %add3A_1214], %get3A_1225 : memref<4x4x8x133xf32, #tpu.memory_space<vmem>>[vector<16xi32>, vector<16xi32>, vector<16xi32>, vector<16xi32>], vector<16xf32>,
      %broadcast_in_dim3A_1227 = arith.constant 1 : i32
      %broadcast_in_dim3A_1228 = vector.broadcast %broadcast_in_dim3A_1227 : i32 to vector<16xi32>
      %add3A_1229 = arith.constant 128 : i32
      %add3A_1230 = arith.addi %add3A_1229, %scan3A_1210 : i32
      %get3A_1231 = arith.index_cast %add3A_1230 : i32 to index
      %get3A_1232 = arith.constant 0 : index
      %get3A_1233 = tpu.vector_load %arg7[%get3A_1231, %get3A_1232] {strides = array<i32>} : memref<512x32xf32, #tpu.memory_space<vmem>>, vector<16xf32>,
      %add3A_1234 = arith.constant 128 : i32
      %add3A_1235 = arith.addi %add3A_1234, %scan3A_1210 : i32
      %get3A_1236 = arith.index_cast %add3A_1235 : i32 to index
      %get3A_1237 = arith.constant 16 : index
      %get3A_1238 = tpu.vector_load %arg7[%get3A_1236, %get3A_1237] {strides = array<i32>} : memref<512x32xf32, #tpu.memory_space<vmem>>, vector<16xf32>,
      tpu.vector_store_idx %arg9[%broadcast_in_dim3A_1228, %select_n3A, %select_n3A_45, %add3A_1214], %get3A_1233 : memref<4x4x8x133xf32, #tpu.memory_space<vmem>>[vector<16xi32>, vector<16xi32>, vector<16xi32>, vector<16xi32>], vector<16xf32>,
      %add3A_1239 = arith.addi %select_n3A, %broadcast_in_dim3A_46 : vector<16xi32>
      tpu.vector_store_idx %arg9[%broadcast_in_dim3A_1228, %add3A_1239, %select_n3A_45, %add3A_1214], %get3A_1238 : memref<4x4x8x133xf32, #tpu.memory_space<vmem>>[vector<16xi32>, vector<16xi32>, vector<16xi32>, vector<16xi32>], vector<16xf32>,
      %broadcast_in_dim3A_1240 = arith.constant 2 : i32
      %broadcast_in_dim3A_1241 = vector.broadcast %broadcast_in_dim3A_1240 : i32 to vector<16xi32>
      %add3A_1242 = arith.constant 256 : i32
      %add3A_1243 = arith.addi %add3A_1242, %scan3A_1210 : i32
      %get3A_1244 = arith.index_cast %add3A_1243 : i32 to index
      %get3A_1245 = arith.constant 0 : index
      %get3A_1246 = tpu.vector_load %arg7[%get3A_1244, %get3A_1245] {strides = array<i32>} : memref<512x32xf32, #tpu.memory_space<vmem>>, vector<16xf32>,
      %add3A_1247 = arith.constant 256 : i32
      %add3A_1248 = arith.addi %add3A_1247, %scan3A_1210 : i32
      %get3A_1249 = arith.index_cast %add3A_1248 : i32 to index
      %get3A_1250 = arith.constant 16 : index
      %get3A_1251 = tpu.vector_load %arg7[%get3A_1249, %get3A_1250] {strides = array<i32>} : memref<512x32xf32, #tpu.memory_space<vmem>>, vector<16xf32>,
      tpu.vector_store_idx %arg9[%broadcast_in_dim3A_1241, %select_n3A, %select_n3A_45, %add3A_1214], %get3A_1246 : memref<4x4x8x133xf32, #tpu.memory_space<vmem>>[vector<16xi32>, vector<16xi32>, vector<16xi32>, vector<16xi32>], vector<16xf32>,
      %add3A_1252 = arith.addi %select_n3A, %broadcast_in_dim3A_46 : vector<16xi32>
      tpu.vector_store_idx %arg9[%broadcast_in_dim3A_1241, %add3A_1252, %select_n3A_45, %add3A_1214], %get3A_1251 : memref<4x4x8x133xf32, #tpu.memory_space<vmem>>[vector<16xi32>, vector<16xi32>, vector<16xi32>, vector<16xi32>], vector<16xf32>,
      %broadcast_in_dim3A_1253 = arith.constant 3 : i32
      %broadcast_in_dim3A_1254 = vector.broadcast %broadcast_in_dim3A_1253 : i32 to vector<16xi32>
      %add3A_1255 = arith.constant 384 : i32
      %add3A_1256 = arith.addi %add3A_1255, %scan3A_1210 : i32
      %get3A_1257 = arith.index_cast %add3A_1256 : i32 to index
      %get3A_1258 = arith.constant 0 : index
      %get3A_1259 = tpu.vector_load %arg7[%get3A_1257, %get3A_1258] {strides = array<i32>} : memref<512x32xf32, #tpu.memory_space<vmem>>, vector<16xf32>,
      %add3A_1260 = arith.constant 384 : i32
      %add3A_1261 = arith.addi %add3A_1260, %scan3A_1210 : i32
      %get3A_1262 = arith.index_cast %add3A_1261 : i32 to index
      %get3A_1263 = arith.constant 16 : index
      %get3A_1264 = tpu.vector_load %arg7[%get3A_1262, %get3A_1263] {strides = array<i32>} : memref<512x32xf32, #tpu.memory_space<vmem>>, vector<16xf32>,
      tpu.vector_store_idx %arg9[%broadcast_in_dim3A_1254, %select_n3A, %select_n3A_45, %add3A_1214], %get3A_1259 : memref<4x4x8x133xf32, #tpu.memory_space<vmem>>[vector<16xi32>, vector<16xi32>, vector<16xi32>, vector<16xi32>], vector<16xf32>,
      %add3A_1265 = arith.addi %select_n3A, %broadcast_in_dim3A_46 : vector<16xi32>
      tpu.vector_store_idx %arg9[%broadcast_in_dim3A_1254, %add3A_1265, %select_n3A_45, %add3A_1214], %get3A_1264 : memref<4x4x8x133xf32, #tpu.memory_space<vmem>>[vector<16xi32>, vector<16xi32>, vector<16xi32>, vector<16xi32>], vector<16xf32>,
    }
    %scan3A_921 = arith.constant 128 : i32
    %mul3A_922 = arith.constant 4 : i32
    %mul3A_923 = arith.muli %add3A, %mul3A_922 : i32
    %add3A_924 = arith.constant 0 : i32
    %add3A_925 = arith.addi %mul3A_923, %add3A_924 : i32
    %dma_start3A_926 = arith.constant 0 : i32
    %dma_start3A_927 = arith.constant 19 : i32
    %dma_start3A_928 = arith.constant 0 : i32
    %dma_start3A_929 = arith.constant 0 : i32
    %dma_start3A_930 = arith.constant 0 : i32
    %dma_start3A_931 = tpu.memref_slice %arg9[%dma_start3A_926, %dma_start3A_928, %dma_start3A_929, %dma_start3A_930] : memref<4x4x8x133xf32, #tpu.memory_space<vmem>> -> memref<1x4x8x128xf32, #tpu.memory_space<vmem>>
    %dma_start3A_932 = tpu.memref_squeeze %dma_start3A_931 : memref<1x4x8x128xf32, #tpu.memory_space<vmem>> -> memref<4x8x128xf32, #tpu.memory_space<vmem>>
    %dma_start3A_933 = arith.constant 0 : i32
    %dma_start3A_934 = arith.constant 0 : i32
    %dma_start3A_935 = arith.constant 0 : i32
    %dma_start3A_936 = tpu.memref_slice %arg4[%dma_start3A_927, %dma_start3A_933, %add3A_925, %dma_start3A_934, %dma_start3A_935] : memref<20x4x128x8x128xf32, #tpu.memory_space<hbm>> -> memref<1x4x1x8x128xf32, #tpu.memory_space<hbm>>
    %dma_start3A_937 = tpu.memref_squeeze %dma_start3A_936 : memref<1x4x1x8x128xf32, #tpu.memory_space<hbm>> -> memref<4x8x128xf32, #tpu.memory_space<hbm>>
    %dma_start3A_938 = arith.constant 0 : i32
    %dma_start3A_939 = arith.constant 0 : i32
    %dma_start3A_940 = arith.constant 0 : i32
    %dma_start3A_941 = tpu.memref_slice %arg4[%dma_start3A_927, %dma_start3A_938, %add3A_925, %dma_start3A_939, %dma_start3A_940] : memref<20x4x128x8x128xf32, #tpu.memory_space<hbm>> -> memref<1x4x1x8x128xf32, #tpu.memory_space<hbm>>
    %dma_start3A_942 = tpu.memref_squeeze %dma_start3A_941 : memref<1x4x1x8x128xf32, #tpu.memory_space<hbm>> -> memref<4x8x128xf32, #tpu.memory_space<hbm>>
    %dma_start3A_943 = arith.constant 0 : i32
    %dma_start3A_944 = arith.constant 0 : i32
    %dma_start3A_945 = arith.constant 0 : i32
    %dma_start3A_946 = tpu.memref_slice %arg9[%dma_start3A_926, %dma_start3A_943, %dma_start3A_944, %dma_start3A_945] : memref<4x4x8x133xf32, #tpu.memory_space<vmem>> -> memref<1x4x8x128xf32, #tpu.memory_space<vmem>>
    %dma_start3A_947 = tpu.memref_squeeze %dma_start3A_946 : memref<1x4x8x128xf32, #tpu.memory_space<vmem>> -> memref<4x8x128xf32, #tpu.memory_space<vmem>>
    tpu.enqueue_dma source(%dma_start3A_947 : memref<4x8x128xf32, #tpu.memory_space<vmem>>) target(%dma_start3A_942 : memref<4x8x128xf32, #tpu.memory_space<hbm>>) target_semaphore(%arg13 : memref<!tpu.dma_semaphore, #tpu.memory_space<semaphore_mem>>)
    %mul3A_948 = arith.constant 4 : i32
    %mul3A_949 = arith.muli %add3A, %mul3A_948 : i32
    %add3A_950 = arith.constant 1 : i32
    %add3A_951 = arith.addi %mul3A_949, %add3A_950 : i32
    %dma_start3A_952 = arith.constant 1 : i32
    %dma_start3A_953 = arith.constant 19 : i32
    %dma_start3A_954 = arith.constant 0 : i32
    %dma_start3A_955 = arith.constant 0 : i32
    %dma_start3A_956 = arith.constant 0 : i32
    %dma_start3A_957 = tpu.memref_slice %arg9[%dma_start3A_952, %dma_start3A_954, %dma_start3A_955, %dma_start3A_956] : memref<4x4x8x133xf32, #tpu.memory_space<vmem>> -> memref<1x4x8x128xf32, #tpu.memory_space<vmem>>
    %dma_start3A_958 = tpu.memref_squeeze %dma_start3A_957 : memref<1x4x8x128xf32, #tpu.memory_space<vmem>> -> memref<4x8x128xf32, #tpu.memory_space<vmem>>
    %dma_start3A_959 = arith.constant 0 : i32
    %dma_start3A_960 = arith.constant 0 : i32
    %dma_start3A_961 = arith.constant 0 : i32
    %dma_start3A_962 = tpu.memref_slice %arg4[%dma_start3A_953, %dma_start3A_959, %add3A_951, %dma_start3A_960, %dma_start3A_961] : memref<20x4x128x8x128xf32, #tpu.memory_space<hbm>> -> memref<1x4x1x8x128xf32, #tpu.memory_space<hbm>>
    %dma_start3A_963 = tpu.memref_squeeze %dma_start3A_962 : memref<1x4x1x8x128xf32, #tpu.memory_space<hbm>> -> memref<4x8x128xf32, #tpu.memory_space<hbm>>
    %dma_start3A_964 = arith.constant 0 : i32
    %dma_start3A_965 = arith.constant 0 : i32
    %dma_start3A_966 = arith.constant 0 : i32
    %dma_start3A_967 = tpu.memref_slice %arg4[%dma_start3A_953, %dma_start3A_964, %add3A_951, %dma_start3A_965, %dma_start3A_966] : memref<20x4x128x8x128xf32, #tpu.memory_space<hbm>> -> memref<1x4x1x8x128xf32, #tpu.memory_space<hbm>>
    %dma_start3A_968 = tpu.memref_squeeze %dma_start3A_967 : memref<1x4x1x8x128xf32, #tpu.memory_space<hbm>> -> memref<4x8x128xf32, #tpu.memory_space<hbm>>
    %dma_start3A_969 = arith.constant 0 : i32
    %dma_start3A_970 = arith.constant 0 : i32
    %dma_start3A_971 = arith.constant 0 : i32
    %dma_start3A_972 = tpu.memref_slice %arg9[%dma_start3A_952, %dma_start3A_969, %dma_start3A_970, %dma_start3A_971] : memref<4x4x8x133xf32, #tpu.memory_space<vmem>> -> memref<1x4x8x128xf32, #tpu.memory_space<vmem>>
    %dma_start3A_973 = tpu.memref_squeeze %dma_start3A_972 : memref<1x4x8x128xf32, #tpu.memory_space<vmem>> -> memref<4x8x128xf32, #tpu.memory_space<vmem>>
    tpu.enqueue_dma source(%dma_start3A_973 : memref<4x8x128xf32, #tpu.memory_space<vmem>>) target(%dma_start3A_968 : memref<4x8x128xf32, #tpu.memory_space<hbm>>) target_semaphore(%arg13 : memref<!tpu.dma_semaphore, #tpu.memory_space<semaphore_mem>>)
    %mul3A_974 = arith.constant 4 : i32
    %mul3A_975 = arith.muli %add3A, %mul3A_974 : i32
    %add3A_976 = arith.constant 2 : i32
    %add3A_977 = arith.addi %mul3A_975, %add3A_976 : i32
    %dma_start3A_978 = arith.constant 2 : i32
    %dma_start3A_979 = arith.constant 19 : i32
    %dma_start3A_980 = arith.constant 0 : i32
    %dma_start3A_981 = arith.constant 0 : i32
    %dma_start3A_982 = arith.constant 0 : i32
    %dma_start3A_983 = tpu.memref_slice %arg9[%dma_start3A_978, %dma_start3A_980, %dma_start3A_981, %dma_start3A_982] : memref<4x4x8x133xf32, #tpu.memory_space<vmem>> -> memref<1x4x8x128xf32, #tpu.memory_space<vmem>>
    %dma_start3A_984 = tpu.memref_squeeze %dma_start3A_983 : memref<1x4x8x128xf32, #tpu.memory_space<vmem>> -> memref<4x8x128xf32, #tpu.memory_space<vmem>>
    %dma_start3A_985 = arith.constant 0 : i32
    %dma_start3A_986 = arith.constant 0 : i32
    %dma_start3A_987 = arith.constant 0 : i32
    %dma_start3A_988 = tpu.memref_slice %arg4[%dma_start3A_979, %dma_start3A_985, %add3A_977, %dma_start3A_986, %dma_start3A_987] : memref<20x4x128x8x128xf32, #tpu.memory_space<hbm>> -> memref<1x4x1x8x128xf32, #tpu.memory_space<hbm>>
    %dma_start3A_989 = tpu.memref_squeeze %dma_start3A_988 : memref<1x4x1x8x128xf32, #tpu.memory_space<hbm>> -> memref<4x8x128xf32, #tpu.memory_space<hbm>>
    %dma_start3A_990 = arith.constant 0 : i32
    %dma_start3A_991 = arith.constant 0 : i32
    %dma_start3A_992 = arith.constant 0 : i32
    %dma_start3A_993 = tpu.memref_slice %arg4[%dma_start3A_979, %dma_start3A_990, %add3A_977, %dma_start3A_991, %dma_start3A_992] : memref<20x4x128x8x128xf32, #tpu.memory_space<hbm>> -> memref<1x4x1x8x128xf32, #tpu.memory_space<hbm>>
    %dma_start3A_994 = tpu.memref_squeeze %dma_start3A_993 : memref<1x4x1x8x128xf32, #tpu.memory_space<hbm>> -> memref<4x8x128xf32, #tpu.memory_space<hbm>>
    %dma_start3A_995 = arith.constant 0 : i32
    %dma_start3A_996 = arith.constant 0 : i32
    %dma_start3A_997 = arith.constant 0 : i32
    %dma_start3A_998 = tpu.memref_slice %arg9[%dma_start3A_978, %dma_start3A_995, %dma_start3A_996, %dma_start3A_997] : memref<4x4x8x133xf32, #tpu.memory_space<vmem>> -> memref<1x4x8x128xf32, #tpu.memory_space<vmem>>
    %dma_start3A_999 = tpu.memref_squeeze %dma_start3A_998 : memref<1x4x8x128xf32, #tpu.memory_space<vmem>> -> memref<4x8x128xf32, #tpu.memory_space<vmem>>
    tpu.enqueue_dma source(%dma_start3A_999 : memref<4x8x128xf32, #tpu.memory_space<vmem>>) target(%dma_start3A_994 : memref<4x8x128xf32, #tpu.memory_space<hbm>>) target_semaphore(%arg13 : memref<!tpu.dma_semaphore, #tpu.memory_space<semaphore_mem>>)
    %mul3A_1000 = arith.constant 4 : i32
    %mul3A_1001 = arith.muli %add3A, %mul3A_1000 : i32
    %add3A_1002 = arith.constant 3 : i32
    %add3A_1003 = arith.addi %mul3A_1001, %add3A_1002 : i32
    %dma_start3A_1004 = arith.constant 3 : i32
    %dma_start3A_1005 = arith.constant 19 : i32
    %dma_start3A_1006 = arith.constant 0 : i32
    %dma_start3A_1007 = arith.constant 0 : i32
    %dma_start3A_1008 = arith.constant 0 : i32
    %dma_start3A_1009 = tpu.memref_slice %arg9[%dma_start3A_1004, %dma_start3A_1006, %dma_start3A_1007, %dma_start3A_1008] : memref<4x4x8x133xf32, #tpu.memory_space<vmem>> -> memref<1x4x8x128xf32, #tpu.memory_space<vmem>>
    %dma_start3A_1010 = tpu.memref_squeeze %dma_start3A_1009 : memref<1x4x8x128xf32, #tpu.memory_space<vmem>> -> memref<4x8x128xf32, #tpu.memory_space<vmem>>
    %dma_start3A_1011 = arith.constant 0 : i32
    %dma_start3A_1012 = arith.constant 0 : i32
    %dma_start3A_1013 = arith.constant 0 : i32
    %dma_start3A_1014 = tpu.memref_slice %arg4[%dma_start3A_1005, %dma_start3A_1011, %add3A_1003, %dma_start3A_1012, %dma_start3A_1013] : memref<20x4x128x8x128xf32, #tpu.memory_space<hbm>> -> memref<1x4x1x8x128xf32, #tpu.memory_space<hbm>>
    %dma_start3A_1015 = tpu.memref_squeeze %dma_start3A_1014 : memref<1x4x1x8x128xf32, #tpu.memory_space<hbm>> -> memref<4x8x128xf32, #tpu.memory_space<hbm>>
    %dma_start3A_1016 = arith.constant 0 : i32
    %dma_start3A_1017 = arith.constant 0 : i32
    %dma_start3A_1018 = arith.constant 0 : i32
    %dma_start3A_1019 = tpu.memref_slice %arg4[%dma_start3A_1005, %dma_start3A_1016, %add3A_1003, %dma_start3A_1017, %dma_start3A_1018] : memref<20x4x128x8x128xf32, #tpu.memory_space<hbm>> -> memref<1x4x1x8x128xf32, #tpu.memory_space<hbm>>
    %dma_start3A_1020 = tpu.memref_squeeze %dma_start3A_1019 : memref<1x4x1x8x128xf32, #tpu.memory_space<hbm>> -> memref<4x8x128xf32, #tpu.memory_space<hbm>>
    %dma_start3A_1021 = arith.constant 0 : i32
    %dma_start3A_1022 = arith.constant 0 : i32
    %dma_start3A_1023 = arith.constant 0 : i32
    %dma_start3A_1024 = tpu.memref_slice %arg9[%dma_start3A_1004, %dma_start3A_1021, %dma_start3A_1022, %dma_start3A_1023] : memref<4x4x8x133xf32, #tpu.memory_space<vmem>> -> memref<1x4x8x128xf32, #tpu.memory_space<vmem>>
    %dma_start3A_1025 = tpu.memref_squeeze %dma_start3A_1024 : memref<1x4x8x128xf32, #tpu.memory_space<vmem>> -> memref<4x8x128xf32, #tpu.memory_space<vmem>>
    tpu.enqueue_dma source(%dma_start3A_1025 : memref<4x8x128xf32, #tpu.memory_space<vmem>>) target(%dma_start3A_1020 : memref<4x8x128xf32, #tpu.memory_space<hbm>>) target_semaphore(%arg13 : memref<!tpu.dma_semaphore, #tpu.memory_space<semaphore_mem>>)
    %dma_wait3A_1026 = arith.constant 0 : i32
    %dma_wait3A_1027 = arith.constant 0 : i32
    %dma_wait3A_1028 = arith.constant 0 : i32
    %dma_wait3A_1029 = arith.constant 0 : i32
    %dma_wait3A_1030 = arith.constant 0 : i32
    %dma_wait3A_1031 = arith.constant 0 : i32
    %dma_wait3A_1032 = tpu.memref_slice %arg8[%dma_wait3A_1028, %dma_wait3A_1029, %dma_wait3A_1030, %dma_wait3A_1031] : memref<4x4x8x133xf32, #tpu.memory_space<vmem>> -> memref<1x4x8x128xf32, #tpu.memory_space<vmem>>
    %dma_wait3A_1033 = tpu.memref_squeeze %dma_wait3A_1032 : memref<1x4x8x128xf32, #tpu.memory_space<vmem>> -> memref<4x8x128xf32, #tpu.memory_space<vmem>>
    %dma_wait3A_1034 = arith.constant 0 : i32
    %dma_wait3A_1035 = arith.constant 0 : i32
    %dma_wait3A_1036 = arith.constant 0 : i32
    %dma_wait3A_1037 = tpu.memref_slice %arg4[%dma_wait3A_1026, %dma_wait3A_1034, %dma_wait3A_1027, %dma_wait3A_1035, %dma_wait3A_1036] : memref<20x4x128x8x128xf32, #tpu.memory_space<hbm>> -> memref<1x4x1x8x128xf32, #tpu.memory_space<hbm>>
    %dma_wait3A_1038 = tpu.memref_squeeze %dma_wait3A_1037 : memref<1x4x1x8x128xf32, #tpu.memory_space<hbm>> -> memref<4x8x128xf32, #tpu.memory_space<hbm>>
    %dma_wait3A_1039 = arith.constant 0 : i32
    %dma_wait3A_1040 = arith.constant 0 : i32
    %dma_wait3A_1041 = arith.constant 0 : i32
    %dma_wait3A_1042 = tpu.memref_slice %arg8[%dma_wait3A_1028, %dma_wait3A_1039, %dma_wait3A_1040, %dma_wait3A_1041] : memref<4x4x8x133xf32, #tpu.memory_space<vmem>> -> memref<1x4x8x128xf32, #tpu.memory_space<vmem>>
    %dma_wait3A_1043 = tpu.memref_squeeze %dma_wait3A_1042 : memref<1x4x8x128xf32, #tpu.memory_space<vmem>> -> memref<4x8x128xf32, #tpu.memory_space<vmem>>
    %dma_wait3A_1044 = arith.constant 0 : i32
    %dma_wait3A_1045 = arith.constant 0 : i32
    %dma_wait3A_1046 = arith.constant 0 : i32
    %dma_wait3A_1047 = tpu.memref_slice %arg4[%dma_wait3A_1026, %dma_wait3A_1044, %dma_wait3A_1027, %dma_wait3A_1045, %dma_wait3A_1046] : memref<20x4x128x8x128xf32, #tpu.memory_space<hbm>> -> memref<1x4x1x8x128xf32, #tpu.memory_space<hbm>>
    %dma_wait3A_1048 = tpu.memref_squeeze %dma_wait3A_1047 : memref<1x4x1x8x128xf32, #tpu.memory_space<hbm>> -> memref<4x8x128xf32, #tpu.memory_space<hbm>>
    tpu.wait_dma2 semaphore(%arg12 : memref<!tpu.dma_semaphore, #tpu.memory_space<semaphore_mem>>) src(%dma_wait3A_1048 : memref<4x8x128xf32, #tpu.memory_space<hbm>>) dst(%dma_wait3A_1043 : memref<4x8x128xf32, #tpu.memory_space<vmem>>)
    %dma_wait3A_1049 = arith.constant 0 : i32
    %dma_wait3A_1050 = arith.constant 0 : i32
    %dma_wait3A_1051 = arith.constant 1 : i32
    %dma_wait3A_1052 = arith.constant 0 : i32
    %dma_wait3A_1053 = arith.constant 0 : i32
    %dma_wait3A_1054 = arith.constant 0 : i32
    %dma_wait3A_1055 = tpu.memref_slice %arg8[%dma_wait3A_1051, %dma_wait3A_1052, %dma_wait3A_1053, %dma_wait3A_1054] : memref<4x4x8x133xf32, #tpu.memory_space<vmem>> -> memref<1x4x8x128xf32, #tpu.memory_space<vmem>>
    %dma_wait3A_1056 = tpu.memref_squeeze %dma_wait3A_1055 : memref<1x4x8x128xf32, #tpu.memory_space<vmem>> -> memref<4x8x128xf32, #tpu.memory_space<vmem>>
    %dma_wait3A_1057 = arith.constant 0 : i32
    %dma_wait3A_1058 = arith.constant 0 : i32
    %dma_wait3A_1059 = arith.constant 0 : i32
    %dma_wait3A_1060 = tpu.memref_slice %arg4[%dma_wait3A_1049, %dma_wait3A_1057, %dma_wait3A_1050, %dma_wait3A_1058, %dma_wait3A_1059] : memref<20x4x128x8x128xf32, #tpu.memory_space<hbm>> -> memref<1x4x1x8x128xf32, #tpu.memory_space<hbm>>
    %dma_wait3A_1061 = tpu.memref_squeeze %dma_wait3A_1060 : memref<1x4x1x8x128xf32, #tpu.memory_space<hbm>> -> memref<4x8x128xf32, #tpu.memory_space<hbm>>
    %dma_wait3A_1062 = arith.constant 0 : i32
    %dma_wait3A_1063 = arith.constant 0 : i32
    %dma_wait3A_1064 = arith.constant 0 : i32
    %dma_wait3A_1065 = tpu.memref_slice %arg8[%dma_wait3A_1051, %dma_wait3A_1062, %dma_wait3A_1063, %dma_wait3A_1064] : memref<4x4x8x133xf32, #tpu.memory_space<vmem>> -> memref<1x4x8x128xf32, #tpu.memory_space<vmem>>
    %dma_wait3A_1066 = tpu.memref_squeeze %dma_wait3A_1065 : memref<1x4x8x128xf32, #tpu.memory_space<vmem>> -> memref<4x8x128xf32, #tpu.memory_space<vmem>>
    %dma_wait3A_1067 = arith.constant 0 : i32
    %dma_wait3A_1068 = arith.constant 0 : i32
    %dma_wait3A_1069 = arith.constant 0 : i32
    %dma_wait3A_1070 = tpu.memref_slice %arg4[%dma_wait3A_1049, %dma_wait3A_1067, %dma_wait3A_1050, %dma_wait3A_1068, %dma_wait3A_1069] : memref<20x4x128x8x128xf32, #tpu.memory_space<hbm>> -> memref<1x4x1x8x128xf32, #tpu.memory_space<hbm>>
    %dma_wait3A_1071 = tpu.memref_squeeze %dma_wait3A_1070 : memref<1x4x1x8x128xf32, #tpu.memory_space<hbm>> -> memref<4x8x128xf32, #tpu.memory_space<hbm>>
    tpu.wait_dma2 semaphore(%arg12 : memref<!tpu.dma_semaphore, #tpu.memory_space<semaphore_mem>>) src(%dma_wait3A_1071 : memref<4x8x128xf32, #tpu.memory_space<hbm>>) dst(%dma_wait3A_1066 : memref<4x8x128xf32, #tpu.memory_space<vmem>>)
    %dma_wait3A_1072 = arith.constant 0 : i32
    %dma_wait3A_1073 = arith.constant 0 : i32
    %dma_wait3A_1074 = arith.constant 2 : i32
    %dma_wait3A_1075 = arith.constant 0 : i32
    %dma_wait3A_1076 = arith.constant 0 : i32
    %dma_wait3A_1077 = arith.constant 0 : i32
    %dma_wait3A_1078 = tpu.memref_slice %arg8[%dma_wait3A_1074, %dma_wait3A_1075, %dma_wait3A_1076, %dma_wait3A_1077] : memref<4x4x8x133xf32, #tpu.memory_space<vmem>> -> memref<1x4x8x128xf32, #tpu.memory_space<vmem>>
    %dma_wait3A_1079 = tpu.memref_squeeze %dma_wait3A_1078 : memref<1x4x8x128xf32, #tpu.memory_space<vmem>> -> memref<4x8x128xf32, #tpu.memory_space<vmem>>
    %dma_wait3A_1080 = arith.constant 0 : i32
    %dma_wait3A_1081 = arith.constant 0 : i32
    %dma_wait3A_1082 = arith.constant 0 : i32
    %dma_wait3A_1083 = tpu.memref_slice %arg4[%dma_wait3A_1072, %dma_wait3A_1080, %dma_wait3A_1073, %dma_wait3A_1081, %dma_wait3A_1082] : memref<20x4x128x8x128xf32, #tpu.memory_space<hbm>> -> memref<1x4x1x8x128xf32, #tpu.memory_space<hbm>>
    %dma_wait3A_1084 = tpu.memref_squeeze %dma_wait3A_1083 : memref<1x4x1x8x128xf32, #tpu.memory_space<hbm>> -> memref<4x8x128xf32, #tpu.memory_space<hbm>>
    %dma_wait3A_1085 = arith.constant 0 : i32
    %dma_wait3A_1086 = arith.constant 0 : i32
    %dma_wait3A_1087 = arith.constant 0 : i32
    %dma_wait3A_1088 = tpu.memref_slice %arg8[%dma_wait3A_1074, %dma_wait3A_1085, %dma_wait3A_1086, %dma_wait3A_1087] : memref<4x4x8x133xf32, #tpu.memory_space<vmem>> -> memref<1x4x8x128xf32, #tpu.memory_space<vmem>>
    %dma_wait3A_1089 = tpu.memref_squeeze %dma_wait3A_1088 : memref<1x4x8x128xf32, #tpu.memory_space<vmem>> -> memref<4x8x128xf32, #tpu.memory_space<vmem>>
    %dma_wait3A_1090 = arith.constant 0 : i32
    %dma_wait3A_1091 = arith.constant 0 : i32
    %dma_wait3A_1092 = arith.constant 0 : i32
    %dma_wait3A_1093 = tpu.memref_slice %arg4[%dma_wait3A_1072, %dma_wait3A_1090, %dma_wait3A_1073, %dma_wait3A_1091, %dma_wait3A_1092] : memref<20x4x128x8x128xf32, #tpu.memory_space<hbm>> -> memref<1x4x1x8x128xf32, #tpu.memory_space<hbm>>
    %dma_wait3A_1094 = tpu.memref_squeeze %dma_wait3A_1093 : memref<1x4x1x8x128xf32, #tpu.memory_space<hbm>> -> memref<4x8x128xf32, #tpu.memory_space<hbm>>
    tpu.wait_dma2 semaphore(%arg12 : memref<!tpu.dma_semaphore, #tpu.memory_space<semaphore_mem>>) src(%dma_wait3A_1094 : memref<4x8x128xf32, #tpu.memory_space<hbm>>) dst(%dma_wait3A_1089 : memref<4x8x128xf32, #tpu.memory_space<vmem>>)
    %dma_wait3A_1095 = arith.constant 0 : i32
    %dma_wait3A_1096 = arith.constant 0 : i32
    %dma_wait3A_1097 = arith.constant 3 : i32
    %dma_wait3A_1098 = arith.constant 0 : i32
    %dma_wait3A_1099 = arith.constant 0 : i32
    %dma_wait3A_1100 = arith.constant 0 : i32
    %dma_wait3A_1101 = tpu.memref_slice %arg8[%dma_wait3A_1097, %dma_wait3A_1098, %dma_wait3A_1099, %dma_wait3A_1100] : memref<4x4x8x133xf32, #tpu.memory_space<vmem>> -> memref<1x4x8x128xf32, #tpu.memory_space<vmem>>
    %dma_wait3A_1102 = tpu.memref_squeeze %dma_wait3A_1101 : memref<1x4x8x128xf32, #tpu.memory_space<vmem>> -> memref<4x8x128xf32, #tpu.memory_space<vmem>>
    %dma_wait3A_1103 = arith.constant 0 : i32
    %dma_wait3A_1104 = arith.constant 0 : i32
    %dma_wait3A_1105 = arith.constant 0 : i32
    %dma_wait3A_1106 = tpu.memref_slice %arg4[%dma_wait3A_1095, %dma_wait3A_1103, %dma_wait3A_1096, %dma_wait3A_1104, %dma_wait3A_1105] : memref<20x4x128x8x128xf32, #tpu.memory_space<hbm>> -> memref<1x4x1x8x128xf32, #tpu.memory_space<hbm>>
    %dma_wait3A_1107 = tpu.memref_squeeze %dma_wait3A_1106 : memref<1x4x1x8x128xf32, #tpu.memory_space<hbm>> -> memref<4x8x128xf32, #tpu.memory_space<hbm>>
    %dma_wait3A_1108 = arith.constant 0 : i32
    %dma_wait3A_1109 = arith.constant 0 : i32
    %dma_wait3A_1110 = arith.constant 0 : i32
    %dma_wait3A_1111 = tpu.memref_slice %arg8[%dma_wait3A_1097, %dma_wait3A_1108, %dma_wait3A_1109, %dma_wait3A_1110] : memref<4x4x8x133xf32, #tpu.memory_space<vmem>> -> memref<1x4x8x128xf32, #tpu.memory_space<vmem>>
    %dma_wait3A_1112 = tpu.memref_squeeze %dma_wait3A_1111 : memref<1x4x8x128xf32, #tpu.memory_space<vmem>> -> memref<4x8x128xf32, #tpu.memory_space<vmem>>
    %dma_wait3A_1113 = arith.constant 0 : i32
    %dma_wait3A_1114 = arith.constant 0 : i32
    %dma_wait3A_1115 = arith.constant 0 : i32
    %dma_wait3A_1116 = tpu.memref_slice %arg4[%dma_wait3A_1095, %dma_wait3A_1113, %dma_wait3A_1096, %dma_wait3A_1114, %dma_wait3A_1115] : memref<20x4x128x8x128xf32, #tpu.memory_space<hbm>> -> memref<1x4x1x8x128xf32, #tpu.memory_space<hbm>>
    %dma_wait3A_1117 = tpu.memref_squeeze %dma_wait3A_1116 : memref<1x4x1x8x128xf32, #tpu.memory_space<hbm>> -> memref<4x8x128xf32, #tpu.memory_space<hbm>>
    tpu.wait_dma2 semaphore(%arg12 : memref<!tpu.dma_semaphore, #tpu.memory_space<semaphore_mem>>) src(%dma_wait3A_1117 : memref<4x8x128xf32, #tpu.memory_space<hbm>>) dst(%dma_wait3A_1112 : memref<4x8x128xf32, #tpu.memory_space<vmem>>)
    %dma_wait3A_1118 = arith.constant 0 : i32
    %dma_wait3A_1119 = arith.constant 0 : i32
    %dma_wait3A_1120 = arith.constant 0 : i32
    %dma_wait3A_1121 = arith.constant 0 : i32
    %dma_wait3A_1122 = arith.constant 0 : i32
    %dma_wait3A_1123 = arith.constant 0 : i32
    %dma_wait3A_1124 = tpu.memref_slice %arg9[%dma_wait3A_1120, %dma_wait3A_1121, %dma_wait3A_1122, %dma_wait3A_1123] : memref<4x4x8x133xf32, #tpu.memory_space<vmem>> -> memref<1x4x8x128xf32, #tpu.memory_space<vmem>>
    %dma_wait3A_1125 = tpu.memref_squeeze %dma_wait3A_1124 : memref<1x4x8x128xf32, #tpu.memory_space<vmem>> -> memref<4x8x128xf32, #tpu.memory_space<vmem>>
    %dma_wait3A_1126 = arith.constant 0 : i32
    %dma_wait3A_1127 = arith.constant 0 : i32
    %dma_wait3A_1128 = arith.constant 0 : i32
    %dma_wait3A_1129 = tpu.memref_slice %arg4[%dma_wait3A_1118, %dma_wait3A_1126, %dma_wait3A_1119, %dma_wait3A_1127, %dma_wait3A_1128] : memref<20x4x128x8x128xf32, #tpu.memory_space<hbm>> -> memref<1x4x1x8x128xf32, #tpu.memory_space<hbm>>
    %dma_wait3A_1130 = tpu.memref_squeeze %dma_wait3A_1129 : memref<1x4x1x8x128xf32, #tpu.memory_space<hbm>> -> memref<4x8x128xf32, #tpu.memory_space<hbm>>
    %dma_wait3A_1131 = arith.constant 0 : i32
    %dma_wait3A_1132 = arith.constant 0 : i32
    %dma_wait3A_1133 = arith.constant 0 : i32
    %dma_wait3A_1134 = tpu.memref_slice %arg9[%dma_wait3A_1120, %dma_wait3A_1131, %dma_wait3A_1132, %dma_wait3A_1133] : memref<4x4x8x133xf32, #tpu.memory_space<vmem>> -> memref<1x4x8x128xf32, #tpu.memory_space<vmem>>
    %dma_wait3A_1135 = tpu.memref_squeeze %dma_wait3A_1134 : memref<1x4x8x128xf32, #tpu.memory_space<vmem>> -> memref<4x8x128xf32, #tpu.memory_space<vmem>>
    %dma_wait3A_1136 = arith.constant 0 : i32
    %dma_wait3A_1137 = arith.constant 0 : i32
    %dma_wait3A_1138 = arith.constant 0 : i32
    %dma_wait3A_1139 = tpu.memref_slice %arg4[%dma_wait3A_1118, %dma_wait3A_1136, %dma_wait3A_1119, %dma_wait3A_1137, %dma_wait3A_1138] : memref<20x4x128x8x128xf32, #tpu.memory_space<hbm>> -> memref<1x4x1x8x128xf32, #tpu.memory_space<hbm>>
    %dma_wait3A_1140 = tpu.memref_squeeze %dma_wait3A_1139 : memref<1x4x1x8x128xf32, #tpu.memory_space<hbm>> -> memref<4x8x128xf32, #tpu.memory_space<hbm>>
    tpu.wait_dma2 semaphore(%arg13 : memref<!tpu.dma_semaphore, #tpu.memory_space<semaphore_mem>>) src(%dma_wait3A_1140 : memref<4x8x128xf32, #tpu.memory_space<hbm>>) dst(%dma_wait3A_1135 : memref<4x8x128xf32, #tpu.memory_space<vmem>>)
    %dma_wait3A_1141 = arith.constant 0 : i32
    %dma_wait3A_1142 = arith.constant 0 : i32
    %dma_wait3A_1143 = arith.constant 1 : i32
    %dma_wait3A_1144 = arith.constant 0 : i32
    %dma_wait3A_1145 = arith.constant 0 : i32
    %dma_wait3A_1146 = arith.constant 0 : i32
    %dma_wait3A_1147 = tpu.memref_slice %arg9[%dma_wait3A_1143, %dma_wait3A_1144, %dma_wait3A_1145, %dma_wait3A_1146] : memref<4x4x8x133xf32, #tpu.memory_space<vmem>> -> memref<1x4x8x128xf32, #tpu.memory_space<vmem>>
    %dma_wait3A_1148 = tpu.memref_squeeze %dma_wait3A_1147 : memref<1x4x8x128xf32, #tpu.memory_space<vmem>> -> memref<4x8x128xf32, #tpu.memory_space<vmem>>
    %dma_wait3A_1149 = arith.constant 0 : i32
    %dma_wait3A_1150 = arith.constant 0 : i32
    %dma_wait3A_1151 = arith.constant 0 : i32
    %dma_wait3A_1152 = tpu.memref_slice %arg4[%dma_wait3A_1141, %dma_wait3A_1149, %dma_wait3A_1142, %dma_wait3A_1150, %dma_wait3A_1151] : memref<20x4x128x8x128xf32, #tpu.memory_space<hbm>> -> memref<1x4x1x8x128xf32, #tpu.memory_space<hbm>>
    %dma_wait3A_1153 = tpu.memref_squeeze %dma_wait3A_1152 : memref<1x4x1x8x128xf32, #tpu.memory_space<hbm>> -> memref<4x8x128xf32, #tpu.memory_space<hbm>>
    %dma_wait3A_1154 = arith.constant 0 : i32
    %dma_wait3A_1155 = arith.constant 0 : i32
    %dma_wait3A_1156 = arith.constant 0 : i32
    %dma_wait3A_1157 = tpu.memref_slice %arg9[%dma_wait3A_1143, %dma_wait3A_1154, %dma_wait3A_1155, %dma_wait3A_1156] : memref<4x4x8x133xf32, #tpu.memory_space<vmem>> -> memref<1x4x8x128xf32, #tpu.memory_space<vmem>>
    %dma_wait3A_1158 = tpu.memref_squeeze %dma_wait3A_1157 : memref<1x4x8x128xf32, #tpu.memory_space<vmem>> -> memref<4x8x128xf32, #tpu.memory_space<vmem>>
    %dma_wait3A_1159 = arith.constant 0 : i32
    %dma_wait3A_1160 = arith.constant 0 : i32
    %dma_wait3A_1161 = arith.constant 0 : i32
    %dma_wait3A_1162 = tpu.memref_slice %arg4[%dma_wait3A_1141, %dma_wait3A_1159, %dma_wait3A_1142, %dma_wait3A_1160, %dma_wait3A_1161] : memref<20x4x128x8x128xf32, #tpu.memory_space<hbm>> -> memref<1x4x1x8x128xf32, #tpu.memory_space<hbm>>
    %dma_wait3A_1163 = tpu.memref_squeeze %dma_wait3A_1162 : memref<1x4x1x8x128xf32, #tpu.memory_space<hbm>> -> memref<4x8x128xf32, #tpu.memory_space<hbm>>
    tpu.wait_dma2 semaphore(%arg13 : memref<!tpu.dma_semaphore, #tpu.memory_space<semaphore_mem>>) src(%dma_wait3A_1163 : memref<4x8x128xf32, #tpu.memory_space<hbm>>) dst(%dma_wait3A_1158 : memref<4x8x128xf32, #tpu.memory_space<vmem>>)
    %dma_wait3A_1164 = arith.constant 0 : i32
    %dma_wait3A_1165 = arith.constant 0 : i32
    %dma_wait3A_1166 = arith.constant 2 : i32
    %dma_wait3A_1167 = arith.constant 0 : i32
    %dma_wait3A_1168 = arith.constant 0 : i32
    %dma_wait3A_1169 = arith.constant 0 : i32
    %dma_wait3A_1170 = tpu.memref_slice %arg9[%dma_wait3A_1166, %dma_wait3A_1167, %dma_wait3A_1168, %dma_wait3A_1169] : memref<4x4x8x133xf32, #tpu.memory_space<vmem>> -> memref<1x4x8x128xf32, #tpu.memory_space<vmem>>
    %dma_wait3A_1171 = tpu.memref_squeeze %dma_wait3A_1170 : memref<1x4x8x128xf32, #tpu.memory_space<vmem>> -> memref<4x8x128xf32, #tpu.memory_space<vmem>>
    %dma_wait3A_1172 = arith.constant 0 : i32
    %dma_wait3A_1173 = arith.constant 0 : i32
    %dma_wait3A_1174 = arith.constant 0 : i32
    %dma_wait3A_1175 = tpu.memref_slice %arg4[%dma_wait3A_1164, %dma_wait3A_1172, %dma_wait3A_1165, %dma_wait3A_1173, %dma_wait3A_1174] : memref<20x4x128x8x128xf32, #tpu.memory_space<hbm>> -> memref<1x4x1x8x128xf32, #tpu.memory_space<hbm>>
    %dma_wait3A_1176 = tpu.memref_squeeze %dma_wait3A_1175 : memref<1x4x1x8x128xf32, #tpu.memory_space<hbm>> -> memref<4x8x128xf32, #tpu.memory_space<hbm>>
    %dma_wait3A_1177 = arith.constant 0 : i32
    %dma_wait3A_1178 = arith.constant 0 : i32
    %dma_wait3A_1179 = arith.constant 0 : i32
    %dma_wait3A_1180 = tpu.memref_slice %arg9[%dma_wait3A_1166, %dma_wait3A_1177, %dma_wait3A_1178, %dma_wait3A_1179] : memref<4x4x8x133xf32, #tpu.memory_space<vmem>> -> memref<1x4x8x128xf32, #tpu.memory_space<vmem>>
    %dma_wait3A_1181 = tpu.memref_squeeze %dma_wait3A_1180 : memref<1x4x8x128xf32, #tpu.memory_space<vmem>> -> memref<4x8x128xf32, #tpu.memory_space<vmem>>
    %dma_wait3A_1182 = arith.constant 0 : i32
    %dma_wait3A_1183 = arith.constant 0 : i32
    %dma_wait3A_1184 = arith.constant 0 : i32
    %dma_wait3A_1185 = tpu.memref_slice %arg4[%dma_wait3A_1164, %dma_wait3A_1182, %dma_wait3A_1165, %dma_wait3A_1183, %dma_wait3A_1184] : memref<20x4x128x8x128xf32, #tpu.memory_space<hbm>> -> memref<1x4x1x8x128xf32, #tpu.memory_space<hbm>>
    %dma_wait3A_1186 = tpu.memref_squeeze %dma_wait3A_1185 : memref<1x4x1x8x128xf32, #tpu.memory_space<hbm>> -> memref<4x8x128xf32, #tpu.memory_space<hbm>>
    tpu.wait_dma2 semaphore(%arg13 : memref<!tpu.dma_semaphore, #tpu.memory_space<semaphore_mem>>) src(%dma_wait3A_1186 : memref<4x8x128xf32, #tpu.memory_space<hbm>>) dst(%dma_wait3A_1181 : memref<4x8x128xf32, #tpu.memory_space<vmem>>)
    %dma_wait3A_1187 = arith.constant 0 : i32
    %dma_wait3A_1188 = arith.constant 0 : i32
    %dma_wait3A_1189 = arith.constant 3 : i32
    %dma_wait3A_1190 = arith.constant 0 : i32
    %dma_wait3A_1191 = arith.constant 0 : i32
    %dma_wait3A_1192 = arith.constant 0 : i32
    %dma_wait3A_1193 = tpu.memref_slice %arg9[%dma_wait3A_1189, %dma_wait3A_1190, %dma_wait3A_1191, %dma_wait3A_1192] : memref<4x4x8x133xf32, #tpu.memory_space<vmem>> -> memref<1x4x8x128xf32, #tpu.memory_space<vmem>>
    %dma_wait3A_1194 = tpu.memref_squeeze %dma_wait3A_1193 : memref<1x4x8x128xf32, #tpu.memory_space<vmem>> -> memref<4x8x128xf32, #tpu.memory_space<vmem>>
    %dma_wait3A_1195 = arith.constant 0 : i32
    %dma_wait3A_1196 = arith.constant 0 : i32
    %dma_wait3A_1197 = arith.constant 0 : i32
    %dma_wait3A_1198 = tpu.memref_slice %arg4[%dma_wait3A_1187, %dma_wait3A_1195, %dma_wait3A_1188, %dma_wait3A_1196, %dma_wait3A_1197] : memref<20x4x128x8x128xf32, #tpu.memory_space<hbm>> -> memref<1x4x1x8x128xf32, #tpu.memory_space<hbm>>
    %dma_wait3A_1199 = tpu.memref_squeeze %dma_wait3A_1198 : memref<1x4x1x8x128xf32, #tpu.memory_space<hbm>> -> memref<4x8x128xf32, #tpu.memory_space<hbm>>
    %dma_wait3A_1200 = arith.constant 0 : i32
    %dma_wait3A_1201 = arith.constant 0 : i32
    %dma_wait3A_1202 = arith.constant 0 : i32
    %dma_wait3A_1203 = tpu.memref_slice %arg9[%dma_wait3A_1189, %dma_wait3A_1200, %dma_wait3A_1201, %dma_wait3A_1202] : memref<4x4x8x133xf32, #tpu.memory_space<vmem>> -> memref<1x4x8x128xf32, #tpu.memory_space<vmem>>
    %dma_wait3A_1204 = tpu.memref_squeeze %dma_wait3A_1203 : memref<1x4x8x128xf32, #tpu.memory_space<vmem>> -> memref<4x8x128xf32, #tpu.memory_space<vmem>>
    %dma_wait3A_1205 = arith.constant 0 : i32
    %dma_wait3A_1206 = arith.constant 0 : i32
    %dma_wait3A_1207 = arith.constant 0 : i32
    %dma_wait3A_1208 = tpu.memref_slice %arg4[%dma_wait3A_1187, %dma_wait3A_1205, %dma_wait3A_1188, %dma_wait3A_1206, %dma_wait3A_1207] : memref<20x4x128x8x128xf32, #tpu.memory_space<hbm>> -> memref<1x4x1x8x128xf32, #tpu.memory_space<hbm>>
    %dma_wait3A_1209 = tpu.memref_squeeze %dma_wait3A_1208 : memref<1x4x1x8x128xf32, #tpu.memory_space<hbm>> -> memref<4x8x128xf32, #tpu.memory_space<hbm>>
    tpu.wait_dma2 semaphore(%arg13 : memref<!tpu.dma_semaphore, #tpu.memory_space<semaphore_mem>>) src(%dma_wait3A_1209 : memref<4x8x128xf32, #tpu.memory_space<hbm>>) dst(%dma_wait3A_1204 : memref<4x8x128xf32, #tpu.memory_space<vmem>>)
    return
  }
}

</mosaic_0001>

<sc_bundles>
// kernel: kernel.3.cloned.1.call-start
scs
__scs_entry_jumppad:
0x0: {  	(pc) =	sbr.rel $0x88, $3  }
0x1: {  	(tag) =	ssettag $0x0;
	lr =	simm.s32 $0x1  }
0x2: {  	[smem:$0x3F9F] =	sst lr;
	_ =	strace $0xD0000000  }
0x3: {  	_ = 	snop  }
0x4: {  	_ = 	snop  }
0x5: {  	_ = 	snop  }
0x6: {  	_ = 	snop  }
0x7: {  	_ = 	snop  }
__scs_overlays_trampoline_lowered:
0x8: {  	[smem:$0x3FAE] =	sst s0  }
0x9: {  	[smem:$0x3FAF] =	sst s1  }
0xa: {  	[smem:$0x3FB0] =	sst s2  }
0xb: {  	[smem:$0x3FB1] =	sst s3  }
0xc: {  	[smem:$0x3FB2] =	sst s4  }
0xd: {  	[smem:$0x3FB3] =	sst s5  }
0xe: {  	[smem:$0x3FB4] =	sst s6  }
0xf: {  	[smem:$0x3FB5] =	sst s7  }
0x10: {  	[smem:$0x3FB6] =	sst s8  }
0x11: {  	[smem:$0x3FB7] =	sst s9;
	s0 =	simm.s32 @!p0 $0x0  }
0x12: {  	s1 =	sld [smem:$0x3F9D];
	s0 =	simm.s32 @p0 $0x1  }
0x13: {  	[smem:$0x3FB8] =	sst s0;
	s0 =	simm.s32 @!p1 $0x0  }
0x14: {  	s2 =	sld [smem:$0x3F9C];
	s0 =	simm.s32 @p1 $0x1  }
0x15: {  	[smem:$0x3FB9] =	sst s0;
	s0 =	simm.s32 @!p2 $0x0  }
0x16: {  	s3 =	sld [smem:$0x3FDB];
	s0 =	simm.s32 @p2 $0x1  }
0x17: {  	s4 =	simm.s32 $0x1BF5;
	[smem:$0x3FBB] =	sst s0  }
0x18: {  	s0 =	sld [smem:$0x3F9E];
	_ =	swait.ge [sflag:s4], $0x0  }
0x19: {  	s7 =	sld [smem:$0x3F9F]  }
0x1a: {  	s8 =	sadd.s32 $0xFFFFE003, lr  }
0x1b: {  	s9 =	sadd.s32 $0xFFFFFEF7, lr;
	s5 =	simm.s32 $0xFFFFFFFF;
	p2 =	slt.u32 s8, $0xFFFFF086  }
0x1c: {  	p1 =	slt.u32 s9, $0xF7A;
	s5 =	simm.s32 @!p2 $0x0  }
0x1d: {  	s5 =	simm.s32 @p1 $0x1;
	p0 =	seq.s32 s7, s2  }
0x1e: {  	s7 =	smul.u32 @!p0 $0xF7A, s2;
	p2 =	seq.s32 @!p0 s5, $0x0  }
0x1f: {  	s9 =	smul.u32 $0xF7A, s1;
	s8 =	simm.s32 @!p0 $0x1BF5;
	p2 =	por !p2, p0  }
0x20: {  	[sflag:s8] =	ssyncset.s32 @!p0 $0xFFFFF086;
	s6 =	sadd.s32 @!p0 s3, s7;
	s7 =	simm.s32 @!p0 $0x108  }
0x21: {  	s3 =	sadd.s32 s3, s9;
	s6 =	sadd.s32 @!p0 $0x88, s6;
	s7 =	simm.s32 @p2 $0x1082  }
0x22: {  	[simem:s7], [sflag:s8] =	dma.local @!p0 [hbm:s6], $0xF7A  }
0x23: {  	s9 =	sor.u32 $0xD0000000, s2;
	s6 =	simm.s32 $0x108;
	_ =	swait.ge @!p0 [sflag:s8], $0x0  }
0x24: {  	s3 =	sadd.s32 $0x88, s3;
	s6 =	simm.s32 @!p1 $0x1082;
	[sflag:s4] =	ssyncset.s32 $0xFFFFF086  }
0x25: {  	[simem:s6], [sflag:s4] =	dma.local [hbm:s3], $0xF7A  }
0x26: {  	[smem:$0x3F9F] =	sst s1;
	(tag) =	ssettag s2;
	_ =	strace s9  }
0x27: {  	s1 =	sld [smem:$0x3FAF]  }
0x28: {  	s2 =	sld [smem:$0x3FB0]  }
0x29: {  	s4 =	sld [smem:$0x3FB2]  }
0x2a: {  	p0 =	seq.s32 s5, $0x0;
	s5 =	sld [smem:$0x3FB3]  }
0x2b: {  	s6 =	sld [smem:$0x3FB4]  }
0x2c: {  	s7 =	sld [smem:$0x3FB5]  }
0x2d: {  	s3 =	simm.s32 $0x108;
	s8 =	sld [smem:$0x3FB6]  }
0x2e: {  	s3 =	simm.s32 @!p0 $0x1082;
	s9 =	sld [smem:$0x3FB7]  }
0x2f: {  	lr =	sadd.s32 s0, s3;
	s0 =	sld [smem:$0x3FAE]  }
0x30: {  	s3 =	sld [smem:$0x3FB1]  }
0x31: {  	[smem:$0x3FBA] =	sst s10  }
0x32: {  	s10 =	sld [smem:$0x3FB8];
	_ =	sdelay $0x3  }
0x33: {  	p0 =	seq.s32 s10, $0x1;
	s10 =	sld [smem:$0x3FBA];
	_ =	sdelay $0x3  }
0x34: {  	[smem:$0x3FBA] =	sst s10  }
0x35: {  	s10 =	sld [smem:$0x3FB9];
	_ =	sdelay $0x3  }
0x36: {  	p1 =	seq.s32 s10, $0x1;
	s10 =	sld [smem:$0x3FBA];
	_ =	sdelay $0x3  }
0x37: {  	[smem:$0x3FBA] =	sst s10  }
0x38: {  	s10 =	sld [smem:$0x3FBB]  }
0x39: {  	_ = 	snop;
	(pc) =	sbr.ind lr, $3  }
0x3a: {  	_ = 	snop  }
0x3b: {  	_ = 	snop  }
0x3c: {  	p2 =	seq.s32 s10, $0x1;
	s10 =	sld [smem:$0x3FBA]  }
0x3d: {  	_ =	shalt  }
0x3e: {  	_ =	shalt  }
0x3f: {  	_ =	shalt  }
0x40: {  	_ =	shalt  }
0x41: {  	_ =	shalt  }
0x42: {  	_ =	shalt  }
0x43: {  	_ =	shalt  }
0x44: {  	_ =	shalt  }
0x45: {  	_ =	shalt  }
0x46: {  	_ =	shalt  }
0x47: {  	_ =	shalt  }
0x48: {  	_ =	shalt  }
0x49: {  	_ =	shalt  }
0x4a: {  	_ =	shalt  }
0x4b: {  	_ =	shalt  }
0x4c: {  	_ =	shalt  }
0x4d: {  	_ =	shalt  }
0x4e: {  	_ =	shalt  }
0x4f: {  	_ =	shalt  }
0x50: {  	_ =	shalt  }
0x51: {  	_ =	shalt  }
0x52: {  	_ =	shalt  }
0x53: {  	_ =	shalt  }
0x54: {  	_ =	shalt  }
0x55: {  	_ =	shalt  }
0x56: {  	_ =	shalt  }
0x57: {  	_ =	shalt  }
0x58: {  	_ =	shalt  }
0x59: {  	_ =	shalt  }
0x5a: {  	_ =	shalt  }
0x5b: {  	_ =	shalt  }
0x5c: {  	_ =	shalt  }
0x5d: {  	_ =	shalt  }
0x5e: {  	_ =	shalt  }
0x5f: {  	_ =	shalt  }
0x60: {  	_ =	shalt  }
0x61: {  	_ =	shalt  }
0x62: {  	_ =	shalt  }
0x63: {  	_ =	shalt  }
0x64: {  	_ =	shalt  }
0x65: {  	_ =	shalt  }
0x66: {  	_ =	shalt  }
0x67: {  	_ =	shalt  }
0x68: {  	_ =	shalt  }
0x69: {  	_ =	shalt  }
0x6a: {  	_ =	shalt  }
0x6b: {  	_ =	shalt  }
0x6c: {  	_ =	shalt  }
0x6d: {  	_ =	shalt  }
0x6e: {  	_ =	shalt  }
0x6f: {  	_ =	shalt  }
0x70: {  	_ =	shalt  }
0x71: {  	_ =	shalt  }
0x72: {  	_ =	shalt  }
0x73: {  	_ =	shalt  }
0x74: {  	_ =	shalt  }
0x75: {  	_ =	shalt  }
0x76: {  	_ =	shalt  }
0x77: {  	_ =	shalt  }
0x78: {  	_ =	shalt  }
0x79: {  	_ =	shalt  }
0x7a: {  	_ =	shalt  }
0x7b: {  	_ =	shalt  }
0x7c: {  	_ =	shalt  }
0x7d: {  	_ =	shalt  }
0x7e: {  	_ =	shalt  }
0x7f: {  	_ =	shalt  }
0x80: {  	_ =	shalt  }
0x81: {  	_ =	shalt  }
0x82: {  	_ =	shalt  }
0x83: {  	_ =	shalt  }
0x84: {  	_ =	shalt  }
0x85: {  	_ =	shalt  }
0x86: {  	_ =	shalt  }
0x87: {  	_ =	shalt  }
.Lfunc_end0:
.L_simem_size_0:
called_computation_lowered:
.L_overlay_start_0:
0x88: {  	s2 =	sld [smem:$0x3FD9]  }
0x89: {  	s3 =	sld [smem:$0x3FFE];
	_ =	sdelay $0x1  }
0x8a: {  	s1 =	srdreg.scid  }
0x8b: {  	s0 =	sand.u32 $0x1, s1  }
0x8c: {  	s17 =	sshll.u32 s0, $0xA;
	s2 =	sadd.s32 s3, s2  }
0x8d: {  	s2 =	sadd.s32 s2, s17  }
0x8e: {  	[smem:$0x3FC6] =	sst s2  }
0x8f: {  	_ = 	snop  }
0x90: {  	s2 =	sld [smem:$0x3FD0];
	(tm) =	ssettm $0x1  }
0x91: {  	s18 =	sld [smem:$0x3FFB];
	_ =	sdelay $0x3  }
0x92: {  	_ =	strace s18  }
0x93: {  	s3 =	sld [smem:$0x3FFC];
	_ =	sdelay $0x3  }
0x94: {  	_ =	strace s3  }
0x95: {  	s3 =	sld [smem:$0x3FFD];
	_ =	sdelay $0x3  }
0x96: {  	_ =	strace s3  }
0x97: {  	_ =	strace $0x8FFFFFFF  }
0x98: {  	s19 =	sld [smem:$0x3FDB];
	_ =	sdelay $0x1  }
0x99: {  	s4 =	simm.s32 $_scs_section_size  }
0x9a: {  	s5 =	simm.s32 $_size__tile_overlayer_lowered;
	s6 =	simm.s32 $_tile_overlayer_lowered  }
0x9b: {  	s22 =	simm.s32 $0x1BFF;
	s21 =	sshll.u32 s6, $0x1;
	s3 =	sadd.s32 s4, s19  }
0x9c: {  	s7 =	simm.s32 $0x0;
	s20 =	sshll.u32 s5, $0x1;
	s5 =	sadd.s32 s21, s3  }
0x9d: {  	[timem:s7], [sflag:s22] =	dma.local [hbm:s5], s20  }
0x9e: {  	_ =	swait.ge [sflag:s22], s20  }
0x9f: {  	s4 =	ssub.s32 $0x0, s20;
	[sflag:s22] =	ssyncset.done $0x0  }
0xa0: {  	[sflag:s22] =	ssyncadd.s32 s4;
	_ =	sdelay $0x1  }
0xa1: {  	s23 =	simm.s32 $0x1B8B  }
0xa2: {  	_ =	swait.ge [sflag:s23], $0x1  }
0xa3: {  	[sflag:s23] =	ssyncset.done $0x0  }
0xa4: {  	s25 =	simm.s32 $0x1B8E;
	s24 =	sld [smem:$0x3FFE];
	[sflag:s23] =	ssyncadd.s32 $0xFFFFFFFF  }
0xa5: {  	s26 =	simm.s32 $execute0_lowered;
	[smem:$0x3FD2] =	sst s25  }
0xa6: {  	s5 =	sshll.u32 s26, $0x1;
	_ =	strace $0x80000046;
	[dreg:$0x1] =	wrdreg $0xFFFFFFFF  }
0xa7: {  	s28 =	simm.s32 $_size_execute0_lowered;
	s3 =	sadd.s32 s3, s5;
	[dreg:$0x0] =	wrdreg $0x0  }
0xa8: {  	s5 =	sshll.u32 s28, $0x1;
	[dreg:$0x2] =	wrdreg s3  }
0xa9: {  	[dreg:$0x3] =	wrdreg s5  }
0xaa: {  	[dreg:$0x4] =	wrdreg $0xC0  }
0xab: {  	_ =	task [dreg:s7], $0x5FFFF  }
0xac: {  	[dreg:$0x1] =	wrdreg $0xFFFFFFFF  }
0xad: {  	[dreg:$0x0] =	wrdreg $0x60  }
0xae: {  	[dreg:$0x2] =	wrdreg s24  }
0xaf: {  	[dreg:$0x3] =	wrdreg s2  }
0xb0: {  	[dreg:$0x4] =	wrdreg $0x9  }
0xb1: {  	_ =	task.clear_ibuf [dreg:s7], $0x5FFFF;
	_ =	strace $0x90000046  }
0xb2: {  	s29 =	simm.s32 $0x9;
	_ =	strace $0x80000048  }
0xb3: {  	_ =	swait.ge [sflag:s29], $0x1  }
0xb4: {  	[sflag:s29] =	ssyncadd.s32 $0xFFFFFFFF  }
0xb5: {  	_ =	strace $0x90000048  }
0xb6: {  	_ =	sfence  }
0xb7: {  	s30 =	sld [smem:$0x0];
	_ =	sdelay $0x2  }
0xb8: {  	s31 =	sshll.u32 s1, $0xD;
	s1 =	sshrl.u32 s1, $0x2  }
0xb9: {  	s3 =	sand.u32 $0x4000, s31;
	s1 =	sadd.s32 s1, s30  }
0xba: {  	s0 =	sor.u32 s3, s0;
	s1 =	sshll.u32 s1, $0x11  }
0xbb: {  	s0 =	sor.u32 s1, s0  }
0xbc: {  	s0 =	sadd.s32 $0x8F2B, s0  }
0xbd: {  	[sflag:s0] =	ssyncadd.remote.s32 $0x1  }
0xbe: {  	_ =	sfence.sel $0xFFFF  }
0xbf: {  	[dreg:$0x0] =	wrdreg $0xFFFFFFFF;
	(pc) =	sbr.abs _section_cstart, $3  }
0xc0: {  	[dreg:$0x1] =	wrdreg $0xFFFFFFFF  }
0xc1: {  	_ =	task.clear_ibuf [dreg:s7], $0x2FFFF;
	_ =	strace $0x9FFFFFFF  }
0xc2: {  	(tm) =	ssettm $0x7FFFFFFF  }
0xc3: {  	_ =	shalt  }
tec
execute0_lowered:
.L_overlay_start_1:
0x0: {  	(tag) =	ssettag $0x1  }
0x1: {  	s0 =	rddreg [dreg:$0x0]  }
0x2: {  	s1 =	srdreg.scid;
	s3 =	stileid.u32  }
0x3: {  	s2 =	rddreg [dreg:$0x1];
	s29 =	simm.s32 $0x80;
	s30 =	simm.s32 $0x1  }
0x4: {  	s31 =	simm.s32 $0xA800;
	s28 =	simm.s32 $0xEC00;
	s10 =	simm.s32 $0x0  }
0x5: {  	s1 =	sand.u32 $0x1, s1;
	s4 =	sshll.u32 s3, $0x1;
	s3 =	simm.s32 $0x0  }
0x6: {  	s5 =	sor.u32 s1, s4;
	[smem:$0x7FF] =	sst s3;
	s1 =	ssub.s32 $0x2, s1  }
0x7: {  	s4 =	sadd.s32 $0xF42A00, s0;
	s6 =	smul.u32 $0x500, s5;
	s17 =	sshrl.u32 s1, $0x1  }
0x8: {  	_ =	strace $0x80000047;
	s18 =	sshll.u32 s5, $0x9;
	s1 =	ssub.s32 s1, s17  }
0x9: {  	s9 =	sadd.s32 s2, s18;
	s0 =	sadd.s32 s6, s0;
	s6 =	sshll.u32 s5, $0xC  }
0xa: {  	s23 =	sadd.s32 $0x10000, s9;
	s24 =	sadd.s32 $0x10080, s9;
	s25 =	sadd.s32 $0x10100, s9  }
0xb: {  	s16 =	sadd.s32 $0x10180, s9;
	s17 =	sadd.s32 $0x120080, s9;
	s26 =	smax.u32 s1, $0x1  }
0xc: {  	s1 =	simm.s32 $0x4;
	s0 =	sadd.s32 $0x600, s0;
	[dreg:$0x6] =	wrdreg s23  }
0xd: {  	s7 =	sor.u32 $0x400, s6;
	s8 =	sor.u32 $0x800, s6;
	[dreg:$0x7] =	wrdreg s24  }
0xe: {  	s12 =	sor.u32 $0xC00, s6;
	[dreg:$0x8] =	wrdreg s25;
	s23 =	sadd.s32 $0x130080, s9  }
0xf: {  	v0 =	vlaneseq.u32;
	s24 =	sadd.s32 $0x130100, s9;
	[dreg:$0x9] =	wrdreg s26;
	s26 =	sadd.s32 $0x130180, s9  }
0x10: {  	v0 =	vmul.u32 $0x88, v0;
	s25 =	simm.s32 $0x2;
	[dreg:$0x3] =	wrdreg s0;
	s19 =	sshrl.u32 s7, $0x3  }
0x11: {  	s20 =	sshrl.u32 s8, $0x3;
	s22 =	sshrl.u32 s12, $0x3;
	s0 =	sadd.s32 s2, s19  }
0x12: {  	v1 =	vadd.s32 $0x880, v0;
	s21 =	sadd.s32 s2, s20;
	s18 =	sadd.s32 s2, s22;
	s19 =	sadd.s32 $0x120100, s9  }
0x13: {  	v2 =	vadd.s32 $0x1100, v0;
	v3 =	vadd.s32 $0x1980, v0;
	v4 =	vadd.s32 $0x2200, v0;
	s20 =	sadd.s32 $0x120180, s9;
	s22 =	sadd.s32 $0x130000, s9;
	[dreg:$0x4] =	wrdreg s0  }
0x14: {  	v5 =	vadd.s32 $0x2A80, v0;
	v6 =	vadd.s32 $0x3300, v0;
	v7 =	vadd.s32 $0x3B80, v0;
	[dreg:$0x5] =	wrdreg s21;
	s21 =	sadd.s32 $0x120000, s9;
	s0 =	simm.s32 $0x3  }
.LBB2_1:
0x15: {  	[dreg:$0xa] =	wrdreg s10  }
0x16: {  	s5 =	rddreg [dreg:$0x3];
	s11 =	simm.s32 $0x5  }
0x17: {  	[tilespmem:s3], [sflag:$0x5] =	stream.linear.gather [hbm4b:s5+s3], $0x2800, $0x38;
	[tilespmem:$0x13000] =	vst v63  }
0x18: {  	_ =	swait.ge [sflag:s11], $0x2800  }
0x19: {  	[sflag:s11] =	ssyncset.done $0x0  }
0x1a: {  	s13 =	simm.s32 $0x2800;
	[sflag:s11] =	ssyncadd.s32 $0xFFFFD800  }
0x1b: {  	[tilespmem:s13], [sflag:$0x1] =	stream.indirect.gather [hbm4b:s4+s29], $0x20, s3, s29, $0xb8;
	[tilespmem:$0x13000] =	vst v63  }
0x1c: {  	s14 =	simm.s32 $0x3800  }
0x1d: {  	[tilespmem:s14], [sflag:$0x1] =	stream.indirect.gather [hbm4b:s4+s29], $0x20, s29, s29, $0xb8;
	[tilespmem:$0x13000] =	vst v63  }
0x1e: {  	s15 =	simm.s32 $0x100;
	s11 =	simm.s32 $0x4800  }
0x1f: {  	[tilespmem:s11], [sflag:$0x1] =	stream.indirect.gather [hbm4b:s4+s29], $0x20, s15, s29, $0xb8;
	[tilespmem:$0x13000] =	vst v63  }
0x20: {  	s10 =	simm.s32 $0x180;
	s13 =	simm.s32 $0x5800  }
0x21: {  	[tilespmem:s13], [sflag:$0x1] =	stream.indirect.gather [hbm4b:s4+s29], $0x20, s10, s29, $0xb8;
	[tilespmem:$0x13000] =	vst v63  }
0x22: {  	s14 =	simm.s32 $0x200;
	s15 =	simm.s32 $0x6800  }
0x23: {  	[tilespmem:s15], [sflag:$0x2] =	stream.indirect.gather [hbm4b:s4+s29], $0x20, s14, s29, $0xb8;
	[tilespmem:$0x13000] =	vst v63  }
0x24: {  	s10 =	simm.s32 $0x280;
	s13 =	simm.s32 $0x7800  }
0x25: {  	[tilespmem:s13], [sflag:$0x2] =	stream.indirect.gather [hbm4b:s4+s29], $0x20, s10, s29, $0xb8;
	[tilespmem:$0x13000] =	vst v63  }
0x26: {  	s14 =	simm.s32 $0x300;
	s15 =	simm.s32 $0x8800  }
0x27: {  	[tilespmem:s15], [sflag:$0x2] =	stream.indirect.gather [hbm4b:s4+s29], $0x20, s14, s29, $0xb8;
	[tilespmem:$0x13000] =	vst v63  }
0x28: {  	s13 =	simm.s32 $0x380;
	s14 =	simm.s32 $0x9800  }
0x29: {  	[tilespmem:s14], [sflag:$0x2] =	stream.indirect.gather [hbm4b:s4+s29], $0x20, s13, s29, $0xb8;
	[tilespmem:$0x13000] =	vst v63  }
0x2a: {  	_ =	swait.ge [sflag:s30], $0x1000  }
0x2b: {  	[sflag:s30] =	ssyncset.done $0x0  }
0x2c: {  	[sflag:s30] =	ssyncadd.s32 $0xFFFFF000  }
0x2d: {  	_ =	swait.ge [sflag:s30], $0x1000  }
0x2e: {  	[sflag:s30] =	ssyncset.done $0x0  }
0x2f: {  	[sflag:s30] =	ssyncadd.s32 $0xFFFFF000  }
0x30: {  	_ =	swait.ge [sflag:s30], $0x1000  }
0x31: {  	[sflag:s30] =	ssyncset.done $0x0  }
0x32: {  	[sflag:s30] =	ssyncadd.s32 $0xFFFFF000  }
0x33: {  	_ =	swait.ge [sflag:s30], $0x1000  }
0x34: {  	v8 =	vmov s3;
	[sflag:s30] =	ssyncset.done $0x0  }
0x35: {  	v9 =	vand.u32 $0x7F, v8;
	[sflag:s30] =	ssyncadd.s32 $0xFFFFF000  }
0x36: {  	v10 =	vadd.s32 v0, v9;
	v8 =	vld [tilespmem:s11+$0xFFFFE000]  }
0x37: {  	v12 =	vadd.s32 v1, v9;
	v11 =	vld [tilespmem:s11+$0xFFFFE010];
	_ =	sdelay $0x3  }
0x38: {  	[tilespmem:v10+s31+$0x0] =	vst.idx.msk $0xffff, v8  }
0x39: {  	[tilespmem:v12+s31+$0x0] =	vst.idx.msk $0xffff, v11  }
0x3a: {  	v10 =	vadd.s32 v2, v9;
	v8 =	vld [tilespmem:s11+$0xFFFFF000]  }
0x3b: {  	v61 =	vadd.s32 v3, v9;
	v11 =	vld [tilespmem:s11+$0xFFFFF010];
	_ =	sdelay $0x3  }
0x3c: {  	[tilespmem:v10+s31+$0x0] =	vst.idx.msk $0xffff, v8  }
0x3d: {  	[tilespmem:v61+s31+$0x0] =	vst.idx.msk $0xffff, v11  }
0x3e: {  	v10 =	vadd.s32 v4, v9;
	v8 =	vld [tilespmem:s11+$0x0]  }
0x3f: {  	v62 =	vadd.s32 v5, v9;
	v11 =	vld [tilespmem:s11+$0x10];
	_ =	sdelay $0x3  }
0x40: {  	[tilespmem:v10+s31+$0x0] =	vst.idx.msk $0xffff, v8  }
0x41: {  	[tilespmem:v62+s31+$0x0] =	vst.idx.msk $0xffff, v11  }
0x42: {  	v63 =	vadd.s32 v6, v9;
	v11 =	vld [tilespmem:s11+$0x1000];
	_ =	sdelay $0x1  }
0x43: {  	v9 =	vadd.s32 v7, v9;
	v8 =	vld [tilespmem:s11+$0x1010];
	_ =	sdelay $0x1  }
0x44: {  	s15 =	simm.s32 $0x1  }
0x45: {  	s5 =	simm.s32 $0x2;
	s10 =	simm.s32 $0x4800;
	v10 =	vmov s15;
	[tilespmem:v63+s31+$0x0] =	vst.idx.msk $0xffff, v11  }
.LBB2_2:
0x46: {  	p0 =	sne.s32 s5, $0x7F  }
0x47: {  	v10 =	vand.u32 $0x7F, v10;
	[tilespmem:v9+s31+$0x0] =	vst.idx.msk $0xffff, v8;
	s10 =	sadd.s32 $0x20, s10;
	s11 =	smov.u32 s5;
	s5 =	sadd.s32 $0x1, s5  }
0x48: {  	v8 =	vld [tilespmem:s10+$0xFFFFE000];
	v9 =	vadd.s32 v0, v10  }
0x49: {  	v12 =	vadd.s32 v1, v10;
	v11 =	vld [tilespmem:s10+$0xFFFFE010];
	_ =	sdelay $0x3  }
0x4a: {  	[tilespmem:v9+s31+$0x0] =	vst.idx.msk $0xffff, v8  }
0x4b: {  	[tilespmem:v12+s31+$0x0] =	vst.idx.msk $0xffff, v11  }
0x4c: {  	v9 =	vadd.s32 v2, v10;
	v8 =	vld [tilespmem:s10+$0xFFFFF000]  }
0x4d: {  	v12 =	vadd.s32 v3, v10;
	v11 =	vld [tilespmem:s10+$0xFFFFF010];
	_ =	sdelay $0x3  }
0x4e: {  	[tilespmem:v9+s31+$0x0] =	vst.idx.msk $0xffff, v8  }
0x4f: {  	[tilespmem:v12+s31+$0x0] =	vst.idx.msk $0xffff, v11  }
0x50: {  	v9 =	vadd.s32 v4, v10;
	v8 =	vld [tilespmem:s10+$0x0]  }
0x51: {  	v12 =	vadd.s32 v5, v10;
	v11 =	vld [tilespmem:s10+$0x10];
	_ =	sdelay $0x3  }
0x52: {  	[tilespmem:v9+s31+$0x0] =	vst.idx.msk $0xffff, v8  }
0x53: {  	[tilespmem:v12+s31+$0x0] =	vst.idx.msk $0xffff, v11  }
0x54: {  	v12 =	vadd.s32 v6, v10;
	v11 =	vld [tilespmem:s10+$0x1000]  }
.Ltmp0:
0x55: {  	v9 =	vadd.s32 v7, v10;
	v8 =	vld [tilespmem:s10+$0x1010];
	(pc) =	sbr.rel @p0 .LBB2_2-.Ltmp0, $2  }
0x56: {  	_ =	sdelay $0x2  }
0x57: {  	v10 =	vmov s11;
	[tilespmem:v12+s31+$0x0] =	vst.idx.msk $0xffff, v11  }
0x58: {  	_ =	sdelay $0x3  }
0x59: {  	v10 =	vand.u32 $0x7F, v10;
	[tilespmem:v9+s31+$0x0] =	vst.idx.msk $0xffff, v8;
	s5 =	sadd.s32 $0x20, s10  }
0x5a: {  	v8 =	vld [tilespmem:s5+$0xFFFFE000];
	v9 =	vadd.s32 v0, v10  }
0x5b: {  	v11 =	vld [tilespmem:s5+$0xFFFFE010];
	v12 =	vadd.s32 v1, v10;
	_ =	sdelay $0x3  }
0x5c: {  	[tilespmem:v9+s31+$0x0] =	vst.idx.msk $0xffff, v8  }
0x5d: {  	[tilespmem:v12+s31+$0x0] =	vst.idx.msk $0xffff, v11  }
0x5e: {  	v9 =	vadd.s32 v2, v10;
	v8 =	vld [tilespmem:s5+$0xFFFFF000]  }
0x5f: {  	v58 =	vadd.s32 v3, v10;
	v11 =	vld [tilespmem:s5+$0xFFFFF010];
	_ =	sdelay $0x3  }
0x60: {  	[tilespmem:v9+s31+$0x0] =	vst.idx.msk $0xffff, v8  }
0x61: {  	[tilespmem:v58+s31+$0x0] =	vst.idx.msk $0xffff, v11  }
0x62: {  	v9 =	vadd.s32 v4, v10;
	v8 =	vld [tilespmem:s5+$0x0]  }
0x63: {  	v59 =	vadd.s32 v5, v10;
	v11 =	vld [tilespmem:s5+$0x10];
	_ =	sdelay $0x3  }
0x64: {  	[tilespmem:v9+s31+$0x0] =	vst.idx.msk $0xffff, v8  }
0x65: {  	[tilespmem:v59+s31+$0x0] =	vst.idx.msk $0xffff, v11  }
0x66: {  	v9 =	vadd.s32 v6, v10;
	v8 =	vld [tilespmem:s5+$0x1000]  }
0x67: {  	v10 =	vadd.s32 v7, v10;
	v11 =	vld [tilespmem:s5+$0x1010];
	_ =	sdelay $0x3  }
0x68: {  	[tilespmem:v9+s31+$0x0] =	vst.idx.msk $0xffff, v8  }
0x69: {  	s5 =	simm.s32 $0x0;
	[tilespmem:v10+s31+$0x0] =	vst.idx.msk $0xffff, v11  }
0x6a: {  	[hbm4b:s9+s5] =	stream.linear.scatter [tilespmem:s31], [sflag:$0x3], $0x80, $0x38;
	[tilespmem:$0x13000] =	vst v63  }
0x6b: {  	s13 =	sadd.s32 $0x10, s9;
	s11 =	simm.s32 $0xA888  }
0x6c: {  	[hbm4b:s13+s5] =	stream.linear.scatter [tilespmem:s11], [sflag:$0x3], $0x80, $0x38;
	[tilespmem:$0x13000] =	vst v63  }
0x6d: {  	s14 =	sadd.s32 $0x20, s9;
	s15 =	simm.s32 $0xA910  }
0x6e: {  	[hbm4b:s14+s5] =	stream.linear.scatter [tilespmem:s15], [sflag:$0x3], $0x80, $0x38;
	[tilespmem:$0x13000] =	vst v63  }
0x6f: {  	s11 =	sadd.s32 $0x30, s9;
	s13 =	simm.s32 $0xA998  }
0x70: {  	[hbm4b:s11+s5] =	stream.linear.scatter [tilespmem:s13], [sflag:$0x3], $0x80, $0x38;
	[tilespmem:$0x13000] =	vst v63  }
0x71: {  	s14 =	sadd.s32 $0x40, s9;
	s15 =	simm.s32 $0xAA20  }
0x72: {  	[hbm4b:s14+s5] =	stream.linear.scatter [tilespmem:s15], [sflag:$0x3], $0x80, $0x38;
	[tilespmem:$0x13000] =	vst v63  }
0x73: {  	s11 =	sadd.s32 $0x50, s9;
	s13 =	simm.s32 $0xAAA8  }
0x74: {  	[hbm4b:s11+s5] =	stream.linear.scatter [tilespmem:s13], [sflag:$0x3], $0x80, $0x38;
	[tilespmem:$0x13000] =	vst v63  }
0x75: {  	s14 =	sadd.s32 $0x60, s9;
	s15 =	simm.s32 $0xAB30  }
0x76: {  	[hbm4b:s14+s5] =	stream.linear.scatter [tilespmem:s15], [sflag:$0x3], $0x80, $0x38;
	[tilespmem:$0x13000] =	vst v63  }
0x77: {  	s11 =	sadd.s32 $0x70, s9;
	s13 =	simm.s32 $0xABB8  }
0x78: {  	[hbm4b:s11+s5] =	stream.linear.scatter [tilespmem:s13], [sflag:$0x3], $0x80, $0x38;
	[tilespmem:$0x13000] =	vst v63  }
0x79: {  	s14 =	sadd.s32 $0x4000, s9;
	s15 =	simm.s32 $0xAC40  }
0x7a: {  	[hbm4b:s14+s5] =	stream.linear.scatter [tilespmem:s15], [sflag:$0x3], $0x80, $0x38;
	[tilespmem:$0x13000] =	vst v63  }
0x7b: {  	s11 =	sadd.s32 $0x4010, s9;
	s13 =	simm.s32 $0xACC8  }
0x7c: {  	[hbm4b:s11+s5] =	stream.linear.scatter [tilespmem:s13], [sflag:$0x3], $0x80, $0x38;
	[tilespmem:$0x13000] =	vst v63  }
0x7d: {  	s14 =	sadd.s32 $0x4020, s9;
	s15 =	simm.s32 $0xAD50  }
0x7e: {  	[hbm4b:s14+s5] =	stream.linear.scatter [tilespmem:s15], [sflag:$0x3], $0x80, $0x38;
	[tilespmem:$0x13000] =	vst v63  }
0x7f: {  	s11 =	sadd.s32 $0x4030, s9;
	s13 =	simm.s32 $0xADD8  }
0x80: {  	[hbm4b:s11+s5] =	stream.linear.scatter [tilespmem:s13], [sflag:$0x3], $0x80, $0x38;
	[tilespmem:$0x13000] =	vst v63  }
0x81: {  	s14 =	sadd.s32 $0x4040, s9;
	s15 =	simm.s32 $0xAE60  }
0x82: {  	[hbm4b:s14+s5] =	stream.linear.scatter [tilespmem:s15], [sflag:$0x3], $0x80, $0x38;
	[tilespmem:$0x13000] =	vst v63  }
0x83: {  	s11 =	sadd.s32 $0x4050, s9;
	s13 =	simm.s32 $0xAEE8  }
0x84: {  	[hbm4b:s11+s5] =	stream.linear.scatter [tilespmem:s13], [sflag:$0x3], $0x80, $0x38;
	[tilespmem:$0x13000] =	vst v63  }
0x85: {  	s14 =	sadd.s32 $0x4060, s9;
	s15 =	simm.s32 $0xAF70  }
0x86: {  	[hbm4b:s14+s5] =	stream.linear.scatter [tilespmem:s15], [sflag:$0x3], $0x80, $0x38;
	[tilespmem:$0x13000] =	vst v63  }
0x87: {  	s11 =	sadd.s32 $0x4070, s9;
	s13 =	simm.s32 $0xAFF8  }
0x88: {  	[hbm4b:s11+s5] =	stream.linear.scatter [tilespmem:s13], [sflag:$0x3], $0x80, $0x38;
	[tilespmem:$0x13000] =	vst v63  }
0x89: {  	s14 =	sadd.s32 $0x8000, s9;
	s15 =	simm.s32 $0xB080  }
0x8a: {  	[hbm4b:s14+s5] =	stream.linear.scatter [tilespmem:s15], [sflag:$0x3], $0x80, $0x38;
	[tilespmem:$0x13000] =	vst v63  }
0x8b: {  	s11 =	sadd.s32 $0x8010, s9;
	s13 =	simm.s32 $0xB108  }
0x8c: {  	[hbm4b:s11+s5] =	stream.linear.scatter [tilespmem:s13], [sflag:$0x3], $0x80, $0x38;
	[tilespmem:$0x13000] =	vst v63  }
0x8d: {  	s14 =	sadd.s32 $0x8020, s9;
	s15 =	simm.s32 $0xB190  }
0x8e: {  	[hbm4b:s14+s5] =	stream.linear.scatter [tilespmem:s15], [sflag:$0x3], $0x80, $0x38;
	[tilespmem:$0x13000] =	vst v63  }
0x8f: {  	s11 =	sadd.s32 $0x8030, s9;
	s13 =	simm.s32 $0xB218  }
0x90: {  	[hbm4b:s11+s5] =	stream.linear.scatter [tilespmem:s13], [sflag:$0x3], $0x80, $0x38;
	[tilespmem:$0x13000] =	vst v63  }
0x91: {  	s14 =	sadd.s32 $0x8040, s9;
	s15 =	simm.s32 $0xB2A0  }
0x92: {  	[hbm4b:s14+s5] =	stream.linear.scatter [tilespmem:s15], [sflag:$0x3], $0x80, $0x38;
	[tilespmem:$0x13000] =	vst v63  }
0x93: {  	s11 =	sadd.s32 $0x8050, s9;
	s13 =	simm.s32 $0xB328  }
0x94: {  	[hbm4b:s11+s5] =	stream.linear.scatter [tilespmem:s13], [sflag:$0x3], $0x80, $0x38;
	[tilespmem:$0x13000] =	vst v63  }
0x95: {  	s14 =	sadd.s32 $0x8060, s9;
	s15 =	simm.s32 $0xB3B0  }
0x96: {  	[hbm4b:s14+s5] =	stream.linear.scatter [tilespmem:s15], [sflag:$0x3], $0x80, $0x38;
	[tilespmem:$0x13000] =	vst v63  }
0x97: {  	s11 =	sadd.s32 $0x8070, s9;
	s13 =	simm.s32 $0xB438  }
0x98: {  	[hbm4b:s11+s5] =	stream.linear.scatter [tilespmem:s13], [sflag:$0x3], $0x80, $0x38;
	[tilespmem:$0x13000] =	vst v63  }
0x99: {  	s14 =	sadd.s32 $0xC000, s9;
	s15 =	simm.s32 $0xB4C0  }
0x9a: {  	[hbm4b:s14+s5] =	stream.linear.scatter [tilespmem:s15], [sflag:$0x3], $0x80, $0x38;
	[tilespmem:$0x13000] =	vst v63  }
0x9b: {  	s11 =	sadd.s32 $0xC010, s9;
	s13 =	simm.s32 $0xB548  }
0x9c: {  	[hbm4b:s11+s5] =	stream.linear.scatter [tilespmem:s13], [sflag:$0x3], $0x80, $0x38;
	[tilespmem:$0x13000] =	vst v63  }
0x9d: {  	s14 =	sadd.s32 $0xC020, s9;
	s15 =	simm.s32 $0xB5D0  }
0x9e: {  	[hbm4b:s14+s5] =	stream.linear.scatter [tilespmem:s15], [sflag:$0x3], $0x80, $0x38;
	[tilespmem:$0x13000] =	vst v63  }
0x9f: {  	s11 =	sadd.s32 $0xC030, s9;
	s13 =	simm.s32 $0xB658  }
0xa0: {  	[hbm4b:s11+s5] =	stream.linear.scatter [tilespmem:s13], [sflag:$0x3], $0x80, $0x38;
	[tilespmem:$0x13000] =	vst v63  }
0xa1: {  	s14 =	sadd.s32 $0xC040, s9;
	s15 =	simm.s32 $0xB6E0  }
0xa2: {  	[hbm4b:s14+s5] =	stream.linear.scatter [tilespmem:s15], [sflag:$0x3], $0x80, $0x38;
	[tilespmem:$0x13000] =	vst v63  }
0xa3: {  	s11 =	sadd.s32 $0xC050, s9;
	s13 =	simm.s32 $0xB768  }
0xa4: {  	[hbm4b:s11+s5] =	stream.linear.scatter [tilespmem:s13], [sflag:$0x3], $0x80, $0x38;
	[tilespmem:$0x13000] =	vst v63  }
0xa5: {  	s14 =	sadd.s32 $0xC060, s9;
	s15 =	simm.s32 $0xB7F0  }
0xa6: {  	[hbm4b:s14+s5] =	stream.linear.scatter [tilespmem:s15], [sflag:$0x3], $0x80, $0x38;
	[tilespmem:$0x13000] =	vst v63  }
0xa7: {  	s11 =	sadd.s32 $0xC070, s9;
	s13 =	simm.s32 $0xB878  }
0xa8: {  	[hbm4b:s11+s5] =	stream.linear.scatter [tilespmem:s13], [sflag:$0x3], $0x80, $0x38;
	[tilespmem:$0x13000] =	vst v63  }
0xa9: {  	s14 =	simm.s32 $0xB900;
	s11 =	rddreg [dreg:$0x4]  }
0xaa: {  	[hbm4b:s11+s5] =	stream.linear.scatter [tilespmem:s14], [sflag:$0x3], $0x80, $0x38;
	[tilespmem:$0x13000] =	vst v63  }
0xab: {  	s13 =	simm.s32 $0xB988;
	s15 =	sadd.s32 $0x10, s11  }
0xac: {  	[hbm4b:s15+s5] =	stream.linear.scatter [tilespmem:s13], [sflag:$0x3], $0x80, $0x38;
	[tilespmem:$0x13000] =	vst v63  }
0xad: {  	s14 =	sadd.s32 $0x20, s11;
	s15 =	simm.s32 $0xBA10  }
0xae: {  	[hbm4b:s14+s5] =	stream.linear.scatter [tilespmem:s15], [sflag:$0x3], $0x80, $0x38;
	[tilespmem:$0x13000] =	vst v63  }
0xaf: {  	s14 =	sadd.s32 $0x30, s11;
	s15 =	simm.s32 $0xBA98  }
0xb0: {  	[hbm4b:s14+s5] =	stream.linear.scatter [tilespmem:s15], [sflag:$0x3], $0x80, $0x38;
	[tilespmem:$0x13000] =	vst v63  }
0xb1: {  	s14 =	sadd.s32 $0x40, s11;
	s15 =	simm.s32 $0xBB20  }
0xb2: {  	[hbm4b:s14+s5] =	stream.linear.scatter [tilespmem:s15], [sflag:$0x3], $0x80, $0x38;
	[tilespmem:$0x13000] =	vst v63  }
0xb3: {  	s14 =	sadd.s32 $0x50, s11;
	s15 =	simm.s32 $0xBBA8  }
0xb4: {  	[hbm4b:s14+s5] =	stream.linear.scatter [tilespmem:s15], [sflag:$0x3], $0x80, $0x38;
	[tilespmem:$0x13000] =	vst v63  }
0xb5: {  	s14 =	sadd.s32 $0x60, s11;
	s15 =	simm.s32 $0xBC30  }
0xb6: {  	[hbm4b:s14+s5] =	stream.linear.scatter [tilespmem:s15], [sflag:$0x3], $0x80, $0x38;
	[tilespmem:$0x13000] =	vst v63  }
0xb7: {  	s14 =	sadd.s32 $0x70, s11;
	s15 =	simm.s32 $0xBCB8  }
0xb8: {  	[hbm4b:s14+s5] =	stream.linear.scatter [tilespmem:s15], [sflag:$0x3], $0x80, $0x38;
	[tilespmem:$0x13000] =	vst v63  }
0xb9: {  	s14 =	sadd.s32 $0x4000, s11;
	s15 =	simm.s32 $0xBD40  }
0xba: {  	[hbm4b:s14+s5] =	stream.linear.scatter [tilespmem:s15], [sflag:$0x3], $0x80, $0x38;
	[tilespmem:$0x13000] =	vst v63  }
0xbb: {  	s14 =	sadd.s32 $0x4010, s11;
	s15 =	simm.s32 $0xBDC8  }
0xbc: {  	[hbm4b:s14+s5] =	stream.linear.scatter [tilespmem:s15], [sflag:$0x3], $0x80, $0x38;
	[tilespmem:$0x13000] =	vst v63  }
0xbd: {  	s14 =	sadd.s32 $0x4020, s11;
	s15 =	simm.s32 $0xBE50  }
0xbe: {  	[hbm4b:s14+s5] =	stream.linear.scatter [tilespmem:s15], [sflag:$0x3], $0x80, $0x38;
	[tilespmem:$0x13000] =	vst v63  }
0xbf: {  	s14 =	sadd.s32 $0x4030, s11;
	s15 =	simm.s32 $0xBED8  }
0xc0: {  	[hbm4b:s14+s5] =	stream.linear.scatter [tilespmem:s15], [sflag:$0x3], $0x80, $0x38;
	[tilespmem:$0x13000] =	vst v63  }
0xc1: {  	s14 =	sadd.s32 $0x4040, s11;
	s15 =	simm.s32 $0xBF60  }
0xc2: {  	[hbm4b:s14+s5] =	stream.linear.scatter [tilespmem:s15], [sflag:$0x3], $0x80, $0x38;
	[tilespmem:$0x13000] =	vst v63  }
0xc3: {  	s14 =	sadd.s32 $0x4050, s11;
	s15 =	simm.s32 $0xBFE8  }
0xc4: {  	[hbm4b:s14+s5] =	stream.linear.scatter [tilespmem:s15], [sflag:$0x3], $0x80, $0x38;
	[tilespmem:$0x13000] =	vst v63  }
0xc5: {  	s14 =	sadd.s32 $0x4060, s11;
	s15 =	simm.s32 $0xC070  }
0xc6: {  	[hbm4b:s14+s5] =	stream.linear.scatter [tilespmem:s15], [sflag:$0x3], $0x80, $0x38;
	[tilespmem:$0x13000] =	vst v63  }
0xc7: {  	s14 =	sadd.s32 $0x4070, s11;
	s15 =	simm.s32 $0xC0F8  }
0xc8: {  	[hbm4b:s14+s5] =	stream.linear.scatter [tilespmem:s15], [sflag:$0x3], $0x80, $0x38;
	[tilespmem:$0x13000] =	vst v63  }
0xc9: {  	s14 =	sadd.s32 $0x8000, s11;
	s15 =	simm.s32 $0xC180  }
0xca: {  	[hbm4b:s14+s5] =	stream.linear.scatter [tilespmem:s15], [sflag:$0x3], $0x80, $0x38;
	[tilespmem:$0x13000] =	vst v63  }
0xcb: {  	s14 =	sadd.s32 $0x8010, s11;
	s15 =	simm.s32 $0xC208  }
0xcc: {  	[hbm4b:s14+s5] =	stream.linear.scatter [tilespmem:s15], [sflag:$0x3], $0x80, $0x38;
	[tilespmem:$0x13000] =	vst v63  }
0xcd: {  	s14 =	sadd.s32 $0x8020, s11;
	s15 =	simm.s32 $0xC290  }
0xce: {  	[hbm4b:s14+s5] =	stream.linear.scatter [tilespmem:s15], [sflag:$0x3], $0x80, $0x38;
	[tilespmem:$0x13000] =	vst v63  }
0xcf: {  	s14 =	sadd.s32 $0x8030, s11;
	s15 =	simm.s32 $0xC318  }
0xd0: {  	[hbm4b:s14+s5] =	stream.linear.scatter [tilespmem:s15], [sflag:$0x3], $0x80, $0x38;
	[tilespmem:$0x13000] =	vst v63  }
0xd1: {  	s14 =	sadd.s32 $0x8040, s11;
	s15 =	simm.s32 $0xC3A0  }
0xd2: {  	[hbm4b:s14+s5] =	stream.linear.scatter [tilespmem:s15], [sflag:$0x3], $0x80, $0x38;
	[tilespmem:$0x13000] =	vst v63  }
0xd3: {  	s14 =	sadd.s32 $0x8050, s11;
	s15 =	simm.s32 $0xC428  }
0xd4: {  	[hbm4b:s14+s5] =	stream.linear.scatter [tilespmem:s15], [sflag:$0x3], $0x80, $0x38;
	[tilespmem:$0x13000] =	vst v63  }
0xd5: {  	s14 =	sadd.s32 $0x8060, s11;
	s15 =	simm.s32 $0xC4B0  }
0xd6: {  	[hbm4b:s14+s5] =	stream.linear.scatter [tilespmem:s15], [sflag:$0x3], $0x80, $0x38;
	[tilespmem:$0x13000] =	vst v63  }
0xd7: {  	s14 =	sadd.s32 $0x8070, s11;
	s15 =	simm.s32 $0xC538  }
0xd8: {  	[hbm4b:s14+s5] =	stream.linear.scatter [tilespmem:s15], [sflag:$0x3], $0x80, $0x38;
	[tilespmem:$0x13000] =	vst v63  }
0xd9: {  	s14 =	sadd.s32 $0xC000, s11;
	s15 =	simm.s32 $0xC5C0  }
0xda: {  	[hbm4b:s14+s5] =	stream.linear.scatter [tilespmem:s15], [sflag:$0x3], $0x80, $0x38;
	[tilespmem:$0x13000] =	vst v63  }
0xdb: {  	s14 =	sadd.s32 $0xC010, s11;
	s15 =	simm.s32 $0xC648  }
0xdc: {  	[hbm4b:s14+s5] =	stream.linear.scatter [tilespmem:s15], [sflag:$0x3], $0x80, $0x38;
	[tilespmem:$0x13000] =	vst v63  }
0xdd: {  	s14 =	sadd.s32 $0xC020, s11;
	s15 =	simm.s32 $0xC6D0  }
0xde: {  	[hbm4b:s14+s5] =	stream.linear.scatter [tilespmem:s15], [sflag:$0x3], $0x80, $0x38;
	[tilespmem:$0x13000] =	vst v63  }
0xdf: {  	s14 =	sadd.s32 $0xC030, s11;
	s15 =	simm.s32 $0xC758  }
0xe0: {  	[hbm4b:s14+s5] =	stream.linear.scatter [tilespmem:s15], [sflag:$0x3], $0x80, $0x38;
	[tilespmem:$0x13000] =	vst v63  }
0xe1: {  	s14 =	sadd.s32 $0xC040, s11;
	s15 =	simm.s32 $0xC7E0  }
0xe2: {  	[hbm4b:s14+s5] =	stream.linear.scatter [tilespmem:s15], [sflag:$0x3], $0x80, $0x38;
	[tilespmem:$0x13000] =	vst v63  }
0xe3: {  	s14 =	sadd.s32 $0xC050, s11;
	s15 =	simm.s32 $0xC868  }
0xe4: {  	[hbm4b:s14+s5] =	stream.linear.scatter [tilespmem:s15], [sflag:$0x3], $0x80, $0x38;
	[tilespmem:$0x13000] =	vst v63  }
0xe5: {  	s14 =	sadd.s32 $0xC060, s11;
	s15 =	simm.s32 $0xC8F0  }
0xe6: {  	[hbm4b:s14+s5] =	stream.linear.scatter [tilespmem:s15], [sflag:$0x3], $0x80, $0x38;
	[tilespmem:$0x13000] =	vst v63  }
0xe7: {  	s14 =	sadd.s32 $0xC070, s11;
	s15 =	simm.s32 $0xC978  }
0xe8: {  	[hbm4b:s14+s5] =	stream.linear.scatter [tilespmem:s15], [sflag:$0x3], $0x80, $0x38;
	[tilespmem:$0x13000] =	vst v63  }
0xe9: {  	s13 =	simm.s32 $0xCA00;
	s11 =	rddreg [dreg:$0x5]  }
0xea: {  	[hbm4b:s11+s5] =	stream.linear.scatter [tilespmem:s13], [sflag:$0x3], $0x80, $0x38;
	[tilespmem:$0x13000] =	vst v63  }
0xeb: {  	s14 =	sadd.s32 $0x10, s11;
	s15 =	simm.s32 $0xCA88  }
0xec: {  	[hbm4b:s14+s5] =	stream.linear.scatter [tilespmem:s15], [sflag:$0x3], $0x80, $0x38;
	[tilespmem:$0x13000] =	vst v63  }
0xed: {  	s14 =	sadd.s32 $0x20, s11;
	s15 =	simm.s32 $0xCB10  }
0xee: {  	[hbm4b:s14+s5] =	stream.linear.scatter [tilespmem:s15], [sflag:$0x3], $0x80, $0x38;
	[tilespmem:$0x13000] =	vst v63  }
0xef: {  	s14 =	sadd.s32 $0x30, s11;
	s15 =	simm.s32 $0xCB98  }
0xf0: {  	[hbm4b:s14+s5] =	stream.linear.scatter [tilespmem:s15], [sflag:$0x3], $0x80, $0x38;
	[tilespmem:$0x13000] =	vst v63  }
0xf1: {  	s14 =	sadd.s32 $0x40, s11;
	s15 =	simm.s32 $0xCC20  }
0xf2: {  	[hbm4b:s14+s5] =	stream.linear.scatter [tilespmem:s15], [sflag:$0x3], $0x80, $0x38;
	[tilespmem:$0x13000] =	vst v63  }
0xf3: {  	s14 =	sadd.s32 $0x50, s11;
	s15 =	simm.s32 $0xCCA8  }
0xf4: {  	[hbm4b:s14+s5] =	stream.linear.scatter [tilespmem:s15], [sflag:$0x3], $0x80, $0x38;
	[tilespmem:$0x13000] =	vst v63  }
0xf5: {  	s14 =	sadd.s32 $0x60, s11;
	s15 =	simm.s32 $0xCD30  }
0xf6: {  	[hbm4b:s14+s5] =	stream.linear.scatter [tilespmem:s15], [sflag:$0x3], $0x80, $0x38;
	[tilespmem:$0x13000] =	vst v63  }
0xf7: {  	s14 =	sadd.s32 $0x70, s11;
	s15 =	simm.s32 $0xCDB8  }
0xf8: {  	[hbm4b:s14+s5] =	stream.linear.scatter [tilespmem:s15], [sflag:$0x3], $0x80, $0x38;
	[tilespmem:$0x13000] =	vst v63  }
0xf9: {  	s14 =	sadd.s32 $0x4000, s11;
	s15 =	simm.s32 $0xCE40  }
0xfa: {  	[hbm4b:s14+s5] =	stream.linear.scatter [tilespmem:s15], [sflag:$0x3], $0x80, $0x38;
	[tilespmem:$0x13000] =	vst v63  }
0xfb: {  	s14 =	sadd.s32 $0x4010, s11;
	s15 =	simm.s32 $0xCEC8  }
0xfc: {  	[hbm4b:s14+s5] =	stream.linear.scatter [tilespmem:s15], [sflag:$0x3], $0x80, $0x38;
	[tilespmem:$0x13000] =	vst v63  }
0xfd: {  	s14 =	sadd.s32 $0x4020, s11;
	s15 =	simm.s32 $0xCF50  }
0xfe: {  	[hbm4b:s14+s5] =	stream.linear.scatter [tilespmem:s15], [sflag:$0x3], $0x80, $0x38;
	[tilespmem:$0x13000] =	vst v63  }
0xff: {  	s14 =	sadd.s32 $0x4030, s11;
	s15 =	simm.s32 $0xCFD8  }
0x100: {  	[hbm4b:s14+s5] =	stream.linear.scatter [tilespmem:s15], [sflag:$0x3], $0x80, $0x38;
	[tilespmem:$0x13000] =	vst v63  }
0x101: {  	s14 =	sadd.s32 $0x4040, s11;
	s15 =	simm.s32 $0xD060  }
0x102: {  	[hbm4b:s14+s5] =	stream.linear.scatter [tilespmem:s15], [sflag:$0x3], $0x80, $0x38;
	[tilespmem:$0x13000] =	vst v63  }
0x103: {  	s14 =	sadd.s32 $0x4050, s11;
	s15 =	simm.s32 $0xD0E8  }
0x104: {  	[hbm4b:s14+s5] =	stream.linear.scatter [tilespmem:s15], [sflag:$0x3], $0x80, $0x38;
	[tilespmem:$0x13000] =	vst v63  }
0x105: {  	s14 =	sadd.s32 $0x4060, s11;
	s15 =	simm.s32 $0xD170  }
0x106: {  	[hbm4b:s14+s5] =	stream.linear.scatter [tilespmem:s15], [sflag:$0x3], $0x80, $0x38;
	[tilespmem:$0x13000] =	vst v63  }
0x107: {  	s14 =	sadd.s32 $0x4070, s11;
	s15 =	simm.s32 $0xD1F8  }
0x108: {  	[hbm4b:s14+s5] =	stream.linear.scatter [tilespmem:s15], [sflag:$0x3], $0x80, $0x38;
	[tilespmem:$0x13000] =	vst v63  }
0x109: {  	s14 =	sadd.s32 $0x8000, s11;
	s15 =	simm.s32 $0xD280  }
0x10a: {  	[hbm4b:s14+s5] =	stream.linear.scatter [tilespmem:s15], [sflag:$0x3], $0x80, $0x38;
	[tilespmem:$0x13000] =	vst v63  }
0x10b: {  	s14 =	sadd.s32 $0x8010, s11;
	s15 =	simm.s32 $0xD308  }
0x10c: {  	[hbm4b:s14+s5] =	stream.linear.scatter [tilespmem:s15], [sflag:$0x3], $0x80, $0x38;
	[tilespmem:$0x13000] =	vst v63  }
0x10d: {  	s14 =	sadd.s32 $0x8020, s11;
	s15 =	simm.s32 $0xD390  }
0x10e: {  	[hbm4b:s14+s5] =	stream.linear.scatter [tilespmem:s15], [sflag:$0x3], $0x80, $0x38;
	[tilespmem:$0x13000] =	vst v63  }
0x10f: {  	s14 =	sadd.s32 $0x8030, s11;
	s15 =	simm.s32 $0xD418  }
0x110: {  	[hbm4b:s14+s5] =	stream.linear.scatter [tilespmem:s15], [sflag:$0x3], $0x80, $0x38;
	[tilespmem:$0x13000] =	vst v63  }
0x111: {  	s14 =	sadd.s32 $0x8040, s11;
	s15 =	simm.s32 $0xD4A0  }
0x112: {  	[hbm4b:s14+s5] =	stream.linear.scatter [tilespmem:s15], [sflag:$0x3], $0x80, $0x38;
	[tilespmem:$0x13000] =	vst v63  }
0x113: {  	s14 =	sadd.s32 $0x8050, s11;
	s15 =	simm.s32 $0xD528  }
0x114: {  	[hbm4b:s14+s5] =	stream.linear.scatter [tilespmem:s15], [sflag:$0x3], $0x80, $0x38;
	[tilespmem:$0x13000] =	vst v63  }
0x115: {  	s14 =	sadd.s32 $0x8060, s11;
	s15 =	simm.s32 $0xD5B0  }
0x116: {  	[hbm4b:s14+s5] =	stream.linear.scatter [tilespmem:s15], [sflag:$0x3], $0x80, $0x38;
	[tilespmem:$0x13000] =	vst v63  }
0x117: {  	s14 =	sadd.s32 $0x8070, s11;
	s15 =	simm.s32 $0xD638  }
0x118: {  	[hbm4b:s14+s5] =	stream.linear.scatter [tilespmem:s15], [sflag:$0x3], $0x80, $0x38;
	[tilespmem:$0x13000] =	vst v63  }
0x119: {  	s14 =	sadd.s32 $0xC000, s11;
	s15 =	simm.s32 $0xD6C0  }
0x11a: {  	[hbm4b:s14+s5] =	stream.linear.scatter [tilespmem:s15], [sflag:$0x3], $0x80, $0x38;
	[tilespmem:$0x13000] =	vst v63  }
0x11b: {  	s14 =	sadd.s32 $0xC010, s11;
	s15 =	simm.s32 $0xD748  }
0x11c: {  	[hbm4b:s14+s5] =	stream.linear.scatter [tilespmem:s15], [sflag:$0x3], $0x80, $0x38;
	[tilespmem:$0x13000] =	vst v63  }
0x11d: {  	s14 =	sadd.s32 $0xC020, s11;
	s15 =	simm.s32 $0xD7D0  }
0x11e: {  	[hbm4b:s14+s5] =	stream.linear.scatter [tilespmem:s15], [sflag:$0x3], $0x80, $0x38;
	[tilespmem:$0x13000] =	vst v63  }
0x11f: {  	s14 =	sadd.s32 $0xC030, s11;
	s15 =	simm.s32 $0xD858  }
0x120: {  	[hbm4b:s14+s5] =	stream.linear.scatter [tilespmem:s15], [sflag:$0x3], $0x80, $0x38;
	[tilespmem:$0x13000] =	vst v63  }
0x121: {  	s14 =	sadd.s32 $0xC040, s11;
	s15 =	simm.s32 $0xD8E0  }
0x122: {  	[hbm4b:s14+s5] =	stream.linear.scatter [tilespmem:s15], [sflag:$0x3], $0x80, $0x38;
	[tilespmem:$0x13000] =	vst v63  }
0x123: {  	s14 =	sadd.s32 $0xC050, s11;
	s15 =	simm.s32 $0xD968  }
0x124: {  	[hbm4b:s14+s5] =	stream.linear.scatter [tilespmem:s15], [sflag:$0x3], $0x80, $0x38;
	[tilespmem:$0x13000] =	vst v63  }
0x125: {  	s14 =	sadd.s32 $0xC060, s11;
	s15 =	simm.s32 $0xD9F0  }
0x126: {  	[hbm4b:s14+s5] =	stream.linear.scatter [tilespmem:s15], [sflag:$0x3], $0x80, $0x38;
	[tilespmem:$0x13000] =	vst v63  }
0x127: {  	s13 =	sadd.s32 $0xC070, s11;
	s14 =	simm.s32 $0xDA78  }
0x128: {  	[hbm4b:s13+s5] =	stream.linear.scatter [tilespmem:s14], [sflag:$0x3], $0x80, $0x38;
	[tilespmem:$0x13000] =	vst v63  }
0x129: {  	s15 =	simm.s32 $0xDB00  }
0x12a: {  	[hbm4b:s18+s5] =	stream.linear.scatter [tilespmem:s15], [sflag:$0x3], $0x80, $0x38;
	[tilespmem:$0x13000] =	vst v63  }
0x12b: {  	s11 =	sadd.s32 $0x10, s18;
	s13 =	simm.s32 $0xDB88  }
0x12c: {  	[hbm4b:s11+s5] =	stream.linear.scatter [tilespmem:s13], [sflag:$0x3], $0x80, $0x38;
	[tilespmem:$0x13000] =	vst v63  }
0x12d: {  	s14 =	sadd.s32 $0x20, s18;
	s15 =	simm.s32 $0xDC10  }
0x12e: {  	[hbm4b:s14+s5] =	stream.linear.scatter [tilespmem:s15], [sflag:$0x3], $0x80, $0x38;
	[tilespmem:$0x13000] =	vst v63  }
0x12f: {  	s11 =	sadd.s32 $0x30, s18;
	s13 =	simm.s32 $0xDC98  }
0x130: {  	[hbm4b:s11+s5] =	stream.linear.scatter [tilespmem:s13], [sflag:$0x3], $0x80, $0x38;
	[tilespmem:$0x13000] =	vst v63  }
0x131: {  	s14 =	sadd.s32 $0x40, s18;
	s15 =	simm.s32 $0xDD20  }
0x132: {  	[hbm4b:s14+s5] =	stream.linear.scatter [tilespmem:s15], [sflag:$0x3], $0x80, $0x38;
	[tilespmem:$0x13000] =	vst v63  }
0x133: {  	s11 =	sadd.s32 $0x50, s18;
	s13 =	simm.s32 $0xDDA8  }
0x134: {  	[hbm4b:s11+s5] =	stream.linear.scatter [tilespmem:s13], [sflag:$0x3], $0x80, $0x38;
	[tilespmem:$0x13000] =	vst v63  }
0x135: {  	s14 =	sadd.s32 $0x60, s18;
	s15 =	simm.s32 $0xDE30  }
0x136: {  	[hbm4b:s14+s5] =	stream.linear.scatter [tilespmem:s15], [sflag:$0x3], $0x80, $0x38;
	[tilespmem:$0x13000] =	vst v63  }
0x137: {  	s11 =	sadd.s32 $0x70, s18;
	s13 =	simm.s32 $0xDEB8  }
0x138: {  	[hbm4b:s11+s5] =	stream.linear.scatter [tilespmem:s13], [sflag:$0x3], $0x80, $0x38;
	[tilespmem:$0x13000] =	vst v63  }
0x139: {  	s14 =	sadd.s32 $0x4000, s18;
	s15 =	simm.s32 $0xDF40  }
0x13a: {  	[hbm4b:s14+s5] =	stream.linear.scatter [tilespmem:s15], [sflag:$0x3], $0x80, $0x38;
	[tilespmem:$0x13000] =	vst v63  }
0x13b: {  	s11 =	sadd.s32 $0x4010, s18;
	s13 =	simm.s32 $0xDFC8  }
0x13c: {  	[hbm4b:s11+s5] =	stream.linear.scatter [tilespmem:s13], [sflag:$0x3], $0x80, $0x38;
	[tilespmem:$0x13000] =	vst v63  }
0x13d: {  	s14 =	sadd.s32 $0x4020, s18;
	s15 =	simm.s32 $0xE050  }
0x13e: {  	[hbm4b:s14+s5] =	stream.linear.scatter [tilespmem:s15], [sflag:$0x3], $0x80, $0x38;
	[tilespmem:$0x13000] =	vst v63  }
0x13f: {  	s11 =	sadd.s32 $0x4030, s18;
	s13 =	simm.s32 $0xE0D8  }
0x140: {  	[hbm4b:s11+s5] =	stream.linear.scatter [tilespmem:s13], [sflag:$0x3], $0x80, $0x38;
	[tilespmem:$0x13000] =	vst v63  }
0x141: {  	s14 =	sadd.s32 $0x4040, s18;
	s15 =	simm.s32 $0xE160  }
0x142: {  	[hbm4b:s14+s5] =	stream.linear.scatter [tilespmem:s15], [sflag:$0x3], $0x80, $0x38;
	[tilespmem:$0x13000] =	vst v63  }
0x143: {  	s11 =	sadd.s32 $0x4050, s18;
	s13 =	simm.s32 $0xE1E8  }
0x144: {  	[hbm4b:s11+s5] =	stream.linear.scatter [tilespmem:s13], [sflag:$0x3], $0x80, $0x38;
	[tilespmem:$0x13000] =	vst v63  }
0x145: {  	s14 =	sadd.s32 $0x4060, s18;
	s15 =	simm.s32 $0xE270  }
0x146: {  	[hbm4b:s14+s5] =	stream.linear.scatter [tilespmem:s15], [sflag:$0x3], $0x80, $0x38;
	[tilespmem:$0x13000] =	vst v63  }
0x147: {  	s11 =	sadd.s32 $0x4070, s18;
	s13 =	simm.s32 $0xE2F8  }
0x148: {  	[hbm4b:s11+s5] =	stream.linear.scatter [tilespmem:s13], [sflag:$0x3], $0x80, $0x38;
	[tilespmem:$0x13000] =	vst v63  }
0x149: {  	s14 =	sadd.s32 $0x8000, s18;
	s15 =	simm.s32 $0xE380  }
0x14a: {  	[hbm4b:s14+s5] =	stream.linear.scatter [tilespmem:s15], [sflag:$0x3], $0x80, $0x38;
	[tilespmem:$0x13000] =	vst v63  }
0x14b: {  	s11 =	sadd.s32 $0x8010, s18;
	s13 =	simm.s32 $0xE408  }
0x14c: {  	[hbm4b:s11+s5] =	stream.linear.scatter [tilespmem:s13], [sflag:$0x3], $0x80, $0x38;
	[tilespmem:$0x13000] =	vst v63  }
0x14d: {  	s14 =	sadd.s32 $0x8020, s18;
	s15 =	simm.s32 $0xE490  }
0x14e: {  	[hbm4b:s14+s5] =	stream.linear.scatter [tilespmem:s15], [sflag:$0x3], $0x80, $0x38;
	[tilespmem:$0x13000] =	vst v63  }
0x14f: {  	s11 =	sadd.s32 $0x8030, s18;
	s13 =	simm.s32 $0xE518  }
0x150: {  	[hbm4b:s11+s5] =	stream.linear.scatter [tilespmem:s13], [sflag:$0x3], $0x80, $0x38;
	[tilespmem:$0x13000] =	vst v63  }
0x151: {  	s14 =	sadd.s32 $0x8040, s18;
	s15 =	simm.s32 $0xE5A0  }
0x152: {  	[hbm4b:s14+s5] =	stream.linear.scatter [tilespmem:s15], [sflag:$0x3], $0x80, $0x38;
	[tilespmem:$0x13000] =	vst v63  }
0x153: {  	s11 =	sadd.s32 $0x8050, s18;
	s13 =	simm.s32 $0xE628  }
0x154: {  	[hbm4b:s11+s5] =	stream.linear.scatter [tilespmem:s13], [sflag:$0x3], $0x80, $0x38;
	[tilespmem:$0x13000] =	vst v63  }
0x155: {  	s14 =	sadd.s32 $0x8060, s18;
	s15 =	simm.s32 $0xE6B0  }
0x156: {  	[hbm4b:s14+s5] =	stream.linear.scatter [tilespmem:s15], [sflag:$0x3], $0x80, $0x38;
	[tilespmem:$0x13000] =	vst v63  }
0x157: {  	s11 =	sadd.s32 $0x8070, s18;
	s13 =	simm.s32 $0xE738  }
0x158: {  	[hbm4b:s11+s5] =	stream.linear.scatter [tilespmem:s13], [sflag:$0x3], $0x80, $0x38;
	[tilespmem:$0x13000] =	vst v63  }
0x159: {  	s14 =	sadd.s32 $0xC000, s18;
	s15 =	simm.s32 $0xE7C0  }
0x15a: {  	[hbm4b:s14+s5] =	stream.linear.scatter [tilespmem:s15], [sflag:$0x3], $0x80, $0x38;
	[tilespmem:$0x13000] =	vst v63  }
0x15b: {  	s11 =	sadd.s32 $0xC010, s18;
	s13 =	simm.s32 $0xE848  }
0x15c: {  	[hbm4b:s11+s5] =	stream.linear.scatter [tilespmem:s13], [sflag:$0x3], $0x80, $0x38;
	[tilespmem:$0x13000] =	vst v63  }
0x15d: {  	s14 =	sadd.s32 $0xC020, s18;
	s15 =	simm.s32 $0xE8D0  }
0x15e: {  	[hbm4b:s14+s5] =	stream.linear.scatter [tilespmem:s15], [sflag:$0x3], $0x80, $0x38;
	[tilespmem:$0x13000] =	vst v63  }
0x15f: {  	s11 =	sadd.s32 $0xC030, s18;
	s13 =	simm.s32 $0xE958  }
0x160: {  	[hbm4b:s11+s5] =	stream.linear.scatter [tilespmem:s13], [sflag:$0x3], $0x80, $0x38;
	[tilespmem:$0x13000] =	vst v63  }
0x161: {  	s14 =	sadd.s32 $0xC040, s18;
	s15 =	simm.s32 $0xE9E0  }
0x162: {  	[hbm4b:s14+s5] =	stream.linear.scatter [tilespmem:s15], [sflag:$0x3], $0x80, $0x38;
	[tilespmem:$0x13000] =	vst v63  }
0x163: {  	s11 =	sadd.s32 $0xC050, s18;
	s13 =	simm.s32 $0xEA68  }
0x164: {  	[hbm4b:s11+s5] =	stream.linear.scatter [tilespmem:s13], [sflag:$0x3], $0x80, $0x38;
	[tilespmem:$0x13000] =	vst v63  }
0x165: {  	s14 =	sadd.s32 $0xC060, s18;
	s15 =	simm.s32 $0xEAF0  }
0x166: {  	[hbm4b:s14+s5] =	stream.linear.scatter [tilespmem:s15], [sflag:$0x3], $0x80, $0x38;
	[tilespmem:$0x13000] =	vst v63  }
0x167: {  	s11 =	sadd.s32 $0xC070, s18;
	s13 =	simm.s32 $0xEB78  }
0x168: {  	[hbm4b:s11+s5] =	stream.linear.scatter [tilespmem:s13], [sflag:$0x3], $0x80, $0x38;
	[tilespmem:$0x13000] =	vst v63  }
0x169: {  	s14 =	simm.s32 $0x2800;
	s15 =	simm.s32 $0x400  }
0x16a: {  	[tilespmem:s14], [sflag:$0x1] =	stream.indirect.gather [hbm4b:s4+s29], $0x20, s15, s29, $0xb8;
	[tilespmem:$0x13000] =	vst v63  }
0x16b: {  	s11 =	simm.s32 $0x3800;
	s13 =	simm.s32 $0x480  }
0x16c: {  	[tilespmem:s11], [sflag:$0x1] =	stream.indirect.gather [hbm4b:s4+s29], $0x20, s13, s29, $0xb8;
	[tilespmem:$0x13000] =	vst v63  }
0x16d: {  	s14 =	simm.s32 $0x500;
	s15 =	simm.s32 $0x4800  }
0x16e: {  	[tilespmem:s15], [sflag:$0x1] =	stream.indirect.gather [hbm4b:s4+s29], $0x20, s14, s29, $0xb8;
	[tilespmem:$0x13000] =	vst v63  }
0x16f: {  	s13 =	simm.s32 $0x5800;
	s14 =	simm.s32 $0x580  }
0x170: {  	[tilespmem:s13], [sflag:$0x1] =	stream.indirect.gather [hbm4b:s4+s29], $0x20, s14, s29, $0xb8;
	[tilespmem:$0x13000] =	vst v63  }
0x171: {  	_ =	swait.ge [sflag:s25], $0x1000  }
0x172: {  	[sflag:s25] =	ssyncset.done $0x0  }
0x173: {  	[sflag:s25] =	ssyncadd.s32 $0xFFFFF000  }
0x174: {  	_ =	swait.ge [sflag:s25], $0x1000  }
0x175: {  	[sflag:s25] =	ssyncset.done $0x0  }
0x176: {  	[sflag:s25] =	ssyncadd.s32 $0xFFFFF000  }
0x177: {  	_ =	swait.ge [sflag:s25], $0x1000  }
0x178: {  	[sflag:s25] =	ssyncset.done $0x0  }
0x179: {  	[sflag:s25] =	ssyncadd.s32 $0xFFFFF000  }
0x17a: {  	_ =	swait.ge [sflag:s25], $0x1000  }
0x17b: {  	v8 =	vmov s5;
	[sflag:s25] =	ssyncset.done $0x0  }
0x17c: {  	v9 =	vand.u32 $0x7F, v8;
	s5 =	simm.s32 $0x8800;
	[sflag:s25] =	ssyncadd.s32 $0xFFFFF000  }
0x17d: {  	v10 =	vadd.s32 v0, v9;
	v8 =	vld [tilespmem:s5+$0xFFFFE000]  }
0x17e: {  	v60 =	vadd.s32 v1, v9;
	v11 =	vld [tilespmem:s5+$0xFFFFE010];
	_ =	sdelay $0x3  }
0x17f: {  	[tilespmem:v10+s28+$0x0] =	vst.idx.msk $0xffff, v8  }
0x180: {  	[tilespmem:v60+s28+$0x0] =	vst.idx.msk $0xffff, v11  }
0x181: {  	v10 =	vadd.s32 v2, v9;
	v8 =	vld [tilespmem:s5+$0xFFFFF000]  }
0x182: {  	v61 =	vadd.s32 v3, v9;
	v11 =	vld [tilespmem:s5+$0xFFFFF010];
	_ =	sdelay $0x3  }
0x183: {  	[tilespmem:v10+s28+$0x0] =	vst.idx.msk $0xffff, v8  }
0x184: {  	[tilespmem:v61+s28+$0x0] =	vst.idx.msk $0xffff, v11  }
0x185: {  	v10 =	vadd.s32 v4, v9;
	v8 =	vld [tilespmem:s5+$0x0]  }
0x186: {  	v62 =	vadd.s32 v5, v9;
	v11 =	vld [tilespmem:s5+$0x10];
	_ =	sdelay $0x3  }
0x187: {  	[tilespmem:v10+s28+$0x0] =	vst.idx.msk $0xffff, v8  }
0x188: {  	[tilespmem:v62+s28+$0x0] =	vst.idx.msk $0xffff, v11  }
0x189: {  	v63 =	vadd.s32 v6, v9;
	v11 =	vld [tilespmem:s5+$0x1000];
	_ =	sdelay $0x1  }
0x18a: {  	v9 =	vadd.s32 v7, v9;
	v8 =	vld [tilespmem:s5+$0x1010];
	_ =	sdelay $0x1  }
0x18b: {  	s15 =	simm.s32 $0x1  }
0x18c: {  	s10 =	simm.s32 $0x2;
	v10 =	vmov s15;
	[tilespmem:v63+s28+$0x0] =	vst.idx.msk $0xffff, v11  }
.LBB2_4:
0x18d: {  	p0 =	sne.s32 s10, $0x7F  }
0x18e: {  	v10 =	vand.u32 $0x7F, v10;
	[tilespmem:v9+s28+$0x0] =	vst.idx.msk $0xffff, v8;
	s5 =	sadd.s32 $0x20, s5;
	s11 =	smov.u32 s10;
	s10 =	sadd.s32 $0x1, s10  }
0x18f: {  	v8 =	vld [tilespmem:s5+$0xFFFFE000];
	v9 =	vadd.s32 v0, v10  }
0x190: {  	v12 =	vadd.s32 v1, v10;
	v11 =	vld [tilespmem:s5+$0xFFFFE010];
	_ =	sdelay $0x3  }
0x191: {  	[tilespmem:v9+s28+$0x0] =	vst.idx.msk $0xffff, v8  }
0x192: {  	[tilespmem:v12+s28+$0x0] =	vst.idx.msk $0xffff, v11  }
0x193: {  	v9 =	vadd.s32 v2, v10;
	v8 =	vld [tilespmem:s5+$0xFFFFF000]  }
0x194: {  	v12 =	vadd.s32 v3, v10;
	v11 =	vld [tilespmem:s5+$0xFFFFF010];
	_ =	sdelay $0x3  }
0x195: {  	[tilespmem:v9+s28+$0x0] =	vst.idx.msk $0xffff, v8  }
0x196: {  	[tilespmem:v12+s28+$0x0] =	vst.idx.msk $0xffff, v11  }
0x197: {  	v9 =	vadd.s32 v4, v10;
	v8 =	vld [tilespmem:s5+$0x0]  }
0x198: {  	v12 =	vadd.s32 v5, v10;
	v11 =	vld [tilespmem:s5+$0x10];
	_ =	sdelay $0x3  }
0x199: {  	[tilespmem:v9+s28+$0x0] =	vst.idx.msk $0xffff, v8  }
0x19a: {  	[tilespmem:v12+s28+$0x0] =	vst.idx.msk $0xffff, v11  }
0x19b: {  	v12 =	vadd.s32 v6, v10;
	v11 =	vld [tilespmem:s5+$0x1000]  }
.Ltmp1:
0x19c: {  	v9 =	vadd.s32 v7, v10;
	v8 =	vld [tilespmem:s5+$0x1010];
	(pc) =	sbr.rel @p0 .LBB2_4-.Ltmp1, $2  }
0x19d: {  	_ =	sdelay $0x2  }
0x19e: {  	v10 =	vmov s11;
	[tilespmem:v12+s28+$0x0] =	vst.idx.msk $0xffff, v11  }
0x19f: {  	_ =	sdelay $0x3  }
0x1a0: {  	v10 =	vand.u32 $0x7F, v10;
	[tilespmem:v9+s28+$0x0] =	vst.idx.msk $0xffff, v8;
	s5 =	sadd.s32 $0x20, s5  }
0x1a1: {  	v8 =	vld [tilespmem:s5+$0xFFFFE000];
	v58 =	vadd.s32 v0, v10  }
0x1a2: {  	v11 =	vld [tilespmem:s5+$0xFFFFE010];
	v12 =	vadd.s32 v1, v10;
	_ =	sdelay $0x3  }
0x1a3: {  	[tilespmem:v58+s28+$0x0] =	vst.idx.msk $0xffff, v8  }
0x1a4: {  	[tilespmem:v12+s28+$0x0] =	vst.idx.msk $0xffff, v11  }
0x1a5: {  	v59 =	vadd.s32 v2, v10;
	v8 =	vld [tilespmem:s5+$0xFFFFF000]  }
0x1a6: {  	v60 =	vadd.s32 v3, v10;
	v11 =	vld [tilespmem:s5+$0xFFFFF010];
	_ =	sdelay $0x3  }
0x1a7: {  	[tilespmem:v59+s28+$0x0] =	vst.idx.msk $0xffff, v8  }
0x1a8: {  	[tilespmem:v60+s28+$0x0] =	vst.idx.msk $0xffff, v11  }
0x1a9: {  	v61 =	vadd.s32 v4, v10;
	v8 =	vld [tilespmem:s5+$0x0]  }
0x1aa: {  	v62 =	vadd.s32 v5, v10;
	v11 =	vld [tilespmem:s5+$0x10];
	_ =	sdelay $0x3  }
0x1ab: {  	[tilespmem:v61+s28+$0x0] =	vst.idx.msk $0xffff, v8  }
0x1ac: {  	[tilespmem:v62+s28+$0x0] =	vst.idx.msk $0xffff, v11  }
0x1ad: {  	v63 =	vadd.s32 v6, v10;
	v8 =	vld [tilespmem:s5+$0x1000]  }
0x1ae: {  	v10 =	vadd.s32 v7, v10;
	v11 =	vld [tilespmem:s5+$0x1010];
	_ =	sdelay $0x3  }
0x1af: {  	[tilespmem:v63+s28+$0x0] =	vst.idx.msk $0xffff, v8  }
0x1b0: {  	s10 =	rddreg [dreg:$0x6];
	[tilespmem:v10+s28+$0x0] =	vst.idx.msk $0xffff, v11  }
0x1b1: {  	[hbm4b:s10+s3] =	stream.linear.scatter [tilespmem:s28], [sflag:$0x4], $0x80, $0x38;
	[tilespmem:$0x13000] =	vst v63  }
0x1b2: {  	s11 =	simm.s32 $0xEC88;
	s13 =	sadd.s32 $0x10, s10  }
0x1b3: {  	[hbm4b:s13+s3] =	stream.linear.scatter [tilespmem:s11], [sflag:$0x4], $0x80, $0x38;
	[tilespmem:$0x13000] =	vst v63  }
0x1b4: {  	s15 =	simm.s32 $0xED10;
	s14 =	sadd.s32 $0x20, s10  }
0x1b5: {  	[hbm4b:s14+s3] =	stream.linear.scatter [tilespmem:s15], [sflag:$0x4], $0x80, $0x38;
	[tilespmem:$0x13000] =	vst v63  }
0x1b6: {  	s11 =	sadd.s32 $0x30, s10;
	s13 =	simm.s32 $0xED98  }
0x1b7: {  	[hbm4b:s11+s3] =	stream.linear.scatter [tilespmem:s13], [sflag:$0x4], $0x80, $0x38;
	[tilespmem:$0x13000] =	vst v63  }
0x1b8: {  	s14 =	sadd.s32 $0x40, s10;
	s15 =	simm.s32 $0xEE20  }
0x1b9: {  	[hbm4b:s14+s3] =	stream.linear.scatter [tilespmem:s15], [sflag:$0x4], $0x80, $0x38;
	[tilespmem:$0x13000] =	vst v63  }
0x1ba: {  	s11 =	sadd.s32 $0x50, s10;
	s13 =	simm.s32 $0xEEA8  }
0x1bb: {  	[hbm4b:s11+s3] =	stream.linear.scatter [tilespmem:s13], [sflag:$0x4], $0x80, $0x38;
	[tilespmem:$0x13000] =	vst v63  }
0x1bc: {  	s14 =	sadd.s32 $0x60, s10;
	s15 =	simm.s32 $0xEF30  }
0x1bd: {  	[hbm4b:s14+s3] =	stream.linear.scatter [tilespmem:s15], [sflag:$0x4], $0x80, $0x38;
	[tilespmem:$0x13000] =	vst v63  }
0x1be: {  	s11 =	sadd.s32 $0x70, s10;
	s13 =	simm.s32 $0xEFB8  }
0x1bf: {  	[hbm4b:s11+s3] =	stream.linear.scatter [tilespmem:s13], [sflag:$0x4], $0x80, $0x38;
	[tilespmem:$0x13000] =	vst v63  }
0x1c0: {  	s14 =	sadd.s32 $0x4000, s10;
	s15 =	simm.s32 $0xF040  }
0x1c1: {  	[hbm4b:s14+s3] =	stream.linear.scatter [tilespmem:s15], [sflag:$0x4], $0x80, $0x38;
	[tilespmem:$0x13000] =	vst v63  }
0x1c2: {  	s11 =	sadd.s32 $0x4010, s10;
	s13 =	simm.s32 $0xF0C8  }
0x1c3: {  	[hbm4b:s11+s3] =	stream.linear.scatter [tilespmem:s13], [sflag:$0x4], $0x80, $0x38;
	[tilespmem:$0x13000] =	vst v63  }
0x1c4: {  	s14 =	sadd.s32 $0x4020, s10;
	s15 =	simm.s32 $0xF150  }
0x1c5: {  	[hbm4b:s14+s3] =	stream.linear.scatter [tilespmem:s15], [sflag:$0x4], $0x80, $0x38;
	[tilespmem:$0x13000] =	vst v63  }
0x1c6: {  	s11 =	sadd.s32 $0x4030, s10;
	s13 =	simm.s32 $0xF1D8  }
0x1c7: {  	[hbm4b:s11+s3] =	stream.linear.scatter [tilespmem:s13], [sflag:$0x4], $0x80, $0x38;
	[tilespmem:$0x13000] =	vst v63  }
0x1c8: {  	s14 =	sadd.s32 $0x4040, s10;
	s15 =	simm.s32 $0xF260  }
0x1c9: {  	[hbm4b:s14+s3] =	stream.linear.scatter [tilespmem:s15], [sflag:$0x4], $0x80, $0x38;
	[tilespmem:$0x13000] =	vst v63  }
0x1ca: {  	s11 =	sadd.s32 $0x4050, s10;
	s13 =	simm.s32 $0xF2E8  }
0x1cb: {  	[hbm4b:s11+s3] =	stream.linear.scatter [tilespmem:s13], [sflag:$0x4], $0x80, $0x38;
	[tilespmem:$0x13000] =	vst v63  }
0x1cc: {  	s14 =	sadd.s32 $0x4060, s10;
	s15 =	simm.s32 $0xF370  }
0x1cd: {  	[hbm4b:s14+s3] =	stream.linear.scatter [tilespmem:s15], [sflag:$0x4], $0x80, $0x38;
	[tilespmem:$0x13000] =	vst v63  }
0x1ce: {  	s11 =	sadd.s32 $0x4070, s10;
	s13 =	simm.s32 $0xF3F8  }
0x1cf: {  	[hbm4b:s11+s3] =	stream.linear.scatter [tilespmem:s13], [sflag:$0x4], $0x80, $0x38;
	[tilespmem:$0x13000] =	vst v63  }
0x1d0: {  	s14 =	sadd.s32 $0x8000, s10;
	s15 =	simm.s32 $0xF480  }
0x1d1: {  	[hbm4b:s14+s3] =	stream.linear.scatter [tilespmem:s15], [sflag:$0x4], $0x80, $0x38;
	[tilespmem:$0x13000] =	vst v63  }
0x1d2: {  	s11 =	sadd.s32 $0x8010, s10;
	s13 =	simm.s32 $0xF508  }
0x1d3: {  	[hbm4b:s11+s3] =	stream.linear.scatter [tilespmem:s13], [sflag:$0x4], $0x80, $0x38;
	[tilespmem:$0x13000] =	vst v63  }
0x1d4: {  	s14 =	sadd.s32 $0x8020, s10;
	s15 =	simm.s32 $0xF590  }
0x1d5: {  	[hbm4b:s14+s3] =	stream.linear.scatter [tilespmem:s15], [sflag:$0x4], $0x80, $0x38;
	[tilespmem:$0x13000] =	vst v63  }
0x1d6: {  	s11 =	sadd.s32 $0x8030, s10;
	s13 =	simm.s32 $0xF618  }
0x1d7: {  	[hbm4b:s11+s3] =	stream.linear.scatter [tilespmem:s13], [sflag:$0x4], $0x80, $0x38;
	[tilespmem:$0x13000] =	vst v63  }
0x1d8: {  	s14 =	sadd.s32 $0x8040, s10;
	s15 =	simm.s32 $0xF6A0  }
0x1d9: {  	[hbm4b:s14+s3] =	stream.linear.scatter [tilespmem:s15], [sflag:$0x4], $0x80, $0x38;
	[tilespmem:$0x13000] =	vst v63  }
0x1da: {  	s11 =	sadd.s32 $0x8050, s10;
	s13 =	simm.s32 $0xF728  }
0x1db: {  	[hbm4b:s11+s3] =	stream.linear.scatter [tilespmem:s13], [sflag:$0x4], $0x80, $0x38;
	[tilespmem:$0x13000] =	vst v63  }
0x1dc: {  	s14 =	sadd.s32 $0x8060, s10;
	s15 =	simm.s32 $0xF7B0  }
0x1dd: {  	[hbm4b:s14+s3] =	stream.linear.scatter [tilespmem:s15], [sflag:$0x4], $0x80, $0x38;
	[tilespmem:$0x13000] =	vst v63  }
0x1de: {  	s11 =	sadd.s32 $0x8070, s10;
	s13 =	simm.s32 $0xF838  }
0x1df: {  	[hbm4b:s11+s3] =	stream.linear.scatter [tilespmem:s13], [sflag:$0x4], $0x80, $0x38;
	[tilespmem:$0x13000] =	vst v63  }
0x1e0: {  	s14 =	sadd.s32 $0xC000, s10;
	s15 =	simm.s32 $0xF8C0  }
0x1e1: {  	[hbm4b:s14+s3] =	stream.linear.scatter [tilespmem:s15], [sflag:$0x4], $0x80, $0x38;
	[tilespmem:$0x13000] =	vst v63  }
0x1e2: {  	s11 =	sadd.s32 $0xC010, s10;
	s13 =	simm.s32 $0xF948  }
0x1e3: {  	[hbm4b:s11+s3] =	stream.linear.scatter [tilespmem:s13], [sflag:$0x4], $0x80, $0x38;
	[tilespmem:$0x13000] =	vst v63  }
0x1e4: {  	s14 =	sadd.s32 $0xC020, s10;
	s15 =	simm.s32 $0xF9D0  }
0x1e5: {  	[hbm4b:s14+s3] =	stream.linear.scatter [tilespmem:s15], [sflag:$0x4], $0x80, $0x38;
	[tilespmem:$0x13000] =	vst v63  }
0x1e6: {  	s11 =	sadd.s32 $0xC030, s10;
	s13 =	simm.s32 $0xFA58  }
0x1e7: {  	[hbm4b:s11+s3] =	stream.linear.scatter [tilespmem:s13], [sflag:$0x4], $0x80, $0x38;
	[tilespmem:$0x13000] =	vst v63  }
0x1e8: {  	s14 =	sadd.s32 $0xC040, s10;
	s15 =	simm.s32 $0xFAE0  }
0x1e9: {  	[hbm4b:s14+s3] =	stream.linear.scatter [tilespmem:s15], [sflag:$0x4], $0x80, $0x38;
	[tilespmem:$0x13000] =	vst v63  }
0x1ea: {  	s11 =	sadd.s32 $0xC050, s10;
	s13 =	simm.s32 $0xFB68  }
0x1eb: {  	[hbm4b:s11+s3] =	stream.linear.scatter [tilespmem:s13], [sflag:$0x4], $0x80, $0x38;
	[tilespmem:$0x13000] =	vst v63  }
0x1ec: {  	s14 =	sadd.s32 $0xC060, s10;
	s15 =	simm.s32 $0xFBF0  }
0x1ed: {  	[hbm4b:s14+s3] =	stream.linear.scatter [tilespmem:s15], [sflag:$0x4], $0x80, $0x38;
	[tilespmem:$0x13000] =	vst v63  }
0x1ee: {  	s13 =	sadd.s32 $0xC070, s10;
	s14 =	simm.s32 $0xFC78  }
0x1ef: {  	[hbm4b:s13+s3] =	stream.linear.scatter [tilespmem:s14], [sflag:$0x4], $0x80, $0x38;
	[tilespmem:$0x13000] =	vst v63  }
0x1f0: {  	s10 =	rddreg [dreg:$0x7];
	s15 =	simm.s32 $0xFD00  }
0x1f1: {  	[hbm4b:s10+s3] =	stream.linear.scatter [tilespmem:s15], [sflag:$0x4], $0x80, $0x38;
	[tilespmem:$0x13000] =	vst v63  }
0x1f2: {  	s11 =	sadd.s32 $0x10, s10;
	s13 =	simm.s32 $0xFD88  }
0x1f3: {  	[hbm4b:s11+s3] =	stream.linear.scatter [tilespmem:s13], [sflag:$0x4], $0x80, $0x38;
	[tilespmem:$0x13000] =	vst v63  }
0x1f4: {  	s14 =	sadd.s32 $0x20, s10;
	s15 =	simm.s32 $0xFE10  }
0x1f5: {  	[hbm4b:s14+s3] =	stream.linear.scatter [tilespmem:s15], [sflag:$0x4], $0x80, $0x38;
	[tilespmem:$0x13000] =	vst v63  }
0x1f6: {  	s11 =	sadd.s32 $0x30, s10;
	s13 =	simm.s32 $0xFE98  }
0x1f7: {  	[hbm4b:s11+s3] =	stream.linear.scatter [tilespmem:s13], [sflag:$0x4], $0x80, $0x38;
	[tilespmem:$0x13000] =	vst v63  }
0x1f8: {  	s14 =	sadd.s32 $0x40, s10;
	s15 =	simm.s32 $0xFF20  }
0x1f9: {  	[hbm4b:s14+s3] =	stream.linear.scatter [tilespmem:s15], [sflag:$0x4], $0x80, $0x38;
	[tilespmem:$0x13000] =	vst v63  }
0x1fa: {  	s11 =	sadd.s32 $0x50, s10;
	s13 =	simm.s32 $0xFFA8  }
0x1fb: {  	[hbm4b:s11+s3] =	stream.linear.scatter [tilespmem:s13], [sflag:$0x4], $0x80, $0x38;
	[tilespmem:$0x13000] =	vst v63  }
0x1fc: {  	s14 =	sadd.s32 $0x60, s10;
	s15 =	simm.s32 $0x10030  }
0x1fd: {  	[hbm4b:s14+s3] =	stream.linear.scatter [tilespmem:s15], [sflag:$0x4], $0x80, $0x38;
	[tilespmem:$0x13000] =	vst v63  }
0x1fe: {  	s11 =	sadd.s32 $0x70, s10;
	s13 =	simm.s32 $0x100B8  }
0x1ff: {  	[hbm4b:s11+s3] =	stream.linear.scatter [tilespmem:s13], [sflag:$0x4], $0x80, $0x38;
	[tilespmem:$0x13000] =	vst v63  }
0x200: {  	s14 =	sadd.s32 $0x4000, s10;
	s15 =	simm.s32 $0x10140  }
0x201: {  	[hbm4b:s14+s3] =	stream.linear.scatter [tilespmem:s15], [sflag:$0x4], $0x80, $0x38;
	[tilespmem:$0x13000] =	vst v63  }
0x202: {  	s11 =	sadd.s32 $0x4010, s10;
	s13 =	simm.s32 $0x101C8  }
0x203: {  	[hbm4b:s11+s3] =	stream.linear.scatter [tilespmem:s13], [sflag:$0x4], $0x80, $0x38;
	[tilespmem:$0x13000] =	vst v63  }
0x204: {  	s14 =	sadd.s32 $0x4020, s10;
	s15 =	simm.s32 $0x10250  }
0x205: {  	[hbm4b:s14+s3] =	stream.linear.scatter [tilespmem:s15], [sflag:$0x4], $0x80, $0x38;
	[tilespmem:$0x13000] =	vst v63  }
0x206: {  	s11 =	sadd.s32 $0x4030, s10;
	s13 =	simm.s32 $0x102D8  }
0x207: {  	[hbm4b:s11+s3] =	stream.linear.scatter [tilespmem:s13], [sflag:$0x4], $0x80, $0x38;
	[tilespmem:$0x13000] =	vst v63  }
0x208: {  	s14 =	sadd.s32 $0x4040, s10;
	s15 =	simm.s32 $0x10360  }
0x209: {  	[hbm4b:s14+s3] =	stream.linear.scatter [tilespmem:s15], [sflag:$0x4], $0x80, $0x38;
	[tilespmem:$0x13000] =	vst v63  }
0x20a: {  	s11 =	sadd.s32 $0x4050, s10;
	s13 =	simm.s32 $0x103E8  }
0x20b: {  	[hbm4b:s11+s3] =	stream.linear.scatter [tilespmem:s13], [sflag:$0x4], $0x80, $0x38;
	[tilespmem:$0x13000] =	vst v63  }
0x20c: {  	s14 =	sadd.s32 $0x4060, s10;
	s15 =	simm.s32 $0x10470  }
0x20d: {  	[hbm4b:s14+s3] =	stream.linear.scatter [tilespmem:s15], [sflag:$0x4], $0x80, $0x38;
	[tilespmem:$0x13000] =	vst v63  }
0x20e: {  	s11 =	sadd.s32 $0x4070, s10;
	s13 =	simm.s32 $0x104F8  }
0x20f: {  	[hbm4b:s11+s3] =	stream.linear.scatter [tilespmem:s13], [sflag:$0x4], $0x80, $0x38;
	[tilespmem:$0x13000] =	vst v63  }
0x210: {  	s14 =	sadd.s32 $0x8000, s10;
	s15 =	simm.s32 $0x10580  }
0x211: {  	[hbm4b:s14+s3] =	stream.linear.scatter [tilespmem:s15], [sflag:$0x4], $0x80, $0x38;
	[tilespmem:$0x13000] =	vst v63  }
0x212: {  	s11 =	sadd.s32 $0x8010, s10;
	s13 =	simm.s32 $0x10608  }
0x213: {  	[hbm4b:s11+s3] =	stream.linear.scatter [tilespmem:s13], [sflag:$0x4], $0x80, $0x38;
	[tilespmem:$0x13000] =	vst v63  }
0x214: {  	s14 =	sadd.s32 $0x8020, s10;
	s15 =	simm.s32 $0x10690  }
0x215: {  	[hbm4b:s14+s3] =	stream.linear.scatter [tilespmem:s15], [sflag:$0x4], $0x80, $0x38;
	[tilespmem:$0x13000] =	vst v63  }
0x216: {  	s11 =	sadd.s32 $0x8030, s10;
	s13 =	simm.s32 $0x10718  }
0x217: {  	[hbm4b:s11+s3] =	stream.linear.scatter [tilespmem:s13], [sflag:$0x4], $0x80, $0x38;
	[tilespmem:$0x13000] =	vst v63  }
0x218: {  	s14 =	sadd.s32 $0x8040, s10;
	s15 =	simm.s32 $0x107A0  }
0x219: {  	[hbm4b:s14+s3] =	stream.linear.scatter [tilespmem:s15], [sflag:$0x4], $0x80, $0x38;
	[tilespmem:$0x13000] =	vst v63  }
0x21a: {  	s11 =	sadd.s32 $0x8050, s10;
	s13 =	simm.s32 $0x10828  }
0x21b: {  	[hbm4b:s11+s3] =	stream.linear.scatter [tilespmem:s13], [sflag:$0x4], $0x80, $0x38;
	[tilespmem:$0x13000] =	vst v63  }
0x21c: {  	s14 =	sadd.s32 $0x8060, s10;
	s15 =	simm.s32 $0x108B0  }
0x21d: {  	[hbm4b:s14+s3] =	stream.linear.scatter [tilespmem:s15], [sflag:$0x4], $0x80, $0x38;
	[tilespmem:$0x13000] =	vst v63  }
0x21e: {  	s11 =	sadd.s32 $0x8070, s10;
	s13 =	simm.s32 $0x10938  }
0x21f: {  	[hbm4b:s11+s3] =	stream.linear.scatter [tilespmem:s13], [sflag:$0x4], $0x80, $0x38;
	[tilespmem:$0x13000] =	vst v63  }
0x220: {  	s14 =	sadd.s32 $0xC000, s10;
	s15 =	simm.s32 $0x109C0  }
0x221: {  	[hbm4b:s14+s3] =	stream.linear.scatter [tilespmem:s15], [sflag:$0x4], $0x80, $0x38;
	[tilespmem:$0x13000] =	vst v63  }
0x222: {  	s11 =	sadd.s32 $0xC010, s10;
	s13 =	simm.s32 $0x10A48  }
0x223: {  	[hbm4b:s11+s3] =	stream.linear.scatter [tilespmem:s13], [sflag:$0x4], $0x80, $0x38;
	[tilespmem:$0x13000] =	vst v63  }
0x224: {  	s14 =	sadd.s32 $0xC020, s10;
	s15 =	simm.s32 $0x10AD0  }
0x225: {  	[hbm4b:s14+s3] =	stream.linear.scatter [tilespmem:s15], [sflag:$0x4], $0x80, $0x38;
	[tilespmem:$0x13000] =	vst v63  }
0x226: {  	s11 =	sadd.s32 $0xC030, s10;
	s13 =	simm.s32 $0x10B58  }
0x227: {  	[hbm4b:s11+s3] =	stream.linear.scatter [tilespmem:s13], [sflag:$0x4], $0x80, $0x38;
	[tilespmem:$0x13000] =	vst v63  }
0x228: {  	s14 =	sadd.s32 $0xC040, s10;
	s15 =	simm.s32 $0x10BE0  }
0x229: {  	[hbm4b:s14+s3] =	stream.linear.scatter [tilespmem:s15], [sflag:$0x4], $0x80, $0x38;
	[tilespmem:$0x13000] =	vst v63  }
0x22a: {  	s11 =	sadd.s32 $0xC050, s10;
	s13 =	simm.s32 $0x10C68  }
0x22b: {  	[hbm4b:s11+s3] =	stream.linear.scatter [tilespmem:s13], [sflag:$0x4], $0x80, $0x38;
	[tilespmem:$0x13000] =	vst v63  }
0x22c: {  	s14 =	sadd.s32 $0xC060, s10;
	s15 =	simm.s32 $0x10CF0  }
0x22d: {  	[hbm4b:s14+s3] =	stream.linear.scatter [tilespmem:s15], [sflag:$0x4], $0x80, $0x38;
	[tilespmem:$0x13000] =	vst v63  }
0x22e: {  	s13 =	sadd.s32 $0xC070, s10;
	s14 =	simm.s32 $0x10D78  }
0x22f: {  	[hbm4b:s13+s3] =	stream.linear.scatter [tilespmem:s14], [sflag:$0x4], $0x80, $0x38;
	[tilespmem:$0x13000] =	vst v63  }
0x230: {  	s10 =	rddreg [dreg:$0x8];
	s15 =	simm.s32 $0x10E00  }
0x231: {  	[hbm4b:s10+s3] =	stream.linear.scatter [tilespmem:s15], [sflag:$0x4], $0x80, $0x38;
	[tilespmem:$0x13000] =	vst v63  }
0x232: {  	s11 =	sadd.s32 $0x10, s10;
	s13 =	simm.s32 $0x10E88  }
0x233: {  	[hbm4b:s11+s3] =	stream.linear.scatter [tilespmem:s13], [sflag:$0x4], $0x80, $0x38;
	[tilespmem:$0x13000] =	vst v63  }
0x234: {  	s14 =	sadd.s32 $0x20, s10;
	s15 =	simm.s32 $0x10F10  }
0x235: {  	[hbm4b:s14+s3] =	stream.linear.scatter [tilespmem:s15], [sflag:$0x4], $0x80, $0x38;
	[tilespmem:$0x13000] =	vst v63  }
0x236: {  	s11 =	sadd.s32 $0x30, s10;
	s13 =	simm.s32 $0x10F98  }
0x237: {  	[hbm4b:s11+s3] =	stream.linear.scatter [tilespmem:s13], [sflag:$0x4], $0x80, $0x38;
	[tilespmem:$0x13000] =	vst v63  }
0x238: {  	s14 =	sadd.s32 $0x40, s10;
	s15 =	simm.s32 $0x11020  }
0x239: {  	[hbm4b:s14+s3] =	stream.linear.scatter [tilespmem:s15], [sflag:$0x4], $0x80, $0x38;
	[tilespmem:$0x13000] =	vst v63  }
0x23a: {  	s11 =	sadd.s32 $0x50, s10;
	s13 =	simm.s32 $0x110A8  }
0x23b: {  	[hbm4b:s11+s3] =	stream.linear.scatter [tilespmem:s13], [sflag:$0x4], $0x80, $0x38;
	[tilespmem:$0x13000] =	vst v63  }
0x23c: {  	s14 =	sadd.s32 $0x60, s10;
	s15 =	simm.s32 $0x11130  }
0x23d: {  	[hbm4b:s14+s3] =	stream.linear.scatter [tilespmem:s15], [sflag:$0x4], $0x80, $0x38;
	[tilespmem:$0x13000] =	vst v63  }
0x23e: {  	s11 =	sadd.s32 $0x70, s10;
	s13 =	simm.s32 $0x111B8  }
0x23f: {  	[hbm4b:s11+s3] =	stream.linear.scatter [tilespmem:s13], [sflag:$0x4], $0x80, $0x38;
	[tilespmem:$0x13000] =	vst v63  }
0x240: {  	s14 =	sadd.s32 $0x4000, s10;
	s15 =	simm.s32 $0x11240  }
0x241: {  	[hbm4b:s14+s3] =	stream.linear.scatter [tilespmem:s15], [sflag:$0x4], $0x80, $0x38;
	[tilespmem:$0x13000] =	vst v63  }
0x242: {  	s11 =	sadd.s32 $0x4010, s10;
	s13 =	simm.s32 $0x112C8  }
0x243: {  	[hbm4b:s11+s3] =	stream.linear.scatter [tilespmem:s13], [sflag:$0x4], $0x80, $0x38;
	[tilespmem:$0x13000] =	vst v63  }
0x244: {  	s14 =	sadd.s32 $0x4020, s10;
	s15 =	simm.s32 $0x11350  }
0x245: {  	[hbm4b:s14+s3] =	stream.linear.scatter [tilespmem:s15], [sflag:$0x4], $0x80, $0x38;
	[tilespmem:$0x13000] =	vst v63  }
0x246: {  	s11 =	sadd.s32 $0x4030, s10;
	s13 =	simm.s32 $0x113D8  }
0x247: {  	[hbm4b:s11+s3] =	stream.linear.scatter [tilespmem:s13], [sflag:$0x4], $0x80, $0x38;
	[tilespmem:$0x13000] =	vst v63  }
0x248: {  	s14 =	sadd.s32 $0x4040, s10;
	s15 =	simm.s32 $0x11460  }
0x249: {  	[hbm4b:s14+s3] =	stream.linear.scatter [tilespmem:s15], [sflag:$0x4], $0x80, $0x38;
	[tilespmem:$0x13000] =	vst v63  }
0x24a: {  	s11 =	sadd.s32 $0x4050, s10;
	s13 =	simm.s32 $0x114E8  }
0x24b: {  	[hbm4b:s11+s3] =	stream.linear.scatter [tilespmem:s13], [sflag:$0x4], $0x80, $0x38;
	[tilespmem:$0x13000] =	vst v63  }
0x24c: {  	s14 =	sadd.s32 $0x4060, s10;
	s15 =	simm.s32 $0x11570  }
0x24d: {  	[hbm4b:s14+s3] =	stream.linear.scatter [tilespmem:s15], [sflag:$0x4], $0x80, $0x38;
	[tilespmem:$0x13000] =	vst v63  }
0x24e: {  	s11 =	sadd.s32 $0x4070, s10;
	s13 =	simm.s32 $0x115F8  }
0x24f: {  	[hbm4b:s11+s3] =	stream.linear.scatter [tilespmem:s13], [sflag:$0x4], $0x80, $0x38;
	[tilespmem:$0x13000] =	vst v63  }
0x250: {  	s14 =	sadd.s32 $0x8000, s10;
	s15 =	simm.s32 $0x11680  }
0x251: {  	[hbm4b:s14+s3] =	stream.linear.scatter [tilespmem:s15], [sflag:$0x4], $0x80, $0x38;
	[tilespmem:$0x13000] =	vst v63  }
0x252: {  	s11 =	sadd.s32 $0x8010, s10;
	s13 =	simm.s32 $0x11708  }
0x253: {  	[hbm4b:s11+s3] =	stream.linear.scatter [tilespmem:s13], [sflag:$0x4], $0x80, $0x38;
	[tilespmem:$0x13000] =	vst v63  }
0x254: {  	s14 =	sadd.s32 $0x8020, s10;
	s15 =	simm.s32 $0x11790  }
0x255: {  	[hbm4b:s14+s3] =	stream.linear.scatter [tilespmem:s15], [sflag:$0x4], $0x80, $0x38;
	[tilespmem:$0x13000] =	vst v63  }
0x256: {  	s11 =	sadd.s32 $0x8030, s10;
	s13 =	simm.s32 $0x11818  }
0x257: {  	[hbm4b:s11+s3] =	stream.linear.scatter [tilespmem:s13], [sflag:$0x4], $0x80, $0x38;
	[tilespmem:$0x13000] =	vst v63  }
0x258: {  	s14 =	sadd.s32 $0x8040, s10;
	s15 =	simm.s32 $0x118A0  }
0x259: {  	[hbm4b:s14+s3] =	stream.linear.scatter [tilespmem:s15], [sflag:$0x4], $0x80, $0x38;
	[tilespmem:$0x13000] =	vst v63  }
0x25a: {  	s11 =	sadd.s32 $0x8050, s10;
	s13 =	simm.s32 $0x11928  }
0x25b: {  	[hbm4b:s11+s3] =	stream.linear.scatter [tilespmem:s13], [sflag:$0x4], $0x80, $0x38;
	[tilespmem:$0x13000] =	vst v63  }
0x25c: {  	s14 =	sadd.s32 $0x8060, s10;
	s15 =	simm.s32 $0x119B0  }
0x25d: {  	[hbm4b:s14+s3] =	stream.linear.scatter [tilespmem:s15], [sflag:$0x4], $0x80, $0x38;
	[tilespmem:$0x13000] =	vst v63  }
0x25e: {  	s11 =	sadd.s32 $0x8070, s10;
	s13 =	simm.s32 $0x11A38  }
0x25f: {  	[hbm4b:s11+s3] =	stream.linear.scatter [tilespmem:s13], [sflag:$0x4], $0x80, $0x38;
	[tilespmem:$0x13000] =	vst v63  }
0x260: {  	s14 =	sadd.s32 $0xC000, s10;
	s15 =	simm.s32 $0x11AC0  }
0x261: {  	[hbm4b:s14+s3] =	stream.linear.scatter [tilespmem:s15], [sflag:$0x4], $0x80, $0x38;
	[tilespmem:$0x13000] =	vst v63  }
0x262: {  	s11 =	sadd.s32 $0xC010, s10;
	s13 =	simm.s32 $0x11B48  }
0x263: {  	[hbm4b:s11+s3] =	stream.linear.scatter [tilespmem:s13], [sflag:$0x4], $0x80, $0x38;
	[tilespmem:$0x13000] =	vst v63  }
0x264: {  	s14 =	sadd.s32 $0xC020, s10;
	s15 =	simm.s32 $0x11BD0  }
0x265: {  	[hbm4b:s14+s3] =	stream.linear.scatter [tilespmem:s15], [sflag:$0x4], $0x80, $0x38;
	[tilespmem:$0x13000] =	vst v63  }
0x266: {  	s11 =	sadd.s32 $0xC030, s10;
	s13 =	simm.s32 $0x11C58  }
0x267: {  	[hbm4b:s11+s3] =	stream.linear.scatter [tilespmem:s13], [sflag:$0x4], $0x80, $0x38;
	[tilespmem:$0x13000] =	vst v63  }
0x268: {  	s14 =	sadd.s32 $0xC040, s10;
	s15 =	simm.s32 $0x11CE0  }
0x269: {  	[hbm4b:s14+s3] =	stream.linear.scatter [tilespmem:s15], [sflag:$0x4], $0x80, $0x38;
	[tilespmem:$0x13000] =	vst v63  }
0x26a: {  	s11 =	sadd.s32 $0xC050, s10;
	s13 =	simm.s32 $0x11D68  }
0x26b: {  	[hbm4b:s11+s3] =	stream.linear.scatter [tilespmem:s13], [sflag:$0x4], $0x80, $0x38;
	[tilespmem:$0x13000] =	vst v63  }
0x26c: {  	s14 =	sadd.s32 $0xC060, s10;
	s15 =	simm.s32 $0x11DF0  }
0x26d: {  	[hbm4b:s14+s3] =	stream.linear.scatter [tilespmem:s15], [sflag:$0x4], $0x80, $0x38;
	[tilespmem:$0x13000] =	vst v63  }
0x26e: {  	s10 =	sadd.s32 $0xC070, s10;
	s11 =	simm.s32 $0x11E78  }
0x26f: {  	[hbm4b:s10+s3] =	stream.linear.scatter [tilespmem:s11], [sflag:$0x4], $0x80, $0x38;
	[tilespmem:$0x13000] =	vst v63  }
0x270: {  	s13 =	simm.s32 $0x11F00  }
0x271: {  	[hbm4b:s16+s3] =	stream.linear.scatter [tilespmem:s13], [sflag:$0x4], $0x80, $0x38;
	[tilespmem:$0x13000] =	vst v63  }
0x272: {  	s14 =	sadd.s32 $0x10, s16;
	s15 =	simm.s32 $0x11F88  }
0x273: {  	[hbm4b:s14+s3] =	stream.linear.scatter [tilespmem:s15], [sflag:$0x4], $0x80, $0x38;
	[tilespmem:$0x13000] =	vst v63  }
0x274: {  	s11 =	sadd.s32 $0x20, s16;
	s13 =	simm.s32 $0x12010  }
0x275: {  	[hbm4b:s11+s3] =	stream.linear.scatter [tilespmem:s13], [sflag:$0x4], $0x80, $0x38;
	[tilespmem:$0x13000] =	vst v63  }
0x276: {  	s14 =	sadd.s32 $0x30, s16;
	s15 =	simm.s32 $0x12098  }
0x277: {  	[hbm4b:s14+s3] =	stream.linear.scatter [tilespmem:s15], [sflag:$0x4], $0x80, $0x38;
	[tilespmem:$0x13000] =	vst v63  }
0x278: {  	s11 =	sadd.s32 $0x40, s16;
	s13 =	simm.s32 $0x12120  }
0x279: {  	[hbm4b:s11+s3] =	stream.linear.scatter [tilespmem:s13], [sflag:$0x4], $0x80, $0x38;
	[tilespmem:$0x13000] =	vst v63  }
0x27a: {  	s14 =	sadd.s32 $0x50, s16;
	s15 =	simm.s32 $0x121A8  }
0x27b: {  	[hbm4b:s14+s3] =	stream.linear.scatter [tilespmem:s15], [sflag:$0x4], $0x80, $0x38;
	[tilespmem:$0x13000] =	vst v63  }
0x27c: {  	s11 =	sadd.s32 $0x60, s16;
	s13 =	simm.s32 $0x12230  }
0x27d: {  	[hbm4b:s11+s3] =	stream.linear.scatter [tilespmem:s13], [sflag:$0x4], $0x80, $0x38;
	[tilespmem:$0x13000] =	vst v63  }
0x27e: {  	s14 =	sadd.s32 $0x70, s16;
	s15 =	simm.s32 $0x122B8  }
0x27f: {  	[hbm4b:s14+s3] =	stream.linear.scatter [tilespmem:s15], [sflag:$0x4], $0x80, $0x38;
	[tilespmem:$0x13000] =	vst v63  }
0x280: {  	s11 =	sadd.s32 $0x4000, s16;
	s13 =	simm.s32 $0x12340  }
0x281: {  	[hbm4b:s11+s3] =	stream.linear.scatter [tilespmem:s13], [sflag:$0x4], $0x80, $0x38;
	[tilespmem:$0x13000] =	vst v63  }
0x282: {  	s14 =	sadd.s32 $0x4010, s16;
	s15 =	simm.s32 $0x123C8  }
0x283: {  	[hbm4b:s14+s3] =	stream.linear.scatter [tilespmem:s15], [sflag:$0x4], $0x80, $0x38;
	[tilespmem:$0x13000] =	vst v63  }
0x284: {  	s11 =	sadd.s32 $0x4020, s16;
	s13 =	simm.s32 $0x12450  }
0x285: {  	[hbm4b:s11+s3] =	stream.linear.scatter [tilespmem:s13], [sflag:$0x4], $0x80, $0x38;
	[tilespmem:$0x13000] =	vst v63  }
0x286: {  	s14 =	sadd.s32 $0x4030, s16;
	s15 =	simm.s32 $0x124D8  }
0x287: {  	[hbm4b:s14+s3] =	stream.linear.scatter [tilespmem:s15], [sflag:$0x4], $0x80, $0x38;
	[tilespmem:$0x13000] =	vst v63  }
0x288: {  	s11 =	sadd.s32 $0x4040, s16;
	s13 =	simm.s32 $0x12560  }
0x289: {  	[hbm4b:s11+s3] =	stream.linear.scatter [tilespmem:s13], [sflag:$0x4], $0x80, $0x38;
	[tilespmem:$0x13000] =	vst v63  }
0x28a: {  	s14 =	sadd.s32 $0x4050, s16;
	s15 =	simm.s32 $0x125E8  }
0x28b: {  	[hbm4b:s14+s3] =	stream.linear.scatter [tilespmem:s15], [sflag:$0x4], $0x80, $0x38;
	[tilespmem:$0x13000] =	vst v63  }
0x28c: {  	s11 =	sadd.s32 $0x4060, s16;
	s13 =	simm.s32 $0x12670  }
0x28d: {  	[hbm4b:s11+s3] =	stream.linear.scatter [tilespmem:s13], [sflag:$0x4], $0x80, $0x38;
	[tilespmem:$0x13000] =	vst v63  }
0x28e: {  	s14 =	sadd.s32 $0x4070, s16;
	s15 =	simm.s32 $0x126F8  }
0x28f: {  	[hbm4b:s14+s3] =	stream.linear.scatter [tilespmem:s15], [sflag:$0x4], $0x80, $0x38;
	[tilespmem:$0x13000] =	vst v63  }
0x290: {  	s11 =	sadd.s32 $0x8000, s16;
	s13 =	simm.s32 $0x12780  }
0x291: {  	[hbm4b:s11+s3] =	stream.linear.scatter [tilespmem:s13], [sflag:$0x4], $0x80, $0x38;
	[tilespmem:$0x13000] =	vst v63  }
0x292: {  	s14 =	sadd.s32 $0x8010, s16;
	s15 =	simm.s32 $0x12808  }
0x293: {  	[hbm4b:s14+s3] =	stream.linear.scatter [tilespmem:s15], [sflag:$0x4], $0x80, $0x38;
	[tilespmem:$0x13000] =	vst v63  }
0x294: {  	s11 =	sadd.s32 $0x8020, s16;
	s13 =	simm.s32 $0x12890  }
0x295: {  	[hbm4b:s11+s3] =	stream.linear.scatter [tilespmem:s13], [sflag:$0x4], $0x80, $0x38;
	[tilespmem:$0x13000] =	vst v63  }
0x296: {  	s14 =	sadd.s32 $0x8030, s16;
	s15 =	simm.s32 $0x12918  }
0x297: {  	[hbm4b:s14+s3] =	stream.linear.scatter [tilespmem:s15], [sflag:$0x4], $0x80, $0x38;
	[tilespmem:$0x13000] =	vst v63  }
0x298: {  	s11 =	sadd.s32 $0x8040, s16;
	s13 =	simm.s32 $0x129A0  }
0x299: {  	[hbm4b:s11+s3] =	stream.linear.scatter [tilespmem:s13], [sflag:$0x4], $0x80, $0x38;
	[tilespmem:$0x13000] =	vst v63  }
0x29a: {  	s14 =	sadd.s32 $0x8050, s16;
	s15 =	simm.s32 $0x12A28  }
0x29b: {  	[hbm4b:s14+s3] =	stream.linear.scatter [tilespmem:s15], [sflag:$0x4], $0x80, $0x38;
	[tilespmem:$0x13000] =	vst v63  }
0x29c: {  	s11 =	sadd.s32 $0x8060, s16;
	s13 =	simm.s32 $0x12AB0  }
0x29d: {  	[hbm4b:s11+s3] =	stream.linear.scatter [tilespmem:s13], [sflag:$0x4], $0x80, $0x38;
	[tilespmem:$0x13000] =	vst v63  }
0x29e: {  	s14 =	sadd.s32 $0x8070, s16;
	s15 =	simm.s32 $0x12B38  }
0x29f: {  	[hbm4b:s14+s3] =	stream.linear.scatter [tilespmem:s15], [sflag:$0x4], $0x80, $0x38;
	[tilespmem:$0x13000] =	vst v63  }
0x2a0: {  	s11 =	sadd.s32 $0xC000, s16;
	s13 =	simm.s32 $0x12BC0  }
0x2a1: {  	[hbm4b:s11+s3] =	stream.linear.scatter [tilespmem:s13], [sflag:$0x4], $0x80, $0x38;
	[tilespmem:$0x13000] =	vst v63  }
0x2a2: {  	s14 =	sadd.s32 $0xC010, s16;
	s15 =	simm.s32 $0x12C48  }
0x2a3: {  	[hbm4b:s14+s3] =	stream.linear.scatter [tilespmem:s15], [sflag:$0x4], $0x80, $0x38;
	[tilespmem:$0x13000] =	vst v63  }
0x2a4: {  	s11 =	sadd.s32 $0xC020, s16;
	s13 =	simm.s32 $0x12CD0  }
0x2a5: {  	[hbm4b:s11+s3] =	stream.linear.scatter [tilespmem:s13], [sflag:$0x4], $0x80, $0x38;
	[tilespmem:$0x13000] =	vst v63  }
0x2a6: {  	s14 =	sadd.s32 $0xC030, s16;
	s15 =	simm.s32 $0x12D58  }
0x2a7: {  	[hbm4b:s14+s3] =	stream.linear.scatter [tilespmem:s15], [sflag:$0x4], $0x80, $0x38;
	[tilespmem:$0x13000] =	vst v63  }
0x2a8: {  	s11 =	sadd.s32 $0xC040, s16;
	s13 =	simm.s32 $0x12DE0  }
0x2a9: {  	[hbm4b:s11+s3] =	stream.linear.scatter [tilespmem:s13], [sflag:$0x4], $0x80, $0x38;
	[tilespmem:$0x13000] =	vst v63  }
0x2aa: {  	s14 =	sadd.s32 $0xC050, s16;
	s15 =	simm.s32 $0x12E68  }
0x2ab: {  	[hbm4b:s14+s3] =	stream.linear.scatter [tilespmem:s15], [sflag:$0x4], $0x80, $0x38;
	[tilespmem:$0x13000] =	vst v63  }
0x2ac: {  	s11 =	sadd.s32 $0xC060, s16;
	s13 =	simm.s32 $0x12EF0  }
0x2ad: {  	[hbm4b:s11+s3] =	stream.linear.scatter [tilespmem:s13], [sflag:$0x4], $0x80, $0x38;
	[tilespmem:$0x13000] =	vst v63  }
0x2ae: {  	s14 =	sadd.s32 $0xC070, s16;
	s15 =	simm.s32 $0x12F78  }
0x2af: {  	[hbm4b:s14+s3] =	stream.linear.scatter [tilespmem:s15], [sflag:$0x4], $0x80, $0x38;
	[tilespmem:$0x13000] =	vst v63  }
0x2b0: {  	s11 =	simm.s32 $0x6800;
	s13 =	simm.s32 $0x600  }
0x2b1: {  	[tilespmem:s11], [sflag:$0x2] =	stream.indirect.gather [hbm4b:s4+s29], $0x20, s13, s29, $0xb8;
	[tilespmem:$0x13000] =	vst v63  }
0x2b2: {  	s14 =	simm.s32 $0x7800;
	s15 =	simm.s32 $0x680  }
0x2b3: {  	[tilespmem:s14], [sflag:$0x2] =	stream.indirect.gather [hbm4b:s4+s29], $0x20, s15, s29, $0xb8;
	[tilespmem:$0x13000] =	vst v63  }
0x2b4: {  	s11 =	simm.s32 $0x8800;
	s13 =	simm.s32 $0x700  }
0x2b5: {  	[tilespmem:s11], [sflag:$0x2] =	stream.indirect.gather [hbm4b:s4+s29], $0x20, s13, s29, $0xb8;
	[tilespmem:$0x13000] =	vst v63  }
0x2b6: {  	s5 =	simm.s32 $0x1;
	s14 =	simm.s32 $0x9800;
	s15 =	simm.s32 $0x780  }
0x2b7: {  	[tilespmem:s14], [sflag:$0x2] =	stream.indirect.gather [hbm4b:s4+s29], $0x20, s15, s29, $0xb8;
	[tilespmem:$0x13000] =	vst v63  }
.LBB2_6:
0x2b8: {  	_ =	swait.ge [sflag:s30], $0x1000  }
0x2b9: {  	[sflag:s30] =	ssyncset.done $0x0  }
0x2ba: {  	[sflag:s30] =	ssyncadd.s32 $0xFFFFF000  }
0x2bb: {  	_ =	swait.ge [sflag:s30], $0x1000  }
0x2bc: {  	[sflag:s30] =	ssyncset.done $0x0  }
0x2bd: {  	[sflag:s30] =	ssyncadd.s32 $0xFFFFF000  }
0x2be: {  	_ =	swait.ge [sflag:s30], $0x1000  }
0x2bf: {  	[sflag:s30] =	ssyncset.done $0x0  }
0x2c0: {  	[sflag:s30] =	ssyncadd.s32 $0xFFFFF000  }
0x2c1: {  	_ =	swait.ge [sflag:s30], $0x1000  }
0x2c2: {  	[sflag:s30] =	ssyncset.done $0x0  }
0x2c3: {  	[sflag:s30] =	ssyncadd.s32 $0xFFFFF000  }
0x2c4: {  	_ =	swait.ge [sflag:s0], $0x1000  }
0x2c5: {  	[sflag:s0] =	ssyncset.done $0x0  }
0x2c6: {  	[sflag:s0] =	ssyncadd.s32 $0xFFFFF000  }
0x2c7: {  	_ =	swait.ge [sflag:s0], $0x1000  }
0x2c8: {  	[sflag:s0] =	ssyncset.done $0x0  }
0x2c9: {  	[sflag:s0] =	ssyncadd.s32 $0xFFFFF000  }
0x2ca: {  	_ =	swait.ge [sflag:s0], $0x1000  }
0x2cb: {  	[sflag:s0] =	ssyncset.done $0x0  }
0x2cc: {  	[sflag:s0] =	ssyncadd.s32 $0xFFFFF000  }
0x2cd: {  	s10 =	simm.s32 $0x0;
	_ =	swait.ge [sflag:s0], $0x1000  }
0x2ce: {  	v8 =	vmov s10;
	[sflag:s0] =	ssyncset.done $0x0  }
0x2cf: {  	s10 =	simm.s32 $0x4800;
	v9 =	vand.u32 $0x7F, v8;
	[sflag:s0] =	ssyncadd.s32 $0xFFFFF000  }
0x2d0: {  	v10 =	vadd.s32 v0, v9;
	v8 =	vld [tilespmem:s10+$0xFFFFE000]  }
0x2d1: {  	v12 =	vadd.s32 v1, v9;
	v11 =	vld [tilespmem:s10+$0xFFFFE010];
	_ =	sdelay $0x3  }
0x2d2: {  	[tilespmem:v10+s31+$0x0] =	vst.idx.msk $0xffff, v8  }
0x2d3: {  	[tilespmem:v12+s31+$0x0] =	vst.idx.msk $0xffff, v11  }
0x2d4: {  	v10 =	vadd.s32 v2, v9;
	v8 =	vld [tilespmem:s10+$0xFFFFF000]  }
0x2d5: {  	v61 =	vadd.s32 v3, v9;
	v11 =	vld [tilespmem:s10+$0xFFFFF010];
	_ =	sdelay $0x3  }
0x2d6: {  	[tilespmem:v10+s31+$0x0] =	vst.idx.msk $0xffff, v8  }
0x2d7: {  	[tilespmem:v61+s31+$0x0] =	vst.idx.msk $0xffff, v11  }
0x2d8: {  	v10 =	vadd.s32 v4, v9;
	v8 =	vld [tilespmem:s10+$0x0]  }
0x2d9: {  	v62 =	vadd.s32 v5, v9;
	v11 =	vld [tilespmem:s10+$0x10];
	_ =	sdelay $0x3  }
0x2da: {  	[tilespmem:v10+s31+$0x0] =	vst.idx.msk $0xffff, v8  }
0x2db: {  	[tilespmem:v62+s31+$0x0] =	vst.idx.msk $0xffff, v11  }
0x2dc: {  	v63 =	vadd.s32 v6, v9;
	v11 =	vld [tilespmem:s10+$0x1000];
	_ =	sdelay $0x1  }
0x2dd: {  	v9 =	vadd.s32 v7, v9;
	v8 =	vld [tilespmem:s10+$0x1010];
	_ =	sdelay $0x1  }
0x2de: {  	s13 =	simm.s32 $0x1  }
0x2df: {  	s11 =	simm.s32 $0x2;
	v10 =	vmov s13;
	[tilespmem:v63+s31+$0x0] =	vst.idx.msk $0xffff, v11  }
.LBB2_7:
0x2e0: {  	p0 =	sne.s32 s11, $0x7F  }
0x2e1: {  	v10 =	vand.u32 $0x7F, v10;
	[tilespmem:v9+s31+$0x0] =	vst.idx.msk $0xffff, v8;
	s10 =	sadd.s32 $0x20, s10;
	s13 =	smov.u32 s11;
	s11 =	sadd.s32 $0x1, s11  }
0x2e2: {  	v8 =	vld [tilespmem:s10+$0xFFFFE000];
	v9 =	vadd.s32 v0, v10  }
0x2e3: {  	v12 =	vadd.s32 v1, v10;
	v11 =	vld [tilespmem:s10+$0xFFFFE010];
	_ =	sdelay $0x3  }
0x2e4: {  	[tilespmem:v9+s31+$0x0] =	vst.idx.msk $0xffff, v8  }
0x2e5: {  	[tilespmem:v12+s31+$0x0] =	vst.idx.msk $0xffff, v11  }
0x2e6: {  	v9 =	vadd.s32 v2, v10;
	v8 =	vld [tilespmem:s10+$0xFFFFF000]  }
0x2e7: {  	v12 =	vadd.s32 v3, v10;
	v11 =	vld [tilespmem:s10+$0xFFFFF010];
	_ =	sdelay $0x3  }
0x2e8: {  	[tilespmem:v9+s31+$0x0] =	vst.idx.msk $0xffff, v8  }
0x2e9: {  	[tilespmem:v12+s31+$0x0] =	vst.idx.msk $0xffff, v11  }
0x2ea: {  	v9 =	vadd.s32 v4, v10;
	v8 =	vld [tilespmem:s10+$0x0]  }
0x2eb: {  	v12 =	vadd.s32 v5, v10;
	v11 =	vld [tilespmem:s10+$0x10];
	_ =	sdelay $0x3  }
0x2ec: {  	[tilespmem:v9+s31+$0x0] =	vst.idx.msk $0xffff, v8  }
0x2ed: {  	[tilespmem:v12+s31+$0x0] =	vst.idx.msk $0xffff, v11  }
0x2ee: {  	v12 =	vadd.s32 v6, v10;
	v11 =	vld [tilespmem:s10+$0x1000]  }
.Ltmp2:
0x2ef: {  	v9 =	vadd.s32 v7, v10;
	v8 =	vld [tilespmem:s10+$0x1010];
	(pc) =	sbr.rel @p0 .LBB2_7-.Ltmp2, $2  }
0x2f0: {  	_ =	sdelay $0x2  }
0x2f1: {  	v10 =	vmov s13;
	[tilespmem:v12+s31+$0x0] =	vst.idx.msk $0xffff, v11  }
0x2f2: {  	_ =	sdelay $0x3  }
0x2f3: {  	v10 =	vand.u32 $0x7F, v10;
	[tilespmem:v9+s31+$0x0] =	vst.idx.msk $0xffff, v8;
	s10 =	sadd.s32 $0x20, s10  }
0x2f4: {  	v8 =	vld [tilespmem:s10+$0xFFFFE000];
	v9 =	vadd.s32 v0, v10  }
0x2f5: {  	v11 =	vld [tilespmem:s10+$0xFFFFE010];
	v12 =	vadd.s32 v1, v10;
	_ =	sdelay $0x3  }
0x2f6: {  	[tilespmem:v9+s31+$0x0] =	vst.idx.msk $0xffff, v8  }
0x2f7: {  	[tilespmem:v12+s31+$0x0] =	vst.idx.msk $0xffff, v11  }
0x2f8: {  	v9 =	vadd.s32 v2, v10;
	v8 =	vld [tilespmem:s10+$0xFFFFF000]  }
0x2f9: {  	v58 =	vadd.s32 v3, v10;
	v11 =	vld [tilespmem:s10+$0xFFFFF010];
	_ =	sdelay $0x3  }
0x2fa: {  	[tilespmem:v9+s31+$0x0] =	vst.idx.msk $0xffff, v8  }
0x2fb: {  	[tilespmem:v58+s31+$0x0] =	vst.idx.msk $0xffff, v11  }
0x2fc: {  	v9 =	vadd.s32 v4, v10;
	v8 =	vld [tilespmem:s10+$0x0]  }
0x2fd: {  	v59 =	vadd.s32 v5, v10;
	v11 =	vld [tilespmem:s10+$0x10];
	_ =	sdelay $0x3  }
0x2fe: {  	[tilespmem:v9+s31+$0x0] =	vst.idx.msk $0xffff, v8  }
0x2ff: {  	[tilespmem:v59+s31+$0x0] =	vst.idx.msk $0xffff, v11  }
0x300: {  	v9 =	vadd.s32 v6, v10;
	v8 =	vld [tilespmem:s10+$0x1000]  }
0x301: {  	v10 =	vadd.s32 v7, v10;
	v11 =	vld [tilespmem:s10+$0x1010];
	_ =	sdelay $0x1  }
0x302: {  	s11 =	sshll.u32 s5, $0x14  }
0x303: {  	s14 =	sor.u32 s6, s11  }
0x304: {  	s10 =	sshrl.u32 s14, $0x3;
	[tilespmem:v9+s31+$0x0] =	vst.idx.msk $0xffff, v8  }
0x305: {  	s13 =	simm.s32 $0x0;
	s10 =	sadd.s32 s2, s10;
	[tilespmem:v10+s31+$0x0] =	vst.idx.msk $0xffff, v11  }
0x306: {  	[hbm4b:s10+s13] =	stream.linear.scatter [tilespmem:s31], [sflag:$0x3], $0x80, $0x38;
	[tilespmem:$0x13000] =	vst v63  }
0x307: {  	s15 =	simm.s32 $0xA888;
	s14 =	sadd.s32 $0x10, s10  }
0x308: {  	[hbm4b:s14+s13] =	stream.linear.scatter [tilespmem:s15], [sflag:$0x3], $0x80, $0x38;
	[tilespmem:$0x13000] =	vst v63  }
0x309: {  	s14 =	sadd.s32 $0x20, s10;
	s15 =	simm.s32 $0xA910  }
0x30a: {  	[hbm4b:s14+s13] =	stream.linear.scatter [tilespmem:s15], [sflag:$0x3], $0x80, $0x38;
	[tilespmem:$0x13000] =	vst v63  }
0x30b: {  	s14 =	sadd.s32 $0x30, s10;
	s15 =	simm.s32 $0xA998  }
0x30c: {  	[hbm4b:s14+s13] =	stream.linear.scatter [tilespmem:s15], [sflag:$0x3], $0x80, $0x38;
	[tilespmem:$0x13000] =	vst v63  }
0x30d: {  	s14 =	sadd.s32 $0x40, s10;
	s15 =	simm.s32 $0xAA20  }
0x30e: {  	[hbm4b:s14+s13] =	stream.linear.scatter [tilespmem:s15], [sflag:$0x3], $0x80, $0x38;
	[tilespmem:$0x13000] =	vst v63  }
0x30f: {  	s14 =	sadd.s32 $0x50, s10;
	s15 =	simm.s32 $0xAAA8  }
0x310: {  	[hbm4b:s14+s13] =	stream.linear.scatter [tilespmem:s15], [sflag:$0x3], $0x80, $0x38;
	[tilespmem:$0x13000] =	vst v63  }
0x311: {  	s14 =	sadd.s32 $0x60, s10;
	s15 =	simm.s32 $0xAB30  }
0x312: {  	[hbm4b:s14+s13] =	stream.linear.scatter [tilespmem:s15], [sflag:$0x3], $0x80, $0x38;
	[tilespmem:$0x13000] =	vst v63  }
0x313: {  	s14 =	sadd.s32 $0x70, s10;
	s15 =	simm.s32 $0xABB8  }
0x314: {  	[hbm4b:s14+s13] =	stream.linear.scatter [tilespmem:s15], [sflag:$0x3], $0x80, $0x38;
	[tilespmem:$0x13000] =	vst v63  }
0x315: {  	s14 =	sadd.s32 $0x4000, s10;
	s15 =	simm.s32 $0xAC40  }
0x316: {  	[hbm4b:s14+s13] =	stream.linear.scatter [tilespmem:s15], [sflag:$0x3], $0x80, $0x38;
	[tilespmem:$0x13000] =	vst v63  }
0x317: {  	s14 =	sadd.s32 $0x4010, s10;
	s15 =	simm.s32 $0xACC8  }
0x318: {  	[hbm4b:s14+s13] =	stream.linear.scatter [tilespmem:s15], [sflag:$0x3], $0x80, $0x38;
	[tilespmem:$0x13000] =	vst v63  }
0x319: {  	s14 =	sadd.s32 $0x4020, s10;
	s15 =	simm.s32 $0xAD50  }
0x31a: {  	[hbm4b:s14+s13] =	stream.linear.scatter [tilespmem:s15], [sflag:$0x3], $0x80, $0x38;
	[tilespmem:$0x13000] =	vst v63  }
0x31b: {  	s14 =	sadd.s32 $0x4030, s10;
	s15 =	simm.s32 $0xADD8  }
0x31c: {  	[hbm4b:s14+s13] =	stream.linear.scatter [tilespmem:s15], [sflag:$0x3], $0x80, $0x38;
	[tilespmem:$0x13000] =	vst v63  }
0x31d: {  	s14 =	sadd.s32 $0x4040, s10;
	s15 =	simm.s32 $0xAE60  }
0x31e: {  	[hbm4b:s14+s13] =	stream.linear.scatter [tilespmem:s15], [sflag:$0x3], $0x80, $0x38;
	[tilespmem:$0x13000] =	vst v63  }
0x31f: {  	s14 =	sadd.s32 $0x4050, s10;
	s15 =	simm.s32 $0xAEE8  }
0x320: {  	[hbm4b:s14+s13] =	stream.linear.scatter [tilespmem:s15], [sflag:$0x3], $0x80, $0x38;
	[tilespmem:$0x13000] =	vst v63  }
0x321: {  	s14 =	sadd.s32 $0x4060, s10;
	s15 =	simm.s32 $0xAF70  }
0x322: {  	[hbm4b:s14+s13] =	stream.linear.scatter [tilespmem:s15], [sflag:$0x3], $0x80, $0x38;
	[tilespmem:$0x13000] =	vst v63  }
0x323: {  	s14 =	sadd.s32 $0x4070, s10;
	s15 =	simm.s32 $0xAFF8  }
0x324: {  	[hbm4b:s14+s13] =	stream.linear.scatter [tilespmem:s15], [sflag:$0x3], $0x80, $0x38;
	[tilespmem:$0x13000] =	vst v63  }
0x325: {  	s14 =	sadd.s32 $0x8000, s10;
	s15 =	simm.s32 $0xB080  }
0x326: {  	[hbm4b:s14+s13] =	stream.linear.scatter [tilespmem:s15], [sflag:$0x3], $0x80, $0x38;
	[tilespmem:$0x13000] =	vst v63  }
0x327: {  	s14 =	sadd.s32 $0x8010, s10;
	s15 =	simm.s32 $0xB108  }
0x328: {  	[hbm4b:s14+s13] =	stream.linear.scatter [tilespmem:s15], [sflag:$0x3], $0x80, $0x38;
	[tilespmem:$0x13000] =	vst v63  }
0x329: {  	s14 =	sadd.s32 $0x8020, s10;
	s15 =	simm.s32 $0xB190  }
0x32a: {  	[hbm4b:s14+s13] =	stream.linear.scatter [tilespmem:s15], [sflag:$0x3], $0x80, $0x38;
	[tilespmem:$0x13000] =	vst v63  }
0x32b: {  	s14 =	sadd.s32 $0x8030, s10;
	s15 =	simm.s32 $0xB218  }
0x32c: {  	[hbm4b:s14+s13] =	stream.linear.scatter [tilespmem:s15], [sflag:$0x3], $0x80, $0x38;
	[tilespmem:$0x13000] =	vst v63  }
0x32d: {  	s14 =	sadd.s32 $0x8040, s10;
	s15 =	simm.s32 $0xB2A0  }
0x32e: {  	[hbm4b:s14+s13] =	stream.linear.scatter [tilespmem:s15], [sflag:$0x3], $0x80, $0x38;
	[tilespmem:$0x13000] =	vst v63  }
0x32f: {  	s14 =	sadd.s32 $0x8050, s10;
	s15 =	simm.s32 $0xB328  }
0x330: {  	[hbm4b:s14+s13] =	stream.linear.scatter [tilespmem:s15], [sflag:$0x3], $0x80, $0x38;
	[tilespmem:$0x13000] =	vst v63  }
0x331: {  	s14 =	sadd.s32 $0x8060, s10;
	s15 =	simm.s32 $0xB3B0  }
0x332: {  	[hbm4b:s14+s13] =	stream.linear.scatter [tilespmem:s15], [sflag:$0x3], $0x80, $0x38;
	[tilespmem:$0x13000] =	vst v63  }
0x333: {  	s14 =	sadd.s32 $0x8070, s10;
	s15 =	simm.s32 $0xB438  }
0x334: {  	[hbm4b:s14+s13] =	stream.linear.scatter [tilespmem:s15], [sflag:$0x3], $0x80, $0x38;
	[tilespmem:$0x13000] =	vst v63  }
0x335: {  	s14 =	sadd.s32 $0xC000, s10;
	s15 =	simm.s32 $0xB4C0  }
0x336: {  	[hbm4b:s14+s13] =	stream.linear.scatter [tilespmem:s15], [sflag:$0x3], $0x80, $0x38;
	[tilespmem:$0x13000] =	vst v63  }
0x337: {  	s14 =	sadd.s32 $0xC010, s10;
	s15 =	simm.s32 $0xB548  }
0x338: {  	[hbm4b:s14+s13] =	stream.linear.scatter [tilespmem:s15], [sflag:$0x3], $0x80, $0x38;
	[tilespmem:$0x13000] =	vst v63  }
0x339: {  	s14 =	sadd.s32 $0xC020, s10;
	s15 =	simm.s32 $0xB5D0  }
0x33a: {  	[hbm4b:s14+s13] =	stream.linear.scatter [tilespmem:s15], [sflag:$0x3], $0x80, $0x38;
	[tilespmem:$0x13000] =	vst v63  }
0x33b: {  	s14 =	sadd.s32 $0xC030, s10;
	s15 =	simm.s32 $0xB658  }
0x33c: {  	[hbm4b:s14+s13] =	stream.linear.scatter [tilespmem:s15], [sflag:$0x3], $0x80, $0x38;
	[tilespmem:$0x13000] =	vst v63  }
0x33d: {  	s14 =	sadd.s32 $0xC040, s10;
	s15 =	simm.s32 $0xB6E0  }
0x33e: {  	[hbm4b:s14+s13] =	stream.linear.scatter [tilespmem:s15], [sflag:$0x3], $0x80, $0x38;
	[tilespmem:$0x13000] =	vst v63  }
0x33f: {  	s14 =	sadd.s32 $0xC050, s10;
	s15 =	simm.s32 $0xB768  }
0x340: {  	[hbm4b:s14+s13] =	stream.linear.scatter [tilespmem:s15], [sflag:$0x3], $0x80, $0x38;
	[tilespmem:$0x13000] =	vst v63  }
0x341: {  	s14 =	sadd.s32 $0xC060, s10;
	s15 =	simm.s32 $0xB7F0  }
0x342: {  	[hbm4b:s14+s13] =	stream.linear.scatter [tilespmem:s15], [sflag:$0x3], $0x80, $0x38;
	[tilespmem:$0x13000] =	vst v63  }
0x343: {  	s10 =	sadd.s32 $0xC070, s10;
	s15 =	simm.s32 $0xB878;
	s14 =	sor.u32 s7, s11  }
0x344: {  	[hbm4b:s10+s13] =	stream.linear.scatter [tilespmem:s15], [sflag:$0x3], $0x80, $0x38;
	[tilespmem:$0x13000] =	vst v63  }
0x345: {  	s10 =	sshrl.u32 s14, $0x3  }
0x346: {  	s15 =	simm.s32 $0xB900;
	s10 =	sadd.s32 s2, s10  }
0x347: {  	[hbm4b:s10+s13] =	stream.linear.scatter [tilespmem:s15], [sflag:$0x3], $0x80, $0x38;
	[tilespmem:$0x13000] =	vst v63  }
0x348: {  	s14 =	sadd.s32 $0x10, s10;
	s15 =	simm.s32 $0xB988  }
0x349: {  	[hbm4b:s14+s13] =	stream.linear.scatter [tilespmem:s15], [sflag:$0x3], $0x80, $0x38;
	[tilespmem:$0x13000] =	vst v63  }
0x34a: {  	s14 =	sadd.s32 $0x20, s10;
	s15 =	simm.s32 $0xBA10  }
0x34b: {  	[hbm4b:s14+s13] =	stream.linear.scatter [tilespmem:s15], [sflag:$0x3], $0x80, $0x38;
	[tilespmem:$0x13000] =	vst v63  }
0x34c: {  	s14 =	sadd.s32 $0x30, s10;
	s15 =	simm.s32 $0xBA98  }
0x34d: {  	[hbm4b:s14+s13] =	stream.linear.scatter [tilespmem:s15], [sflag:$0x3], $0x80, $0x38;
	[tilespmem:$0x13000] =	vst v63  }
0x34e: {  	s14 =	sadd.s32 $0x40, s10;
	s15 =	simm.s32 $0xBB20  }
0x34f: {  	[hbm4b:s14+s13] =	stream.linear.scatter [tilespmem:s15], [sflag:$0x3], $0x80, $0x38;
	[tilespmem:$0x13000] =	vst v63  }
0x350: {  	s14 =	sadd.s32 $0x50, s10;
	s15 =	simm.s32 $0xBBA8  }
0x351: {  	[hbm4b:s14+s13] =	stream.linear.scatter [tilespmem:s15], [sflag:$0x3], $0x80, $0x38;
	[tilespmem:$0x13000] =	vst v63  }
0x352: {  	s14 =	sadd.s32 $0x60, s10;
	s15 =	simm.s32 $0xBC30  }
0x353: {  	[hbm4b:s14+s13] =	stream.linear.scatter [tilespmem:s15], [sflag:$0x3], $0x80, $0x38;
	[tilespmem:$0x13000] =	vst v63  }
0x354: {  	s14 =	sadd.s32 $0x70, s10;
	s15 =	simm.s32 $0xBCB8  }
0x355: {  	[hbm4b:s14+s13] =	stream.linear.scatter [tilespmem:s15], [sflag:$0x3], $0x80, $0x38;
	[tilespmem:$0x13000] =	vst v63  }
0x356: {  	s14 =	sadd.s32 $0x4000, s10;
	s15 =	simm.s32 $0xBD40  }
0x357: {  	[hbm4b:s14+s13] =	stream.linear.scatter [tilespmem:s15], [sflag:$0x3], $0x80, $0x38;
	[tilespmem:$0x13000] =	vst v63  }
0x358: {  	s14 =	sadd.s32 $0x4010, s10;
	s15 =	simm.s32 $0xBDC8  }
0x359: {  	[hbm4b:s14+s13] =	stream.linear.scatter [tilespmem:s15], [sflag:$0x3], $0x80, $0x38;
	[tilespmem:$0x13000] =	vst v63  }
0x35a: {  	s14 =	sadd.s32 $0x4020, s10;
	s15 =	simm.s32 $0xBE50  }
0x35b: {  	[hbm4b:s14+s13] =	stream.linear.scatter [tilespmem:s15], [sflag:$0x3], $0x80, $0x38;
	[tilespmem:$0x13000] =	vst v63  }
0x35c: {  	s14 =	sadd.s32 $0x4030, s10;
	s15 =	simm.s32 $0xBED8  }
0x35d: {  	[hbm4b:s14+s13] =	stream.linear.scatter [tilespmem:s15], [sflag:$0x3], $0x80, $0x38;
	[tilespmem:$0x13000] =	vst v63  }
0x35e: {  	s14 =	sadd.s32 $0x4040, s10;
	s15 =	simm.s32 $0xBF60  }
0x35f: {  	[hbm4b:s14+s13] =	stream.linear.scatter [tilespmem:s15], [sflag:$0x3], $0x80, $0x38;
	[tilespmem:$0x13000] =	vst v63  }
0x360: {  	s14 =	sadd.s32 $0x4050, s10;
	s15 =	simm.s32 $0xBFE8  }
0x361: {  	[hbm4b:s14+s13] =	stream.linear.scatter [tilespmem:s15], [sflag:$0x3], $0x80, $0x38;
	[tilespmem:$0x13000] =	vst v63  }
0x362: {  	s14 =	sadd.s32 $0x4060, s10;
	s15 =	simm.s32 $0xC070  }
0x363: {  	[hbm4b:s14+s13] =	stream.linear.scatter [tilespmem:s15], [sflag:$0x3], $0x80, $0x38;
	[tilespmem:$0x13000] =	vst v63  }
0x364: {  	s14 =	sadd.s32 $0x4070, s10;
	s15 =	simm.s32 $0xC0F8  }
0x365: {  	[hbm4b:s14+s13] =	stream.linear.scatter [tilespmem:s15], [sflag:$0x3], $0x80, $0x38;
	[tilespmem:$0x13000] =	vst v63  }
0x366: {  	s14 =	sadd.s32 $0x8000, s10;
	s15 =	simm.s32 $0xC180  }
0x367: {  	[hbm4b:s14+s13] =	stream.linear.scatter [tilespmem:s15], [sflag:$0x3], $0x80, $0x38;
	[tilespmem:$0x13000] =	vst v63  }
0x368: {  	s14 =	sadd.s32 $0x8010, s10;
	s15 =	simm.s32 $0xC208  }
0x369: {  	[hbm4b:s14+s13] =	stream.linear.scatter [tilespmem:s15], [sflag:$0x3], $0x80, $0x38;
	[tilespmem:$0x13000] =	vst v63  }
0x36a: {  	s14 =	sadd.s32 $0x8020, s10;
	s15 =	simm.s32 $0xC290  }
0x36b: {  	[hbm4b:s14+s13] =	stream.linear.scatter [tilespmem:s15], [sflag:$0x3], $0x80, $0x38;
	[tilespmem:$0x13000] =	vst v63  }
0x36c: {  	s14 =	sadd.s32 $0x8030, s10;
	s15 =	simm.s32 $0xC318  }
0x36d: {  	[hbm4b:s14+s13] =	stream.linear.scatter [tilespmem:s15], [sflag:$0x3], $0x80, $0x38;
	[tilespmem:$0x13000] =	vst v63  }
0x36e: {  	s14 =	sadd.s32 $0x8040, s10;
	s15 =	simm.s32 $0xC3A0  }
0x36f: {  	[hbm4b:s14+s13] =	stream.linear.scatter [tilespmem:s15], [sflag:$0x3], $0x80, $0x38;
	[tilespmem:$0x13000] =	vst v63  }
0x370: {  	s14 =	sadd.s32 $0x8050, s10;
	s15 =	simm.s32 $0xC428  }
0x371: {  	[hbm4b:s14+s13] =	stream.linear.scatter [tilespmem:s15], [sflag:$0x3], $0x80, $0x38;
	[tilespmem:$0x13000] =	vst v63  }
0x372: {  	s14 =	sadd.s32 $0x8060, s10;
	s15 =	simm.s32 $0xC4B0  }
0x373: {  	[hbm4b:s14+s13] =	stream.linear.scatter [tilespmem:s15], [sflag:$0x3], $0x80, $0x38;
	[tilespmem:$0x13000] =	vst v63  }
0x374: {  	s14 =	sadd.s32 $0x8070, s10;
	s15 =	simm.s32 $0xC538  }
0x375: {  	[hbm4b:s14+s13] =	stream.linear.scatter [tilespmem:s15], [sflag:$0x3], $0x80, $0x38;
	[tilespmem:$0x13000] =	vst v63  }
0x376: {  	s14 =	sadd.s32 $0xC000, s10;
	s15 =	simm.s32 $0xC5C0  }
0x377: {  	[hbm4b:s14+s13] =	stream.linear.scatter [tilespmem:s15], [sflag:$0x3], $0x80, $0x38;
	[tilespmem:$0x13000] =	vst v63  }
0x378: {  	s14 =	sadd.s32 $0xC010, s10;
	s15 =	simm.s32 $0xC648  }
0x379: {  	[hbm4b:s14+s13] =	stream.linear.scatter [tilespmem:s15], [sflag:$0x3], $0x80, $0x38;
	[tilespmem:$0x13000] =	vst v63  }
0x37a: {  	s14 =	sadd.s32 $0xC020, s10;
	s15 =	simm.s32 $0xC6D0  }
0x37b: {  	[hbm4b:s14+s13] =	stream.linear.scatter [tilespmem:s15], [sflag:$0x3], $0x80, $0x38;
	[tilespmem:$0x13000] =	vst v63  }
0x37c: {  	s14 =	sadd.s32 $0xC030, s10;
	s15 =	simm.s32 $0xC758  }
0x37d: {  	[hbm4b:s14+s13] =	stream.linear.scatter [tilespmem:s15], [sflag:$0x3], $0x80, $0x38;
	[tilespmem:$0x13000] =	vst v63  }
0x37e: {  	s14 =	sadd.s32 $0xC040, s10;
	s15 =	simm.s32 $0xC7E0  }
0x37f: {  	[hbm4b:s14+s13] =	stream.linear.scatter [tilespmem:s15], [sflag:$0x3], $0x80, $0x38;
	[tilespmem:$0x13000] =	vst v63  }
0x380: {  	s14 =	sadd.s32 $0xC050, s10;
	s15 =	simm.s32 $0xC868  }
0x381: {  	[hbm4b:s14+s13] =	stream.linear.scatter [tilespmem:s15], [sflag:$0x3], $0x80, $0x38;
	[tilespmem:$0x13000] =	vst v63  }
0x382: {  	s14 =	sadd.s32 $0xC060, s10;
	s15 =	simm.s32 $0xC8F0  }
0x383: {  	[hbm4b:s14+s13] =	stream.linear.scatter [tilespmem:s15], [sflag:$0x3], $0x80, $0x38;
	[tilespmem:$0x13000] =	vst v63  }
0x384: {  	s10 =	sadd.s32 $0xC070, s10;
	s15 =	simm.s32 $0xC978;
	s14 =	sor.u32 s8, s11  }
0x385: {  	[hbm4b:s10+s13] =	stream.linear.scatter [tilespmem:s15], [sflag:$0x3], $0x80, $0x38;
	[tilespmem:$0x13000] =	vst v63  }
0x386: {  	s10 =	sshrl.u32 s14, $0x3  }
0x387: {  	s15 =	simm.s32 $0xCA00;
	s10 =	sadd.s32 s2, s10  }
0x388: {  	[hbm4b:s10+s13] =	stream.linear.scatter [tilespmem:s15], [sflag:$0x3], $0x80, $0x38;
	[tilespmem:$0x13000] =	vst v63  }
0x389: {  	s14 =	sadd.s32 $0x10, s10;
	s15 =	simm.s32 $0xCA88  }
0x38a: {  	[hbm4b:s14+s13] =	stream.linear.scatter [tilespmem:s15], [sflag:$0x3], $0x80, $0x38;
	[tilespmem:$0x13000] =	vst v63  }
0x38b: {  	s14 =	sadd.s32 $0x20, s10;
	s15 =	simm.s32 $0xCB10  }
0x38c: {  	[hbm4b:s14+s13] =	stream.linear.scatter [tilespmem:s15], [sflag:$0x3], $0x80, $0x38;
	[tilespmem:$0x13000] =	vst v63  }
0x38d: {  	s14 =	sadd.s32 $0x30, s10;
	s15 =	simm.s32 $0xCB98  }
0x38e: {  	[hbm4b:s14+s13] =	stream.linear.scatter [tilespmem:s15], [sflag:$0x3], $0x80, $0x38;
	[tilespmem:$0x13000] =	vst v63  }
0x38f: {  	s14 =	sadd.s32 $0x40, s10;
	s15 =	simm.s32 $0xCC20  }
0x390: {  	[hbm4b:s14+s13] =	stream.linear.scatter [tilespmem:s15], [sflag:$0x3], $0x80, $0x38;
	[tilespmem:$0x13000] =	vst v63  }
0x391: {  	s14 =	sadd.s32 $0x50, s10;
	s15 =	simm.s32 $0xCCA8  }
0x392: {  	[hbm4b:s14+s13] =	stream.linear.scatter [tilespmem:s15], [sflag:$0x3], $0x80, $0x38;
	[tilespmem:$0x13000] =	vst v63  }
0x393: {  	s14 =	sadd.s32 $0x60, s10;
	s15 =	simm.s32 $0xCD30  }
0x394: {  	[hbm4b:s14+s13] =	stream.linear.scatter [tilespmem:s15], [sflag:$0x3], $0x80, $0x38;
	[tilespmem:$0x13000] =	vst v63  }
0x395: {  	s14 =	sadd.s32 $0x70, s10;
	s15 =	simm.s32 $0xCDB8  }
0x396: {  	[hbm4b:s14+s13] =	stream.linear.scatter [tilespmem:s15], [sflag:$0x3], $0x80, $0x38;
	[tilespmem:$0x13000] =	vst v63  }
0x397: {  	s14 =	sadd.s32 $0x4000, s10;
	s15 =	simm.s32 $0xCE40  }
0x398: {  	[hbm4b:s14+s13] =	stream.linear.scatter [tilespmem:s15], [sflag:$0x3], $0x80, $0x38;
	[tilespmem:$0x13000] =	vst v63  }
0x399: {  	s14 =	sadd.s32 $0x4010, s10;
	s15 =	simm.s32 $0xCEC8  }
0x39a: {  	[hbm4b:s14+s13] =	stream.linear.scatter [tilespmem:s15], [sflag:$0x3], $0x80, $0x38;
	[tilespmem:$0x13000] =	vst v63  }
0x39b: {  	s14 =	sadd.s32 $0x4020, s10;
	s15 =	simm.s32 $0xCF50  }
0x39c: {  	[hbm4b:s14+s13] =	stream.linear.scatter [tilespmem:s15], [sflag:$0x3], $0x80, $0x38;
	[tilespmem:$0x13000] =	vst v63  }
0x39d: {  	s14 =	sadd.s32 $0x4030, s10;
	s15 =	simm.s32 $0xCFD8  }
0x39e: {  	[hbm4b:s14+s13] =	stream.linear.scatter [tilespmem:s15], [sflag:$0x3], $0x80, $0x38;
	[tilespmem:$0x13000] =	vst v63  }
0x39f: {  	s14 =	sadd.s32 $0x4040, s10;
	s15 =	simm.s32 $0xD060  }
0x3a0: {  	[hbm4b:s14+s13] =	stream.linear.scatter [tilespmem:s15], [sflag:$0x3], $0x80, $0x38;
	[tilespmem:$0x13000] =	vst v63  }
0x3a1: {  	s14 =	sadd.s32 $0x4050, s10;
	s15 =	simm.s32 $0xD0E8  }
0x3a2: {  	[hbm4b:s14+s13] =	stream.linear.scatter [tilespmem:s15], [sflag:$0x3], $0x80, $0x38;
	[tilespmem:$0x13000] =	vst v63  }
0x3a3: {  	s14 =	sadd.s32 $0x4060, s10;
	s15 =	simm.s32 $0xD170  }
0x3a4: {  	[hbm4b:s14+s13] =	stream.linear.scatter [tilespmem:s15], [sflag:$0x3], $0x80, $0x38;
	[tilespmem:$0x13000] =	vst v63  }
0x3a5: {  	s14 =	sadd.s32 $0x4070, s10;
	s15 =	simm.s32 $0xD1F8  }
0x3a6: {  	[hbm4b:s14+s13] =	stream.linear.scatter [tilespmem:s15], [sflag:$0x3], $0x80, $0x38;
	[tilespmem:$0x13000] =	vst v63  }
0x3a7: {  	s14 =	sadd.s32 $0x8000, s10;
	s15 =	simm.s32 $0xD280  }
0x3a8: {  	[hbm4b:s14+s13] =	stream.linear.scatter [tilespmem:s15], [sflag:$0x3], $0x80, $0x38;
	[tilespmem:$0x13000] =	vst v63  }
0x3a9: {  	s14 =	sadd.s32 $0x8010, s10;
	s15 =	simm.s32 $0xD308  }
0x3aa: {  	[hbm4b:s14+s13] =	stream.linear.scatter [tilespmem:s15], [sflag:$0x3], $0x80, $0x38;
	[tilespmem:$0x13000] =	vst v63  }
0x3ab: {  	s14 =	sadd.s32 $0x8020, s10;
	s15 =	simm.s32 $0xD390  }
0x3ac: {  	[hbm4b:s14+s13] =	stream.linear.scatter [tilespmem:s15], [sflag:$0x3], $0x80, $0x38;
	[tilespmem:$0x13000] =	vst v63  }
0x3ad: {  	s14 =	sadd.s32 $0x8030, s10;
	s15 =	simm.s32 $0xD418  }
0x3ae: {  	[hbm4b:s14+s13] =	stream.linear.scatter [tilespmem:s15], [sflag:$0x3], $0x80, $0x38;
	[tilespmem:$0x13000] =	vst v63  }
0x3af: {  	s14 =	sadd.s32 $0x8040, s10;
	s15 =	simm.s32 $0xD4A0  }
0x3b0: {  	[hbm4b:s14+s13] =	stream.linear.scatter [tilespmem:s15], [sflag:$0x3], $0x80, $0x38;
	[tilespmem:$0x13000] =	vst v63  }
0x3b1: {  	s14 =	sadd.s32 $0x8050, s10;
	s15 =	simm.s32 $0xD528  }
0x3b2: {  	[hbm4b:s14+s13] =	stream.linear.scatter [tilespmem:s15], [sflag:$0x3], $0x80, $0x38;
	[tilespmem:$0x13000] =	vst v63  }
0x3b3: {  	s14 =	sadd.s32 $0x8060, s10;
	s15 =	simm.s32 $0xD5B0  }
0x3b4: {  	[hbm4b:s14+s13] =	stream.linear.scatter [tilespmem:s15], [sflag:$0x3], $0x80, $0x38;
	[tilespmem:$0x13000] =	vst v63  }
0x3b5: {  	s14 =	sadd.s32 $0x8070, s10;
	s15 =	simm.s32 $0xD638  }
0x3b6: {  	[hbm4b:s14+s13] =	stream.linear.scatter [tilespmem:s15], [sflag:$0x3], $0x80, $0x38;
	[tilespmem:$0x13000] =	vst v63  }
0x3b7: {  	s14 =	sadd.s32 $0xC000, s10;
	s15 =	simm.s32 $0xD6C0  }
0x3b8: {  	[hbm4b:s14+s13] =	stream.linear.scatter [tilespmem:s15], [sflag:$0x3], $0x80, $0x38;
	[tilespmem:$0x13000] =	vst v63  }
0x3b9: {  	s14 =	sadd.s32 $0xC010, s10;
	s15 =	simm.s32 $0xD748  }
0x3ba: {  	[hbm4b:s14+s13] =	stream.linear.scatter [tilespmem:s15], [sflag:$0x3], $0x80, $0x38;
	[tilespmem:$0x13000] =	vst v63  }
0x3bb: {  	s14 =	sadd.s32 $0xC020, s10;
	s15 =	simm.s32 $0xD7D0  }
0x3bc: {  	[hbm4b:s14+s13] =	stream.linear.scatter [tilespmem:s15], [sflag:$0x3], $0x80, $0x38;
	[tilespmem:$0x13000] =	vst v63  }
0x3bd: {  	s14 =	sadd.s32 $0xC030, s10;
	s15 =	simm.s32 $0xD858  }
0x3be: {  	[hbm4b:s14+s13] =	stream.linear.scatter [tilespmem:s15], [sflag:$0x3], $0x80, $0x38;
	[tilespmem:$0x13000] =	vst v63  }
0x3bf: {  	s14 =	sadd.s32 $0xC040, s10;
	s15 =	simm.s32 $0xD8E0  }
0x3c0: {  	[hbm4b:s14+s13] =	stream.linear.scatter [tilespmem:s15], [sflag:$0x3], $0x80, $0x38;
	[tilespmem:$0x13000] =	vst v63  }
0x3c1: {  	s14 =	sadd.s32 $0xC050, s10;
	s15 =	simm.s32 $0xD968  }
0x3c2: {  	[hbm4b:s14+s13] =	stream.linear.scatter [tilespmem:s15], [sflag:$0x3], $0x80, $0x38;
	[tilespmem:$0x13000] =	vst v63  }
0x3c3: {  	s14 =	sadd.s32 $0xC060, s10;
	s15 =	simm.s32 $0xD9F0  }
0x3c4: {  	[hbm4b:s14+s13] =	stream.linear.scatter [tilespmem:s15], [sflag:$0x3], $0x80, $0x38;
	[tilespmem:$0x13000] =	vst v63  }
0x3c5: {  	s10 =	sadd.s32 $0xC070, s10;
	s15 =	simm.s32 $0xDA78;
	s14 =	sor.u32 s12, s11  }
0x3c6: {  	[hbm4b:s10+s13] =	stream.linear.scatter [tilespmem:s15], [sflag:$0x3], $0x80, $0x38;
	[tilespmem:$0x13000] =	vst v63  }
0x3c7: {  	s10 =	sshrl.u32 s14, $0x3  }
0x3c8: {  	s15 =	simm.s32 $0xDB00;
	s10 =	sadd.s32 s2, s10  }
0x3c9: {  	[hbm4b:s10+s13] =	stream.linear.scatter [tilespmem:s15], [sflag:$0x3], $0x80, $0x38;
	[tilespmem:$0x13000] =	vst v63  }
0x3ca: {  	s14 =	sadd.s32 $0x10, s10;
	s15 =	simm.s32 $0xDB88  }
0x3cb: {  	[hbm4b:s14+s13] =	stream.linear.scatter [tilespmem:s15], [sflag:$0x3], $0x80, $0x38;
	[tilespmem:$0x13000] =	vst v63  }
0x3cc: {  	s14 =	sadd.s32 $0x20, s10;
	s15 =	simm.s32 $0xDC10  }
0x3cd: {  	[hbm4b:s14+s13] =	stream.linear.scatter [tilespmem:s15], [sflag:$0x3], $0x80, $0x38;
	[tilespmem:$0x13000] =	vst v63  }
0x3ce: {  	s14 =	sadd.s32 $0x30, s10;
	s15 =	simm.s32 $0xDC98  }
0x3cf: {  	[hbm4b:s14+s13] =	stream.linear.scatter [tilespmem:s15], [sflag:$0x3], $0x80, $0x38;
	[tilespmem:$0x13000] =	vst v63  }
0x3d0: {  	s14 =	sadd.s32 $0x40, s10;
	s15 =	simm.s32 $0xDD20  }
0x3d1: {  	[hbm4b:s14+s13] =	stream.linear.scatter [tilespmem:s15], [sflag:$0x3], $0x80, $0x38;
	[tilespmem:$0x13000] =	vst v63  }
0x3d2: {  	s14 =	sadd.s32 $0x50, s10;
	s15 =	simm.s32 $0xDDA8  }
0x3d3: {  	[hbm4b:s14+s13] =	stream.linear.scatter [tilespmem:s15], [sflag:$0x3], $0x80, $0x38;
	[tilespmem:$0x13000] =	vst v63  }
0x3d4: {  	s14 =	sadd.s32 $0x60, s10;
	s15 =	simm.s32 $0xDE30  }
0x3d5: {  	[hbm4b:s14+s13] =	stream.linear.scatter [tilespmem:s15], [sflag:$0x3], $0x80, $0x38;
	[tilespmem:$0x13000] =	vst v63  }
0x3d6: {  	s14 =	sadd.s32 $0x70, s10;
	s15 =	simm.s32 $0xDEB8  }
0x3d7: {  	[hbm4b:s14+s13] =	stream.linear.scatter [tilespmem:s15], [sflag:$0x3], $0x80, $0x38;
	[tilespmem:$0x13000] =	vst v63  }
0x3d8: {  	s14 =	sadd.s32 $0x4000, s10;
	s15 =	simm.s32 $0xDF40  }
0x3d9: {  	[hbm4b:s14+s13] =	stream.linear.scatter [tilespmem:s15], [sflag:$0x3], $0x80, $0x38;
	[tilespmem:$0x13000] =	vst v63  }
0x3da: {  	s14 =	sadd.s32 $0x4010, s10;
	s15 =	simm.s32 $0xDFC8  }
0x3db: {  	[hbm4b:s14+s13] =	stream.linear.scatter [tilespmem:s15], [sflag:$0x3], $0x80, $0x38;
	[tilespmem:$0x13000] =	vst v63  }
0x3dc: {  	s14 =	sadd.s32 $0x4020, s10;
	s15 =	simm.s32 $0xE050  }
0x3dd: {  	[hbm4b:s14+s13] =	stream.linear.scatter [tilespmem:s15], [sflag:$0x3], $0x80, $0x38;
	[tilespmem:$0x13000] =	vst v63  }
0x3de: {  	s14 =	sadd.s32 $0x4030, s10;
	s15 =	simm.s32 $0xE0D8  }
0x3df: {  	[hbm4b:s14+s13] =	stream.linear.scatter [tilespmem:s15], [sflag:$0x3], $0x80, $0x38;
	[tilespmem:$0x13000] =	vst v63  }
0x3e0: {  	s14 =	sadd.s32 $0x4040, s10;
	s15 =	simm.s32 $0xE160  }
0x3e1: {  	[hbm4b:s14+s13] =	stream.linear.scatter [tilespmem:s15], [sflag:$0x3], $0x80, $0x38;
	[tilespmem:$0x13000] =	vst v63  }
0x3e2: {  	s14 =	sadd.s32 $0x4050, s10;
	s15 =	simm.s32 $0xE1E8  }
0x3e3: {  	[hbm4b:s14+s13] =	stream.linear.scatter [tilespmem:s15], [sflag:$0x3], $0x80, $0x38;
	[tilespmem:$0x13000] =	vst v63  }
0x3e4: {  	s14 =	sadd.s32 $0x4060, s10;
	s15 =	simm.s32 $0xE270  }
0x3e5: {  	[hbm4b:s14+s13] =	stream.linear.scatter [tilespmem:s15], [sflag:$0x3], $0x80, $0x38;
	[tilespmem:$0x13000] =	vst v63  }
0x3e6: {  	s14 =	sadd.s32 $0x4070, s10;
	s15 =	simm.s32 $0xE2F8  }
0x3e7: {  	[hbm4b:s14+s13] =	stream.linear.scatter [tilespmem:s15], [sflag:$0x3], $0x80, $0x38;
	[tilespmem:$0x13000] =	vst v63  }
0x3e8: {  	s14 =	sadd.s32 $0x8000, s10;
	s15 =	simm.s32 $0xE380  }
0x3e9: {  	[hbm4b:s14+s13] =	stream.linear.scatter [tilespmem:s15], [sflag:$0x3], $0x80, $0x38;
	[tilespmem:$0x13000] =	vst v63  }
0x3ea: {  	s14 =	sadd.s32 $0x8010, s10;
	s15 =	simm.s32 $0xE408  }
0x3eb: {  	[hbm4b:s14+s13] =	stream.linear.scatter [tilespmem:s15], [sflag:$0x3], $0x80, $0x38;
	[tilespmem:$0x13000] =	vst v63  }
0x3ec: {  	s14 =	sadd.s32 $0x8020, s10;
	s15 =	simm.s32 $0xE490  }
0x3ed: {  	[hbm4b:s14+s13] =	stream.linear.scatter [tilespmem:s15], [sflag:$0x3], $0x80, $0x38;
	[tilespmem:$0x13000] =	vst v63  }
0x3ee: {  	s14 =	sadd.s32 $0x8030, s10;
	s15 =	simm.s32 $0xE518  }
0x3ef: {  	[hbm4b:s14+s13] =	stream.linear.scatter [tilespmem:s15], [sflag:$0x3], $0x80, $0x38;
	[tilespmem:$0x13000] =	vst v63  }
0x3f0: {  	s14 =	sadd.s32 $0x8040, s10;
	s15 =	simm.s32 $0xE5A0  }
0x3f1: {  	[hbm4b:s14+s13] =	stream.linear.scatter [tilespmem:s15], [sflag:$0x3], $0x80, $0x38;
	[tilespmem:$0x13000] =	vst v63  }
0x3f2: {  	s14 =	sadd.s32 $0x8050, s10;
	s15 =	simm.s32 $0xE628  }
0x3f3: {  	[hbm4b:s14+s13] =	stream.linear.scatter [tilespmem:s15], [sflag:$0x3], $0x80, $0x38;
	[tilespmem:$0x13000] =	vst v63  }
0x3f4: {  	s14 =	sadd.s32 $0x8060, s10;
	s15 =	simm.s32 $0xE6B0  }
0x3f5: {  	[hbm4b:s14+s13] =	stream.linear.scatter [tilespmem:s15], [sflag:$0x3], $0x80, $0x38;
	[tilespmem:$0x13000] =	vst v63  }
0x3f6: {  	s14 =	sadd.s32 $0x8070, s10;
	s15 =	simm.s32 $0xE738  }
0x3f7: {  	[hbm4b:s14+s13] =	stream.linear.scatter [tilespmem:s15], [sflag:$0x3], $0x80, $0x38;
	[tilespmem:$0x13000] =	vst v63  }
0x3f8: {  	s14 =	sadd.s32 $0xC000, s10;
	s15 =	simm.s32 $0xE7C0  }
0x3f9: {  	[hbm4b:s14+s13] =	stream.linear.scatter [tilespmem:s15], [sflag:$0x3], $0x80, $0x38;
	[tilespmem:$0x13000] =	vst v63  }
0x3fa: {  	s14 =	sadd.s32 $0xC010, s10;
	s15 =	simm.s32 $0xE848  }
0x3fb: {  	[hbm4b:s14+s13] =	stream.linear.scatter [tilespmem:s15], [sflag:$0x3], $0x80, $0x38;
	[tilespmem:$0x13000] =	vst v63  }
0x3fc: {  	s14 =	sadd.s32 $0xC020, s10;
	s15 =	simm.s32 $0xE8D0  }
0x3fd: {  	[hbm4b:s14+s13] =	stream.linear.scatter [tilespmem:s15], [sflag:$0x3], $0x80, $0x38;
	[tilespmem:$0x13000] =	vst v63  }
0x3fe: {  	s14 =	sadd.s32 $0xC030, s10;
	s15 =	simm.s32 $0xE958  }
0x3ff: {  	[hbm4b:s14+s13] =	stream.linear.scatter [tilespmem:s15], [sflag:$0x3], $0x80, $0x38;
	[tilespmem:$0x13000] =	vst v63  }
0x400: {  	s14 =	sadd.s32 $0xC040, s10;
	s15 =	simm.s32 $0xE9E0  }
0x401: {  	[hbm4b:s14+s13] =	stream.linear.scatter [tilespmem:s15], [sflag:$0x3], $0x80, $0x38;
	[tilespmem:$0x13000] =	vst v63  }
0x402: {  	s14 =	sadd.s32 $0xC050, s10;
	s15 =	simm.s32 $0xEA68  }
0x403: {  	[hbm4b:s14+s13] =	stream.linear.scatter [tilespmem:s15], [sflag:$0x3], $0x80, $0x38;
	[tilespmem:$0x13000] =	vst v63  }
0x404: {  	s14 =	sadd.s32 $0xC060, s10;
	s15 =	simm.s32 $0xEAF0  }
0x405: {  	[hbm4b:s14+s13] =	stream.linear.scatter [tilespmem:s15], [sflag:$0x3], $0x80, $0x38;
	[tilespmem:$0x13000] =	vst v63  }
0x406: {  	s10 =	sadd.s32 $0xC070, s10;
	s15 =	simm.s32 $0xEB78;
	s14 =	sshll.u32 s5, $0xA  }
0x407: {  	[hbm4b:s10+s13] =	stream.linear.scatter [tilespmem:s15], [sflag:$0x3], $0x80, $0x38;
	[tilespmem:$0x13000] =	vst v63  }
0x408: {  	s10 =	sand.u32 $0x3FFFFC00, s14  }
0x409: {  	s15 =	simm.s32 $0x2800;
	s14 =	sadd.s32 $0x400, s10  }
0x40a: {  	[tilespmem:s15], [sflag:$0x1] =	stream.indirect.gather [hbm4b:s4+s29], $0x20, s14, s29, $0xb8;
	[tilespmem:$0x13000] =	vst v63  }
0x40b: {  	s14 =	sadd.s32 $0x480, s10;
	s15 =	simm.s32 $0x3800  }
0x40c: {  	[tilespmem:s15], [sflag:$0x1] =	stream.indirect.gather [hbm4b:s4+s29], $0x20, s14, s29, $0xb8;
	[tilespmem:$0x13000] =	vst v63  }
0x40d: {  	s14 =	sadd.s32 $0x500, s10;
	s15 =	simm.s32 $0x4800  }
0x40e: {  	[tilespmem:s15], [sflag:$0x1] =	stream.indirect.gather [hbm4b:s4+s29], $0x20, s14, s29, $0xb8;
	[tilespmem:$0x13000] =	vst v63  }
0x40f: {  	s14 =	sadd.s32 $0x580, s10;
	s15 =	simm.s32 $0x5800  }
0x410: {  	[tilespmem:s15], [sflag:$0x1] =	stream.indirect.gather [hbm4b:s4+s29], $0x20, s14, s29, $0xb8;
	[tilespmem:$0x13000] =	vst v63  }
0x411: {  	_ =	swait.ge [sflag:s25], $0x1000  }
0x412: {  	[sflag:s25] =	ssyncset.done $0x0  }
0x413: {  	[sflag:s25] =	ssyncadd.s32 $0xFFFFF000  }
0x414: {  	_ =	swait.ge [sflag:s25], $0x1000  }
0x415: {  	[sflag:s25] =	ssyncset.done $0x0  }
0x416: {  	[sflag:s25] =	ssyncadd.s32 $0xFFFFF000  }
0x417: {  	_ =	swait.ge [sflag:s25], $0x1000  }
0x418: {  	[sflag:s25] =	ssyncset.done $0x0  }
0x419: {  	[sflag:s25] =	ssyncadd.s32 $0xFFFFF000  }
0x41a: {  	_ =	swait.ge [sflag:s25], $0x1000  }
0x41b: {  	[sflag:s25] =	ssyncset.done $0x0  }
0x41c: {  	[sflag:s25] =	ssyncadd.s32 $0xFFFFF000  }
0x41d: {  	_ =	swait.ge [sflag:s1], $0x1000  }
0x41e: {  	[sflag:s1] =	ssyncset.done $0x0  }
0x41f: {  	[sflag:s1] =	ssyncadd.s32 $0xFFFFF000  }
0x420: {  	_ =	swait.ge [sflag:s1], $0x1000  }
0x421: {  	[sflag:s1] =	ssyncset.done $0x0  }
0x422: {  	[sflag:s1] =	ssyncadd.s32 $0xFFFFF000  }
0x423: {  	_ =	swait.ge [sflag:s1], $0x1000  }
0x424: {  	[sflag:s1] =	ssyncset.done $0x0  }
0x425: {  	[sflag:s1] =	ssyncadd.s32 $0xFFFFF000  }
0x426: {  	_ =	swait.ge [sflag:s1], $0x1000  }
0x427: {  	v8 =	vmov s13;
	[sflag:s1] =	ssyncset.done $0x0  }
0x428: {  	v9 =	vand.u32 $0x7F, v8;
	s13 =	simm.s32 $0x8800;
	[sflag:s1] =	ssyncadd.s32 $0xFFFFF000  }
0x429: {  	v10 =	vadd.s32 v0, v9;
	v8 =	vld [tilespmem:s13+$0xFFFFE000]  }
0x42a: {  	v60 =	vadd.s32 v1, v9;
	v11 =	vld [tilespmem:s13+$0xFFFFE010];
	_ =	sdelay $0x3  }
0x42b: {  	[tilespmem:v10+s28+$0x0] =	vst.idx.msk $0xffff, v8  }
0x42c: {  	[tilespmem:v60+s28+$0x0] =	vst.idx.msk $0xffff, v11  }
0x42d: {  	v10 =	vadd.s32 v2, v9;
	v8 =	vld [tilespmem:s13+$0xFFFFF000]  }
0x42e: {  	v61 =	vadd.s32 v3, v9;
	v11 =	vld [tilespmem:s13+$0xFFFFF010];
	_ =	sdelay $0x3  }
0x42f: {  	[tilespmem:v10+s28+$0x0] =	vst.idx.msk $0xffff, v8  }
0x430: {  	[tilespmem:v61+s28+$0x0] =	vst.idx.msk $0xffff, v11  }
0x431: {  	v10 =	vadd.s32 v4, v9;
	v8 =	vld [tilespmem:s13+$0x0]  }
0x432: {  	v62 =	vadd.s32 v5, v9;
	v11 =	vld [tilespmem:s13+$0x10];
	_ =	sdelay $0x3  }
0x433: {  	[tilespmem:v10+s28+$0x0] =	vst.idx.msk $0xffff, v8  }
0x434: {  	[tilespmem:v62+s28+$0x0] =	vst.idx.msk $0xffff, v11  }
0x435: {  	v63 =	vadd.s32 v6, v9;
	v11 =	vld [tilespmem:s13+$0x1000];
	_ =	sdelay $0x1  }
0x436: {  	v9 =	vadd.s32 v7, v9;
	v8 =	vld [tilespmem:s13+$0x1010];
	_ =	sdelay $0x1  }
0x437: {  	s15 =	simm.s32 $0x1  }
0x438: {  	s14 =	simm.s32 $0x2;
	v10 =	vmov s15;
	[tilespmem:v63+s28+$0x0] =	vst.idx.msk $0xffff, v11  }
.LBB2_9:
0x439: {  	p0 =	sne.s32 s14, $0x7F  }
0x43a: {  	v10 =	vand.u32 $0x7F, v10;
	[tilespmem:v9+s28+$0x0] =	vst.idx.msk $0xffff, v8;
	s13 =	sadd.s32 $0x20, s13;
	s15 =	smov.u32 s14;
	s14 =	sadd.s32 $0x1, s14  }
0x43b: {  	v8 =	vld [tilespmem:s13+$0xFFFFE000];
	v9 =	vadd.s32 v0, v10  }
0x43c: {  	v12 =	vadd.s32 v1, v10;
	v11 =	vld [tilespmem:s13+$0xFFFFE010];
	_ =	sdelay $0x3  }
0x43d: {  	[tilespmem:v9+s28+$0x0] =	vst.idx.msk $0xffff, v8  }
0x43e: {  	[tilespmem:v12+s28+$0x0] =	vst.idx.msk $0xffff, v11  }
0x43f: {  	v9 =	vadd.s32 v2, v10;
	v8 =	vld [tilespmem:s13+$0xFFFFF000]  }
0x440: {  	v12 =	vadd.s32 v3, v10;
	v11 =	vld [tilespmem:s13+$0xFFFFF010];
	_ =	sdelay $0x3  }
0x441: {  	[tilespmem:v9+s28+$0x0] =	vst.idx.msk $0xffff, v8  }
0x442: {  	[tilespmem:v12+s28+$0x0] =	vst.idx.msk $0xffff, v11  }
0x443: {  	v9 =	vadd.s32 v4, v10;
	v8 =	vld [tilespmem:s13+$0x0]  }
0x444: {  	v12 =	vadd.s32 v5, v10;
	v11 =	vld [tilespmem:s13+$0x10];
	_ =	sdelay $0x3  }
0x445: {  	[tilespmem:v9+s28+$0x0] =	vst.idx.msk $0xffff, v8  }
0x446: {  	[tilespmem:v12+s28+$0x0] =	vst.idx.msk $0xffff, v11  }
0x447: {  	v12 =	vadd.s32 v6, v10;
	v11 =	vld [tilespmem:s13+$0x1000]  }
.Ltmp3:
0x448: {  	v9 =	vadd.s32 v7, v10;
	v8 =	vld [tilespmem:s13+$0x1010];
	(pc) =	sbr.rel @p0 .LBB2_9-.Ltmp3, $2  }
0x449: {  	_ =	sdelay $0x2  }
0x44a: {  	v10 =	vmov s15;
	[tilespmem:v12+s28+$0x0] =	vst.idx.msk $0xffff, v11  }
0x44b: {  	_ =	sdelay $0x3  }
0x44c: {  	v10 =	vand.u32 $0x7F, v10;
	[tilespmem:v9+s28+$0x0] =	vst.idx.msk $0xffff, v8;
	s13 =	sadd.s32 $0x20, s13  }
0x44d: {  	v8 =	vld [tilespmem:s13+$0xFFFFE000];
	v58 =	vadd.s32 v0, v10  }
0x44e: {  	v11 =	vld [tilespmem:s13+$0xFFFFE010];
	v12 =	vadd.s32 v1, v10;
	_ =	sdelay $0x3  }
0x44f: {  	[tilespmem:v58+s28+$0x0] =	vst.idx.msk $0xffff, v8  }
0x450: {  	[tilespmem:v12+s28+$0x0] =	vst.idx.msk $0xffff, v11  }
0x451: {  	v59 =	vadd.s32 v2, v10;
	v8 =	vld [tilespmem:s13+$0xFFFFF000]  }
0x452: {  	v60 =	vadd.s32 v3, v10;
	v11 =	vld [tilespmem:s13+$0xFFFFF010];
	_ =	sdelay $0x3  }
0x453: {  	[tilespmem:v59+s28+$0x0] =	vst.idx.msk $0xffff, v8  }
0x454: {  	[tilespmem:v60+s28+$0x0] =	vst.idx.msk $0xffff, v11  }
0x455: {  	v61 =	vadd.s32 v4, v10;
	v8 =	vld [tilespmem:s13+$0x0]  }
0x456: {  	v62 =	vadd.s32 v5, v10;
	v11 =	vld [tilespmem:s13+$0x10];
	_ =	sdelay $0x3  }
0x457: {  	[tilespmem:v61+s28+$0x0] =	vst.idx.msk $0xffff, v8  }
0x458: {  	[tilespmem:v62+s28+$0x0] =	vst.idx.msk $0xffff, v11  }
0x459: {  	v63 =	vadd.s32 v6, v10;
	v8 =	vld [tilespmem:s13+$0x1000]  }
0x45a: {  	v10 =	vadd.s32 v7, v10;
	v11 =	vld [tilespmem:s13+$0x1010];
	_ =	sdelay $0x1  }
0x45b: {  	s11 =	sor.u32 $0x80000, s11  }
0x45c: {  	s14 =	sor.u32 s6, s11  }
0x45d: {  	s13 =	sshrl.u32 s14, $0x3;
	[tilespmem:v63+s28+$0x0] =	vst.idx.msk $0xffff, v8  }
0x45e: {  	s13 =	sadd.s32 s2, s13;
	[tilespmem:v10+s28+$0x0] =	vst.idx.msk $0xffff, v11  }
0x45f: {  	[hbm4b:s13+s3] =	stream.linear.scatter [tilespmem:s28], [sflag:$0x4], $0x80, $0x38;
	[tilespmem:$0x13000] =	vst v63  }
0x460: {  	s15 =	simm.s32 $0xEC88;
	s14 =	sadd.s32 $0x10, s13  }
0x461: {  	[hbm4b:s14+s3] =	stream.linear.scatter [tilespmem:s15], [sflag:$0x4], $0x80, $0x38;
	[tilespmem:$0x13000] =	vst v63  }
0x462: {  	s14 =	sadd.s32 $0x20, s13;
	s15 =	simm.s32 $0xED10  }
0x463: {  	[hbm4b:s14+s3] =	stream.linear.scatter [tilespmem:s15], [sflag:$0x4], $0x80, $0x38;
	[tilespmem:$0x13000] =	vst v63  }
0x464: {  	s14 =	sadd.s32 $0x30, s13;
	s15 =	simm.s32 $0xED98  }
0x465: {  	[hbm4b:s14+s3] =	stream.linear.scatter [tilespmem:s15], [sflag:$0x4], $0x80, $0x38;
	[tilespmem:$0x13000] =	vst v63  }
0x466: {  	s14 =	sadd.s32 $0x40, s13;
	s15 =	simm.s32 $0xEE20  }
0x467: {  	[hbm4b:s14+s3] =	stream.linear.scatter [tilespmem:s15], [sflag:$0x4], $0x80, $0x38;
	[tilespmem:$0x13000] =	vst v63  }
0x468: {  	s14 =	sadd.s32 $0x50, s13;
	s15 =	simm.s32 $0xEEA8  }
0x469: {  	[hbm4b:s14+s3] =	stream.linear.scatter [tilespmem:s15], [sflag:$0x4], $0x80, $0x38;
	[tilespmem:$0x13000] =	vst v63  }
0x46a: {  	s14 =	sadd.s32 $0x60, s13;
	s15 =	simm.s32 $0xEF30  }
0x46b: {  	[hbm4b:s14+s3] =	stream.linear.scatter [tilespmem:s15], [sflag:$0x4], $0x80, $0x38;
	[tilespmem:$0x13000] =	vst v63  }
0x46c: {  	s14 =	sadd.s32 $0x70, s13;
	s15 =	simm.s32 $0xEFB8  }
0x46d: {  	[hbm4b:s14+s3] =	stream.linear.scatter [tilespmem:s15], [sflag:$0x4], $0x80, $0x38;
	[tilespmem:$0x13000] =	vst v63  }
0x46e: {  	s14 =	sadd.s32 $0x4000, s13;
	s15 =	simm.s32 $0xF040  }
0x46f: {  	[hbm4b:s14+s3] =	stream.linear.scatter [tilespmem:s15], [sflag:$0x4], $0x80, $0x38;
	[tilespmem:$0x13000] =	vst v63  }
0x470: {  	s14 =	sadd.s32 $0x4010, s13;
	s15 =	simm.s32 $0xF0C8  }
0x471: {  	[hbm4b:s14+s3] =	stream.linear.scatter [tilespmem:s15], [sflag:$0x4], $0x80, $0x38;
	[tilespmem:$0x13000] =	vst v63  }
0x472: {  	s14 =	sadd.s32 $0x4020, s13;
	s15 =	simm.s32 $0xF150  }
0x473: {  	[hbm4b:s14+s3] =	stream.linear.scatter [tilespmem:s15], [sflag:$0x4], $0x80, $0x38;
	[tilespmem:$0x13000] =	vst v63  }
0x474: {  	s14 =	sadd.s32 $0x4030, s13;
	s15 =	simm.s32 $0xF1D8  }
0x475: {  	[hbm4b:s14+s3] =	stream.linear.scatter [tilespmem:s15], [sflag:$0x4], $0x80, $0x38;
	[tilespmem:$0x13000] =	vst v63  }
0x476: {  	s14 =	sadd.s32 $0x4040, s13;
	s15 =	simm.s32 $0xF260  }
0x477: {  	[hbm4b:s14+s3] =	stream.linear.scatter [tilespmem:s15], [sflag:$0x4], $0x80, $0x38;
	[tilespmem:$0x13000] =	vst v63  }
0x478: {  	s14 =	sadd.s32 $0x4050, s13;
	s15 =	simm.s32 $0xF2E8  }
0x479: {  	[hbm4b:s14+s3] =	stream.linear.scatter [tilespmem:s15], [sflag:$0x4], $0x80, $0x38;
	[tilespmem:$0x13000] =	vst v63  }
0x47a: {  	s14 =	sadd.s32 $0x4060, s13;
	s15 =	simm.s32 $0xF370  }
0x47b: {  	[hbm4b:s14+s3] =	stream.linear.scatter [tilespmem:s15], [sflag:$0x4], $0x80, $0x38;
	[tilespmem:$0x13000] =	vst v63  }
0x47c: {  	s14 =	sadd.s32 $0x4070, s13;
	s15 =	simm.s32 $0xF3F8  }
0x47d: {  	[hbm4b:s14+s3] =	stream.linear.scatter [tilespmem:s15], [sflag:$0x4], $0x80, $0x38;
	[tilespmem:$0x13000] =	vst v63  }
0x47e: {  	s14 =	sadd.s32 $0x8000, s13;
	s15 =	simm.s32 $0xF480  }
0x47f: {  	[hbm4b:s14+s3] =	stream.linear.scatter [tilespmem:s15], [sflag:$0x4], $0x80, $0x38;
	[tilespmem:$0x13000] =	vst v63  }
0x480: {  	s14 =	sadd.s32 $0x8010, s13;
	s15 =	simm.s32 $0xF508  }
0x481: {  	[hbm4b:s14+s3] =	stream.linear.scatter [tilespmem:s15], [sflag:$0x4], $0x80, $0x38;
	[tilespmem:$0x13000] =	vst v63  }
0x482: {  	s14 =	sadd.s32 $0x8020, s13;
	s15 =	simm.s32 $0xF590  }
0x483: {  	[hbm4b:s14+s3] =	stream.linear.scatter [tilespmem:s15], [sflag:$0x4], $0x80, $0x38;
	[tilespmem:$0x13000] =	vst v63  }
0x484: {  	s14 =	sadd.s32 $0x8030, s13;
	s15 =	simm.s32 $0xF618  }
0x485: {  	[hbm4b:s14+s3] =	stream.linear.scatter [tilespmem:s15], [sflag:$0x4], $0x80, $0x38;
	[tilespmem:$0x13000] =	vst v63  }
0x486: {  	s14 =	sadd.s32 $0x8040, s13;
	s15 =	simm.s32 $0xF6A0  }
0x487: {  	[hbm4b:s14+s3] =	stream.linear.scatter [tilespmem:s15], [sflag:$0x4], $0x80, $0x38;
	[tilespmem:$0x13000] =	vst v63  }
0x488: {  	s14 =	sadd.s32 $0x8050, s13;
	s15 =	simm.s32 $0xF728  }
0x489: {  	[hbm4b:s14+s3] =	stream.linear.scatter [tilespmem:s15], [sflag:$0x4], $0x80, $0x38;
	[tilespmem:$0x13000] =	vst v63  }
0x48a: {  	s14 =	sadd.s32 $0x8060, s13;
	s15 =	simm.s32 $0xF7B0  }
0x48b: {  	[hbm4b:s14+s3] =	stream.linear.scatter [tilespmem:s15], [sflag:$0x4], $0x80, $0x38;
	[tilespmem:$0x13000] =	vst v63  }
0x48c: {  	s14 =	sadd.s32 $0x8070, s13;
	s15 =	simm.s32 $0xF838  }
0x48d: {  	[hbm4b:s14+s3] =	stream.linear.scatter [tilespmem:s15], [sflag:$0x4], $0x80, $0x38;
	[tilespmem:$0x13000] =	vst v63  }
0x48e: {  	s14 =	sadd.s32 $0xC000, s13;
	s15 =	simm.s32 $0xF8C0  }
0x48f: {  	[hbm4b:s14+s3] =	stream.linear.scatter [tilespmem:s15], [sflag:$0x4], $0x80, $0x38;
	[tilespmem:$0x13000] =	vst v63  }
0x490: {  	s14 =	sadd.s32 $0xC010, s13;
	s15 =	simm.s32 $0xF948  }
0x491: {  	[hbm4b:s14+s3] =	stream.linear.scatter [tilespmem:s15], [sflag:$0x4], $0x80, $0x38;
	[tilespmem:$0x13000] =	vst v63  }
0x492: {  	s14 =	sadd.s32 $0xC020, s13;
	s15 =	simm.s32 $0xF9D0  }
0x493: {  	[hbm4b:s14+s3] =	stream.linear.scatter [tilespmem:s15], [sflag:$0x4], $0x80, $0x38;
	[tilespmem:$0x13000] =	vst v63  }
0x494: {  	s14 =	sadd.s32 $0xC030, s13;
	s15 =	simm.s32 $0xFA58  }
0x495: {  	[hbm4b:s14+s3] =	stream.linear.scatter [tilespmem:s15], [sflag:$0x4], $0x80, $0x38;
	[tilespmem:$0x13000] =	vst v63  }
0x496: {  	s14 =	sadd.s32 $0xC040, s13;
	s15 =	simm.s32 $0xFAE0  }
0x497: {  	[hbm4b:s14+s3] =	stream.linear.scatter [tilespmem:s15], [sflag:$0x4], $0x80, $0x38;
	[tilespmem:$0x13000] =	vst v63  }
0x498: {  	s14 =	sadd.s32 $0xC050, s13;
	s15 =	simm.s32 $0xFB68  }
0x499: {  	[hbm4b:s14+s3] =	stream.linear.scatter [tilespmem:s15], [sflag:$0x4], $0x80, $0x38;
	[tilespmem:$0x13000] =	vst v63  }
0x49a: {  	s14 =	sadd.s32 $0xC060, s13;
	s15 =	simm.s32 $0xFBF0  }
0x49b: {  	[hbm4b:s14+s3] =	stream.linear.scatter [tilespmem:s15], [sflag:$0x4], $0x80, $0x38;
	[tilespmem:$0x13000] =	vst v63  }
0x49c: {  	s13 =	sadd.s32 $0xC070, s13;
	s15 =	simm.s32 $0xFC78;
	s14 =	sor.u32 s7, s11  }
0x49d: {  	[hbm4b:s13+s3] =	stream.linear.scatter [tilespmem:s15], [sflag:$0x4], $0x80, $0x38;
	[tilespmem:$0x13000] =	vst v63  }
0x49e: {  	s13 =	sshrl.u32 s14, $0x3  }
0x49f: {  	s15 =	simm.s32 $0xFD00;
	s13 =	sadd.s32 s2, s13  }
0x4a0: {  	[hbm4b:s13+s3] =	stream.linear.scatter [tilespmem:s15], [sflag:$0x4], $0x80, $0x38;
	[tilespmem:$0x13000] =	vst v63  }
0x4a1: {  	s14 =	sadd.s32 $0x10, s13;
	s15 =	simm.s32 $0xFD88  }
0x4a2: {  	[hbm4b:s14+s3] =	stream.linear.scatter [tilespmem:s15], [sflag:$0x4], $0x80, $0x38;
	[tilespmem:$0x13000] =	vst v63  }
0x4a3: {  	s14 =	sadd.s32 $0x20, s13;
	s15 =	simm.s32 $0xFE10  }
0x4a4: {  	[hbm4b:s14+s3] =	stream.linear.scatter [tilespmem:s15], [sflag:$0x4], $0x80, $0x38;
	[tilespmem:$0x13000] =	vst v63  }
0x4a5: {  	s14 =	sadd.s32 $0x30, s13;
	s15 =	simm.s32 $0xFE98  }
0x4a6: {  	[hbm4b:s14+s3] =	stream.linear.scatter [tilespmem:s15], [sflag:$0x4], $0x80, $0x38;
	[tilespmem:$0x13000] =	vst v63  }
0x4a7: {  	s14 =	sadd.s32 $0x40, s13;
	s15 =	simm.s32 $0xFF20  }
0x4a8: {  	[hbm4b:s14+s3] =	stream.linear.scatter [tilespmem:s15], [sflag:$0x4], $0x80, $0x38;
	[tilespmem:$0x13000] =	vst v63  }
0x4a9: {  	s14 =	sadd.s32 $0x50, s13;
	s15 =	simm.s32 $0xFFA8  }
0x4aa: {  	[hbm4b:s14+s3] =	stream.linear.scatter [tilespmem:s15], [sflag:$0x4], $0x80, $0x38;
	[tilespmem:$0x13000] =	vst v63  }
0x4ab: {  	s14 =	sadd.s32 $0x60, s13;
	s15 =	simm.s32 $0x10030  }
0x4ac: {  	[hbm4b:s14+s3] =	stream.linear.scatter [tilespmem:s15], [sflag:$0x4], $0x80, $0x38;
	[tilespmem:$0x13000] =	vst v63  }
0x4ad: {  	s14 =	sadd.s32 $0x70, s13;
	s15 =	simm.s32 $0x100B8  }
0x4ae: {  	[hbm4b:s14+s3] =	stream.linear.scatter [tilespmem:s15], [sflag:$0x4], $0x80, $0x38;
	[tilespmem:$0x13000] =	vst v63  }
0x4af: {  	s14 =	sadd.s32 $0x4000, s13;
	s15 =	simm.s32 $0x10140  }
0x4b0: {  	[hbm4b:s14+s3] =	stream.linear.scatter [tilespmem:s15], [sflag:$0x4], $0x80, $0x38;
	[tilespmem:$0x13000] =	vst v63  }
0x4b1: {  	s14 =	sadd.s32 $0x4010, s13;
	s15 =	simm.s32 $0x101C8  }
0x4b2: {  	[hbm4b:s14+s3] =	stream.linear.scatter [tilespmem:s15], [sflag:$0x4], $0x80, $0x38;
	[tilespmem:$0x13000] =	vst v63  }
0x4b3: {  	s14 =	sadd.s32 $0x4020, s13;
	s15 =	simm.s32 $0x10250  }
0x4b4: {  	[hbm4b:s14+s3] =	stream.linear.scatter [tilespmem:s15], [sflag:$0x4], $0x80, $0x38;
	[tilespmem:$0x13000] =	vst v63  }
0x4b5: {  	s14 =	sadd.s32 $0x4030, s13;
	s15 =	simm.s32 $0x102D8  }
0x4b6: {  	[hbm4b:s14+s3] =	stream.linear.scatter [tilespmem:s15], [sflag:$0x4], $0x80, $0x38;
	[tilespmem:$0x13000] =	vst v63  }
0x4b7: {  	s14 =	sadd.s32 $0x4040, s13;
	s15 =	simm.s32 $0x10360  }
0x4b8: {  	[hbm4b:s14+s3] =	stream.linear.scatter [tilespmem:s15], [sflag:$0x4], $0x80, $0x38;
	[tilespmem:$0x13000] =	vst v63  }
0x4b9: {  	s14 =	sadd.s32 $0x4050, s13;
	s15 =	simm.s32 $0x103E8  }
0x4ba: {  	[hbm4b:s14+s3] =	stream.linear.scatter [tilespmem:s15], [sflag:$0x4], $0x80, $0x38;
	[tilespmem:$0x13000] =	vst v63  }
0x4bb: {  	s14 =	sadd.s32 $0x4060, s13;
	s15 =	simm.s32 $0x10470  }
0x4bc: {  	[hbm4b:s14+s3] =	stream.linear.scatter [tilespmem:s15], [sflag:$0x4], $0x80, $0x38;
	[tilespmem:$0x13000] =	vst v63  }
0x4bd: {  	s14 =	sadd.s32 $0x4070, s13;
	s15 =	simm.s32 $0x104F8  }
0x4be: {  	[hbm4b:s14+s3] =	stream.linear.scatter [tilespmem:s15], [sflag:$0x4], $0x80, $0x38;
	[tilespmem:$0x13000] =	vst v63  }
0x4bf: {  	s14 =	sadd.s32 $0x8000, s13;
	s15 =	simm.s32 $0x10580  }
0x4c0: {  	[hbm4b:s14+s3] =	stream.linear.scatter [tilespmem:s15], [sflag:$0x4], $0x80, $0x38;
	[tilespmem:$0x13000] =	vst v63  }
0x4c1: {  	s14 =	sadd.s32 $0x8010, s13;
	s15 =	simm.s32 $0x10608  }
0x4c2: {  	[hbm4b:s14+s3] =	stream.linear.scatter [tilespmem:s15], [sflag:$0x4], $0x80, $0x38;
	[tilespmem:$0x13000] =	vst v63  }
0x4c3: {  	s14 =	sadd.s32 $0x8020, s13;
	s15 =	simm.s32 $0x10690  }
0x4c4: {  	[hbm4b:s14+s3] =	stream.linear.scatter [tilespmem:s15], [sflag:$0x4], $0x80, $0x38;
	[tilespmem:$0x13000] =	vst v63  }
0x4c5: {  	s14 =	sadd.s32 $0x8030, s13;
	s15 =	simm.s32 $0x10718  }
0x4c6: {  	[hbm4b:s14+s3] =	stream.linear.scatter [tilespmem:s15], [sflag:$0x4], $0x80, $0x38;
	[tilespmem:$0x13000] =	vst v63  }
0x4c7: {  	s14 =	sadd.s32 $0x8040, s13;
	s15 =	simm.s32 $0x107A0  }
0x4c8: {  	[hbm4b:s14+s3] =	stream.linear.scatter [tilespmem:s15], [sflag:$0x4], $0x80, $0x38;
	[tilespmem:$0x13000] =	vst v63  }
0x4c9: {  	s14 =	sadd.s32 $0x8050, s13;
	s15 =	simm.s32 $0x10828  }
0x4ca: {  	[hbm4b:s14+s3] =	stream.linear.scatter [tilespmem:s15], [sflag:$0x4], $0x80, $0x38;
	[tilespmem:$0x13000] =	vst v63  }
0x4cb: {  	s14 =	sadd.s32 $0x8060, s13;
	s15 =	simm.s32 $0x108B0  }
0x4cc: {  	[hbm4b:s14+s3] =	stream.linear.scatter [tilespmem:s15], [sflag:$0x4], $0x80, $0x38;
	[tilespmem:$0x13000] =	vst v63  }
0x4cd: {  	s14 =	sadd.s32 $0x8070, s13;
	s15 =	simm.s32 $0x10938  }
0x4ce: {  	[hbm4b:s14+s3] =	stream.linear.scatter [tilespmem:s15], [sflag:$0x4], $0x80, $0x38;
	[tilespmem:$0x13000] =	vst v63  }
0x4cf: {  	s14 =	sadd.s32 $0xC000, s13;
	s15 =	simm.s32 $0x109C0  }
0x4d0: {  	[hbm4b:s14+s3] =	stream.linear.scatter [tilespmem:s15], [sflag:$0x4], $0x80, $0x38;
	[tilespmem:$0x13000] =	vst v63  }
0x4d1: {  	s14 =	sadd.s32 $0xC010, s13;
	s15 =	simm.s32 $0x10A48  }
0x4d2: {  	[hbm4b:s14+s3] =	stream.linear.scatter [tilespmem:s15], [sflag:$0x4], $0x80, $0x38;
	[tilespmem:$0x13000] =	vst v63  }
0x4d3: {  	s14 =	sadd.s32 $0xC020, s13;
	s15 =	simm.s32 $0x10AD0  }
0x4d4: {  	[hbm4b:s14+s3] =	stream.linear.scatter [tilespmem:s15], [sflag:$0x4], $0x80, $0x38;
	[tilespmem:$0x13000] =	vst v63  }
0x4d5: {  	s14 =	sadd.s32 $0xC030, s13;
	s15 =	simm.s32 $0x10B58  }
0x4d6: {  	[hbm4b:s14+s3] =	stream.linear.scatter [tilespmem:s15], [sflag:$0x4], $0x80, $0x38;
	[tilespmem:$0x13000] =	vst v63  }
0x4d7: {  	s14 =	sadd.s32 $0xC040, s13;
	s15 =	simm.s32 $0x10BE0  }
0x4d8: {  	[hbm4b:s14+s3] =	stream.linear.scatter [tilespmem:s15], [sflag:$0x4], $0x80, $0x38;
	[tilespmem:$0x13000] =	vst v63  }
0x4d9: {  	s14 =	sadd.s32 $0xC050, s13;
	s15 =	simm.s32 $0x10C68  }
0x4da: {  	[hbm4b:s14+s3] =	stream.linear.scatter [tilespmem:s15], [sflag:$0x4], $0x80, $0x38;
	[tilespmem:$0x13000] =	vst v63  }
0x4db: {  	s14 =	sadd.s32 $0xC060, s13;
	s15 =	simm.s32 $0x10CF0  }
0x4dc: {  	[hbm4b:s14+s3] =	stream.linear.scatter [tilespmem:s15], [sflag:$0x4], $0x80, $0x38;
	[tilespmem:$0x13000] =	vst v63  }
0x4dd: {  	s13 =	sadd.s32 $0xC070, s13;
	s15 =	simm.s32 $0x10D78;
	s14 =	sor.u32 s8, s11  }
0x4de: {  	[hbm4b:s13+s3] =	stream.linear.scatter [tilespmem:s15], [sflag:$0x4], $0x80, $0x38;
	[tilespmem:$0x13000] =	vst v63  }
0x4df: {  	s13 =	sshrl.u32 s14, $0x3  }
0x4e0: {  	s15 =	simm.s32 $0x10E00;
	s13 =	sadd.s32 s2, s13  }
0x4e1: {  	[hbm4b:s13+s3] =	stream.linear.scatter [tilespmem:s15], [sflag:$0x4], $0x80, $0x38;
	[tilespmem:$0x13000] =	vst v63  }
0x4e2: {  	s14 =	sadd.s32 $0x10, s13;
	s15 =	simm.s32 $0x10E88  }
0x4e3: {  	[hbm4b:s14+s3] =	stream.linear.scatter [tilespmem:s15], [sflag:$0x4], $0x80, $0x38;
	[tilespmem:$0x13000] =	vst v63  }
0x4e4: {  	s14 =	sadd.s32 $0x20, s13;
	s15 =	simm.s32 $0x10F10  }
0x4e5: {  	[hbm4b:s14+s3] =	stream.linear.scatter [tilespmem:s15], [sflag:$0x4], $0x80, $0x38;
	[tilespmem:$0x13000] =	vst v63  }
0x4e6: {  	s14 =	sadd.s32 $0x30, s13;
	s15 =	simm.s32 $0x10F98  }
0x4e7: {  	[hbm4b:s14+s3] =	stream.linear.scatter [tilespmem:s15], [sflag:$0x4], $0x80, $0x38;
	[tilespmem:$0x13000] =	vst v63  }
0x4e8: {  	s14 =	sadd.s32 $0x40, s13;
	s15 =	simm.s32 $0x11020  }
0x4e9: {  	[hbm4b:s14+s3] =	stream.linear.scatter [tilespmem:s15], [sflag:$0x4], $0x80, $0x38;
	[tilespmem:$0x13000] =	vst v63  }
0x4ea: {  	s14 =	sadd.s32 $0x50, s13;
	s15 =	simm.s32 $0x110A8  }
0x4eb: {  	[hbm4b:s14+s3] =	stream.linear.scatter [tilespmem:s15], [sflag:$0x4], $0x80, $0x38;
	[tilespmem:$0x13000] =	vst v63  }
0x4ec: {  	s14 =	sadd.s32 $0x60, s13;
	s15 =	simm.s32 $0x11130  }
0x4ed: {  	[hbm4b:s14+s3] =	stream.linear.scatter [tilespmem:s15], [sflag:$0x4], $0x80, $0x38;
	[tilespmem:$0x13000] =	vst v63  }
0x4ee: {  	s14 =	sadd.s32 $0x70, s13;
	s15 =	simm.s32 $0x111B8  }
0x4ef: {  	[hbm4b:s14+s3] =	stream.linear.scatter [tilespmem:s15], [sflag:$0x4], $0x80, $0x38;
	[tilespmem:$0x13000] =	vst v63  }
0x4f0: {  	s14 =	sadd.s32 $0x4000, s13;
	s15 =	simm.s32 $0x11240  }
0x4f1: {  	[hbm4b:s14+s3] =	stream.linear.scatter [tilespmem:s15], [sflag:$0x4], $0x80, $0x38;
	[tilespmem:$0x13000] =	vst v63  }
0x4f2: {  	s14 =	sadd.s32 $0x4010, s13;
	s15 =	simm.s32 $0x112C8  }
0x4f3: {  	[hbm4b:s14+s3] =	stream.linear.scatter [tilespmem:s15], [sflag:$0x4], $0x80, $0x38;
	[tilespmem:$0x13000] =	vst v63  }
0x4f4: {  	s14 =	sadd.s32 $0x4020, s13;
	s15 =	simm.s32 $0x11350  }
0x4f5: {  	[hbm4b:s14+s3] =	stream.linear.scatter [tilespmem:s15], [sflag:$0x4], $0x80, $0x38;
	[tilespmem:$0x13000] =	vst v63  }
0x4f6: {  	s14 =	sadd.s32 $0x4030, s13;
	s15 =	simm.s32 $0x113D8  }
0x4f7: {  	[hbm4b:s14+s3] =	stream.linear.scatter [tilespmem:s15], [sflag:$0x4], $0x80, $0x38;
	[tilespmem:$0x13000] =	vst v63  }
0x4f8: {  	s14 =	sadd.s32 $0x4040, s13;
	s15 =	simm.s32 $0x11460  }
0x4f9: {  	[hbm4b:s14+s3] =	stream.linear.scatter [tilespmem:s15], [sflag:$0x4], $0x80, $0x38;
	[tilespmem:$0x13000] =	vst v63  }
0x4fa: {  	s14 =	sadd.s32 $0x4050, s13;
	s15 =	simm.s32 $0x114E8  }
0x4fb: {  	[hbm4b:s14+s3] =	stream.linear.scatter [tilespmem:s15], [sflag:$0x4], $0x80, $0x38;
	[tilespmem:$0x13000] =	vst v63  }
0x4fc: {  	s14 =	sadd.s32 $0x4060, s13;
	s15 =	simm.s32 $0x11570  }
0x4fd: {  	[hbm4b:s14+s3] =	stream.linear.scatter [tilespmem:s15], [sflag:$0x4], $0x80, $0x38;
	[tilespmem:$0x13000] =	vst v63  }
0x4fe: {  	s14 =	sadd.s32 $0x4070, s13;
	s15 =	simm.s32 $0x115F8  }
0x4ff: {  	[hbm4b:s14+s3] =	stream.linear.scatter [tilespmem:s15], [sflag:$0x4], $0x80, $0x38;
	[tilespmem:$0x13000] =	vst v63  }
0x500: {  	s14 =	sadd.s32 $0x8000, s13;
	s15 =	simm.s32 $0x11680  }
0x501: {  	[hbm4b:s14+s3] =	stream.linear.scatter [tilespmem:s15], [sflag:$0x4], $0x80, $0x38;
	[tilespmem:$0x13000] =	vst v63  }
0x502: {  	s14 =	sadd.s32 $0x8010, s13;
	s15 =	simm.s32 $0x11708  }
0x503: {  	[hbm4b:s14+s3] =	stream.linear.scatter [tilespmem:s15], [sflag:$0x4], $0x80, $0x38;
	[tilespmem:$0x13000] =	vst v63  }
0x504: {  	s14 =	sadd.s32 $0x8020, s13;
	s15 =	simm.s32 $0x11790  }
0x505: {  	[hbm4b:s14+s3] =	stream.linear.scatter [tilespmem:s15], [sflag:$0x4], $0x80, $0x38;
	[tilespmem:$0x13000] =	vst v63  }
0x506: {  	s14 =	sadd.s32 $0x8030, s13;
	s15 =	simm.s32 $0x11818  }
0x507: {  	[hbm4b:s14+s3] =	stream.linear.scatter [tilespmem:s15], [sflag:$0x4], $0x80, $0x38;
	[tilespmem:$0x13000] =	vst v63  }
0x508: {  	s14 =	sadd.s32 $0x8040, s13;
	s15 =	simm.s32 $0x118A0  }
0x509: {  	[hbm4b:s14+s3] =	stream.linear.scatter [tilespmem:s15], [sflag:$0x4], $0x80, $0x38;
	[tilespmem:$0x13000] =	vst v63  }
0x50a: {  	s14 =	sadd.s32 $0x8050, s13;
	s15 =	simm.s32 $0x11928  }
0x50b: {  	[hbm4b:s14+s3] =	stream.linear.scatter [tilespmem:s15], [sflag:$0x4], $0x80, $0x38;
	[tilespmem:$0x13000] =	vst v63  }
0x50c: {  	s14 =	sadd.s32 $0x8060, s13;
	s15 =	simm.s32 $0x119B0  }
0x50d: {  	[hbm4b:s14+s3] =	stream.linear.scatter [tilespmem:s15], [sflag:$0x4], $0x80, $0x38;
	[tilespmem:$0x13000] =	vst v63  }
0x50e: {  	s14 =	sadd.s32 $0x8070, s13;
	s15 =	simm.s32 $0x11A38  }
0x50f: {  	[hbm4b:s14+s3] =	stream.linear.scatter [tilespmem:s15], [sflag:$0x4], $0x80, $0x38;
	[tilespmem:$0x13000] =	vst v63  }
0x510: {  	s14 =	sadd.s32 $0xC000, s13;
	s15 =	simm.s32 $0x11AC0  }
0x511: {  	[hbm4b:s14+s3] =	stream.linear.scatter [tilespmem:s15], [sflag:$0x4], $0x80, $0x38;
	[tilespmem:$0x13000] =	vst v63  }
0x512: {  	s14 =	sadd.s32 $0xC010, s13;
	s15 =	simm.s32 $0x11B48  }
0x513: {  	[hbm4b:s14+s3] =	stream.linear.scatter [tilespmem:s15], [sflag:$0x4], $0x80, $0x38;
	[tilespmem:$0x13000] =	vst v63  }
0x514: {  	s14 =	sadd.s32 $0xC020, s13;
	s15 =	simm.s32 $0x11BD0  }
0x515: {  	[hbm4b:s14+s3] =	stream.linear.scatter [tilespmem:s15], [sflag:$0x4], $0x80, $0x38;
	[tilespmem:$0x13000] =	vst v63  }
0x516: {  	s14 =	sadd.s32 $0xC030, s13;
	s15 =	simm.s32 $0x11C58  }
0x517: {  	[hbm4b:s14+s3] =	stream.linear.scatter [tilespmem:s15], [sflag:$0x4], $0x80, $0x38;
	[tilespmem:$0x13000] =	vst v63  }
0x518: {  	s14 =	sadd.s32 $0xC040, s13;
	s15 =	simm.s32 $0x11CE0  }
0x519: {  	[hbm4b:s14+s3] =	stream.linear.scatter [tilespmem:s15], [sflag:$0x4], $0x80, $0x38;
	[tilespmem:$0x13000] =	vst v63  }
0x51a: {  	s14 =	sadd.s32 $0xC050, s13;
	s15 =	simm.s32 $0x11D68  }
0x51b: {  	[hbm4b:s14+s3] =	stream.linear.scatter [tilespmem:s15], [sflag:$0x4], $0x80, $0x38;
	[tilespmem:$0x13000] =	vst v63  }
0x51c: {  	s11 =	sor.u32 s12, s11;
	s14 =	sadd.s32 $0xC060, s13;
	s15 =	simm.s32 $0x11DF0  }
0x51d: {  	[hbm4b:s14+s3] =	stream.linear.scatter [tilespmem:s15], [sflag:$0x4], $0x80, $0x38;
	[tilespmem:$0x13000] =	vst v63  }
0x51e: {  	s11 =	sshrl.u32 s11, $0x3;
	s13 =	sadd.s32 $0xC070, s13;
	s15 =	simm.s32 $0x11E78  }
0x51f: {  	[hbm4b:s13+s3] =	stream.linear.scatter [tilespmem:s15], [sflag:$0x4], $0x80, $0x38;
	[tilespmem:$0x13000] =	vst v63  }
0x520: {  	s11 =	sadd.s32 s2, s11;
	s15 =	simm.s32 $0x11F00  }
0x521: {  	[hbm4b:s11+s3] =	stream.linear.scatter [tilespmem:s15], [sflag:$0x4], $0x80, $0x38;
	[tilespmem:$0x13000] =	vst v63  }
0x522: {  	s14 =	sadd.s32 $0x10, s11;
	s15 =	simm.s32 $0x11F88  }
0x523: {  	[hbm4b:s14+s3] =	stream.linear.scatter [tilespmem:s15], [sflag:$0x4], $0x80, $0x38;
	[tilespmem:$0x13000] =	vst v63  }
0x524: {  	s14 =	sadd.s32 $0x20, s11;
	s15 =	simm.s32 $0x12010  }
0x525: {  	[hbm4b:s14+s3] =	stream.linear.scatter [tilespmem:s15], [sflag:$0x4], $0x80, $0x38;
	[tilespmem:$0x13000] =	vst v63  }
0x526: {  	s14 =	sadd.s32 $0x30, s11;
	s15 =	simm.s32 $0x12098  }
0x527: {  	[hbm4b:s14+s3] =	stream.linear.scatter [tilespmem:s15], [sflag:$0x4], $0x80, $0x38;
	[tilespmem:$0x13000] =	vst v63  }
0x528: {  	s14 =	sadd.s32 $0x40, s11;
	s15 =	simm.s32 $0x12120  }
0x529: {  	[hbm4b:s14+s3] =	stream.linear.scatter [tilespmem:s15], [sflag:$0x4], $0x80, $0x38;
	[tilespmem:$0x13000] =	vst v63  }
0x52a: {  	s14 =	sadd.s32 $0x50, s11;
	s15 =	simm.s32 $0x121A8  }
0x52b: {  	[hbm4b:s14+s3] =	stream.linear.scatter [tilespmem:s15], [sflag:$0x4], $0x80, $0x38;
	[tilespmem:$0x13000] =	vst v63  }
0x52c: {  	s14 =	sadd.s32 $0x60, s11;
	s15 =	simm.s32 $0x12230  }
0x52d: {  	[hbm4b:s14+s3] =	stream.linear.scatter [tilespmem:s15], [sflag:$0x4], $0x80, $0x38;
	[tilespmem:$0x13000] =	vst v63  }
0x52e: {  	s14 =	sadd.s32 $0x70, s11;
	s15 =	simm.s32 $0x122B8  }
0x52f: {  	[hbm4b:s14+s3] =	stream.linear.scatter [tilespmem:s15], [sflag:$0x4], $0x80, $0x38;
	[tilespmem:$0x13000] =	vst v63  }
0x530: {  	s14 =	sadd.s32 $0x4000, s11;
	s15 =	simm.s32 $0x12340  }
0x531: {  	[hbm4b:s14+s3] =	stream.linear.scatter [tilespmem:s15], [sflag:$0x4], $0x80, $0x38;
	[tilespmem:$0x13000] =	vst v63  }
0x532: {  	s14 =	sadd.s32 $0x4010, s11;
	s15 =	simm.s32 $0x123C8  }
0x533: {  	[hbm4b:s14+s3] =	stream.linear.scatter [tilespmem:s15], [sflag:$0x4], $0x80, $0x38;
	[tilespmem:$0x13000] =	vst v63  }
0x534: {  	s14 =	sadd.s32 $0x4020, s11;
	s15 =	simm.s32 $0x12450  }
0x535: {  	[hbm4b:s14+s3] =	stream.linear.scatter [tilespmem:s15], [sflag:$0x4], $0x80, $0x38;
	[tilespmem:$0x13000] =	vst v63  }
0x536: {  	s14 =	sadd.s32 $0x4030, s11;
	s15 =	simm.s32 $0x124D8  }
0x537: {  	[hbm4b:s14+s3] =	stream.linear.scatter [tilespmem:s15], [sflag:$0x4], $0x80, $0x38;
	[tilespmem:$0x13000] =	vst v63  }
0x538: {  	s14 =	sadd.s32 $0x4040, s11;
	s15 =	simm.s32 $0x12560  }
0x539: {  	[hbm4b:s14+s3] =	stream.linear.scatter [tilespmem:s15], [sflag:$0x4], $0x80, $0x38;
	[tilespmem:$0x13000] =	vst v63  }
0x53a: {  	s14 =	sadd.s32 $0x4050, s11;
	s15 =	simm.s32 $0x125E8  }
0x53b: {  	[hbm4b:s14+s3] =	stream.linear.scatter [tilespmem:s15], [sflag:$0x4], $0x80, $0x38;
	[tilespmem:$0x13000] =	vst v63  }
0x53c: {  	s14 =	sadd.s32 $0x4060, s11;
	s15 =	simm.s32 $0x12670  }
0x53d: {  	[hbm4b:s14+s3] =	stream.linear.scatter [tilespmem:s15], [sflag:$0x4], $0x80, $0x38;
	[tilespmem:$0x13000] =	vst v63  }
0x53e: {  	s14 =	sadd.s32 $0x4070, s11;
	s15 =	simm.s32 $0x126F8  }
0x53f: {  	[hbm4b:s14+s3] =	stream.linear.scatter [tilespmem:s15], [sflag:$0x4], $0x80, $0x38;
	[tilespmem:$0x13000] =	vst v63  }
0x540: {  	s14 =	sadd.s32 $0x8000, s11;
	s15 =	simm.s32 $0x12780  }
0x541: {  	[hbm4b:s14+s3] =	stream.linear.scatter [tilespmem:s15], [sflag:$0x4], $0x80, $0x38;
	[tilespmem:$0x13000] =	vst v63  }
0x542: {  	s14 =	sadd.s32 $0x8010, s11;
	s15 =	simm.s32 $0x12808  }
0x543: {  	[hbm4b:s14+s3] =	stream.linear.scatter [tilespmem:s15], [sflag:$0x4], $0x80, $0x38;
	[tilespmem:$0x13000] =	vst v63  }
0x544: {  	s14 =	sadd.s32 $0x8020, s11;
	s15 =	simm.s32 $0x12890  }
0x545: {  	[hbm4b:s14+s3] =	stream.linear.scatter [tilespmem:s15], [sflag:$0x4], $0x80, $0x38;
	[tilespmem:$0x13000] =	vst v63  }
0x546: {  	s14 =	sadd.s32 $0x8030, s11;
	s15 =	simm.s32 $0x12918  }
0x547: {  	[hbm4b:s14+s3] =	stream.linear.scatter [tilespmem:s15], [sflag:$0x4], $0x80, $0x38;
	[tilespmem:$0x13000] =	vst v63  }
0x548: {  	s14 =	sadd.s32 $0x8040, s11;
	s15 =	simm.s32 $0x129A0  }
0x549: {  	[hbm4b:s14+s3] =	stream.linear.scatter [tilespmem:s15], [sflag:$0x4], $0x80, $0x38;
	[tilespmem:$0x13000] =	vst v63  }
0x54a: {  	s14 =	sadd.s32 $0x8050, s11;
	s15 =	simm.s32 $0x12A28  }
0x54b: {  	[hbm4b:s14+s3] =	stream.linear.scatter [tilespmem:s15], [sflag:$0x4], $0x80, $0x38;
	[tilespmem:$0x13000] =	vst v63  }
0x54c: {  	s14 =	sadd.s32 $0x8060, s11;
	s15 =	simm.s32 $0x12AB0  }
0x54d: {  	[hbm4b:s14+s3] =	stream.linear.scatter [tilespmem:s15], [sflag:$0x4], $0x80, $0x38;
	[tilespmem:$0x13000] =	vst v63  }
0x54e: {  	s14 =	sadd.s32 $0x8070, s11;
	s15 =	simm.s32 $0x12B38  }
0x54f: {  	[hbm4b:s14+s3] =	stream.linear.scatter [tilespmem:s15], [sflag:$0x4], $0x80, $0x38;
	[tilespmem:$0x13000] =	vst v63  }
0x550: {  	s14 =	sadd.s32 $0xC000, s11;
	s15 =	simm.s32 $0x12BC0  }
0x551: {  	[hbm4b:s14+s3] =	stream.linear.scatter [tilespmem:s15], [sflag:$0x4], $0x80, $0x38;
	[tilespmem:$0x13000] =	vst v63  }
0x552: {  	s14 =	sadd.s32 $0xC010, s11;
	s15 =	simm.s32 $0x12C48  }
0x553: {  	[hbm4b:s14+s3] =	stream.linear.scatter [tilespmem:s15], [sflag:$0x4], $0x80, $0x38;
	[tilespmem:$0x13000] =	vst v63  }
0x554: {  	s14 =	sadd.s32 $0xC020, s11;
	s15 =	simm.s32 $0x12CD0  }
0x555: {  	[hbm4b:s14+s3] =	stream.linear.scatter [tilespmem:s15], [sflag:$0x4], $0x80, $0x38;
	[tilespmem:$0x13000] =	vst v63  }
0x556: {  	s14 =	sadd.s32 $0xC030, s11;
	s15 =	simm.s32 $0x12D58  }
0x557: {  	[hbm4b:s14+s3] =	stream.linear.scatter [tilespmem:s15], [sflag:$0x4], $0x80, $0x38;
	[tilespmem:$0x13000] =	vst v63  }
0x558: {  	s14 =	sadd.s32 $0xC040, s11;
	s15 =	simm.s32 $0x12DE0  }
0x559: {  	[hbm4b:s14+s3] =	stream.linear.scatter [tilespmem:s15], [sflag:$0x4], $0x80, $0x38;
	[tilespmem:$0x13000] =	vst v63  }
0x55a: {  	s14 =	sadd.s32 $0xC050, s11;
	s15 =	simm.s32 $0x12E68  }
0x55b: {  	[hbm4b:s14+s3] =	stream.linear.scatter [tilespmem:s15], [sflag:$0x4], $0x80, $0x38;
	[tilespmem:$0x13000] =	vst v63  }
0x55c: {  	s14 =	sadd.s32 $0xC060, s11;
	s15 =	simm.s32 $0x12EF0  }
0x55d: {  	[hbm4b:s14+s3] =	stream.linear.scatter [tilespmem:s15], [sflag:$0x4], $0x80, $0x38;
	[tilespmem:$0x13000] =	vst v63  }
0x55e: {  	s11 =	sadd.s32 $0xC070, s11;
	s15 =	simm.s32 $0x12F78  }
0x55f: {  	[hbm4b:s11+s3] =	stream.linear.scatter [tilespmem:s15], [sflag:$0x4], $0x80, $0x38;
	[tilespmem:$0x13000] =	vst v63  }
0x560: {  	s5 =	sadd.s32 $0x1, s5;
	s14 =	sadd.s32 $0x600, s10;
	s15 =	simm.s32 $0x6800  }
0x561: {  	[tilespmem:s15], [sflag:$0x2] =	stream.indirect.gather [hbm4b:s4+s29], $0x20, s14, s29, $0xb8;
	[tilespmem:$0x13000] =	vst v63  }
0x562: {  	p0 =	sne.s32 s5, $0x9;
	s14 =	sadd.s32 $0x680, s10;
	s15 =	simm.s32 $0x7800  }
0x563: {  	[tilespmem:s15], [sflag:$0x2] =	stream.indirect.gather [hbm4b:s4+s29], $0x20, s14, s29, $0xb8;
	[tilespmem:$0x13000] =	vst v63  }
.Ltmp4:
0x564: {  	_ = 	snop;
	(pc) =	sbr.rel @p0 .LBB2_6-.Ltmp4, $4  }
0x565: {  	s14 =	sadd.s32 $0x700, s10;
	s15 =	simm.s32 $0x8800  }
0x566: {  	[tilespmem:s15], [sflag:$0x2] =	stream.indirect.gather [hbm4b:s4+s29], $0x20, s14, s29, $0xb8;
	[tilespmem:$0x13000] =	vst v63  }
0x567: {  	s14 =	sadd.s32 $0x780, s10;
	s15 =	simm.s32 $0x9800  }
0x568: {  	[tilespmem:s15], [sflag:$0x2] =	stream.indirect.gather [hbm4b:s4+s29], $0x20, s14, s29, $0xb8;
	[tilespmem:$0x13000] =	vst v63  }
0x569: {  	_ =	swait.ge [sflag:s30], $0x1000  }
0x56a: {  	[sflag:s30] =	ssyncset.done $0x0  }
0x56b: {  	[sflag:s30] =	ssyncadd.s32 $0xFFFFF000  }
0x56c: {  	_ =	swait.ge [sflag:s30], $0x1000  }
0x56d: {  	[sflag:s30] =	ssyncset.done $0x0  }
0x56e: {  	[sflag:s30] =	ssyncadd.s32 $0xFFFFF000  }
0x56f: {  	_ =	swait.ge [sflag:s30], $0x1000  }
0x570: {  	[sflag:s30] =	ssyncset.done $0x0  }
0x571: {  	[sflag:s30] =	ssyncadd.s32 $0xFFFFF000  }
0x572: {  	_ =	swait.ge [sflag:s30], $0x1000  }
0x573: {  	[sflag:s30] =	ssyncset.done $0x0  }
0x574: {  	[sflag:s30] =	ssyncadd.s32 $0xFFFFF000  }
0x575: {  	_ =	swait.ge [sflag:s0], $0x1000  }
0x576: {  	[sflag:s0] =	ssyncset.done $0x0  }
0x577: {  	[sflag:s0] =	ssyncadd.s32 $0xFFFFF000  }
0x578: {  	_ =	swait.ge [sflag:s0], $0x1000  }
0x579: {  	[sflag:s0] =	ssyncset.done $0x0  }
0x57a: {  	[sflag:s0] =	ssyncadd.s32 $0xFFFFF000  }
0x57b: {  	_ =	swait.ge [sflag:s0], $0x1000  }
0x57c: {  	[sflag:s0] =	ssyncset.done $0x0  }
0x57d: {  	[sflag:s0] =	ssyncadd.s32 $0xFFFFF000  }
0x57e: {  	s5 =	simm.s32 $0x0;
	_ =	swait.ge [sflag:s0], $0x1000  }
0x57f: {  	v8 =	vmov s5;
	[sflag:s0] =	ssyncset.done $0x0  }
0x580: {  	s5 =	simm.s32 $0x4800;
	v9 =	vand.u32 $0x7F, v8;
	[sflag:s0] =	ssyncadd.s32 $0xFFFFF000  }
0x581: {  	v10 =	vadd.s32 v0, v9;
	v8 =	vld [tilespmem:s5+$0xFFFFE000]  }
0x582: {  	v12 =	vadd.s32 v1, v9;
	v11 =	vld [tilespmem:s5+$0xFFFFE010];
	_ =	sdelay $0x3  }
0x583: {  	[tilespmem:v10+s31+$0x0] =	vst.idx.msk $0xffff, v8  }
0x584: {  	[tilespmem:v12+s31+$0x0] =	vst.idx.msk $0xffff, v11  }
0x585: {  	v10 =	vadd.s32 v2, v9;
	v8 =	vld [tilespmem:s5+$0xFFFFF000]  }
0x586: {  	v61 =	vadd.s32 v3, v9;
	v11 =	vld [tilespmem:s5+$0xFFFFF010];
	_ =	sdelay $0x3  }
0x587: {  	[tilespmem:v10+s31+$0x0] =	vst.idx.msk $0xffff, v8  }
0x588: {  	[tilespmem:v61+s31+$0x0] =	vst.idx.msk $0xffff, v11  }
0x589: {  	v10 =	vadd.s32 v4, v9;
	v8 =	vld [tilespmem:s5+$0x0]  }
0x58a: {  	v62 =	vadd.s32 v5, v9;
	v11 =	vld [tilespmem:s5+$0x10];
	_ =	sdelay $0x3  }
0x58b: {  	[tilespmem:v10+s31+$0x0] =	vst.idx.msk $0xffff, v8  }
0x58c: {  	[tilespmem:v62+s31+$0x0] =	vst.idx.msk $0xffff, v11  }
0x58d: {  	v63 =	vadd.s32 v6, v9;
	v11 =	vld [tilespmem:s5+$0x1000];
	_ =	sdelay $0x1  }
0x58e: {  	v9 =	vadd.s32 v7, v9;
	v8 =	vld [tilespmem:s5+$0x1010];
	_ =	sdelay $0x1  }
0x58f: {  	s11 =	simm.s32 $0x1  }
0x590: {  	s10 =	simm.s32 $0x2;
	v10 =	vmov s11;
	[tilespmem:v63+s31+$0x0] =	vst.idx.msk $0xffff, v11  }
.LBB2_12:
0x591: {  	p0 =	sne.s32 s10, $0x7F  }
0x592: {  	v10 =	vand.u32 $0x7F, v10;
	[tilespmem:v9+s31+$0x0] =	vst.idx.msk $0xffff, v8;
	s5 =	sadd.s32 $0x20, s5;
	s11 =	smov.u32 s10;
	s10 =	sadd.s32 $0x1, s10  }
0x593: {  	v8 =	vld [tilespmem:s5+$0xFFFFE000];
	v9 =	vadd.s32 v0, v10  }
0x594: {  	v12 =	vadd.s32 v1, v10;
	v11 =	vld [tilespmem:s5+$0xFFFFE010];
	_ =	sdelay $0x3  }
0x595: {  	[tilespmem:v9+s31+$0x0] =	vst.idx.msk $0xffff, v8  }
0x596: {  	[tilespmem:v12+s31+$0x0] =	vst.idx.msk $0xffff, v11  }
0x597: {  	v9 =	vadd.s32 v2, v10;
	v8 =	vld [tilespmem:s5+$0xFFFFF000]  }
0x598: {  	v12 =	vadd.s32 v3, v10;
	v11 =	vld [tilespmem:s5+$0xFFFFF010];
	_ =	sdelay $0x3  }
0x599: {  	[tilespmem:v9+s31+$0x0] =	vst.idx.msk $0xffff, v8  }
0x59a: {  	[tilespmem:v12+s31+$0x0] =	vst.idx.msk $0xffff, v11  }
0x59b: {  	v9 =	vadd.s32 v4, v10;
	v8 =	vld [tilespmem:s5+$0x0]  }
0x59c: {  	v12 =	vadd.s32 v5, v10;
	v11 =	vld [tilespmem:s5+$0x10];
	_ =	sdelay $0x3  }
0x59d: {  	[tilespmem:v9+s31+$0x0] =	vst.idx.msk $0xffff, v8  }
0x59e: {  	[tilespmem:v12+s31+$0x0] =	vst.idx.msk $0xffff, v11  }
0x59f: {  	v12 =	vadd.s32 v6, v10;
	v11 =	vld [tilespmem:s5+$0x1000]  }
.Ltmp5:
0x5a0: {  	v9 =	vadd.s32 v7, v10;
	v8 =	vld [tilespmem:s5+$0x1010];
	(pc) =	sbr.rel @p0 .LBB2_12-.Ltmp5, $2  }
0x5a1: {  	_ =	sdelay $0x2  }
0x5a2: {  	v10 =	vmov s11;
	[tilespmem:v12+s31+$0x0] =	vst.idx.msk $0xffff, v11  }
0x5a3: {  	_ =	sdelay $0x3  }
0x5a4: {  	v10 =	vand.u32 $0x7F, v10;
	[tilespmem:v9+s31+$0x0] =	vst.idx.msk $0xffff, v8;
	s5 =	sadd.s32 $0x20, s5  }
0x5a5: {  	v8 =	vld [tilespmem:s5+$0xFFFFE000];
	v9 =	vadd.s32 v0, v10  }
0x5a6: {  	v11 =	vld [tilespmem:s5+$0xFFFFE010];
	v12 =	vadd.s32 v1, v10;
	_ =	sdelay $0x3  }
0x5a7: {  	[tilespmem:v9+s31+$0x0] =	vst.idx.msk $0xffff, v8  }
0x5a8: {  	[tilespmem:v12+s31+$0x0] =	vst.idx.msk $0xffff, v11  }
0x5a9: {  	v9 =	vadd.s32 v2, v10;
	v8 =	vld [tilespmem:s5+$0xFFFFF000]  }
0x5aa: {  	v58 =	vadd.s32 v3, v10;
	v11 =	vld [tilespmem:s5+$0xFFFFF010];
	_ =	sdelay $0x3  }
0x5ab: {  	[tilespmem:v9+s31+$0x0] =	vst.idx.msk $0xffff, v8  }
0x5ac: {  	[tilespmem:v58+s31+$0x0] =	vst.idx.msk $0xffff, v11  }
0x5ad: {  	v9 =	vadd.s32 v4, v10;
	v8 =	vld [tilespmem:s5+$0x0]  }
0x5ae: {  	v59 =	vadd.s32 v5, v10;
	v11 =	vld [tilespmem:s5+$0x10];
	_ =	sdelay $0x3  }
0x5af: {  	[tilespmem:v9+s31+$0x0] =	vst.idx.msk $0xffff, v8  }
0x5b0: {  	[tilespmem:v59+s31+$0x0] =	vst.idx.msk $0xffff, v11  }
0x5b1: {  	v9 =	vadd.s32 v6, v10;
	v8 =	vld [tilespmem:s5+$0x1000]  }
0x5b2: {  	v10 =	vadd.s32 v7, v10;
	v11 =	vld [tilespmem:s5+$0x1010];
	_ =	sdelay $0x3  }
0x5b3: {  	[tilespmem:v9+s31+$0x0] =	vst.idx.msk $0xffff, v8  }
0x5b4: {  	s5 =	simm.s32 $0x0;
	[tilespmem:v10+s31+$0x0] =	vst.idx.msk $0xffff, v11  }
0x5b5: {  	[hbm4b:s21+s5] =	stream.linear.scatter [tilespmem:s31], [sflag:$0x3], $0x80, $0x38;
	[tilespmem:$0x13000] =	vst v63  }
0x5b6: {  	s10 =	sadd.s32 $0x10, s21;
	s11 =	simm.s32 $0xA888  }
0x5b7: {  	[hbm4b:s10+s5] =	stream.linear.scatter [tilespmem:s11], [sflag:$0x3], $0x80, $0x38;
	[tilespmem:$0x13000] =	vst v63  }
0x5b8: {  	s14 =	sadd.s32 $0x20, s21;
	s15 =	simm.s32 $0xA910  }
0x5b9: {  	[hbm4b:s14+s5] =	stream.linear.scatter [tilespmem:s15], [sflag:$0x3], $0x80, $0x38;
	[tilespmem:$0x13000] =	vst v63  }
0x5ba: {  	s13 =	simm.s32 $0xA998;
	s11 =	sadd.s32 $0x30, s21  }
0x5bb: {  	[hbm4b:s11+s5] =	stream.linear.scatter [tilespmem:s13], [sflag:$0x3], $0x80, $0x38;
	[tilespmem:$0x13000] =	vst v63  }
0x5bc: {  	s14 =	sadd.s32 $0x40, s21;
	s15 =	simm.s32 $0xAA20  }
0x5bd: {  	[hbm4b:s14+s5] =	stream.linear.scatter [tilespmem:s15], [sflag:$0x3], $0x80, $0x38;
	[tilespmem:$0x13000] =	vst v63  }
0x5be: {  	s11 =	sadd.s32 $0x50, s21;
	s13 =	simm.s32 $0xAAA8  }
0x5bf: {  	[hbm4b:s11+s5] =	stream.linear.scatter [tilespmem:s13], [sflag:$0x3], $0x80, $0x38;
	[tilespmem:$0x13000] =	vst v63  }
0x5c0: {  	s14 =	sadd.s32 $0x60, s21;
	s15 =	simm.s32 $0xAB30  }
0x5c1: {  	[hbm4b:s14+s5] =	stream.linear.scatter [tilespmem:s15], [sflag:$0x3], $0x80, $0x38;
	[tilespmem:$0x13000] =	vst v63  }
0x5c2: {  	s11 =	sadd.s32 $0x70, s21;
	s13 =	simm.s32 $0xABB8  }
0x5c3: {  	[hbm4b:s11+s5] =	stream.linear.scatter [tilespmem:s13], [sflag:$0x3], $0x80, $0x38;
	[tilespmem:$0x13000] =	vst v63  }
0x5c4: {  	s14 =	sadd.s32 $0x4000, s21;
	s15 =	simm.s32 $0xAC40  }
0x5c5: {  	[hbm4b:s14+s5] =	stream.linear.scatter [tilespmem:s15], [sflag:$0x3], $0x80, $0x38;
	[tilespmem:$0x13000] =	vst v63  }
0x5c6: {  	s11 =	sadd.s32 $0x4010, s21;
	s13 =	simm.s32 $0xACC8  }
0x5c7: {  	[hbm4b:s11+s5] =	stream.linear.scatter [tilespmem:s13], [sflag:$0x3], $0x80, $0x38;
	[tilespmem:$0x13000] =	vst v63  }
0x5c8: {  	s14 =	sadd.s32 $0x4020, s21;
	s15 =	simm.s32 $0xAD50  }
0x5c9: {  	[hbm4b:s14+s5] =	stream.linear.scatter [tilespmem:s15], [sflag:$0x3], $0x80, $0x38;
	[tilespmem:$0x13000] =	vst v63  }
0x5ca: {  	s11 =	sadd.s32 $0x4030, s21;
	s13 =	simm.s32 $0xADD8  }
0x5cb: {  	[hbm4b:s11+s5] =	stream.linear.scatter [tilespmem:s13], [sflag:$0x3], $0x80, $0x38;
	[tilespmem:$0x13000] =	vst v63  }
0x5cc: {  	s14 =	sadd.s32 $0x4040, s21;
	s15 =	simm.s32 $0xAE60  }
0x5cd: {  	[hbm4b:s14+s5] =	stream.linear.scatter [tilespmem:s15], [sflag:$0x3], $0x80, $0x38;
	[tilespmem:$0x13000] =	vst v63  }
0x5ce: {  	s11 =	sadd.s32 $0x4050, s21;
	s13 =	simm.s32 $0xAEE8  }
0x5cf: {  	[hbm4b:s11+s5] =	stream.linear.scatter [tilespmem:s13], [sflag:$0x3], $0x80, $0x38;
	[tilespmem:$0x13000] =	vst v63  }
0x5d0: {  	s14 =	sadd.s32 $0x4060, s21;
	s15 =	simm.s32 $0xAF70  }
0x5d1: {  	[hbm4b:s14+s5] =	stream.linear.scatter [tilespmem:s15], [sflag:$0x3], $0x80, $0x38;
	[tilespmem:$0x13000] =	vst v63  }
0x5d2: {  	s11 =	sadd.s32 $0x4070, s21;
	s13 =	simm.s32 $0xAFF8  }
0x5d3: {  	[hbm4b:s11+s5] =	stream.linear.scatter [tilespmem:s13], [sflag:$0x3], $0x80, $0x38;
	[tilespmem:$0x13000] =	vst v63  }
0x5d4: {  	s14 =	sadd.s32 $0x8000, s21;
	s15 =	simm.s32 $0xB080  }
0x5d5: {  	[hbm4b:s14+s5] =	stream.linear.scatter [tilespmem:s15], [sflag:$0x3], $0x80, $0x38;
	[tilespmem:$0x13000] =	vst v63  }
0x5d6: {  	s11 =	sadd.s32 $0x8010, s21;
	s13 =	simm.s32 $0xB108  }
0x5d7: {  	[hbm4b:s11+s5] =	stream.linear.scatter [tilespmem:s13], [sflag:$0x3], $0x80, $0x38;
	[tilespmem:$0x13000] =	vst v63  }
0x5d8: {  	s14 =	sadd.s32 $0x8020, s21;
	s15 =	simm.s32 $0xB190  }
0x5d9: {  	[hbm4b:s14+s5] =	stream.linear.scatter [tilespmem:s15], [sflag:$0x3], $0x80, $0x38;
	[tilespmem:$0x13000] =	vst v63  }
0x5da: {  	s11 =	sadd.s32 $0x8030, s21;
	s13 =	simm.s32 $0xB218  }
0x5db: {  	[hbm4b:s11+s5] =	stream.linear.scatter [tilespmem:s13], [sflag:$0x3], $0x80, $0x38;
	[tilespmem:$0x13000] =	vst v63  }
0x5dc: {  	s14 =	sadd.s32 $0x8040, s21;
	s15 =	simm.s32 $0xB2A0  }
0x5dd: {  	[hbm4b:s14+s5] =	stream.linear.scatter [tilespmem:s15], [sflag:$0x3], $0x80, $0x38;
	[tilespmem:$0x13000] =	vst v63  }
0x5de: {  	s11 =	sadd.s32 $0x8050, s21;
	s13 =	simm.s32 $0xB328  }
0x5df: {  	[hbm4b:s11+s5] =	stream.linear.scatter [tilespmem:s13], [sflag:$0x3], $0x80, $0x38;
	[tilespmem:$0x13000] =	vst v63  }
0x5e0: {  	s14 =	sadd.s32 $0x8060, s21;
	s15 =	simm.s32 $0xB3B0  }
0x5e1: {  	[hbm4b:s14+s5] =	stream.linear.scatter [tilespmem:s15], [sflag:$0x3], $0x80, $0x38;
	[tilespmem:$0x13000] =	vst v63  }
0x5e2: {  	s11 =	sadd.s32 $0x8070, s21;
	s13 =	simm.s32 $0xB438  }
0x5e3: {  	[hbm4b:s11+s5] =	stream.linear.scatter [tilespmem:s13], [sflag:$0x3], $0x80, $0x38;
	[tilespmem:$0x13000] =	vst v63  }
0x5e4: {  	s14 =	sadd.s32 $0xC000, s21;
	s15 =	simm.s32 $0xB4C0  }
0x5e5: {  	[hbm4b:s14+s5] =	stream.linear.scatter [tilespmem:s15], [sflag:$0x3], $0x80, $0x38;
	[tilespmem:$0x13000] =	vst v63  }
0x5e6: {  	s11 =	sadd.s32 $0xC010, s21;
	s13 =	simm.s32 $0xB548  }
0x5e7: {  	[hbm4b:s11+s5] =	stream.linear.scatter [tilespmem:s13], [sflag:$0x3], $0x80, $0x38;
	[tilespmem:$0x13000] =	vst v63  }
0x5e8: {  	s14 =	sadd.s32 $0xC020, s21;
	s15 =	simm.s32 $0xB5D0  }
0x5e9: {  	[hbm4b:s14+s5] =	stream.linear.scatter [tilespmem:s15], [sflag:$0x3], $0x80, $0x38;
	[tilespmem:$0x13000] =	vst v63  }
0x5ea: {  	s11 =	sadd.s32 $0xC030, s21;
	s13 =	simm.s32 $0xB658  }
0x5eb: {  	[hbm4b:s11+s5] =	stream.linear.scatter [tilespmem:s13], [sflag:$0x3], $0x80, $0x38;
	[tilespmem:$0x13000] =	vst v63  }
0x5ec: {  	s14 =	sadd.s32 $0xC040, s21;
	s15 =	simm.s32 $0xB6E0  }
0x5ed: {  	[hbm4b:s14+s5] =	stream.linear.scatter [tilespmem:s15], [sflag:$0x3], $0x80, $0x38;
	[tilespmem:$0x13000] =	vst v63  }
0x5ee: {  	s11 =	sadd.s32 $0xC050, s21;
	s13 =	simm.s32 $0xB768  }
0x5ef: {  	[hbm4b:s11+s5] =	stream.linear.scatter [tilespmem:s13], [sflag:$0x3], $0x80, $0x38;
	[tilespmem:$0x13000] =	vst v63  }
0x5f0: {  	s14 =	sadd.s32 $0xC060, s21;
	s15 =	simm.s32 $0xB7F0  }
0x5f1: {  	[hbm4b:s14+s5] =	stream.linear.scatter [tilespmem:s15], [sflag:$0x3], $0x80, $0x38;
	[tilespmem:$0x13000] =	vst v63  }
0x5f2: {  	s13 =	sadd.s32 $0xC070, s21;
	s14 =	simm.s32 $0xB878  }
0x5f3: {  	[hbm4b:s13+s5] =	stream.linear.scatter [tilespmem:s14], [sflag:$0x3], $0x80, $0x38;
	[tilespmem:$0x13000] =	vst v63  }
0x5f4: {  	s15 =	simm.s32 $0xB900  }
0x5f5: {  	[hbm4b:s17+s5] =	stream.linear.scatter [tilespmem:s15], [sflag:$0x3], $0x80, $0x38;
	[tilespmem:$0x13000] =	vst v63  }
0x5f6: {  	s11 =	sadd.s32 $0x10, s17;
	s13 =	simm.s32 $0xB988  }
0x5f7: {  	[hbm4b:s11+s5] =	stream.linear.scatter [tilespmem:s13], [sflag:$0x3], $0x80, $0x38;
	[tilespmem:$0x13000] =	vst v63  }
0x5f8: {  	s14 =	sadd.s32 $0x20, s17;
	s15 =	simm.s32 $0xBA10  }
0x5f9: {  	[hbm4b:s14+s5] =	stream.linear.scatter [tilespmem:s15], [sflag:$0x3], $0x80, $0x38;
	[tilespmem:$0x13000] =	vst v63  }
0x5fa: {  	s11 =	sadd.s32 $0x30, s17;
	s13 =	simm.s32 $0xBA98  }
0x5fb: {  	[hbm4b:s11+s5] =	stream.linear.scatter [tilespmem:s13], [sflag:$0x3], $0x80, $0x38;
	[tilespmem:$0x13000] =	vst v63  }
0x5fc: {  	s14 =	sadd.s32 $0x40, s17;
	s15 =	simm.s32 $0xBB20  }
0x5fd: {  	[hbm4b:s14+s5] =	stream.linear.scatter [tilespmem:s15], [sflag:$0x3], $0x80, $0x38;
	[tilespmem:$0x13000] =	vst v63  }
0x5fe: {  	s11 =	sadd.s32 $0x50, s17;
	s13 =	simm.s32 $0xBBA8  }
0x5ff: {  	[hbm4b:s11+s5] =	stream.linear.scatter [tilespmem:s13], [sflag:$0x3], $0x80, $0x38;
	[tilespmem:$0x13000] =	vst v63  }
0x600: {  	s14 =	sadd.s32 $0x60, s17;
	s15 =	simm.s32 $0xBC30  }
0x601: {  	[hbm4b:s14+s5] =	stream.linear.scatter [tilespmem:s15], [sflag:$0x3], $0x80, $0x38;
	[tilespmem:$0x13000] =	vst v63  }
0x602: {  	s11 =	sadd.s32 $0x70, s17;
	s13 =	simm.s32 $0xBCB8  }
0x603: {  	[hbm4b:s11+s5] =	stream.linear.scatter [tilespmem:s13], [sflag:$0x3], $0x80, $0x38;
	[tilespmem:$0x13000] =	vst v63  }
0x604: {  	s14 =	sadd.s32 $0x4000, s17;
	s15 =	simm.s32 $0xBD40  }
0x605: {  	[hbm4b:s14+s5] =	stream.linear.scatter [tilespmem:s15], [sflag:$0x3], $0x80, $0x38;
	[tilespmem:$0x13000] =	vst v63  }
0x606: {  	s11 =	sadd.s32 $0x4010, s17;
	s13 =	simm.s32 $0xBDC8  }
0x607: {  	[hbm4b:s11+s5] =	stream.linear.scatter [tilespmem:s13], [sflag:$0x3], $0x80, $0x38;
	[tilespmem:$0x13000] =	vst v63  }
0x608: {  	s14 =	sadd.s32 $0x4020, s17;
	s15 =	simm.s32 $0xBE50  }
0x609: {  	[hbm4b:s14+s5] =	stream.linear.scatter [tilespmem:s15], [sflag:$0x3], $0x80, $0x38;
	[tilespmem:$0x13000] =	vst v63  }
0x60a: {  	s11 =	sadd.s32 $0x4030, s17;
	s13 =	simm.s32 $0xBED8  }
0x60b: {  	[hbm4b:s11+s5] =	stream.linear.scatter [tilespmem:s13], [sflag:$0x3], $0x80, $0x38;
	[tilespmem:$0x13000] =	vst v63  }
0x60c: {  	s14 =	sadd.s32 $0x4040, s17;
	s15 =	simm.s32 $0xBF60  }
0x60d: {  	[hbm4b:s14+s5] =	stream.linear.scatter [tilespmem:s15], [sflag:$0x3], $0x80, $0x38;
	[tilespmem:$0x13000] =	vst v63  }
0x60e: {  	s11 =	sadd.s32 $0x4050, s17;
	s13 =	simm.s32 $0xBFE8  }
0x60f: {  	[hbm4b:s11+s5] =	stream.linear.scatter [tilespmem:s13], [sflag:$0x3], $0x80, $0x38;
	[tilespmem:$0x13000] =	vst v63  }
0x610: {  	s14 =	sadd.s32 $0x4060, s17;
	s15 =	simm.s32 $0xC070  }
0x611: {  	[hbm4b:s14+s5] =	stream.linear.scatter [tilespmem:s15], [sflag:$0x3], $0x80, $0x38;
	[tilespmem:$0x13000] =	vst v63  }
0x612: {  	s11 =	sadd.s32 $0x4070, s17;
	s13 =	simm.s32 $0xC0F8  }
0x613: {  	[hbm4b:s11+s5] =	stream.linear.scatter [tilespmem:s13], [sflag:$0x3], $0x80, $0x38;
	[tilespmem:$0x13000] =	vst v63  }
0x614: {  	s14 =	sadd.s32 $0x8000, s17;
	s15 =	simm.s32 $0xC180  }
0x615: {  	[hbm4b:s14+s5] =	stream.linear.scatter [tilespmem:s15], [sflag:$0x3], $0x80, $0x38;
	[tilespmem:$0x13000] =	vst v63  }
0x616: {  	s11 =	sadd.s32 $0x8010, s17;
	s13 =	simm.s32 $0xC208  }
0x617: {  	[hbm4b:s11+s5] =	stream.linear.scatter [tilespmem:s13], [sflag:$0x3], $0x80, $0x38;
	[tilespmem:$0x13000] =	vst v63  }
0x618: {  	s14 =	sadd.s32 $0x8020, s17;
	s15 =	simm.s32 $0xC290  }
0x619: {  	[hbm4b:s14+s5] =	stream.linear.scatter [tilespmem:s15], [sflag:$0x3], $0x80, $0x38;
	[tilespmem:$0x13000] =	vst v63  }
0x61a: {  	s11 =	sadd.s32 $0x8030, s17;
	s13 =	simm.s32 $0xC318  }
0x61b: {  	[hbm4b:s11+s5] =	stream.linear.scatter [tilespmem:s13], [sflag:$0x3], $0x80, $0x38;
	[tilespmem:$0x13000] =	vst v63  }
0x61c: {  	s14 =	sadd.s32 $0x8040, s17;
	s15 =	simm.s32 $0xC3A0  }
0x61d: {  	[hbm4b:s14+s5] =	stream.linear.scatter [tilespmem:s15], [sflag:$0x3], $0x80, $0x38;
	[tilespmem:$0x13000] =	vst v63  }
0x61e: {  	s11 =	sadd.s32 $0x8050, s17;
	s13 =	simm.s32 $0xC428  }
0x61f: {  	[hbm4b:s11+s5] =	stream.linear.scatter [tilespmem:s13], [sflag:$0x3], $0x80, $0x38;
	[tilespmem:$0x13000] =	vst v63  }
0x620: {  	s14 =	sadd.s32 $0x8060, s17;
	s15 =	simm.s32 $0xC4B0  }
0x621: {  	[hbm4b:s14+s5] =	stream.linear.scatter [tilespmem:s15], [sflag:$0x3], $0x80, $0x38;
	[tilespmem:$0x13000] =	vst v63  }
0x622: {  	s11 =	sadd.s32 $0x8070, s17;
	s13 =	simm.s32 $0xC538  }
0x623: {  	[hbm4b:s11+s5] =	stream.linear.scatter [tilespmem:s13], [sflag:$0x3], $0x80, $0x38;
	[tilespmem:$0x13000] =	vst v63  }
0x624: {  	s14 =	sadd.s32 $0xC000, s17;
	s15 =	simm.s32 $0xC5C0  }
0x625: {  	[hbm4b:s14+s5] =	stream.linear.scatter [tilespmem:s15], [sflag:$0x3], $0x80, $0x38;
	[tilespmem:$0x13000] =	vst v63  }
0x626: {  	s11 =	sadd.s32 $0xC010, s17;
	s13 =	simm.s32 $0xC648  }
0x627: {  	[hbm4b:s11+s5] =	stream.linear.scatter [tilespmem:s13], [sflag:$0x3], $0x80, $0x38;
	[tilespmem:$0x13000] =	vst v63  }
0x628: {  	s14 =	sadd.s32 $0xC020, s17;
	s15 =	simm.s32 $0xC6D0  }
0x629: {  	[hbm4b:s14+s5] =	stream.linear.scatter [tilespmem:s15], [sflag:$0x3], $0x80, $0x38;
	[tilespmem:$0x13000] =	vst v63  }
0x62a: {  	s11 =	sadd.s32 $0xC030, s17;
	s13 =	simm.s32 $0xC758  }
0x62b: {  	[hbm4b:s11+s5] =	stream.linear.scatter [tilespmem:s13], [sflag:$0x3], $0x80, $0x38;
	[tilespmem:$0x13000] =	vst v63  }
0x62c: {  	s14 =	sadd.s32 $0xC040, s17;
	s15 =	simm.s32 $0xC7E0  }
0x62d: {  	[hbm4b:s14+s5] =	stream.linear.scatter [tilespmem:s15], [sflag:$0x3], $0x80, $0x38;
	[tilespmem:$0x13000] =	vst v63  }
0x62e: {  	s11 =	sadd.s32 $0xC050, s17;
	s13 =	simm.s32 $0xC868  }
0x62f: {  	[hbm4b:s11+s5] =	stream.linear.scatter [tilespmem:s13], [sflag:$0x3], $0x80, $0x38;
	[tilespmem:$0x13000] =	vst v63  }
0x630: {  	s14 =	sadd.s32 $0xC060, s17;
	s15 =	simm.s32 $0xC8F0  }
0x631: {  	[hbm4b:s14+s5] =	stream.linear.scatter [tilespmem:s15], [sflag:$0x3], $0x80, $0x38;
	[tilespmem:$0x13000] =	vst v63  }
0x632: {  	s13 =	sadd.s32 $0xC070, s17;
	s14 =	simm.s32 $0xC978  }
0x633: {  	[hbm4b:s13+s5] =	stream.linear.scatter [tilespmem:s14], [sflag:$0x3], $0x80, $0x38;
	[tilespmem:$0x13000] =	vst v63  }
0x634: {  	s15 =	simm.s32 $0xCA00  }
0x635: {  	[hbm4b:s19+s5] =	stream.linear.scatter [tilespmem:s15], [sflag:$0x3], $0x80, $0x38;
	[tilespmem:$0x13000] =	vst v63  }
0x636: {  	s11 =	sadd.s32 $0x10, s19;
	s13 =	simm.s32 $0xCA88  }
0x637: {  	[hbm4b:s11+s5] =	stream.linear.scatter [tilespmem:s13], [sflag:$0x3], $0x80, $0x38;
	[tilespmem:$0x13000] =	vst v63  }
0x638: {  	s14 =	sadd.s32 $0x20, s19;
	s15 =	simm.s32 $0xCB10  }
0x639: {  	[hbm4b:s14+s5] =	stream.linear.scatter [tilespmem:s15], [sflag:$0x3], $0x80, $0x38;
	[tilespmem:$0x13000] =	vst v63  }
0x63a: {  	s11 =	sadd.s32 $0x30, s19;
	s13 =	simm.s32 $0xCB98  }
0x63b: {  	[hbm4b:s11+s5] =	stream.linear.scatter [tilespmem:s13], [sflag:$0x3], $0x80, $0x38;
	[tilespmem:$0x13000] =	vst v63  }
0x63c: {  	s14 =	sadd.s32 $0x40, s19;
	s15 =	simm.s32 $0xCC20  }
0x63d: {  	[hbm4b:s14+s5] =	stream.linear.scatter [tilespmem:s15], [sflag:$0x3], $0x80, $0x38;
	[tilespmem:$0x13000] =	vst v63  }
0x63e: {  	s11 =	sadd.s32 $0x50, s19;
	s13 =	simm.s32 $0xCCA8  }
0x63f: {  	[hbm4b:s11+s5] =	stream.linear.scatter [tilespmem:s13], [sflag:$0x3], $0x80, $0x38;
	[tilespmem:$0x13000] =	vst v63  }
0x640: {  	s14 =	sadd.s32 $0x60, s19;
	s15 =	simm.s32 $0xCD30  }
0x641: {  	[hbm4b:s14+s5] =	stream.linear.scatter [tilespmem:s15], [sflag:$0x3], $0x80, $0x38;
	[tilespmem:$0x13000] =	vst v63  }
0x642: {  	s11 =	sadd.s32 $0x70, s19;
	s13 =	simm.s32 $0xCDB8  }
0x643: {  	[hbm4b:s11+s5] =	stream.linear.scatter [tilespmem:s13], [sflag:$0x3], $0x80, $0x38;
	[tilespmem:$0x13000] =	vst v63  }
0x644: {  	s14 =	sadd.s32 $0x4000, s19;
	s15 =	simm.s32 $0xCE40  }
0x645: {  	[hbm4b:s14+s5] =	stream.linear.scatter [tilespmem:s15], [sflag:$0x3], $0x80, $0x38;
	[tilespmem:$0x13000] =	vst v63  }
0x646: {  	s11 =	sadd.s32 $0x4010, s19;
	s13 =	simm.s32 $0xCEC8  }
0x647: {  	[hbm4b:s11+s5] =	stream.linear.scatter [tilespmem:s13], [sflag:$0x3], $0x80, $0x38;
	[tilespmem:$0x13000] =	vst v63  }
0x648: {  	s14 =	sadd.s32 $0x4020, s19;
	s15 =	simm.s32 $0xCF50  }
0x649: {  	[hbm4b:s14+s5] =	stream.linear.scatter [tilespmem:s15], [sflag:$0x3], $0x80, $0x38;
	[tilespmem:$0x13000] =	vst v63  }
0x64a: {  	s11 =	sadd.s32 $0x4030, s19;
	s13 =	simm.s32 $0xCFD8  }
0x64b: {  	[hbm4b:s11+s5] =	stream.linear.scatter [tilespmem:s13], [sflag:$0x3], $0x80, $0x38;
	[tilespmem:$0x13000] =	vst v63  }
0x64c: {  	s14 =	sadd.s32 $0x4040, s19;
	s15 =	simm.s32 $0xD060  }
0x64d: {  	[hbm4b:s14+s5] =	stream.linear.scatter [tilespmem:s15], [sflag:$0x3], $0x80, $0x38;
	[tilespmem:$0x13000] =	vst v63  }
0x64e: {  	s11 =	sadd.s32 $0x4050, s19;
	s13 =	simm.s32 $0xD0E8  }
0x64f: {  	[hbm4b:s11+s5] =	stream.linear.scatter [tilespmem:s13], [sflag:$0x3], $0x80, $0x38;
	[tilespmem:$0x13000] =	vst v63  }
0x650: {  	s14 =	sadd.s32 $0x4060, s19;
	s15 =	simm.s32 $0xD170  }
0x651: {  	[hbm4b:s14+s5] =	stream.linear.scatter [tilespmem:s15], [sflag:$0x3], $0x80, $0x38;
	[tilespmem:$0x13000] =	vst v63  }
0x652: {  	s11 =	sadd.s32 $0x4070, s19;
	s13 =	simm.s32 $0xD1F8  }
0x653: {  	[hbm4b:s11+s5] =	stream.linear.scatter [tilespmem:s13], [sflag:$0x3], $0x80, $0x38;
	[tilespmem:$0x13000] =	vst v63  }
0x654: {  	s14 =	sadd.s32 $0x8000, s19;
	s15 =	simm.s32 $0xD280  }
0x655: {  	[hbm4b:s14+s5] =	stream.linear.scatter [tilespmem:s15], [sflag:$0x3], $0x80, $0x38;
	[tilespmem:$0x13000] =	vst v63  }
0x656: {  	s11 =	sadd.s32 $0x8010, s19;
	s13 =	simm.s32 $0xD308  }
0x657: {  	[hbm4b:s11+s5] =	stream.linear.scatter [tilespmem:s13], [sflag:$0x3], $0x80, $0x38;
	[tilespmem:$0x13000] =	vst v63  }
0x658: {  	s14 =	sadd.s32 $0x8020, s19;
	s15 =	simm.s32 $0xD390  }
0x659: {  	[hbm4b:s14+s5] =	stream.linear.scatter [tilespmem:s15], [sflag:$0x3], $0x80, $0x38;
	[tilespmem:$0x13000] =	vst v63  }
0x65a: {  	s11 =	sadd.s32 $0x8030, s19;
	s13 =	simm.s32 $0xD418  }
0x65b: {  	[hbm4b:s11+s5] =	stream.linear.scatter [tilespmem:s13], [sflag:$0x3], $0x80, $0x38;
	[tilespmem:$0x13000] =	vst v63  }
0x65c: {  	s14 =	sadd.s32 $0x8040, s19;
	s15 =	simm.s32 $0xD4A0  }
0x65d: {  	[hbm4b:s14+s5] =	stream.linear.scatter [tilespmem:s15], [sflag:$0x3], $0x80, $0x38;
	[tilespmem:$0x13000] =	vst v63  }
0x65e: {  	s11 =	sadd.s32 $0x8050, s19;
	s13 =	simm.s32 $0xD528  }
0x65f: {  	[hbm4b:s11+s5] =	stream.linear.scatter [tilespmem:s13], [sflag:$0x3], $0x80, $0x38;
	[tilespmem:$0x13000] =	vst v63  }
0x660: {  	s14 =	sadd.s32 $0x8060, s19;
	s15 =	simm.s32 $0xD5B0  }
0x661: {  	[hbm4b:s14+s5] =	stream.linear.scatter [tilespmem:s15], [sflag:$0x3], $0x80, $0x38;
	[tilespmem:$0x13000] =	vst v63  }
0x662: {  	s11 =	sadd.s32 $0x8070, s19;
	s13 =	simm.s32 $0xD638  }
0x663: {  	[hbm4b:s11+s5] =	stream.linear.scatter [tilespmem:s13], [sflag:$0x3], $0x80, $0x38;
	[tilespmem:$0x13000] =	vst v63  }
0x664: {  	s14 =	sadd.s32 $0xC000, s19;
	s15 =	simm.s32 $0xD6C0  }
0x665: {  	[hbm4b:s14+s5] =	stream.linear.scatter [tilespmem:s15], [sflag:$0x3], $0x80, $0x38;
	[tilespmem:$0x13000] =	vst v63  }
0x666: {  	s11 =	sadd.s32 $0xC010, s19;
	s13 =	simm.s32 $0xD748  }
0x667: {  	[hbm4b:s11+s5] =	stream.linear.scatter [tilespmem:s13], [sflag:$0x3], $0x80, $0x38;
	[tilespmem:$0x13000] =	vst v63  }
0x668: {  	s14 =	sadd.s32 $0xC020, s19;
	s15 =	simm.s32 $0xD7D0  }
0x669: {  	[hbm4b:s14+s5] =	stream.linear.scatter [tilespmem:s15], [sflag:$0x3], $0x80, $0x38;
	[tilespmem:$0x13000] =	vst v63  }
0x66a: {  	s11 =	sadd.s32 $0xC030, s19;
	s13 =	simm.s32 $0xD858  }
0x66b: {  	[hbm4b:s11+s5] =	stream.linear.scatter [tilespmem:s13], [sflag:$0x3], $0x80, $0x38;
	[tilespmem:$0x13000] =	vst v63  }
0x66c: {  	s14 =	sadd.s32 $0xC040, s19;
	s15 =	simm.s32 $0xD8E0  }
0x66d: {  	[hbm4b:s14+s5] =	stream.linear.scatter [tilespmem:s15], [sflag:$0x3], $0x80, $0x38;
	[tilespmem:$0x13000] =	vst v63  }
0x66e: {  	s11 =	sadd.s32 $0xC050, s19;
	s13 =	simm.s32 $0xD968  }
0x66f: {  	[hbm4b:s11+s5] =	stream.linear.scatter [tilespmem:s13], [sflag:$0x3], $0x80, $0x38;
	[tilespmem:$0x13000] =	vst v63  }
0x670: {  	s14 =	sadd.s32 $0xC060, s19;
	s15 =	simm.s32 $0xD9F0  }
0x671: {  	[hbm4b:s14+s5] =	stream.linear.scatter [tilespmem:s15], [sflag:$0x3], $0x80, $0x38;
	[tilespmem:$0x13000] =	vst v63  }
0x672: {  	s13 =	sadd.s32 $0xC070, s19;
	s14 =	simm.s32 $0xDA78  }
0x673: {  	[hbm4b:s13+s5] =	stream.linear.scatter [tilespmem:s14], [sflag:$0x3], $0x80, $0x38;
	[tilespmem:$0x13000] =	vst v63  }
0x674: {  	s15 =	simm.s32 $0xDB00  }
0x675: {  	[hbm4b:s20+s5] =	stream.linear.scatter [tilespmem:s15], [sflag:$0x3], $0x80, $0x38;
	[tilespmem:$0x13000] =	vst v63  }
0x676: {  	s11 =	sadd.s32 $0x10, s20;
	s13 =	simm.s32 $0xDB88  }
0x677: {  	[hbm4b:s11+s5] =	stream.linear.scatter [tilespmem:s13], [sflag:$0x3], $0x80, $0x38;
	[tilespmem:$0x13000] =	vst v63  }
0x678: {  	s14 =	sadd.s32 $0x20, s20;
	s15 =	simm.s32 $0xDC10  }
0x679: {  	[hbm4b:s14+s5] =	stream.linear.scatter [tilespmem:s15], [sflag:$0x3], $0x80, $0x38;
	[tilespmem:$0x13000] =	vst v63  }
0x67a: {  	s11 =	sadd.s32 $0x30, s20;
	s13 =	simm.s32 $0xDC98  }
0x67b: {  	[hbm4b:s11+s5] =	stream.linear.scatter [tilespmem:s13], [sflag:$0x3], $0x80, $0x38;
	[tilespmem:$0x13000] =	vst v63  }
0x67c: {  	s14 =	sadd.s32 $0x40, s20;
	s15 =	simm.s32 $0xDD20  }
0x67d: {  	[hbm4b:s14+s5] =	stream.linear.scatter [tilespmem:s15], [sflag:$0x3], $0x80, $0x38;
	[tilespmem:$0x13000] =	vst v63  }
0x67e: {  	s11 =	sadd.s32 $0x50, s20;
	s13 =	simm.s32 $0xDDA8  }
0x67f: {  	[hbm4b:s11+s5] =	stream.linear.scatter [tilespmem:s13], [sflag:$0x3], $0x80, $0x38;
	[tilespmem:$0x13000] =	vst v63  }
0x680: {  	s14 =	sadd.s32 $0x60, s20;
	s15 =	simm.s32 $0xDE30  }
0x681: {  	[hbm4b:s14+s5] =	stream.linear.scatter [tilespmem:s15], [sflag:$0x3], $0x80, $0x38;
	[tilespmem:$0x13000] =	vst v63  }
0x682: {  	s11 =	sadd.s32 $0x70, s20;
	s13 =	simm.s32 $0xDEB8  }
0x683: {  	[hbm4b:s11+s5] =	stream.linear.scatter [tilespmem:s13], [sflag:$0x3], $0x80, $0x38;
	[tilespmem:$0x13000] =	vst v63  }
0x684: {  	s14 =	sadd.s32 $0x4000, s20;
	s15 =	simm.s32 $0xDF40  }
0x685: {  	[hbm4b:s14+s5] =	stream.linear.scatter [tilespmem:s15], [sflag:$0x3], $0x80, $0x38;
	[tilespmem:$0x13000] =	vst v63  }
0x686: {  	s11 =	sadd.s32 $0x4010, s20;
	s13 =	simm.s32 $0xDFC8  }
0x687: {  	[hbm4b:s11+s5] =	stream.linear.scatter [tilespmem:s13], [sflag:$0x3], $0x80, $0x38;
	[tilespmem:$0x13000] =	vst v63  }
0x688: {  	s14 =	sadd.s32 $0x4020, s20;
	s15 =	simm.s32 $0xE050  }
0x689: {  	[hbm4b:s14+s5] =	stream.linear.scatter [tilespmem:s15], [sflag:$0x3], $0x80, $0x38;
	[tilespmem:$0x13000] =	vst v63  }
0x68a: {  	s11 =	sadd.s32 $0x4030, s20;
	s13 =	simm.s32 $0xE0D8  }
0x68b: {  	[hbm4b:s11+s5] =	stream.linear.scatter [tilespmem:s13], [sflag:$0x3], $0x80, $0x38;
	[tilespmem:$0x13000] =	vst v63  }
0x68c: {  	s14 =	sadd.s32 $0x4040, s20;
	s15 =	simm.s32 $0xE160  }
0x68d: {  	[hbm4b:s14+s5] =	stream.linear.scatter [tilespmem:s15], [sflag:$0x3], $0x80, $0x38;
	[tilespmem:$0x13000] =	vst v63  }
0x68e: {  	s11 =	sadd.s32 $0x4050, s20;
	s13 =	simm.s32 $0xE1E8  }
0x68f: {  	[hbm4b:s11+s5] =	stream.linear.scatter [tilespmem:s13], [sflag:$0x3], $0x80, $0x38;
	[tilespmem:$0x13000] =	vst v63  }
0x690: {  	s14 =	sadd.s32 $0x4060, s20;
	s15 =	simm.s32 $0xE270  }
0x691: {  	[hbm4b:s14+s5] =	stream.linear.scatter [tilespmem:s15], [sflag:$0x3], $0x80, $0x38;
	[tilespmem:$0x13000] =	vst v63  }
0x692: {  	s11 =	sadd.s32 $0x4070, s20;
	s13 =	simm.s32 $0xE2F8  }
0x693: {  	[hbm4b:s11+s5] =	stream.linear.scatter [tilespmem:s13], [sflag:$0x3], $0x80, $0x38;
	[tilespmem:$0x13000] =	vst v63  }
0x694: {  	s14 =	sadd.s32 $0x8000, s20;
	s15 =	simm.s32 $0xE380  }
0x695: {  	[hbm4b:s14+s5] =	stream.linear.scatter [tilespmem:s15], [sflag:$0x3], $0x80, $0x38;
	[tilespmem:$0x13000] =	vst v63  }
0x696: {  	s11 =	sadd.s32 $0x8010, s20;
	s13 =	simm.s32 $0xE408  }
0x697: {  	[hbm4b:s11+s5] =	stream.linear.scatter [tilespmem:s13], [sflag:$0x3], $0x80, $0x38;
	[tilespmem:$0x13000] =	vst v63  }
0x698: {  	s14 =	sadd.s32 $0x8020, s20;
	s15 =	simm.s32 $0xE490  }
0x699: {  	[hbm4b:s14+s5] =	stream.linear.scatter [tilespmem:s15], [sflag:$0x3], $0x80, $0x38;
	[tilespmem:$0x13000] =	vst v63  }
0x69a: {  	s11 =	sadd.s32 $0x8030, s20;
	s13 =	simm.s32 $0xE518  }
0x69b: {  	[hbm4b:s11+s5] =	stream.linear.scatter [tilespmem:s13], [sflag:$0x3], $0x80, $0x38;
	[tilespmem:$0x13000] =	vst v63  }
0x69c: {  	s14 =	sadd.s32 $0x8040, s20;
	s15 =	simm.s32 $0xE5A0  }
0x69d: {  	[hbm4b:s14+s5] =	stream.linear.scatter [tilespmem:s15], [sflag:$0x3], $0x80, $0x38;
	[tilespmem:$0x13000] =	vst v63  }
0x69e: {  	s11 =	sadd.s32 $0x8050, s20;
	s13 =	simm.s32 $0xE628  }
0x69f: {  	[hbm4b:s11+s5] =	stream.linear.scatter [tilespmem:s13], [sflag:$0x3], $0x80, $0x38;
	[tilespmem:$0x13000] =	vst v63  }
0x6a0: {  	s14 =	sadd.s32 $0x8060, s20;
	s15 =	simm.s32 $0xE6B0  }
0x6a1: {  	[hbm4b:s14+s5] =	stream.linear.scatter [tilespmem:s15], [sflag:$0x3], $0x80, $0x38;
	[tilespmem:$0x13000] =	vst v63  }
0x6a2: {  	s11 =	sadd.s32 $0x8070, s20;
	s13 =	simm.s32 $0xE738  }
0x6a3: {  	[hbm4b:s11+s5] =	stream.linear.scatter [tilespmem:s13], [sflag:$0x3], $0x80, $0x38;
	[tilespmem:$0x13000] =	vst v63  }
0x6a4: {  	s14 =	sadd.s32 $0xC000, s20;
	s15 =	simm.s32 $0xE7C0  }
0x6a5: {  	[hbm4b:s14+s5] =	stream.linear.scatter [tilespmem:s15], [sflag:$0x3], $0x80, $0x38;
	[tilespmem:$0x13000] =	vst v63  }
0x6a6: {  	s11 =	sadd.s32 $0xC010, s20;
	s13 =	simm.s32 $0xE848  }
0x6a7: {  	[hbm4b:s11+s5] =	stream.linear.scatter [tilespmem:s13], [sflag:$0x3], $0x80, $0x38;
	[tilespmem:$0x13000] =	vst v63  }
0x6a8: {  	s14 =	sadd.s32 $0xC020, s20;
	s15 =	simm.s32 $0xE8D0  }
0x6a9: {  	[hbm4b:s14+s5] =	stream.linear.scatter [tilespmem:s15], [sflag:$0x3], $0x80, $0x38;
	[tilespmem:$0x13000] =	vst v63  }
0x6aa: {  	s11 =	sadd.s32 $0xC030, s20;
	s13 =	simm.s32 $0xE958  }
0x6ab: {  	[hbm4b:s11+s5] =	stream.linear.scatter [tilespmem:s13], [sflag:$0x3], $0x80, $0x38;
	[tilespmem:$0x13000] =	vst v63  }
0x6ac: {  	s14 =	sadd.s32 $0xC040, s20;
	s15 =	simm.s32 $0xE9E0  }
0x6ad: {  	[hbm4b:s14+s5] =	stream.linear.scatter [tilespmem:s15], [sflag:$0x3], $0x80, $0x38;
	[tilespmem:$0x13000] =	vst v63  }
0x6ae: {  	s11 =	sadd.s32 $0xC050, s20;
	s13 =	simm.s32 $0xEA68  }
0x6af: {  	[hbm4b:s11+s5] =	stream.linear.scatter [tilespmem:s13], [sflag:$0x3], $0x80, $0x38;
	[tilespmem:$0x13000] =	vst v63  }
0x6b0: {  	s14 =	sadd.s32 $0xC060, s20;
	s15 =	simm.s32 $0xEAF0  }
0x6b1: {  	[hbm4b:s14+s5] =	stream.linear.scatter [tilespmem:s15], [sflag:$0x3], $0x80, $0x38;
	[tilespmem:$0x13000] =	vst v63  }
0x6b2: {  	s13 =	sadd.s32 $0xC070, s20;
	s14 =	simm.s32 $0xEB78  }
0x6b3: {  	[hbm4b:s13+s5] =	stream.linear.scatter [tilespmem:s14], [sflag:$0x3], $0x80, $0x38;
	[tilespmem:$0x13000] =	vst v63  }
0x6b4: {  	_ =	swait.ge [sflag:s25], $0x1000  }
0x6b5: {  	[sflag:s25] =	ssyncset.done $0x0  }
0x6b6: {  	[sflag:s25] =	ssyncadd.s32 $0xFFFFF000  }
0x6b7: {  	_ =	swait.ge [sflag:s25], $0x1000  }
0x6b8: {  	[sflag:s25] =	ssyncset.done $0x0  }
0x6b9: {  	[sflag:s25] =	ssyncadd.s32 $0xFFFFF000  }
0x6ba: {  	_ =	swait.ge [sflag:s25], $0x1000  }
0x6bb: {  	[sflag:s25] =	ssyncset.done $0x0  }
0x6bc: {  	[sflag:s25] =	ssyncadd.s32 $0xFFFFF000  }
0x6bd: {  	_ =	swait.ge [sflag:s25], $0x1000  }
0x6be: {  	[sflag:s25] =	ssyncset.done $0x0  }
0x6bf: {  	[sflag:s25] =	ssyncadd.s32 $0xFFFFF000  }
0x6c0: {  	_ =	swait.ge [sflag:s1], $0x1000  }
0x6c1: {  	[sflag:s1] =	ssyncset.done $0x0  }
0x6c2: {  	[sflag:s1] =	ssyncadd.s32 $0xFFFFF000  }
0x6c3: {  	_ =	swait.ge [sflag:s1], $0x1000  }
0x6c4: {  	[sflag:s1] =	ssyncset.done $0x0  }
0x6c5: {  	[sflag:s1] =	ssyncadd.s32 $0xFFFFF000  }
0x6c6: {  	_ =	swait.ge [sflag:s1], $0x1000  }
0x6c7: {  	[sflag:s1] =	ssyncset.done $0x0  }
0x6c8: {  	[sflag:s1] =	ssyncadd.s32 $0xFFFFF000  }
0x6c9: {  	_ =	swait.ge [sflag:s1], $0x1000  }
0x6ca: {  	v8 =	vmov s5;
	[sflag:s1] =	ssyncset.done $0x0  }
0x6cb: {  	v9 =	vand.u32 $0x7F, v8;
	s5 =	simm.s32 $0x8800;
	[sflag:s1] =	ssyncadd.s32 $0xFFFFF000  }
0x6cc: {  	v10 =	vadd.s32 v0, v9;
	v8 =	vld [tilespmem:s5+$0xFFFFE000]  }
0x6cd: {  	v60 =	vadd.s32 v1, v9;
	v11 =	vld [tilespmem:s5+$0xFFFFE010];
	_ =	sdelay $0x3  }
0x6ce: {  	[tilespmem:v10+s28+$0x0] =	vst.idx.msk $0xffff, v8  }
0x6cf: {  	[tilespmem:v60+s28+$0x0] =	vst.idx.msk $0xffff, v11  }
0x6d0: {  	v10 =	vadd.s32 v2, v9;
	v8 =	vld [tilespmem:s5+$0xFFFFF000]  }
0x6d1: {  	v61 =	vadd.s32 v3, v9;
	v11 =	vld [tilespmem:s5+$0xFFFFF010];
	_ =	sdelay $0x3  }
0x6d2: {  	[tilespmem:v10+s28+$0x0] =	vst.idx.msk $0xffff, v8  }
0x6d3: {  	[tilespmem:v61+s28+$0x0] =	vst.idx.msk $0xffff, v11  }
0x6d4: {  	v10 =	vadd.s32 v4, v9;
	v8 =	vld [tilespmem:s5+$0x0]  }
0x6d5: {  	v62 =	vadd.s32 v5, v9;
	v11 =	vld [tilespmem:s5+$0x10];
	_ =	sdelay $0x3  }
0x6d6: {  	[tilespmem:v10+s28+$0x0] =	vst.idx.msk $0xffff, v8  }
0x6d7: {  	[tilespmem:v62+s28+$0x0] =	vst.idx.msk $0xffff, v11  }
0x6d8: {  	v63 =	vadd.s32 v6, v9;
	v11 =	vld [tilespmem:s5+$0x1000];
	_ =	sdelay $0x1  }
0x6d9: {  	v9 =	vadd.s32 v7, v9;
	v8 =	vld [tilespmem:s5+$0x1010];
	_ =	sdelay $0x1  }
0x6da: {  	s15 =	simm.s32 $0x1  }
0x6db: {  	s10 =	simm.s32 $0x2;
	v10 =	vmov s15;
	[tilespmem:v63+s28+$0x0] =	vst.idx.msk $0xffff, v11  }
.LBB2_14:
0x6dc: {  	p0 =	sne.s32 s10, $0x7F  }
0x6dd: {  	v10 =	vand.u32 $0x7F, v10;
	[tilespmem:v9+s28+$0x0] =	vst.idx.msk $0xffff, v8;
	s5 =	sadd.s32 $0x20, s5;
	s11 =	smov.u32 s10;
	s10 =	sadd.s32 $0x1, s10  }
0x6de: {  	v8 =	vld [tilespmem:s5+$0xFFFFE000];
	v9 =	vadd.s32 v0, v10  }
0x6df: {  	v12 =	vadd.s32 v1, v10;
	v11 =	vld [tilespmem:s5+$0xFFFFE010];
	_ =	sdelay $0x3  }
0x6e0: {  	[tilespmem:v9+s28+$0x0] =	vst.idx.msk $0xffff, v8  }
0x6e1: {  	[tilespmem:v12+s28+$0x0] =	vst.idx.msk $0xffff, v11  }
0x6e2: {  	v9 =	vadd.s32 v2, v10;
	v8 =	vld [tilespmem:s5+$0xFFFFF000]  }
0x6e3: {  	v12 =	vadd.s32 v3, v10;
	v11 =	vld [tilespmem:s5+$0xFFFFF010];
	_ =	sdelay $0x3  }
0x6e4: {  	[tilespmem:v9+s28+$0x0] =	vst.idx.msk $0xffff, v8  }
0x6e5: {  	[tilespmem:v12+s28+$0x0] =	vst.idx.msk $0xffff, v11  }
0x6e6: {  	v9 =	vadd.s32 v4, v10;
	v8 =	vld [tilespmem:s5+$0x0]  }
0x6e7: {  	v12 =	vadd.s32 v5, v10;
	v11 =	vld [tilespmem:s5+$0x10];
	_ =	sdelay $0x3  }
0x6e8: {  	[tilespmem:v9+s28+$0x0] =	vst.idx.msk $0xffff, v8  }
0x6e9: {  	[tilespmem:v12+s28+$0x0] =	vst.idx.msk $0xffff, v11  }
0x6ea: {  	v12 =	vadd.s32 v6, v10;
	v11 =	vld [tilespmem:s5+$0x1000]  }
.Ltmp6:
0x6eb: {  	v9 =	vadd.s32 v7, v10;
	v8 =	vld [tilespmem:s5+$0x1010];
	(pc) =	sbr.rel @p0 .LBB2_14-.Ltmp6, $2  }
0x6ec: {  	_ =	sdelay $0x2  }
0x6ed: {  	v10 =	vmov s11;
	[tilespmem:v12+s28+$0x0] =	vst.idx.msk $0xffff, v11  }
0x6ee: {  	_ =	sdelay $0x3  }
0x6ef: {  	v10 =	vand.u32 $0x7F, v10;
	[tilespmem:v9+s28+$0x0] =	vst.idx.msk $0xffff, v8;
	s5 =	sadd.s32 $0x20, s5  }
0x6f0: {  	v8 =	vld [tilespmem:s5+$0xFFFFE000];
	v58 =	vadd.s32 v0, v10  }
0x6f1: {  	v11 =	vld [tilespmem:s5+$0xFFFFE010];
	v12 =	vadd.s32 v1, v10;
	_ =	sdelay $0x3  }
0x6f2: {  	[tilespmem:v58+s28+$0x0] =	vst.idx.msk $0xffff, v8  }
0x6f3: {  	[tilespmem:v12+s28+$0x0] =	vst.idx.msk $0xffff, v11  }
0x6f4: {  	v59 =	vadd.s32 v2, v10;
	v8 =	vld [tilespmem:s5+$0xFFFFF000]  }
0x6f5: {  	v60 =	vadd.s32 v3, v10;
	v11 =	vld [tilespmem:s5+$0xFFFFF010];
	_ =	sdelay $0x3  }
0x6f6: {  	[tilespmem:v59+s28+$0x0] =	vst.idx.msk $0xffff, v8  }
0x6f7: {  	[tilespmem:v60+s28+$0x0] =	vst.idx.msk $0xffff, v11  }
0x6f8: {  	v61 =	vadd.s32 v4, v10;
	v8 =	vld [tilespmem:s5+$0x0]  }
0x6f9: {  	v62 =	vadd.s32 v5, v10;
	v11 =	vld [tilespmem:s5+$0x10];
	_ =	sdelay $0x3  }
0x6fa: {  	[tilespmem:v61+s28+$0x0] =	vst.idx.msk $0xffff, v8  }
0x6fb: {  	[tilespmem:v62+s28+$0x0] =	vst.idx.msk $0xffff, v11  }
0x6fc: {  	v63 =	vadd.s32 v6, v10;
	v8 =	vld [tilespmem:s5+$0x1000]  }
0x6fd: {  	v10 =	vadd.s32 v7, v10;
	v11 =	vld [tilespmem:s5+$0x1010];
	_ =	sdelay $0x3  }
0x6fe: {  	[tilespmem:v63+s28+$0x0] =	vst.idx.msk $0xffff, v8  }
0x6ff: {  	[tilespmem:v10+s28+$0x0] =	vst.idx.msk $0xffff, v11  }
0x700: {  	[hbm4b:s22+s3] =	stream.linear.scatter [tilespmem:s28], [sflag:$0x4], $0x80, $0x38;
	[tilespmem:$0x13000] =	vst v63  }
0x701: {  	s15 =	sadd.s32 $0x10, s22;
	s10 =	simm.s32 $0xEC88  }
0x702: {  	[hbm4b:s15+s3] =	stream.linear.scatter [tilespmem:s10], [sflag:$0x4], $0x80, $0x38;
	[tilespmem:$0x13000] =	vst v63  }
0x703: {  	s11 =	sadd.s32 $0x20, s22;
	s13 =	simm.s32 $0xED10  }
0x704: {  	[hbm4b:s11+s3] =	stream.linear.scatter [tilespmem:s13], [sflag:$0x4], $0x80, $0x38;
	[tilespmem:$0x13000] =	vst v63  }
0x705: {  	s14 =	sadd.s32 $0x30, s22;
	s15 =	simm.s32 $0xED98  }
0x706: {  	[hbm4b:s14+s3] =	stream.linear.scatter [tilespmem:s15], [sflag:$0x4], $0x80, $0x38;
	[tilespmem:$0x13000] =	vst v63  }
0x707: {  	s11 =	sadd.s32 $0x40, s22;
	s13 =	simm.s32 $0xEE20  }
0x708: {  	[hbm4b:s11+s3] =	stream.linear.scatter [tilespmem:s13], [sflag:$0x4], $0x80, $0x38;
	[tilespmem:$0x13000] =	vst v63  }
0x709: {  	s14 =	sadd.s32 $0x50, s22;
	s15 =	simm.s32 $0xEEA8  }
0x70a: {  	[hbm4b:s14+s3] =	stream.linear.scatter [tilespmem:s15], [sflag:$0x4], $0x80, $0x38;
	[tilespmem:$0x13000] =	vst v63  }
0x70b: {  	s11 =	sadd.s32 $0x60, s22;
	s13 =	simm.s32 $0xEF30  }
0x70c: {  	[hbm4b:s11+s3] =	stream.linear.scatter [tilespmem:s13], [sflag:$0x4], $0x80, $0x38;
	[tilespmem:$0x13000] =	vst v63  }
0x70d: {  	s14 =	sadd.s32 $0x70, s22;
	s15 =	simm.s32 $0xEFB8  }
0x70e: {  	[hbm4b:s14+s3] =	stream.linear.scatter [tilespmem:s15], [sflag:$0x4], $0x80, $0x38;
	[tilespmem:$0x13000] =	vst v63  }
0x70f: {  	s11 =	sadd.s32 $0x4000, s22;
	s13 =	simm.s32 $0xF040  }
0x710: {  	[hbm4b:s11+s3] =	stream.linear.scatter [tilespmem:s13], [sflag:$0x4], $0x80, $0x38;
	[tilespmem:$0x13000] =	vst v63  }
0x711: {  	s14 =	sadd.s32 $0x4010, s22;
	s15 =	simm.s32 $0xF0C8  }
0x712: {  	[hbm4b:s14+s3] =	stream.linear.scatter [tilespmem:s15], [sflag:$0x4], $0x80, $0x38;
	[tilespmem:$0x13000] =	vst v63  }
0x713: {  	s11 =	sadd.s32 $0x4020, s22;
	s13 =	simm.s32 $0xF150  }
0x714: {  	[hbm4b:s11+s3] =	stream.linear.scatter [tilespmem:s13], [sflag:$0x4], $0x80, $0x38;
	[tilespmem:$0x13000] =	vst v63  }
0x715: {  	s14 =	sadd.s32 $0x4030, s22;
	s15 =	simm.s32 $0xF1D8  }
0x716: {  	[hbm4b:s14+s3] =	stream.linear.scatter [tilespmem:s15], [sflag:$0x4], $0x80, $0x38;
	[tilespmem:$0x13000] =	vst v63  }
0x717: {  	s11 =	sadd.s32 $0x4040, s22;
	s13 =	simm.s32 $0xF260  }
0x718: {  	[hbm4b:s11+s3] =	stream.linear.scatter [tilespmem:s13], [sflag:$0x4], $0x80, $0x38;
	[tilespmem:$0x13000] =	vst v63  }
0x719: {  	s14 =	sadd.s32 $0x4050, s22;
	s15 =	simm.s32 $0xF2E8  }
0x71a: {  	[hbm4b:s14+s3] =	stream.linear.scatter [tilespmem:s15], [sflag:$0x4], $0x80, $0x38;
	[tilespmem:$0x13000] =	vst v63  }
0x71b: {  	s11 =	sadd.s32 $0x4060, s22;
	s13 =	simm.s32 $0xF370  }
0x71c: {  	[hbm4b:s11+s3] =	stream.linear.scatter [tilespmem:s13], [sflag:$0x4], $0x80, $0x38;
	[tilespmem:$0x13000] =	vst v63  }
0x71d: {  	s14 =	sadd.s32 $0x4070, s22;
	s15 =	simm.s32 $0xF3F8  }
0x71e: {  	[hbm4b:s14+s3] =	stream.linear.scatter [tilespmem:s15], [sflag:$0x4], $0x80, $0x38;
	[tilespmem:$0x13000] =	vst v63  }
0x71f: {  	s11 =	sadd.s32 $0x8000, s22;
	s13 =	simm.s32 $0xF480  }
0x720: {  	[hbm4b:s11+s3] =	stream.linear.scatter [tilespmem:s13], [sflag:$0x4], $0x80, $0x38;
	[tilespmem:$0x13000] =	vst v63  }
0x721: {  	s14 =	sadd.s32 $0x8010, s22;
	s15 =	simm.s32 $0xF508  }
0x722: {  	[hbm4b:s14+s3] =	stream.linear.scatter [tilespmem:s15], [sflag:$0x4], $0x80, $0x38;
	[tilespmem:$0x13000] =	vst v63  }
0x723: {  	s11 =	sadd.s32 $0x8020, s22;
	s13 =	simm.s32 $0xF590  }
0x724: {  	[hbm4b:s11+s3] =	stream.linear.scatter [tilespmem:s13], [sflag:$0x4], $0x80, $0x38;
	[tilespmem:$0x13000] =	vst v63  }
0x725: {  	s14 =	sadd.s32 $0x8030, s22;
	s15 =	simm.s32 $0xF618  }
0x726: {  	[hbm4b:s14+s3] =	stream.linear.scatter [tilespmem:s15], [sflag:$0x4], $0x80, $0x38;
	[tilespmem:$0x13000] =	vst v63  }
0x727: {  	s11 =	sadd.s32 $0x8040, s22;
	s13 =	simm.s32 $0xF6A0  }
0x728: {  	[hbm4b:s11+s3] =	stream.linear.scatter [tilespmem:s13], [sflag:$0x4], $0x80, $0x38;
	[tilespmem:$0x13000] =	vst v63  }
0x729: {  	s14 =	sadd.s32 $0x8050, s22;
	s15 =	simm.s32 $0xF728  }
0x72a: {  	[hbm4b:s14+s3] =	stream.linear.scatter [tilespmem:s15], [sflag:$0x4], $0x80, $0x38;
	[tilespmem:$0x13000] =	vst v63  }
0x72b: {  	s11 =	sadd.s32 $0x8060, s22;
	s13 =	simm.s32 $0xF7B0  }
0x72c: {  	[hbm4b:s11+s3] =	stream.linear.scatter [tilespmem:s13], [sflag:$0x4], $0x80, $0x38;
	[tilespmem:$0x13000] =	vst v63  }
0x72d: {  	s14 =	sadd.s32 $0x8070, s22;
	s15 =	simm.s32 $0xF838  }
0x72e: {  	[hbm4b:s14+s3] =	stream.linear.scatter [tilespmem:s15], [sflag:$0x4], $0x80, $0x38;
	[tilespmem:$0x13000] =	vst v63  }
0x72f: {  	s11 =	sadd.s32 $0xC000, s22;
	s13 =	simm.s32 $0xF8C0  }
0x730: {  	[hbm4b:s11+s3] =	stream.linear.scatter [tilespmem:s13], [sflag:$0x4], $0x80, $0x38;
	[tilespmem:$0x13000] =	vst v63  }
0x731: {  	s14 =	sadd.s32 $0xC010, s22;
	s15 =	simm.s32 $0xF948  }
0x732: {  	[hbm4b:s14+s3] =	stream.linear.scatter [tilespmem:s15], [sflag:$0x4], $0x80, $0x38;
	[tilespmem:$0x13000] =	vst v63  }
0x733: {  	s11 =	sadd.s32 $0xC020, s22;
	s13 =	simm.s32 $0xF9D0  }
0x734: {  	[hbm4b:s11+s3] =	stream.linear.scatter [tilespmem:s13], [sflag:$0x4], $0x80, $0x38;
	[tilespmem:$0x13000] =	vst v63  }
0x735: {  	s14 =	sadd.s32 $0xC030, s22;
	s15 =	simm.s32 $0xFA58  }
0x736: {  	[hbm4b:s14+s3] =	stream.linear.scatter [tilespmem:s15], [sflag:$0x4], $0x80, $0x38;
	[tilespmem:$0x13000] =	vst v63  }
0x737: {  	s11 =	sadd.s32 $0xC040, s22;
	s13 =	simm.s32 $0xFAE0  }
0x738: {  	[hbm4b:s11+s3] =	stream.linear.scatter [tilespmem:s13], [sflag:$0x4], $0x80, $0x38;
	[tilespmem:$0x13000] =	vst v63  }
0x739: {  	s14 =	sadd.s32 $0xC050, s22;
	s15 =	simm.s32 $0xFB68  }
0x73a: {  	[hbm4b:s14+s3] =	stream.linear.scatter [tilespmem:s15], [sflag:$0x4], $0x80, $0x38;
	[tilespmem:$0x13000] =	vst v63  }
0x73b: {  	s11 =	sadd.s32 $0xC060, s22;
	s13 =	simm.s32 $0xFBF0  }
0x73c: {  	[hbm4b:s11+s3] =	stream.linear.scatter [tilespmem:s13], [sflag:$0x4], $0x80, $0x38;
	[tilespmem:$0x13000] =	vst v63  }
0x73d: {  	s14 =	sadd.s32 $0xC070, s22;
	s15 =	simm.s32 $0xFC78  }
0x73e: {  	[hbm4b:s14+s3] =	stream.linear.scatter [tilespmem:s15], [sflag:$0x4], $0x80, $0x38;
	[tilespmem:$0x13000] =	vst v63  }
0x73f: {  	s10 =	simm.s32 $0xFD00  }
0x740: {  	[hbm4b:s23+s3] =	stream.linear.scatter [tilespmem:s10], [sflag:$0x4], $0x80, $0x38;
	[tilespmem:$0x13000] =	vst v63  }
0x741: {  	s11 =	sadd.s32 $0x10, s23;
	s13 =	simm.s32 $0xFD88  }
0x742: {  	[hbm4b:s11+s3] =	stream.linear.scatter [tilespmem:s13], [sflag:$0x4], $0x80, $0x38;
	[tilespmem:$0x13000] =	vst v63  }
0x743: {  	s14 =	sadd.s32 $0x20, s23;
	s15 =	simm.s32 $0xFE10  }
0x744: {  	[hbm4b:s14+s3] =	stream.linear.scatter [tilespmem:s15], [sflag:$0x4], $0x80, $0x38;
	[tilespmem:$0x13000] =	vst v63  }
0x745: {  	s11 =	sadd.s32 $0x30, s23;
	s13 =	simm.s32 $0xFE98  }
0x746: {  	[hbm4b:s11+s3] =	stream.linear.scatter [tilespmem:s13], [sflag:$0x4], $0x80, $0x38;
	[tilespmem:$0x13000] =	vst v63  }
0x747: {  	s14 =	sadd.s32 $0x40, s23;
	s15 =	simm.s32 $0xFF20  }
0x748: {  	[hbm4b:s14+s3] =	stream.linear.scatter [tilespmem:s15], [sflag:$0x4], $0x80, $0x38;
	[tilespmem:$0x13000] =	vst v63  }
0x749: {  	s11 =	sadd.s32 $0x50, s23;
	s13 =	simm.s32 $0xFFA8  }
0x74a: {  	[hbm4b:s11+s3] =	stream.linear.scatter [tilespmem:s13], [sflag:$0x4], $0x80, $0x38;
	[tilespmem:$0x13000] =	vst v63  }
0x74b: {  	s14 =	sadd.s32 $0x60, s23;
	s15 =	simm.s32 $0x10030  }
0x74c: {  	[hbm4b:s14+s3] =	stream.linear.scatter [tilespmem:s15], [sflag:$0x4], $0x80, $0x38;
	[tilespmem:$0x13000] =	vst v63  }
0x74d: {  	s11 =	sadd.s32 $0x70, s23;
	s13 =	simm.s32 $0x100B8  }
0x74e: {  	[hbm4b:s11+s3] =	stream.linear.scatter [tilespmem:s13], [sflag:$0x4], $0x80, $0x38;
	[tilespmem:$0x13000] =	vst v63  }
0x74f: {  	s14 =	sadd.s32 $0x4000, s23;
	s15 =	simm.s32 $0x10140  }
0x750: {  	[hbm4b:s14+s3] =	stream.linear.scatter [tilespmem:s15], [sflag:$0x4], $0x80, $0x38;
	[tilespmem:$0x13000] =	vst v63  }
0x751: {  	s11 =	sadd.s32 $0x4010, s23;
	s13 =	simm.s32 $0x101C8  }
0x752: {  	[hbm4b:s11+s3] =	stream.linear.scatter [tilespmem:s13], [sflag:$0x4], $0x80, $0x38;
	[tilespmem:$0x13000] =	vst v63  }
0x753: {  	s14 =	sadd.s32 $0x4020, s23;
	s15 =	simm.s32 $0x10250  }
0x754: {  	[hbm4b:s14+s3] =	stream.linear.scatter [tilespmem:s15], [sflag:$0x4], $0x80, $0x38;
	[tilespmem:$0x13000] =	vst v63  }
0x755: {  	s11 =	sadd.s32 $0x4030, s23;
	s13 =	simm.s32 $0x102D8  }
0x756: {  	[hbm4b:s11+s3] =	stream.linear.scatter [tilespmem:s13], [sflag:$0x4], $0x80, $0x38;
	[tilespmem:$0x13000] =	vst v63  }
0x757: {  	s14 =	sadd.s32 $0x4040, s23;
	s15 =	simm.s32 $0x10360  }
0x758: {  	[hbm4b:s14+s3] =	stream.linear.scatter [tilespmem:s15], [sflag:$0x4], $0x80, $0x38;
	[tilespmem:$0x13000] =	vst v63  }
0x759: {  	s11 =	sadd.s32 $0x4050, s23;
	s13 =	simm.s32 $0x103E8  }
0x75a: {  	[hbm4b:s11+s3] =	stream.linear.scatter [tilespmem:s13], [sflag:$0x4], $0x80, $0x38;
	[tilespmem:$0x13000] =	vst v63  }
0x75b: {  	s14 =	sadd.s32 $0x4060, s23;
	s15 =	simm.s32 $0x10470  }
0x75c: {  	[hbm4b:s14+s3] =	stream.linear.scatter [tilespmem:s15], [sflag:$0x4], $0x80, $0x38;
	[tilespmem:$0x13000] =	vst v63  }
0x75d: {  	s11 =	sadd.s32 $0x4070, s23;
	s13 =	simm.s32 $0x104F8  }
0x75e: {  	[hbm4b:s11+s3] =	stream.linear.scatter [tilespmem:s13], [sflag:$0x4], $0x80, $0x38;
	[tilespmem:$0x13000] =	vst v63  }
0x75f: {  	s14 =	sadd.s32 $0x8000, s23;
	s15 =	simm.s32 $0x10580  }
0x760: {  	[hbm4b:s14+s3] =	stream.linear.scatter [tilespmem:s15], [sflag:$0x4], $0x80, $0x38;
	[tilespmem:$0x13000] =	vst v63  }
0x761: {  	s11 =	sadd.s32 $0x8010, s23;
	s13 =	simm.s32 $0x10608  }
0x762: {  	[hbm4b:s11+s3] =	stream.linear.scatter [tilespmem:s13], [sflag:$0x4], $0x80, $0x38;
	[tilespmem:$0x13000] =	vst v63  }
0x763: {  	s14 =	sadd.s32 $0x8020, s23;
	s15 =	simm.s32 $0x10690  }
0x764: {  	[hbm4b:s14+s3] =	stream.linear.scatter [tilespmem:s15], [sflag:$0x4], $0x80, $0x38;
	[tilespmem:$0x13000] =	vst v63  }
0x765: {  	s11 =	sadd.s32 $0x8030, s23;
	s13 =	simm.s32 $0x10718  }
0x766: {  	[hbm4b:s11+s3] =	stream.linear.scatter [tilespmem:s13], [sflag:$0x4], $0x80, $0x38;
	[tilespmem:$0x13000] =	vst v63  }
0x767: {  	s14 =	sadd.s32 $0x8040, s23;
	s15 =	simm.s32 $0x107A0  }
0x768: {  	[hbm4b:s14+s3] =	stream.linear.scatter [tilespmem:s15], [sflag:$0x4], $0x80, $0x38;
	[tilespmem:$0x13000] =	vst v63  }
0x769: {  	s11 =	sadd.s32 $0x8050, s23;
	s13 =	simm.s32 $0x10828  }
0x76a: {  	[hbm4b:s11+s3] =	stream.linear.scatter [tilespmem:s13], [sflag:$0x4], $0x80, $0x38;
	[tilespmem:$0x13000] =	vst v63  }
0x76b: {  	s14 =	sadd.s32 $0x8060, s23;
	s15 =	simm.s32 $0x108B0  }
0x76c: {  	[hbm4b:s14+s3] =	stream.linear.scatter [tilespmem:s15], [sflag:$0x4], $0x80, $0x38;
	[tilespmem:$0x13000] =	vst v63  }
0x76d: {  	s11 =	sadd.s32 $0x8070, s23;
	s13 =	simm.s32 $0x10938  }
0x76e: {  	[hbm4b:s11+s3] =	stream.linear.scatter [tilespmem:s13], [sflag:$0x4], $0x80, $0x38;
	[tilespmem:$0x13000] =	vst v63  }
0x76f: {  	s14 =	sadd.s32 $0xC000, s23;
	s15 =	simm.s32 $0x109C0  }
0x770: {  	[hbm4b:s14+s3] =	stream.linear.scatter [tilespmem:s15], [sflag:$0x4], $0x80, $0x38;
	[tilespmem:$0x13000] =	vst v63  }
0x771: {  	s11 =	sadd.s32 $0xC010, s23;
	s13 =	simm.s32 $0x10A48  }
0x772: {  	[hbm4b:s11+s3] =	stream.linear.scatter [tilespmem:s13], [sflag:$0x4], $0x80, $0x38;
	[tilespmem:$0x13000] =	vst v63  }
0x773: {  	s14 =	sadd.s32 $0xC020, s23;
	s15 =	simm.s32 $0x10AD0  }
0x774: {  	[hbm4b:s14+s3] =	stream.linear.scatter [tilespmem:s15], [sflag:$0x4], $0x80, $0x38;
	[tilespmem:$0x13000] =	vst v63  }
0x775: {  	s11 =	sadd.s32 $0xC030, s23;
	s13 =	simm.s32 $0x10B58  }
0x776: {  	[hbm4b:s11+s3] =	stream.linear.scatter [tilespmem:s13], [sflag:$0x4], $0x80, $0x38;
	[tilespmem:$0x13000] =	vst v63  }
0x777: {  	s14 =	sadd.s32 $0xC040, s23;
	s15 =	simm.s32 $0x10BE0  }
0x778: {  	[hbm4b:s14+s3] =	stream.linear.scatter [tilespmem:s15], [sflag:$0x4], $0x80, $0x38;
	[tilespmem:$0x13000] =	vst v63  }
0x779: {  	s11 =	sadd.s32 $0xC050, s23;
	s13 =	simm.s32 $0x10C68  }
0x77a: {  	[hbm4b:s11+s3] =	stream.linear.scatter [tilespmem:s13], [sflag:$0x4], $0x80, $0x38;
	[tilespmem:$0x13000] =	vst v63  }
0x77b: {  	s14 =	sadd.s32 $0xC060, s23;
	s15 =	simm.s32 $0x10CF0  }
0x77c: {  	[hbm4b:s14+s3] =	stream.linear.scatter [tilespmem:s15], [sflag:$0x4], $0x80, $0x38;
	[tilespmem:$0x13000] =	vst v63  }
0x77d: {  	s10 =	sadd.s32 $0xC070, s23;
	s11 =	simm.s32 $0x10D78  }
0x77e: {  	[hbm4b:s10+s3] =	stream.linear.scatter [tilespmem:s11], [sflag:$0x4], $0x80, $0x38;
	[tilespmem:$0x13000] =	vst v63  }
0x77f: {  	s13 =	simm.s32 $0x10E00  }
0x780: {  	[hbm4b:s24+s3] =	stream.linear.scatter [tilespmem:s13], [sflag:$0x4], $0x80, $0x38;
	[tilespmem:$0x13000] =	vst v63  }
0x781: {  	s14 =	sadd.s32 $0x10, s24;
	s15 =	simm.s32 $0x10E88  }
0x782: {  	[hbm4b:s14+s3] =	stream.linear.scatter [tilespmem:s15], [sflag:$0x4], $0x80, $0x38;
	[tilespmem:$0x13000] =	vst v63  }
0x783: {  	s11 =	sadd.s32 $0x20, s24;
	s13 =	simm.s32 $0x10F10  }
0x784: {  	[hbm4b:s11+s3] =	stream.linear.scatter [tilespmem:s13], [sflag:$0x4], $0x80, $0x38;
	[tilespmem:$0x13000] =	vst v63  }
0x785: {  	s14 =	sadd.s32 $0x30, s24;
	s15 =	simm.s32 $0x10F98  }
0x786: {  	[hbm4b:s14+s3] =	stream.linear.scatter [tilespmem:s15], [sflag:$0x4], $0x80, $0x38;
	[tilespmem:$0x13000] =	vst v63  }
0x787: {  	s11 =	sadd.s32 $0x40, s24;
	s13 =	simm.s32 $0x11020  }
0x788: {  	[hbm4b:s11+s3] =	stream.linear.scatter [tilespmem:s13], [sflag:$0x4], $0x80, $0x38;
	[tilespmem:$0x13000] =	vst v63  }
0x789: {  	s14 =	sadd.s32 $0x50, s24;
	s15 =	simm.s32 $0x110A8  }
0x78a: {  	[hbm4b:s14+s3] =	stream.linear.scatter [tilespmem:s15], [sflag:$0x4], $0x80, $0x38;
	[tilespmem:$0x13000] =	vst v63  }
0x78b: {  	s11 =	sadd.s32 $0x60, s24;
	s13 =	simm.s32 $0x11130  }
0x78c: {  	[hbm4b:s11+s3] =	stream.linear.scatter [tilespmem:s13], [sflag:$0x4], $0x80, $0x38;
	[tilespmem:$0x13000] =	vst v63  }
0x78d: {  	s14 =	sadd.s32 $0x70, s24;
	s15 =	simm.s32 $0x111B8  }
0x78e: {  	[hbm4b:s14+s3] =	stream.linear.scatter [tilespmem:s15], [sflag:$0x4], $0x80, $0x38;
	[tilespmem:$0x13000] =	vst v63  }
0x78f: {  	s11 =	sadd.s32 $0x4000, s24;
	s13 =	simm.s32 $0x11240  }
0x790: {  	[hbm4b:s11+s3] =	stream.linear.scatter [tilespmem:s13], [sflag:$0x4], $0x80, $0x38;
	[tilespmem:$0x13000] =	vst v63  }
0x791: {  	s14 =	sadd.s32 $0x4010, s24;
	s15 =	simm.s32 $0x112C8  }
0x792: {  	[hbm4b:s14+s3] =	stream.linear.scatter [tilespmem:s15], [sflag:$0x4], $0x80, $0x38;
	[tilespmem:$0x13000] =	vst v63  }
0x793: {  	s11 =	sadd.s32 $0x4020, s24;
	s13 =	simm.s32 $0x11350  }
0x794: {  	[hbm4b:s11+s3] =	stream.linear.scatter [tilespmem:s13], [sflag:$0x4], $0x80, $0x38;
	[tilespmem:$0x13000] =	vst v63  }
0x795: {  	s14 =	sadd.s32 $0x4030, s24;
	s15 =	simm.s32 $0x113D8  }
0x796: {  	[hbm4b:s14+s3] =	stream.linear.scatter [tilespmem:s15], [sflag:$0x4], $0x80, $0x38;
	[tilespmem:$0x13000] =	vst v63  }
0x797: {  	s11 =	sadd.s32 $0x4040, s24;
	s13 =	simm.s32 $0x11460  }
0x798: {  	[hbm4b:s11+s3] =	stream.linear.scatter [tilespmem:s13], [sflag:$0x4], $0x80, $0x38;
	[tilespmem:$0x13000] =	vst v63  }
0x799: {  	s14 =	sadd.s32 $0x4050, s24;
	s15 =	simm.s32 $0x114E8  }
0x79a: {  	[hbm4b:s14+s3] =	stream.linear.scatter [tilespmem:s15], [sflag:$0x4], $0x80, $0x38;
	[tilespmem:$0x13000] =	vst v63  }
0x79b: {  	s11 =	sadd.s32 $0x4060, s24;
	s13 =	simm.s32 $0x11570  }
0x79c: {  	[hbm4b:s11+s3] =	stream.linear.scatter [tilespmem:s13], [sflag:$0x4], $0x80, $0x38;
	[tilespmem:$0x13000] =	vst v63  }
0x79d: {  	s14 =	sadd.s32 $0x4070, s24;
	s15 =	simm.s32 $0x115F8  }
0x79e: {  	[hbm4b:s14+s3] =	stream.linear.scatter [tilespmem:s15], [sflag:$0x4], $0x80, $0x38;
	[tilespmem:$0x13000] =	vst v63  }
0x79f: {  	s11 =	sadd.s32 $0x8000, s24;
	s13 =	simm.s32 $0x11680  }
0x7a0: {  	[hbm4b:s11+s3] =	stream.linear.scatter [tilespmem:s13], [sflag:$0x4], $0x80, $0x38;
	[tilespmem:$0x13000] =	vst v63  }
0x7a1: {  	s14 =	sadd.s32 $0x8010, s24;
	s15 =	simm.s32 $0x11708  }
0x7a2: {  	[hbm4b:s14+s3] =	stream.linear.scatter [tilespmem:s15], [sflag:$0x4], $0x80, $0x38;
	[tilespmem:$0x13000] =	vst v63  }
0x7a3: {  	s11 =	sadd.s32 $0x8020, s24;
	s13 =	simm.s32 $0x11790  }
0x7a4: {  	[hbm4b:s11+s3] =	stream.linear.scatter [tilespmem:s13], [sflag:$0x4], $0x80, $0x38;
	[tilespmem:$0x13000] =	vst v63  }
0x7a5: {  	s14 =	sadd.s32 $0x8030, s24;
	s15 =	simm.s32 $0x11818  }
0x7a6: {  	[hbm4b:s14+s3] =	stream.linear.scatter [tilespmem:s15], [sflag:$0x4], $0x80, $0x38;
	[tilespmem:$0x13000] =	vst v63  }
0x7a7: {  	s11 =	sadd.s32 $0x8040, s24;
	s13 =	simm.s32 $0x118A0  }
0x7a8: {  	[hbm4b:s11+s3] =	stream.linear.scatter [tilespmem:s13], [sflag:$0x4], $0x80, $0x38;
	[tilespmem:$0x13000] =	vst v63  }
0x7a9: {  	s14 =	sadd.s32 $0x8050, s24;
	s15 =	simm.s32 $0x11928  }
0x7aa: {  	[hbm4b:s14+s3] =	stream.linear.scatter [tilespmem:s15], [sflag:$0x4], $0x80, $0x38;
	[tilespmem:$0x13000] =	vst v63  }
0x7ab: {  	s11 =	sadd.s32 $0x8060, s24;
	s13 =	simm.s32 $0x119B0  }
0x7ac: {  	[hbm4b:s11+s3] =	stream.linear.scatter [tilespmem:s13], [sflag:$0x4], $0x80, $0x38;
	[tilespmem:$0x13000] =	vst v63  }
0x7ad: {  	s14 =	sadd.s32 $0x8070, s24;
	s15 =	simm.s32 $0x11A38  }
0x7ae: {  	[hbm4b:s14+s3] =	stream.linear.scatter [tilespmem:s15], [sflag:$0x4], $0x80, $0x38;
	[tilespmem:$0x13000] =	vst v63  }
0x7af: {  	s11 =	sadd.s32 $0xC000, s24;
	s13 =	simm.s32 $0x11AC0  }
0x7b0: {  	[hbm4b:s11+s3] =	stream.linear.scatter [tilespmem:s13], [sflag:$0x4], $0x80, $0x38;
	[tilespmem:$0x13000] =	vst v63  }
0x7b1: {  	s14 =	sadd.s32 $0xC010, s24;
	s15 =	simm.s32 $0x11B48  }
0x7b2: {  	[hbm4b:s14+s3] =	stream.linear.scatter [tilespmem:s15], [sflag:$0x4], $0x80, $0x38;
	[tilespmem:$0x13000] =	vst v63  }
0x7b3: {  	s11 =	sadd.s32 $0xC020, s24;
	s13 =	simm.s32 $0x11BD0  }
0x7b4: {  	[hbm4b:s11+s3] =	stream.linear.scatter [tilespmem:s13], [sflag:$0x4], $0x80, $0x38;
	[tilespmem:$0x13000] =	vst v63  }
0x7b5: {  	s14 =	sadd.s32 $0xC030, s24;
	s15 =	simm.s32 $0x11C58  }
0x7b6: {  	[hbm4b:s14+s3] =	stream.linear.scatter [tilespmem:s15], [sflag:$0x4], $0x80, $0x38;
	[tilespmem:$0x13000] =	vst v63  }
0x7b7: {  	s11 =	sadd.s32 $0xC040, s24;
	s13 =	simm.s32 $0x11CE0  }
0x7b8: {  	[hbm4b:s11+s3] =	stream.linear.scatter [tilespmem:s13], [sflag:$0x4], $0x80, $0x38;
	[tilespmem:$0x13000] =	vst v63  }
0x7b9: {  	s14 =	sadd.s32 $0xC050, s24;
	s15 =	simm.s32 $0x11D68  }
0x7ba: {  	[hbm4b:s14+s3] =	stream.linear.scatter [tilespmem:s15], [sflag:$0x4], $0x80, $0x38;
	[tilespmem:$0x13000] =	vst v63  }
0x7bb: {  	s11 =	sadd.s32 $0xC060, s24;
	s13 =	simm.s32 $0x11DF0  }
0x7bc: {  	[hbm4b:s11+s3] =	stream.linear.scatter [tilespmem:s13], [sflag:$0x4], $0x80, $0x38;
	[tilespmem:$0x13000] =	vst v63  }
0x7bd: {  	s14 =	sadd.s32 $0xC070, s24;
	s15 =	simm.s32 $0x11E78  }
0x7be: {  	[hbm4b:s14+s3] =	stream.linear.scatter [tilespmem:s15], [sflag:$0x4], $0x80, $0x38;
	[tilespmem:$0x13000] =	vst v63  }
0x7bf: {  	s10 =	simm.s32 $0x11F00  }
0x7c0: {  	[hbm4b:s26+s3] =	stream.linear.scatter [tilespmem:s10], [sflag:$0x4], $0x80, $0x38;
	[tilespmem:$0x13000] =	vst v63  }
0x7c1: {  	s11 =	sadd.s32 $0x10, s26;
	s13 =	simm.s32 $0x11F88  }
0x7c2: {  	[hbm4b:s11+s3] =	stream.linear.scatter [tilespmem:s13], [sflag:$0x4], $0x80, $0x38;
	[tilespmem:$0x13000] =	vst v63  }
0x7c3: {  	s14 =	sadd.s32 $0x20, s26;
	s15 =	simm.s32 $0x12010  }
0x7c4: {  	[hbm4b:s14+s3] =	stream.linear.scatter [tilespmem:s15], [sflag:$0x4], $0x80, $0x38;
	[tilespmem:$0x13000] =	vst v63  }
0x7c5: {  	s11 =	sadd.s32 $0x30, s26;
	s13 =	simm.s32 $0x12098  }
0x7c6: {  	[hbm4b:s11+s3] =	stream.linear.scatter [tilespmem:s13], [sflag:$0x4], $0x80, $0x38;
	[tilespmem:$0x13000] =	vst v63  }
0x7c7: {  	s14 =	sadd.s32 $0x40, s26;
	s15 =	simm.s32 $0x12120  }
0x7c8: {  	[hbm4b:s14+s3] =	stream.linear.scatter [tilespmem:s15], [sflag:$0x4], $0x80, $0x38;
	[tilespmem:$0x13000] =	vst v63  }
0x7c9: {  	s11 =	sadd.s32 $0x50, s26;
	s13 =	simm.s32 $0x121A8  }
0x7ca: {  	[hbm4b:s11+s3] =	stream.linear.scatter [tilespmem:s13], [sflag:$0x4], $0x80, $0x38;
	[tilespmem:$0x13000] =	vst v63  }
0x7cb: {  	s14 =	sadd.s32 $0x60, s26;
	s15 =	simm.s32 $0x12230  }
0x7cc: {  	[hbm4b:s14+s3] =	stream.linear.scatter [tilespmem:s15], [sflag:$0x4], $0x80, $0x38;
	[tilespmem:$0x13000] =	vst v63  }
0x7cd: {  	s11 =	sadd.s32 $0x70, s26;
	s13 =	simm.s32 $0x122B8  }
0x7ce: {  	[hbm4b:s11+s3] =	stream.linear.scatter [tilespmem:s13], [sflag:$0x4], $0x80, $0x38;
	[tilespmem:$0x13000] =	vst v63  }
0x7cf: {  	s14 =	sadd.s32 $0x4000, s26;
	s15 =	simm.s32 $0x12340  }
0x7d0: {  	[hbm4b:s14+s3] =	stream.linear.scatter [tilespmem:s15], [sflag:$0x4], $0x80, $0x38;
	[tilespmem:$0x13000] =	vst v63  }
0x7d1: {  	s11 =	sadd.s32 $0x4010, s26;
	s13 =	simm.s32 $0x123C8  }
0x7d2: {  	[hbm4b:s11+s3] =	stream.linear.scatter [tilespmem:s13], [sflag:$0x4], $0x80, $0x38;
	[tilespmem:$0x13000] =	vst v63  }
0x7d3: {  	s14 =	sadd.s32 $0x4020, s26;
	s15 =	simm.s32 $0x12450  }
0x7d4: {  	[hbm4b:s14+s3] =	stream.linear.scatter [tilespmem:s15], [sflag:$0x4], $0x80, $0x38;
	[tilespmem:$0x13000] =	vst v63  }
0x7d5: {  	s11 =	sadd.s32 $0x4030, s26;
	s13 =	simm.s32 $0x124D8  }
0x7d6: {  	[hbm4b:s11+s3] =	stream.linear.scatter [tilespmem:s13], [sflag:$0x4], $0x80, $0x38;
	[tilespmem:$0x13000] =	vst v63  }
0x7d7: {  	s14 =	sadd.s32 $0x4040, s26;
	s15 =	simm.s32 $0x12560  }
0x7d8: {  	[hbm4b:s14+s3] =	stream.linear.scatter [tilespmem:s15], [sflag:$0x4], $0x80, $0x38;
	[tilespmem:$0x13000] =	vst v63  }
0x7d9: {  	s11 =	sadd.s32 $0x4050, s26;
	s13 =	simm.s32 $0x125E8  }
0x7da: {  	[hbm4b:s11+s3] =	stream.linear.scatter [tilespmem:s13], [sflag:$0x4], $0x80, $0x38;
	[tilespmem:$0x13000] =	vst v63  }
0x7db: {  	s14 =	sadd.s32 $0x4060, s26;
	s15 =	simm.s32 $0x12670  }
0x7dc: {  	[hbm4b:s14+s3] =	stream.linear.scatter [tilespmem:s15], [sflag:$0x4], $0x80, $0x38;
	[tilespmem:$0x13000] =	vst v63  }
0x7dd: {  	s11 =	sadd.s32 $0x4070, s26;
	s13 =	simm.s32 $0x126F8  }
0x7de: {  	[hbm4b:s11+s3] =	stream.linear.scatter [tilespmem:s13], [sflag:$0x4], $0x80, $0x38;
	[tilespmem:$0x13000] =	vst v63  }
0x7df: {  	s14 =	sadd.s32 $0x8000, s26;
	s15 =	simm.s32 $0x12780  }
0x7e0: {  	[hbm4b:s14+s3] =	stream.linear.scatter [tilespmem:s15], [sflag:$0x4], $0x80, $0x38;
	[tilespmem:$0x13000] =	vst v63  }
0x7e1: {  	s11 =	sadd.s32 $0x8010, s26;
	s13 =	simm.s32 $0x12808  }
0x7e2: {  	[hbm4b:s11+s3] =	stream.linear.scatter [tilespmem:s13], [sflag:$0x4], $0x80, $0x38;
	[tilespmem:$0x13000] =	vst v63  }
0x7e3: {  	s14 =	sadd.s32 $0x8020, s26;
	s15 =	simm.s32 $0x12890  }
0x7e4: {  	[hbm4b:s14+s3] =	stream.linear.scatter [tilespmem:s15], [sflag:$0x4], $0x80, $0x38;
	[tilespmem:$0x13000] =	vst v63  }
0x7e5: {  	s11 =	sadd.s32 $0x8030, s26;
	s13 =	simm.s32 $0x12918  }
0x7e6: {  	[hbm4b:s11+s3] =	stream.linear.scatter [tilespmem:s13], [sflag:$0x4], $0x80, $0x38;
	[tilespmem:$0x13000] =	vst v63  }
0x7e7: {  	s14 =	sadd.s32 $0x8040, s26;
	s15 =	simm.s32 $0x129A0  }
0x7e8: {  	[hbm4b:s14+s3] =	stream.linear.scatter [tilespmem:s15], [sflag:$0x4], $0x80, $0x38;
	[tilespmem:$0x13000] =	vst v63  }
0x7e9: {  	s11 =	sadd.s32 $0x8050, s26;
	s13 =	simm.s32 $0x12A28  }
0x7ea: {  	[hbm4b:s11+s3] =	stream.linear.scatter [tilespmem:s13], [sflag:$0x4], $0x80, $0x38;
	[tilespmem:$0x13000] =	vst v63  }
0x7eb: {  	s14 =	sadd.s32 $0x8060, s26;
	s15 =	simm.s32 $0x12AB0  }
0x7ec: {  	[hbm4b:s14+s3] =	stream.linear.scatter [tilespmem:s15], [sflag:$0x4], $0x80, $0x38;
	[tilespmem:$0x13000] =	vst v63  }
0x7ed: {  	s11 =	sadd.s32 $0x8070, s26;
	s13 =	simm.s32 $0x12B38  }
0x7ee: {  	[hbm4b:s11+s3] =	stream.linear.scatter [tilespmem:s13], [sflag:$0x4], $0x80, $0x38;
	[tilespmem:$0x13000] =	vst v63  }
0x7ef: {  	s14 =	sadd.s32 $0xC000, s26;
	s15 =	simm.s32 $0x12BC0  }
0x7f0: {  	[hbm4b:s14+s3] =	stream.linear.scatter [tilespmem:s15], [sflag:$0x4], $0x80, $0x38;
	[tilespmem:$0x13000] =	vst v63  }
0x7f1: {  	s11 =	sadd.s32 $0xC010, s26;
	s13 =	simm.s32 $0x12C48  }
0x7f2: {  	[hbm4b:s11+s3] =	stream.linear.scatter [tilespmem:s13], [sflag:$0x4], $0x80, $0x38;
	[tilespmem:$0x13000] =	vst v63  }
0x7f3: {  	s14 =	sadd.s32 $0xC020, s26;
	s15 =	simm.s32 $0x12CD0  }
0x7f4: {  	[hbm4b:s14+s3] =	stream.linear.scatter [tilespmem:s15], [sflag:$0x4], $0x80, $0x38;
	[tilespmem:$0x13000] =	vst v63  }
0x7f5: {  	s11 =	sadd.s32 $0xC030, s26;
	s13 =	simm.s32 $0x12D58  }
0x7f6: {  	[hbm4b:s11+s3] =	stream.linear.scatter [tilespmem:s13], [sflag:$0x4], $0x80, $0x38;
	[tilespmem:$0x13000] =	vst v63  }
0x7f7: {  	s14 =	sadd.s32 $0xC040, s26;
	s15 =	simm.s32 $0x12DE0  }
0x7f8: {  	[hbm4b:s14+s3] =	stream.linear.scatter [tilespmem:s15], [sflag:$0x4], $0x80, $0x38;
	[tilespmem:$0x13000] =	vst v63  }
0x7f9: {  	s11 =	sadd.s32 $0xC050, s26;
	s13 =	simm.s32 $0x12E68  }
0x7fa: {  	[hbm4b:s11+s3] =	stream.linear.scatter [tilespmem:s13], [sflag:$0x4], $0x80, $0x38;
	[tilespmem:$0x13000] =	vst v63  }
0x7fb: {  	s14 =	sadd.s32 $0xC060, s26;
	s15 =	simm.s32 $0x12EF0  }
0x7fc: {  	[hbm4b:s14+s3] =	stream.linear.scatter [tilespmem:s15], [sflag:$0x4], $0x80, $0x38;
	[tilespmem:$0x13000] =	vst v63  }
0x7fd: {  	s11 =	sadd.s32 $0xC070, s26;
	s13 =	simm.s32 $0x12F78  }
0x7fe: {  	[hbm4b:s11+s3] =	stream.linear.scatter [tilespmem:s13], [sflag:$0x4], $0x80, $0x38;
	[tilespmem:$0x13000] =	vst v63  }
0x7ff: {  	_ =	swait.ge [sflag:s0], $0x1000  }
0x800: {  	[sflag:s0] =	ssyncset.done $0x0  }
0x801: {  	[sflag:s0] =	ssyncadd.s32 $0xFFFFF000  }
0x802: {  	_ =	swait.ge [sflag:s0], $0x1000  }
0x803: {  	[sflag:s0] =	ssyncset.done $0x0  }
0x804: {  	[sflag:s0] =	ssyncadd.s32 $0xFFFFF000  }
0x805: {  	_ =	swait.ge [sflag:s0], $0x1000  }
0x806: {  	[sflag:s0] =	ssyncset.done $0x0  }
0x807: {  	[sflag:s0] =	ssyncadd.s32 $0xFFFFF000  }
0x808: {  	_ =	swait.ge [sflag:s0], $0x1000  }
0x809: {  	[sflag:s0] =	ssyncset.done $0x0  }
0x80a: {  	[sflag:s0] =	ssyncadd.s32 $0xFFFFF000  }
0x80b: {  	_ =	swait.ge [sflag:s1], $0x1000  }
0x80c: {  	[sflag:s1] =	ssyncset.done $0x0  }
0x80d: {  	[sflag:s1] =	ssyncadd.s32 $0xFFFFF000  }
0x80e: {  	_ =	swait.ge [sflag:s1], $0x1000  }
0x80f: {  	[sflag:s1] =	ssyncset.done $0x0  }
0x810: {  	[sflag:s1] =	ssyncadd.s32 $0xFFFFF000  }
0x811: {  	_ =	swait.ge [sflag:s1], $0x1000  }
0x812: {  	[sflag:s1] =	ssyncset.done $0x0  }
0x813: {  	[sflag:s1] =	ssyncadd.s32 $0xFFFFF000  }
0x814: {  	_ =	swait.ge [sflag:s1], $0x1000  }
0x815: {  	s14 =	rddreg [dreg:$0xa]  }
0x816: {  	s15 =	rddreg [dreg:$0x9];
	s10 =	sadd.s32 $0x1, s14  }
0x817: {  	p0 =	sne.s32 s10, s15  }
.Ltmp7:
0x818: {  	_ = 	snop;
	(pc) =	sbr.rel @p0 .LBB2_1-.Ltmp7, $3  }
0x819: {  	_ =	sdelay $0x1  }
0x81a: {  	[sflag:s1] =	ssyncset.done $0x0  }
0x81b: {  	[sflag:s1] =	ssyncadd.s32 $0xFFFFF000  }
0x81c: {  	_ =	sfence.sel $0x180000  }
0x81d: {  	[bflag:$0x0] =	sbarrier.arrive $0xFFFF  }
0x81e: {  	_ =	strace $0x90000047  }
0x81f: {  	s0 =	stileid.u32;
	[bflag:$0x2] =	sbarrier.arrive $0xFFFF  }
0x820: {  	p0 =	sne.s32 s0, $0x0;
	s0 =	rddreg [dreg:$0x2]  }
0x821: {  	s0 =	sadd.s32 @!p0 $0x100000, s0  }
0x822: {  	[sflag:s0] =	ssyncadd.tile.s32 @!p0 $0x1;
	_ =	shalt  }
.Lfunc_end2:
_tile_overlayer_lowered:
.L_overlay_start_2:
0x823: {  	(tag) =	ssettag $0x2  }
0x824: {  	s0 =	rddreg [dreg:$0x0];
	s2 =	stileid.u32  }
0x825: {  	s1 =	rddreg [dreg:$0x1];
	p0 =	sne.s32 s2, $0x0  }
0x826: {  	s3 =	rddreg [dreg:$0x2];
	[bflag:$0x3] =	sbarrier.arrive $0xFFFF;
	s2 =	simm.s32 @!p0 $0x1C05  }
0x827: {  	[timem:s3], [sflag:s2] =	dma.local @!p0 [hbm:s0], s1  }
0x828: {  	s0 =	simm.s32 @!p0 $0x5  }
0x829: {  	_ =	swait.ge @!p0 [sflag:s0], s1  }
0x82a: {  	s1 =	ssub.s32 @!p0 $0x0, s1;
	[sflag:s0] =	ssyncset.done @!p0 $0x0  }
0x82b: {  	[sflag:s0] =	ssyncadd.s32 @!p0 s1  }
0x82c: {  	[bflag:$0x3] =	sbarrier.arrive $0xFFFF  }
0x82d: {  	_ =	shalt  }

</sc_bundles>
